<compile_context>
chip_gen: v7x
topology: tpu7x:2x2x1
jax: 0.10.2.dev20260603
libtpu: 0.0.44.dev20260713+nightly
codegen_flags: <defaults>
</compile_context>

<pallas_src>
import functools

import jax
import jax.numpy as jnp
from jax import lax
from jax.experimental import pallas as pl
from jax.experimental.pallas import tpu as pltpu
from jax.experimental.pallas import tpu_sc as plsc

NN = 10000
EE = 320000
DD = 128
ED = 16
HH = 256
OUTD = 32
GG = 128

NC = 2
NS = 16
_STRIPE = 624
_LAST_STRIPE = NN - (NS - 1) * _STRIPE
_IND_CHUNK = 80

_sc_mesh = dict(core_axis_name="c", subcore_axis_name="s")


def _stripe_init(acc_s, zeros_hbm, s):
    @pl.when(s < NS - 1)
    def _():
        st = pl.multiple_of(s * _STRIPE, 8)
        pltpu.sync_copy(zeros_hbm.at[pl.ds(0, _STRIPE)], acc_s.at[pl.ds(st, _STRIPE)])

    @pl.when(s == NS - 1)
    def _():
        pltpu.sync_copy(zeros_hbm, acc_s.at[pl.ds((NS - 1) * _STRIPE, _LAST_STRIPE)])


def _stripe_writeback(acc_s, dst_hbm, s, coff):
    @pl.when(s < NS - 1)
    def _():
        st = pl.multiple_of(s * _STRIPE, 8)
        dst = pl.multiple_of(coff + s * _STRIPE, 8)
        pltpu.sync_copy(acc_s.at[pl.ds(st, _STRIPE)],
                        dst_hbm.at[pl.ds(dst, _STRIPE)])

    @pl.when(s == NS - 1)
    def _():
        dst = pl.multiple_of(coff + (NS - 1) * _STRIPE, 8)
        pltpu.sync_copy(acc_s.at[pl.ds((NS - 1) * _STRIPE, _LAST_STRIPE)],
                        dst_hbm.at[pl.ds(dst, _LAST_STRIPE)])



@functools.partial(
    pl.kernel,
    out_type=jax.ShapeDtypeStruct((2 * NN, 32), jnp.float32),
    mesh=plsc.VectorSubcoreMesh(**_sc_mesh),
    compiler_params=pltpu.CompilerParams(use_tc_tiling_on_sc=False),
    scratch_types=[
        pltpu.VMEM_SHARED((NN, 32), jnp.float32),
        pltpu.VMEM((1, _IND_CHUNK), jnp.int32),
        pltpu.VMEM((_IND_CHUNK, 32), jnp.float32),
    ],
)
def _edge_scatter(ea32_hbm, col_hbm, zeros_hbm, eacc_hbm, acc_s, cidx_v, buf_v):
    c = lax.axis_index("c")
    s = lax.axis_index("s")
    _stripe_init(acc_s, zeros_hbm, s)
    plsc.subcore_barrier()
    per_tile = EE // (NC * NS)
    base0 = (c * NS + s) * per_tile

    def chunk(i, carry):
        b = pl.multiple_of(base0 + i * _IND_CHUNK, 8)
        pltpu.sync_copy(col_hbm.at[pl.ds(b, _IND_CHUNK)], cidx_v.at[0])
        pltpu.sync_copy(ea32_hbm.at[pl.ds(b, _IND_CHUNK)], buf_v)
        pltpu.sync_copy(buf_v, acc_s.at[cidx_v.at[0]], add=True)
        return carry

    lax.fori_loop(0, per_tile // _IND_CHUNK, chunk, 0)
    plsc.subcore_barrier()
    _stripe_writeback(acc_s, eacc_hbm, s, c * NN)


@functools.partial(
    pl.kernel,
    out_type=jax.ShapeDtypeStruct((2 * NN, DD), jnp.float32),
    mesh=plsc.VectorSubcoreMesh(**_sc_mesh),
    compiler_params=pltpu.CompilerParams(use_tc_tiling_on_sc=False),
    scratch_types=[
        pltpu.VMEM_SHARED((NN, DD), jnp.float32),
        pltpu.VMEM((1, _IND_CHUNK), jnp.int32),
        pltpu.VMEM((1, _IND_CHUNK), jnp.int32),
        pltpu.VMEM((_IND_CHUNK, DD), jnp.float32),
        pltpu.SemaphoreType.DMA,
        pltpu.VMEM((1, _IND_CHUNK), jnp.int32),
        pltpu.VMEM((1, _IND_CHUNK), jnp.int32),
        pltpu.VMEM((_IND_CHUNK, DD), jnp.float32),
        pltpu.SemaphoreType.DMA,
    ],
)
def _spmm(gst_hbm, row_hbm, col_hbm, zeros_hbm, oacc_hbm,
          acc_s, ridx_a, cidx_a, rows_a, sem_a, ridx_b, cidx_b, rows_b, sem_b):
    c = lax.axis_index("c")
    s = lax.axis_index("s")
    _stripe_init(acc_s, zeros_hbm, s)
    plsc.subcore_barrier()
    per_tile = EE // NS
    base0 = s * per_tile
    coff = c * NN
    n_chunks = per_tile // _IND_CHUNK

    def load_idx(ridx_v, cidx_v, chunk_idx):
        b = pl.multiple_of(base0 + chunk_idx * _IND_CHUNK, 8)
        pltpu.sync_copy(row_hbm.at[pl.ds(b, _IND_CHUNK)], ridx_v.at[0])
        pltpu.sync_copy(col_hbm.at[pl.ds(b, _IND_CHUNK)], cidx_v.at[0])

        def addoff(j, carry2):
            st = pl.multiple_of(j * 16, 16)
            ridx_v[0, pl.ds(st, 16)] = ridx_v[0, pl.ds(st, 16)] + coff
            return carry2

        lax.fori_loop(0, _IND_CHUNK // 16, addoff, 0)

    def start_gather(ridx_v, rows_v, sem):
        pltpu.async_copy(gst_hbm.at[ridx_v.at[0]], rows_v, sem)

    def wait_gather(ridx_v, rows_v, sem):
        pltpu.make_async_copy(gst_hbm.at[ridx_v.at[0]], rows_v, sem).wait()

    load_idx(ridx_a, cidx_a, 0)
    start_gather(ridx_a, rows_a, sem_a)

    def pair(i, carry):
        load_idx(ridx_b, cidx_b, 2 * i + 1)
        start_gather(ridx_b, rows_b, sem_b)
        wait_gather(ridx_a, rows_a, sem_a)
        pltpu.sync_copy(rows_a, acc_s.at[cidx_a.at[0]], add=True)

        @pl.when(i < n_chunks // 2 - 1)
        def _():
            load_idx(ridx_a, cidx_a, 2 * i + 2)
            start_gather(ridx_a, rows_a, sem_a)

        wait_gather(ridx_b, rows_b, sem_b)
        pltpu.sync_copy(rows_b, acc_s.at[cidx_b.at[0]], add=True)
        return carry

    lax.fori_loop(0, n_chunks // 2, pair, 0)
    plsc.subcore_barrier()
    _stripe_writeback(acc_s, oacc_hbm, s, coff)



_EBLK = 8000
_ESTEPS = EE // _EBLK
_NBLK = 2000
_NSTEPS = NN // _NBLK


def _onehot(seg_ref):
    return (seg_ref[...] == lax.broadcasted_iota(jnp.int32, (1, GG), 1)
            ).astype(jnp.float32)


def _graph_ranges(cnr):
    ii = lax.broadcasted_iota(jnp.int32, (GG, GG), 0)
    jj = lax.broadcasted_iota(jnp.int32, (GG, GG), 1)
    lt = (ii < jj).astype(jnp.float32)
    starts = jnp.dot(cnr, lt, preferred_element_type=jnp.float32)
    return starts, starts + cnr


def _onehot_edges(row_ref, cnr):
    starts, ends = _graph_ranges(cnr)
    r = row_ref[...].astype(jnp.float32)
    return ((r >= starts) & (r < ends)).astype(jnp.float32)


def _c00(a, b):
    return lax.dot_general(a, b, (((0,), (0,)), ((), ())),
                           preferred_element_type=jnp.float32)


def _estats_body(ea_ref, row_ref, cnr_ref, s_ref, q_ref, c_ref):
    i = pl.program_id(0)

    @pl.when(i == 0)
    def _():
        s_ref[...] = jnp.zeros_like(s_ref)
        q_ref[...] = jnp.zeros_like(q_ref)
        c_ref[...] = jnp.zeros_like(c_ref)

    ea = ea_ref[...]
    oh = _onehot_edges(row_ref, cnr_ref[...])
    s_ref[...] += _c00(oh, ea)
    q_ref[...] += _c00(oh, ea * ea)
    c_ref[...] += _c00(oh, jnp.ones((_EBLK, 1), jnp.float32))


_edge_stats = pl.pallas_call(
    _estats_body,
    grid=(_ESTEPS,),
    in_specs=[
        pl.BlockSpec((_EBLK, ED), lambda i: (i, 0)),
        pl.BlockSpec((_EBLK, 1), lambda i: (i, 0)),
        pl.BlockSpec((1, GG), lambda i: (0, 0)),
    ],
    out_specs=[
        pl.BlockSpec((GG, ED), lambda i: (0, 0)),
        pl.BlockSpec((GG, ED), lambda i: (0, 0)),
        pl.BlockSpec((GG, 1), lambda i: (0, 0)),
    ],
    out_shape=[
        jax.ShapeDtypeStruct((GG, ED), jnp.float32),
        jax.ShapeDtypeStruct((GG, ED), jnp.float32),
        jax.ShapeDtypeStruct((GG, 1), jnp.float32),
    ],
)


def _eembed_body(ea_ref, row_ref, cnr_ref, s_ref, q_ref, c_ref, w_ref, b_ref,
                 out_ref):
    cnt = jnp.maximum(c_ref[...], 1.0)
    em = s_ref[...] / cnt
    ev = q_ref[...] / cnt - em * em
    es = jnp.sqrt(jnp.maximum(ev, 0.0) + 1e-8)
    oh = _onehot_edges(row_ref, cnr_ref[...])
    emg = jnp.dot(oh, em, preferred_element_type=jnp.float32)
    esg = jnp.dot(oh, es, preferred_element_type=jnp.float32)
    ean = (ea_ref[...] - emg) / (esg + 1e-8)
    eae = jnp.dot(ean, w_ref[...], preferred_element_type=jnp.float32) + b_ref[...]
    out_ref[...] = jnp.concatenate(
        [eae, jnp.ones((_EBLK, 1), jnp.float32),
         jnp.zeros((_EBLK, 32 - ED - 1), jnp.float32)], axis=1)


_edge_embed = pl.pallas_call(
    _eembed_body,
    grid=(_ESTEPS,),
    in_specs=[
        pl.BlockSpec((_EBLK, ED), lambda i: (i, 0)),
        pl.BlockSpec((_EBLK, 1), lambda i: (i, 0)),
        pl.BlockSpec((1, GG), lambda i: (0, 0)),
        pl.BlockSpec((GG, ED), lambda i: (0, 0)),
        pl.BlockSpec((GG, ED), lambda i: (0, 0)),
        pl.BlockSpec((GG, 1), lambda i: (0, 0)),
        pl.BlockSpec((ED, ED), lambda i: (0, 0)),
        pl.BlockSpec((1, ED), lambda i: (0, 0)),
    ],
    out_specs=pl.BlockSpec((_EBLK, 32), lambda i: (i, 0)),
    out_shape=jax.ShapeDtypeStruct((EE, 32), jnp.float32),
)


def _nstats_body(x_ref, b_ref, sx_ref, qx_ref, cn_ref, cnr_ref):
    i = pl.program_id(0)

    @pl.when(i == 0)
    def _():
        sx_ref[...] = jnp.zeros_like(sx_ref)
        qx_ref[...] = jnp.zeros_like(qx_ref)
        cn_ref[...] = jnp.zeros_like(cn_ref)
        cnr_ref[...] = jnp.zeros_like(cnr_ref)

    x = x_ref[...]
    oh = _onehot(b_ref)
    sx_ref[...] += _c00(oh, x)
    qx_ref[...] += _c00(oh, x * x)
    cn_ref[...] += _c00(oh, jnp.ones((_NBLK, 1), jnp.float32))
    cnr_ref[...] += jnp.sum(oh, axis=0, keepdims=True)


_node_stats = pl.pallas_call(
    _nstats_body,
    grid=(_NSTEPS,),
    in_specs=[
        pl.BlockSpec((_NBLK, DD), lambda i: (i, 0)),
        pl.BlockSpec((_NBLK, 1), lambda i: (i, 0)),
    ],
    out_specs=[
        pl.BlockSpec((GG, DD), lambda i: (0, 0)),
        pl.BlockSpec((GG, DD), lambda i: (0, 0)),
        pl.BlockSpec((GG, 1), lambda i: (0, 0)),
        pl.BlockSpec((1, GG), lambda i: (0, 0)),
    ],
    out_shape=[
        jax.ShapeDtypeStruct((GG, DD), jnp.float32),
        jax.ShapeDtypeStruct((GG, DD), jnp.float32),
        jax.ShapeDtypeStruct((GG, 1), jnp.float32),
        jax.ShapeDtypeStruct((1, GG), jnp.float32),
    ],
)


def _deg_dis_eam(e0, e1):
    deg = e0[:, ED:ED + 1] + e1[:, ED:ED + 1]
    mask = (deg > 0).astype(jnp.float32)
    dis = jnp.where(deg > 0, lax.rsqrt(jnp.maximum(deg, 1.0)), 0.0)
    eam = (e0[:, :ED] + e1[:, :ED]) / jnp.maximum(deg, 1.0)
    return mask, dis, eam


def _layer1_body(x_ref, b_ref, sx_ref, qx_ref, cn_ref, e0_ref, e1_ref,
                 liw_ref, lib_ref, epw_ref, epb_ref, lw_ref, lb_ref,
                 g0_ref, g1_ref):
    cnt = jnp.maximum(cn_ref[...], 1.0)
    xm = sx_ref[...] / cnt
    xv = qx_ref[...] / cnt - xm * xm
    xs = jnp.sqrt(jnp.maximum(xv, 0.0) + 1e-8)
    oh = _onehot(b_ref)
    xmg = jnp.dot(oh, xm, preferred_element_type=jnp.float32)
    xsg = jnp.dot(oh, xs, preferred_element_type=jnp.float32)
    xn = (x_ref[...] - xmg) / (xsg + 1e-8)
    h = jnp.maximum(
        jnp.dot(xn, liw_ref[...], preferred_element_type=jnp.float32)
        + lib_ref[...], 0.0)
    mask, dis, eam = _deg_dis_eam(e0_ref[...], e1_ref[...])
    t = h + jnp.dot(eam, epw_ref[...], preferred_element_type=jnp.float32) \
        + mask * epb_ref[...]
    h2 = jnp.dot(t, lw_ref[...], preferred_element_type=jnp.float32) + lb_ref[...]
    g = dis * h2
    g0_ref[...] = g[:, :DD]
    g1_ref[...] = g[:, DD:]


_layer1 = pl.pallas_call(
    _layer1_body,
    grid=(_NSTEPS,),
    in_specs=[
        pl.BlockSpec((_NBLK, DD), lambda i: (i, 0)),
        pl.BlockSpec((_NBLK, 1), lambda i: (i, 0)),
        pl.BlockSpec((GG, DD), lambda i: (0, 0)),
        pl.BlockSpec((GG, DD), lambda i: (0, 0)),
        pl.BlockSpec((GG, 1), lambda i: (0, 0)),
        pl.BlockSpec((_NBLK, 32), lambda i: (i, 0)),
        pl.BlockSpec((_NBLK, 32), lambda i: (i + _NSTEPS, 0)),
        pl.BlockSpec((DD, HH), lambda i: (0, 0)),
        pl.BlockSpec((1, HH), lambda i: (0, 0)),
        pl.BlockSpec((ED, HH), lambda i: (0, 0)),
        pl.BlockSpec((1, HH), lambda i: (0, 0)),
        pl.BlockSpec((HH, HH), lambda i: (0, 0)),
        pl.BlockSpec((1, HH), lambda i: (0, 0)),
    ],
    out_specs=[
        pl.BlockSpec((_NBLK, DD), lambda i: (i, 0)),
        pl.BlockSpec((_NBLK, DD), lambda i: (i, 0)),
    ],
    out_shape=[
        jax.ShapeDtypeStruct((NN, DD), jnp.float32),
        jax.ShapeDtypeStruct((NN, DD), jnp.float32),
    ],
)


def _bnstats_body(a0_ref, a1_ref, e0_ref, e1_ref, sm_ref, sq_ref):
    i = pl.program_id(0)

    @pl.when(i == 0)
    def _():
        sm_ref[...] = jnp.zeros_like(sm_ref)
        sq_ref[...] = jnp.zeros_like(sq_ref)

    _, dis, _ = _deg_dis_eam(e0_ref[...], e1_ref[...])
    conv = jnp.concatenate([a0_ref[...], a1_ref[...]], axis=1) * dis
    sm_ref[...] += jnp.sum(conv, axis=0, keepdims=True)
    sq_ref[...] += jnp.sum(conv * conv, axis=0, keepdims=True)


_bnstats = pl.pallas_call(
    _bnstats_body,
    grid=(_NSTEPS,),
    in_specs=[
        pl.BlockSpec((_NBLK, DD), lambda i: (i, 0)),
        pl.BlockSpec((_NBLK, DD), lambda i: (i + _NSTEPS, 0)),
        pl.BlockSpec((_NBLK, 32), lambda i: (i, 0)),
        pl.BlockSpec((_NBLK, 32), lambda i: (i + _NSTEPS, 0)),
    ],
    out_specs=[
        pl.BlockSpec((1, HH), lambda i: (0, 0)),
        pl.BlockSpec((1, HH), lambda i: (0, 0)),
    ],
    out_shape=[
        jax.ShapeDtypeStruct((1, HH), jnp.float32),
        jax.ShapeDtypeStruct((1, HH), jnp.float32),
    ],
)


def _bn_relu(a0_ref, a1_ref, dis, sm_ref, sq_ref, bg_ref, bb_ref):
    conv = jnp.concatenate([a0_ref[...], a1_ref[...]], axis=1) * dis
    m = sm_ref[...] / NN
    v = sq_ref[...] / NN - m * m
    hn = (conv - m) / jnp.sqrt(jnp.maximum(v, 0.0) + 1e-5) * bg_ref[...] \
        + bb_ref[...]
    return jnp.maximum(hn, 0.0)


def _layer23_body(a0_ref, a1_ref, e0_ref, e1_ref, sm_ref, sq_ref,
                  bg_ref, bb_ref, epw_ref, epb_ref, lw_ref, lb_ref,
                  g0_ref, g1_ref):
    mask, dis, eam = _deg_dis_eam(e0_ref[...], e1_ref[...])
    h = _bn_relu(a0_ref, a1_ref, dis, sm_ref, sq_ref, bg_ref, bb_ref)
    t = h + jnp.dot(eam, epw_ref[...], preferred_element_type=jnp.float32) \
        + mask * epb_ref[...]
    h2 = jnp.dot(t, lw_ref[...], preferred_element_type=jnp.float32) + lb_ref[...]
    g = dis * h2
    g0_ref[...] = g[:, :DD]
    g1_ref[...] = g[:, DD:]


_layer23 = pl.pallas_call(
    _layer23_body,
    grid=(_NSTEPS,),
    in_specs=[
        pl.BlockSpec((_NBLK, DD), lambda i: (i, 0)),
        pl.BlockSpec((_NBLK, DD), lambda i: (i + _NSTEPS, 0)),
        pl.BlockSpec((_NBLK, 32), lambda i: (i, 0)),
        pl.BlockSpec((_NBLK, 32), lambda i: (i + _NSTEPS, 0)),
        pl.BlockSpec((1, HH), lambda i: (0, 0)),
        pl.BlockSpec((1, HH), lambda i: (0, 0)),
        pl.BlockSpec((1, HH), lambda i: (0, 0)),
        pl.BlockSpec((1, HH), lambda i: (0, 0)),
        pl.BlockSpec((ED, HH), lambda i: (0, 0)),
        pl.BlockSpec((1, HH), lambda i: (0, 0)),
        pl.BlockSpec((HH, HH), lambda i: (0, 0)),
        pl.BlockSpec((1, HH), lambda i: (0, 0)),
    ],
    out_specs=[
        pl.BlockSpec((_NBLK, DD), lambda i: (i, 0)),
        pl.BlockSpec((_NBLK, DD), lambda i: (i, 0)),
    ],
    out_shape=[
        jax.ShapeDtypeStruct((NN, DD), jnp.float32),
        jax.ShapeDtypeStruct((NN, DD), jnp.float32),
    ],
)


def _pool_body(a0_ref, a1_ref, e0_ref, e1_ref, sm_ref, sq_ref,
               bg_ref, bb_ref, b_ref, cn_ref, ow_ref, ob_ref,
               p_ref, out_ref):
    i = pl.program_id(0)

    @pl.when(i == 0)
    def _():
        p_ref[...] = jnp.zeros_like(p_ref)

    _, dis, _ = _deg_dis_eam(e0_ref[...], e1_ref[...])
    h = _bn_relu(a0_ref, a1_ref, dis, sm_ref, sq_ref, bg_ref, bb_ref)
    oh = _onehot(b_ref)
    p_ref[...] += _c00(oh, h)

    @pl.when(i == _NSTEPS - 1)
    def _():
        cnt = jnp.maximum(cn_ref[...], 1.0)
        pooled = p_ref[...] / cnt
        out_ref[...] = jnp.dot(pooled, ow_ref[...],
                               preferred_element_type=jnp.float32) + ob_ref[...]


_pool = pl.pallas_call(
    _pool_body,
    grid=(_NSTEPS,),
    in_specs=[
        pl.BlockSpec((_NBLK, DD), lambda i: (i, 0)),
        pl.BlockSpec((_NBLK, DD), lambda i: (i + _NSTEPS, 0)),
        pl.BlockSpec((_NBLK, 32), lambda i: (i, 0)),
        pl.BlockSpec((_NBLK, 32), lambda i: (i + _NSTEPS, 0)),
        pl.BlockSpec((1, HH), lambda i: (0, 0)),
        pl.BlockSpec((1, HH), lambda i: (0, 0)),
        pl.BlockSpec((1, HH), lambda i: (0, 0)),
        pl.BlockSpec((1, HH), lambda i: (0, 0)),
        pl.BlockSpec((_NBLK, 1), lambda i: (i, 0)),
        pl.BlockSpec((GG, 1), lambda i: (0, 0)),
        pl.BlockSpec((HH, OUTD), lambda i: (0, 0)),
        pl.BlockSpec((1, OUTD), lambda i: (0, 0)),
    ],
    out_specs=[
        pl.BlockSpec((GG, HH), lambda i: (0, 0)),
        pl.BlockSpec((GG, OUTD), lambda i: (0, 0)),
    ],
    out_shape=[
        jax.ShapeDtypeStruct((GG, HH), jnp.float32),
        jax.ShapeDtypeStruct((GG, OUTD), jnp.float32),
    ],
)



def kernel(x, edge_attr, lin_in_w, lin_in_b, edge_emb_w, edge_emb_b,
           ep1_w, ep1_b, lin1_w, lin1_b, bn1_g, bn1_b,
           ep2_w, ep2_b, lin2_w, lin2_b, bn2_g, bn2_b,
           ep3_w, ep3_b, lin3_w, lin3_b, bn3_g, bn3_b,
           out_w, out_b, edge_index, batch):
    row = edge_index[0]
    col = edge_index[1]
    b2d = batch.reshape(NN, 1)
    row2d = row.reshape(EE, 1)

    Sx, Qx, Cn, Cnr = _node_stats(x, b2d)
    S, Q, C = _edge_stats(edge_attr, row2d, Cnr)
    ea32 = _edge_embed(edge_attr, row2d, Cnr, S, Q, C,
                       edge_emb_w, edge_emb_b.reshape(1, ED))
    zeros32 = jnp.zeros((_LAST_STRIPE, 32), jnp.float32)
    eacc = _edge_scatter(ea32, col, zeros32)
    g0, g1 = _layer1(x, b2d, Sx, Qx, Cn, eacc, eacc,
                     lin_in_w, lin_in_b.reshape(1, HH),
                     ep1_w, ep1_b.reshape(1, HH),
                     lin1_w, lin1_b.reshape(1, HH))

    zerosD = jnp.zeros((_LAST_STRIPE, DD), jnp.float32)
    gst = jnp.concatenate([g0, g1], axis=0)
    oacc1 = _spmm(gst, row, col, zerosD)

    sm1, sq1 = _bnstats(oacc1, oacc1, eacc, eacc)
    g0, g1 = _layer23(oacc1, oacc1, eacc, eacc, sm1, sq1,
                      bn1_g.reshape(1, HH), bn1_b.reshape(1, HH),
                      ep2_w, ep2_b.reshape(1, HH),
                      lin2_w, lin2_b.reshape(1, HH))
    gst = jnp.concatenate([g0, g1], axis=0)
    oacc2 = _spmm(gst, row, col, zerosD)

    sm2, sq2 = _bnstats(oacc2, oacc2, eacc, eacc)
    g0, g1 = _layer23(oacc2, oacc2, eacc, eacc, sm2, sq2,
                      bn2_g.reshape(1, HH), bn2_b.reshape(1, HH),
                      ep3_w, ep3_b.reshape(1, HH),
                      lin3_w, lin3_b.reshape(1, HH))
    gst = jnp.concatenate([g0, g1], axis=0)
    oacc3 = _spmm(gst, row, col, zerosD)

    sm3, sq3 = _bnstats(oacc3, oacc3, eacc, eacc)
    _, out = _pool(oacc3, oacc3, eacc, eacc, sm3, sq3,
                   bn3_g.reshape(1, HH), bn3_b.reshape(1, HH),
                   b2d, Cn, out_w, out_b.reshape(1, OUTD))
    return out

# --- scband reference (transcript-rebuilt; emitter-appended) ---
"""Pipeline reference for scband-conv-gcn-47708496724533 (READ-ONLY COPY).

The authoritative reference and input builder live on the scoring server;
editing this copy changes nothing except your own understanding.
"""

import jax, jax.numpy as jnp
import numpy as np

N = 10000
E = 320000
D = 128
ED = 16
H = 256
OUT = 32
G = 128


def _p(key, shape):
    return jax.random.normal(key, shape, dtype=jnp.float32) / np.sqrt(shape[0])


def setup_inputs(seed: int = 0):
    key = jax.random.key(seed)
    ks = jax.random.split(key, 16)
    inp = {}
    inp["x"] = jax.random.normal(ks[0], (N, D), dtype=jnp.float32)
    inp["edge_attr"] = jax.random.normal(ks[1], (E, ED), dtype=jnp.float32)
    inp["lin_in_w"] = _p(ks[2], (D, H)); inp["lin_in_b"] = jnp.zeros((H,), jnp.float32)
    inp["edge_emb_w"] = _p(ks[3], (ED, ED)); inp["edge_emb_b"] = jnp.zeros((ED,), jnp.float32)
    inp["ep1_w"] = _p(ks[4], (ED, H)); inp["ep1_b"] = jnp.zeros((H,), jnp.float32)
    inp["lin1_w"] = _p(ks[5], (H, H)); inp["lin1_b"] = jnp.zeros((H,), jnp.float32)
    inp["bn1_g"] = jnp.ones((H,), jnp.float32); inp["bn1_b"] = jnp.zeros((H,), jnp.float32)
    inp["ep2_w"] = _p(ks[6], (ED, H)); inp["ep2_b"] = jnp.zeros((H,), jnp.float32)
    inp["lin2_w"] = _p(ks[7], (H, H)); inp["lin2_b"] = jnp.zeros((H,), jnp.float32)
    inp["bn2_g"] = jnp.ones((H,), jnp.float32); inp["bn2_b"] = jnp.zeros((H,), jnp.float32)
    inp["ep3_w"] = _p(ks[8], (ED, H)); inp["ep3_b"] = jnp.zeros((H,), jnp.float32)
    inp["lin3_w"] = _p(ks[9], (H, H)); inp["lin3_b"] = jnp.zeros((H,), jnp.float32)
    inp["bn3_g"] = jnp.ones((H,), jnp.float32); inp["bn3_b"] = jnp.zeros((H,), jnp.float32)
    inp["out_w"] = _p(ks[10], (H, OUT)); inp["out_b"] = jnp.zeros((OUT,), jnp.float32)
    inp["edge_index"] = jax.random.randint(ks[11], (2, E), 0, N, dtype=jnp.int32)
    inp["batch"] = jnp.sort(jax.random.randint(ks[12], (N,), 0, G, dtype=jnp.int32))
    return inp


def _seg_mean(d, seg, num):
    s = jax.ops.segment_sum(d, seg, num_segments=num)
    c = jax.ops.segment_sum(jnp.ones((d.shape[0], 1), d.dtype), seg, num_segments=num)
    return s / jnp.clip(c, 1.0)


def reference(x, edge_attr, lin_in_w, lin_in_b, edge_emb_w, edge_emb_b, ep1_w, ep1_b, lin1_w, lin1_b, bn1_g, bn1_b, ep2_w, ep2_b, lin2_w, lin2_b, bn2_g, bn2_b, ep3_w, ep3_b, lin3_w, lin3_b, bn3_g, bn3_b, out_w, out_b, edge_index, batch):
    row, col = edge_index[0], edge_index[1]
    Nn = x.shape[0]
    # per-graph standardization of node features (use_atom_embedding=False branch)
    xm = _seg_mean(x, batch, G)
    xv = _seg_mean((x - xm[batch]) ** 2, batch, G)
    xs = jnp.sqrt(xv + 1e-8)
    x = (x - xm[batch]) / (xs[batch] + 1e-8)
    # input transform
    x = jax.nn.relu(x @ lin_in_w + lin_in_b)
    # per-graph standardization + embedding of edge attrs
    eb = batch[row]
    em = _seg_mean(edge_attr, eb, G)
    ev = _seg_mean((edge_attr - em[eb]) ** 2, eb, G)
    es = jnp.sqrt(ev + 1e-8)
    ea = (edge_attr - em[eb]) / (es[eb] + 1e-8)
    ea = ea @ edge_emb_w + edge_emb_b
    # symmetric GCN normalization
    deg = jax.ops.segment_sum(jnp.ones((E,), jnp.float32), col, num_segments=Nn)
    dis = jnp.where(deg > 0, deg ** -0.5, 0.0)
    norm = dis[row] * dis[col]

    def conv(h, ep_w, ep_b, lw, lb):
        e = ea @ ep_w + ep_b
        h = h + _seg_mean(e, col, Nn)
        h = h @ lw + lb
        msg = norm[:, None] * h[row]
        return jax.ops.segment_sum(msg, col, num_segments=Nn)

    def bn(h, g, b):
        m = h.mean(axis=0)
        v = h.var(axis=0)
        return (h - m) / jnp.sqrt(v + 1e-5) * g + b

    x = jax.nn.relu(bn(conv(x, ep1_w, ep1_b, lin1_w, lin1_b), bn1_g, bn1_b))
    x = jax.nn.relu(bn(conv(x, ep2_w, ep2_b, lin2_w, lin2_b), bn2_g, bn2_b))
    x = jax.nn.relu(bn(conv(x, ep3_w, ep3_b, lin3_w, lin3_b), bn3_g, bn3_b))
    pooled = _seg_mean(x, batch, G)
    return pooled @ out_w + out_b

if __name__ == "__main__":
    import jax
    _d = setup_inputs()
    print(jax.jit(kernel)(*tuple(_d.values())))

</pallas_src>

<mosaic_0001>
#map = affine_map<(d0, d1) -> (0, 0)>
#map1 = affine_map<(d0, d1) -> (0)>
module attributes {stable_mosaic.version = 14 : i64} {
  func.func @_spmm(%arg0: i32, %arg1: i32, %arg2: memref<20000x128xf32, #tpu.memory_space<hbm>>, %arg3: memref<320000xi32, #tpu.memory_space<hbm>>, %arg4: memref<320000xi32, #tpu.memory_space<hbm>>, %arg5: memref<640x128xf32, #tpu.memory_space<hbm>>, %arg6: memref<20000x128xf32, #tpu.memory_space<hbm>>, %arg7: memref<10000x128xf32, #tpu.memory_space<vmem_shared>>, %arg8: memref<1x80xi32, #tpu.memory_space<vmem>>, %arg9: memref<1x80xi32, #tpu.memory_space<vmem>>, %arg10: memref<80x128xf32, #tpu.memory_space<vmem>>, %arg11: memref<!tpu.dma_semaphore, #tpu.memory_space<semaphore_mem>>, %arg12: memref<1x80xi32, #tpu.memory_space<vmem>>, %arg13: memref<1x80xi32, #tpu.memory_space<vmem>>, %arg14: memref<80x128xf32, #tpu.memory_space<vmem>>, %arg15: memref<!tpu.dma_semaphore, #tpu.memory_space<semaphore_mem>>) attributes {dimension_semantics = [#tpu.dimension_semantics<core_parallel>, #tpu.dimension_semantics<subcore_parallel>], iteration_bounds = array<i64: 2, 16>, scalar_prefetch = 0 : i64, scratch_operands = 9 : i64, tpu.core_type = #tpu.core_type<sc_vector_subcore>, window_params = [{transform_indices = #map}, {transform_indices = #map1}, {transform_indices = #map1}, {transform_indices = #map}, {transform_indices = #map}]} {
    %lt3A = arith.constant 15 : i32
    %lt3A_0 = arith.cmpi slt, %arg1, %lt3A : i32
    %convert_element_type3A = arith.extui %lt3A_0 : i1 to i32
    %cond3A = arith.constant 0 : i32
    %cond3A_1 = arith.cmpi ne, %convert_element_type3A, %cond3A : i32
    scf.if %cond3A_1 {
      %mul3A_39 = arith.constant 624 : i32
      %mul3A_40 = arith.muli %arg1, %mul3A_39 : i32
      %multiple_of3A_41 = tpu.assume_multiple %mul3A_40, 8 : i32
      "tpu.region"() ({
        %run_scoped3A_42 = tpu.sem_alloc : memref<!tpu.dma_semaphore, #tpu.memory_space<semaphore_mem>>
        %dma_start3A_43 = arith.constant 0 : i32
        %dma_start3A_44 = tpu.memref_slice %arg7[%multiple_of3A_41, %dma_start3A_43] : memref<10000x128xf32, #tpu.memory_space<vmem_shared>> -> memref<624x128xf32, #tpu.memory_space<vmem_shared>>
        %dma_start3A_45 = arith.constant 0 : i32
        %dma_start3A_46 = arith.constant 0 : i32
        %dma_start3A_47 = tpu.memref_slice %arg5[%dma_start3A_45, %dma_start3A_46] : memref<640x128xf32, #tpu.memory_space<hbm>> -> memref<624x128xf32, #tpu.memory_space<hbm>>
        tpu.enqueue_dma source(%dma_start3A_47 : memref<624x128xf32, #tpu.memory_space<hbm>>) target(%dma_start3A_44 : memref<624x128xf32, #tpu.memory_space<vmem_shared>>) target_semaphore(%run_scoped3A_42 : memref<!tpu.dma_semaphore, #tpu.memory_space<semaphore_mem>>)
        %dma_wait3A = arith.constant 0 : i32
        %dma_wait3A_48 = tpu.memref_slice %arg7[%multiple_of3A_41, %dma_wait3A] : memref<10000x128xf32, #tpu.memory_space<vmem_shared>> -> memref<624x128xf32, #tpu.memory_space<vmem_shared>>
        %dma_wait3A_49 = arith.constant 0 : i32
        %dma_wait3A_50 = arith.constant 0 : i32
        %dma_wait3A_51 = tpu.memref_slice %arg5[%dma_wait3A_49, %dma_wait3A_50] : memref<640x128xf32, #tpu.memory_space<hbm>> -> memref<624x128xf32, #tpu.memory_space<hbm>>
        tpu.wait_dma2 semaphore(%run_scoped3A_42 : memref<!tpu.dma_semaphore, #tpu.memory_space<semaphore_mem>>) src(%dma_wait3A_51 : memref<624x128xf32, #tpu.memory_space<hbm>>) dst(%dma_wait3A_48 : memref<624x128xf32, #tpu.memory_space<vmem_shared>>)
        tpu.yield
      }) : () -> ()
    } else {
    }
    %eq3A = arith.constant 15 : i32
    %eq3A_2 = arith.cmpi eq, %arg1, %eq3A : i32
    %convert_element_type3A_3 = arith.extui %eq3A_2 : i1 to i32
    %cond3A_4 = arith.constant 0 : i32
    %cond3A_5 = arith.cmpi ne, %convert_element_type3A_3, %cond3A_4 : i32
    scf.if %cond3A_5 {
      "tpu.region"() ({
        %run_scoped3A_39 = tpu.sem_alloc : memref<!tpu.dma_semaphore, #tpu.memory_space<semaphore_mem>>
        %dma_start3A_40 = arith.constant 9360 : i32
        %dma_start3A_41 = arith.constant 0 : i32
        %dma_start3A_42 = tpu.memref_slice %arg7[%dma_start3A_40, %dma_start3A_41] : memref<10000x128xf32, #tpu.memory_space<vmem_shared>> -> memref<640x128xf32, #tpu.memory_space<vmem_shared>>
        tpu.enqueue_dma source(%arg5 : memref<640x128xf32, #tpu.memory_space<hbm>>) target(%dma_start3A_42 : memref<640x128xf32, #tpu.memory_space<vmem_shared>>) target_semaphore(%run_scoped3A_39 : memref<!tpu.dma_semaphore, #tpu.memory_space<semaphore_mem>>)
        %dma_wait3A = arith.constant 9360 : i32
        %dma_wait3A_43 = arith.constant 0 : i32
        %dma_wait3A_44 = tpu.memref_slice %arg7[%dma_wait3A, %dma_wait3A_43] : memref<10000x128xf32, #tpu.memory_space<vmem_shared>> -> memref<640x128xf32, #tpu.memory_space<vmem_shared>>
        tpu.wait_dma2 semaphore(%run_scoped3A_39 : memref<!tpu.dma_semaphore, #tpu.memory_space<semaphore_mem>>) src(%arg5 : memref<640x128xf32, #tpu.memory_space<hbm>>) dst(%dma_wait3A_44 : memref<640x128xf32, #tpu.memory_space<vmem_shared>>)
        tpu.yield
      }) : () -> ()
    } else {
    }
    %barrier3A = arith.constant 0 : index
    tpu.barrier barrier_id(%barrier3A)
    %mul3A = arith.constant 20000 : i32
    %mul3A_6 = arith.muli %arg1, %mul3A : i32
    %mul3A_7 = arith.constant 10000 : i32
    %mul3A_8 = arith.muli %arg0, %mul3A_7 : i32
    %add3A = arith.constant 0 : i32
    %add3A_9 = arith.addi %mul3A_6, %add3A : i32
    %multiple_of3A = tpu.assume_multiple %add3A_9, 8 : i32
    %run_scoped3A = arith.constant 0 : i32
    "tpu.region"() ({
      %run_scoped3A_39 = tpu.sem_alloc : memref<!tpu.dma_semaphore, #tpu.memory_space<semaphore_mem>>
      %dma_start3A_40 = arith.constant 0 : i32
      %dma_start3A_41 = tpu.memref_slice %arg8[%run_scoped3A, %dma_start3A_40] : memref<1x80xi32, #tpu.memory_space<vmem>> -> memref<1x80xi32, #tpu.memory_space<vmem>>
      %dma_start3A_42 = tpu.memref_squeeze %dma_start3A_41 : memref<1x80xi32, #tpu.memory_space<vmem>> -> memref<80xi32, #tpu.memory_space<vmem>>
      %dma_start3A_43 = tpu.memref_slice %arg3[%multiple_of3A] : memref<320000xi32, #tpu.memory_space<hbm>> -> memref<80xi32, #tpu.memory_space<hbm>>
      %dma_start3A_44 = arith.constant 0 : i32
      %dma_start3A_45 = tpu.memref_slice %arg8[%run_scoped3A, %dma_start3A_44] : memref<1x80xi32, #tpu.memory_space<vmem>> -> memref<1x80xi32, #tpu.memory_space<vmem>>
      %dma_start3A_46 = tpu.memref_squeeze %dma_start3A_45 : memref<1x80xi32, #tpu.memory_space<vmem>> -> memref<80xi32, #tpu.memory_space<vmem>>
      %dma_start3A_47 = tpu.memref_slice %arg3[%multiple_of3A] : memref<320000xi32, #tpu.memory_space<hbm>> -> memref<80xi32, #tpu.memory_space<hbm>>
      tpu.enqueue_dma source(%dma_start3A_47 : memref<80xi32, #tpu.memory_space<hbm>>) target(%dma_start3A_46 : memref<80xi32, #tpu.memory_space<vmem>>) target_semaphore(%run_scoped3A_39 : memref<!tpu.dma_semaphore, #tpu.memory_space<semaphore_mem>>)
      %dma_wait3A = arith.constant 0 : i32
      %dma_wait3A_48 = tpu.memref_slice %arg8[%run_scoped3A, %dma_wait3A] : memref<1x80xi32, #tpu.memory_space<vmem>> -> memref<1x80xi32, #tpu.memory_space<vmem>>
      %dma_wait3A_49 = tpu.memref_squeeze %dma_wait3A_48 : memref<1x80xi32, #tpu.memory_space<vmem>> -> memref<80xi32, #tpu.memory_space<vmem>>
      %dma_wait3A_50 = tpu.memref_slice %arg3[%multiple_of3A] : memref<320000xi32, #tpu.memory_space<hbm>> -> memref<80xi32, #tpu.memory_space<hbm>>
      %dma_wait3A_51 = arith.constant 0 : i32
      %dma_wait3A_52 = tpu.memref_slice %arg8[%run_scoped3A, %dma_wait3A_51] : memref<1x80xi32, #tpu.memory_space<vmem>> -> memref<1x80xi32, #tpu.memory_space<vmem>>
      %dma_wait3A_53 = tpu.memref_squeeze %dma_wait3A_52 : memref<1x80xi32, #tpu.memory_space<vmem>> -> memref<80xi32, #tpu.memory_space<vmem>>
      %dma_wait3A_54 = tpu.memref_slice %arg3[%multiple_of3A] : memref<320000xi32, #tpu.memory_space<hbm>> -> memref<80xi32, #tpu.memory_space<hbm>>
      tpu.wait_dma2 semaphore(%run_scoped3A_39 : memref<!tpu.dma_semaphore, #tpu.memory_space<semaphore_mem>>) src(%dma_wait3A_54 : memref<80xi32, #tpu.memory_space<hbm>>) dst(%dma_wait3A_53 : memref<80xi32, #tpu.memory_space<vmem>>)
      tpu.yield
    }) : () -> ()
    %run_scoped3A_10 = arith.constant 0 : i32
    "tpu.region"() ({
      %run_scoped3A_39 = tpu.sem_alloc : memref<!tpu.dma_semaphore, #tpu.memory_space<semaphore_mem>>
      %dma_start3A_40 = arith.constant 0 : i32
      %dma_start3A_41 = tpu.memref_slice %arg9[%run_scoped3A_10, %dma_start3A_40] : memref<1x80xi32, #tpu.memory_space<vmem>> -> memref<1x80xi32, #tpu.memory_space<vmem>>
      %dma_start3A_42 = tpu.memref_squeeze %dma_start3A_41 : memref<1x80xi32, #tpu.memory_space<vmem>> -> memref<80xi32, #tpu.memory_space<vmem>>
      %dma_start3A_43 = tpu.memref_slice %arg4[%multiple_of3A] : memref<320000xi32, #tpu.memory_space<hbm>> -> memref<80xi32, #tpu.memory_space<hbm>>
      %dma_start3A_44 = arith.constant 0 : i32
      %dma_start3A_45 = tpu.memref_slice %arg9[%run_scoped3A_10, %dma_start3A_44] : memref<1x80xi32, #tpu.memory_space<vmem>> -> memref<1x80xi32, #tpu.memory_space<vmem>>
      %dma_start3A_46 = tpu.memref_squeeze %dma_start3A_45 : memref<1x80xi32, #tpu.memory_space<vmem>> -> memref<80xi32, #tpu.memory_space<vmem>>
      %dma_start3A_47 = tpu.memref_slice %arg4[%multiple_of3A] : memref<320000xi32, #tpu.memory_space<hbm>> -> memref<80xi32, #tpu.memory_space<hbm>>
      tpu.enqueue_dma source(%dma_start3A_47 : memref<80xi32, #tpu.memory_space<hbm>>) target(%dma_start3A_46 : memref<80xi32, #tpu.memory_space<vmem>>) target_semaphore(%run_scoped3A_39 : memref<!tpu.dma_semaphore, #tpu.memory_space<semaphore_mem>>)
      %dma_wait3A = arith.constant 0 : i32
      %dma_wait3A_48 = tpu.memref_slice %arg9[%run_scoped3A_10, %dma_wait3A] : memref<1x80xi32, #tpu.memory_space<vmem>> -> memref<1x80xi32, #tpu.memory_space<vmem>>
      %dma_wait3A_49 = tpu.memref_squeeze %dma_wait3A_48 : memref<1x80xi32, #tpu.memory_space<vmem>> -> memref<80xi32, #tpu.memory_space<vmem>>
      %dma_wait3A_50 = tpu.memref_slice %arg4[%multiple_of3A] : memref<320000xi32, #tpu.memory_space<hbm>> -> memref<80xi32, #tpu.memory_space<hbm>>
      %dma_wait3A_51 = arith.constant 0 : i32
      %dma_wait3A_52 = tpu.memref_slice %arg9[%run_scoped3A_10, %dma_wait3A_51] : memref<1x80xi32, #tpu.memory_space<vmem>> -> memref<1x80xi32, #tpu.memory_space<vmem>>
      %dma_wait3A_53 = tpu.memref_squeeze %dma_wait3A_52 : memref<1x80xi32, #tpu.memory_space<vmem>> -> memref<80xi32, #tpu.memory_space<vmem>>
      %dma_wait3A_54 = tpu.memref_slice %arg4[%multiple_of3A] : memref<320000xi32, #tpu.memory_space<hbm>> -> memref<80xi32, #tpu.memory_space<hbm>>
      tpu.wait_dma2 semaphore(%run_scoped3A_39 : memref<!tpu.dma_semaphore, #tpu.memory_space<semaphore_mem>>) src(%dma_wait3A_54 : memref<80xi32, #tpu.memory_space<hbm>>) dst(%dma_wait3A_53 : memref<80xi32, #tpu.memory_space<vmem>>)
      tpu.yield
    }) : () -> ()
    %scan3A = arith.constant 0 : i32
    %scan3A_11 = arith.constant 0 : i32
    %scan3A_12 = arith.constant 5 : i32
    %scan3A_13 = arith.addi %scan3A_11, %scan3A_12 : i32
    %scan3A_14 = arith.constant 1 : i32
    scf.for %scan3A_39 = %scan3A_11 to %scan3A_13 step %scan3A_14  : i32 {
      %mul3A_40 = arith.constant 16 : i32
      %mul3A_41 = arith.muli %scan3A_39, %mul3A_40 : i32
      %multiple_of3A_42 = tpu.assume_multiple %mul3A_41, 16 : i32
      %get3A = arith.constant 0 : i32
      %get3A_43 = arith.index_cast %get3A : i32 to index
      %get3A_44 = arith.index_cast %multiple_of3A_42 : i32 to index
      %get3A_45 = tpu.vector_load %arg8[%get3A_43, %get3A_44] {strides = array<i32>} : memref<1x80xi32, #tpu.memory_space<vmem>>, vector<1x16xi32>,
      %get3A_46 = vector.shape_cast %get3A_45 : vector<1x16xi32> to vector<16xi32>
      %add3A_47 = vector.broadcast %mul3A_8 : i32 to vector<16xi32>
      %add3A_48 = arith.addi %get3A_46, %add3A_47 : vector<16xi32>
      %swap3A = arith.constant 0 : i32
      %swap3A_49 = arith.index_cast %swap3A : i32 to index
      %swap3A_50 = arith.index_cast %multiple_of3A_42 : i32 to index
      %swap3A_51 = tpu.vector_load %arg8[%swap3A_49, %swap3A_50] {strides = array<i32>} : memref<1x80xi32, #tpu.memory_space<vmem>>, vector<1x16xi32>,
      %swap3A_52 = vector.shape_cast %swap3A_51 : vector<1x16xi32> to vector<16xi32>
      %swap3A_53 = vector.shape_cast %add3A_48 : vector<16xi32> to vector<1x16xi32>
      tpu.vector_store %arg8[%swap3A_49, %swap3A_50], %swap3A_53 {strides = array<i32>} : memref<1x80xi32, #tpu.memory_space<vmem>>, vector<1x16xi32>,
    }
    %scan3A_15 = arith.constant 5 : i32
    %dma_start3A = arith.constant 0 : i32
    %dma_start3A_16 = arith.constant 0 : i32
    %dma_start3A_17 = tpu.memref_slice %arg8[%dma_start3A, %dma_start3A_16] : memref<1x80xi32, #tpu.memory_space<vmem>> -> memref<1x80xi32, #tpu.memory_space<vmem>>
    %dma_start3A_18 = tpu.memref_squeeze %dma_start3A_17 : memref<1x80xi32, #tpu.memory_space<vmem>> -> memref<80xi32, #tpu.memory_space<vmem>>
    %dma_start3A_19 = arith.constant 0 : i32
    %dma_start3A_20 = arith.constant 0 : i32
    %dma_start3A_21 = tpu.memref_slice %arg2[%dma_start3A_19, %dma_start3A_20] : memref<20000x128xf32, #tpu.memory_space<hbm>> -> memref<20000x128xf32, #tpu.memory_space<hbm>>
    tpu.enqueue_indirect_dma source(%dma_start3A_21 : memref<20000x128xf32, #tpu.memory_space<hbm>>) target(%arg10 : memref<80x128xf32, #tpu.memory_space<vmem>>) offsets(%dma_start3A_18 : memref<80xi32, #tpu.memory_space<vmem>>) semaphore(%arg11 : memref<!tpu.dma_semaphore, #tpu.memory_space<semaphore_mem>>)
    %scan3A_22 = arith.constant 0 : i32
    %scan3A_23 = arith.constant 0 : i32
    %scan3A_24 = arith.constant 125 : i32
    %scan3A_25 = arith.addi %scan3A_23, %scan3A_24 : i32
    %scan3A_26 = arith.constant 1 : i32
    scf.for %scan3A_39 = %scan3A_23 to %scan3A_25 step %scan3A_26  : i32 {
      %mul3A_40 = arith.constant 2 : i32
      %mul3A_41 = arith.muli %mul3A_40, %scan3A_39 : i32
      %add3A_42 = arith.constant 1 : i32
      %add3A_43 = arith.addi %mul3A_41, %add3A_42 : i32
      %mul3A_44 = arith.constant 80 : i32
      %mul3A_45 = arith.muli %add3A_43, %mul3A_44 : i32
      %add3A_46 = arith.addi %mul3A_6, %mul3A_45 : i32
      %multiple_of3A_47 = tpu.assume_multiple %add3A_46, 8 : i32
      %run_scoped3A_48 = arith.constant 0 : i32
      "tpu.region"() ({
        %run_scoped3A_83 = tpu.sem_alloc : memref<!tpu.dma_semaphore, #tpu.memory_space<semaphore_mem>>
        %dma_start3A_84 = arith.constant 0 : i32
        %dma_start3A_85 = tpu.memref_slice %arg12[%run_scoped3A_48, %dma_start3A_84] : memref<1x80xi32, #tpu.memory_space<vmem>> -> memref<1x80xi32, #tpu.memory_space<vmem>>
        %dma_start3A_86 = tpu.memref_squeeze %dma_start3A_85 : memref<1x80xi32, #tpu.memory_space<vmem>> -> memref<80xi32, #tpu.memory_space<vmem>>
        %dma_start3A_87 = tpu.memref_slice %arg3[%multiple_of3A_47] : memref<320000xi32, #tpu.memory_space<hbm>> -> memref<80xi32, #tpu.memory_space<hbm>>
        %dma_start3A_88 = arith.constant 0 : i32
        %dma_start3A_89 = tpu.memref_slice %arg12[%run_scoped3A_48, %dma_start3A_88] : memref<1x80xi32, #tpu.memory_space<vmem>> -> memref<1x80xi32, #tpu.memory_space<vmem>>
        %dma_start3A_90 = tpu.memref_squeeze %dma_start3A_89 : memref<1x80xi32, #tpu.memory_space<vmem>> -> memref<80xi32, #tpu.memory_space<vmem>>
        %dma_start3A_91 = tpu.memref_slice %arg3[%multiple_of3A_47] : memref<320000xi32, #tpu.memory_space<hbm>> -> memref<80xi32, #tpu.memory_space<hbm>>
        tpu.enqueue_dma source(%dma_start3A_91 : memref<80xi32, #tpu.memory_space<hbm>>) target(%dma_start3A_90 : memref<80xi32, #tpu.memory_space<vmem>>) target_semaphore(%run_scoped3A_83 : memref<!tpu.dma_semaphore, #tpu.memory_space<semaphore_mem>>)
        %dma_wait3A_92 = arith.constant 0 : i32
        %dma_wait3A_93 = tpu.memref_slice %arg12[%run_scoped3A_48, %dma_wait3A_92] : memref<1x80xi32, #tpu.memory_space<vmem>> -> memref<1x80xi32, #tpu.memory_space<vmem>>
        %dma_wait3A_94 = tpu.memref_squeeze %dma_wait3A_93 : memref<1x80xi32, #tpu.memory_space<vmem>> -> memref<80xi32, #tpu.memory_space<vmem>>
        %dma_wait3A_95 = tpu.memref_slice %arg3[%multiple_of3A_47] : memref<320000xi32, #tpu.memory_space<hbm>> -> memref<80xi32, #tpu.memory_space<hbm>>
        %dma_wait3A_96 = arith.constant 0 : i32
        %dma_wait3A_97 = tpu.memref_slice %arg12[%run_scoped3A_48, %dma_wait3A_96] : memref<1x80xi32, #tpu.memory_space<vmem>> -> memref<1x80xi32, #tpu.memory_space<vmem>>
        %dma_wait3A_98 = tpu.memref_squeeze %dma_wait3A_97 : memref<1x80xi32, #tpu.memory_space<vmem>> -> memref<80xi32, #tpu.memory_space<vmem>>
        %dma_wait3A_99 = tpu.memref_slice %arg3[%multiple_of3A_47] : memref<320000xi32, #tpu.memory_space<hbm>> -> memref<80xi32, #tpu.memory_space<hbm>>
        tpu.wait_dma2 semaphore(%run_scoped3A_83 : memref<!tpu.dma_semaphore, #tpu.memory_space<semaphore_mem>>) src(%dma_wait3A_99 : memref<80xi32, #tpu.memory_space<hbm>>) dst(%dma_wait3A_98 : memref<80xi32, #tpu.memory_space<vmem>>)
        tpu.yield
      }) : () -> ()
      %run_scoped3A_49 = arith.constant 0 : i32
      "tpu.region"() ({
        %run_scoped3A_83 = tpu.sem_alloc : memref<!tpu.dma_semaphore, #tpu.memory_space<semaphore_mem>>
        %dma_start3A_84 = arith.constant 0 : i32
        %dma_start3A_85 = tpu.memref_slice %arg13[%run_scoped3A_49, %dma_start3A_84] : memref<1x80xi32, #tpu.memory_space<vmem>> -> memref<1x80xi32, #tpu.memory_space<vmem>>
        %dma_start3A_86 = tpu.memref_squeeze %dma_start3A_85 : memref<1x80xi32, #tpu.memory_space<vmem>> -> memref<80xi32, #tpu.memory_space<vmem>>
        %dma_start3A_87 = tpu.memref_slice %arg4[%multiple_of3A_47] : memref<320000xi32, #tpu.memory_space<hbm>> -> memref<80xi32, #tpu.memory_space<hbm>>
        %dma_start3A_88 = arith.constant 0 : i32
        %dma_start3A_89 = tpu.memref_slice %arg13[%run_scoped3A_49, %dma_start3A_88] : memref<1x80xi32, #tpu.memory_space<vmem>> -> memref<1x80xi32, #tpu.memory_space<vmem>>
        %dma_start3A_90 = tpu.memref_squeeze %dma_start3A_89 : memref<1x80xi32, #tpu.memory_space<vmem>> -> memref<80xi32, #tpu.memory_space<vmem>>
        %dma_start3A_91 = tpu.memref_slice %arg4[%multiple_of3A_47] : memref<320000xi32, #tpu.memory_space<hbm>> -> memref<80xi32, #tpu.memory_space<hbm>>
        tpu.enqueue_dma source(%dma_start3A_91 : memref<80xi32, #tpu.memory_space<hbm>>) target(%dma_start3A_90 : memref<80xi32, #tpu.memory_space<vmem>>) target_semaphore(%run_scoped3A_83 : memref<!tpu.dma_semaphore, #tpu.memory_space<semaphore_mem>>)
        %dma_wait3A_92 = arith.constant 0 : i32
        %dma_wait3A_93 = tpu.memref_slice %arg13[%run_scoped3A_49, %dma_wait3A_92] : memref<1x80xi32, #tpu.memory_space<vmem>> -> memref<1x80xi32, #tpu.memory_space<vmem>>
        %dma_wait3A_94 = tpu.memref_squeeze %dma_wait3A_93 : memref<1x80xi32, #tpu.memory_space<vmem>> -> memref<80xi32, #tpu.memory_space<vmem>>
        %dma_wait3A_95 = tpu.memref_slice %arg4[%multiple_of3A_47] : memref<320000xi32, #tpu.memory_space<hbm>> -> memref<80xi32, #tpu.memory_space<hbm>>
        %dma_wait3A_96 = arith.constant 0 : i32
        %dma_wait3A_97 = tpu.memref_slice %arg13[%run_scoped3A_49, %dma_wait3A_96] : memref<1x80xi32, #tpu.memory_space<vmem>> -> memref<1x80xi32, #tpu.memory_space<vmem>>
        %dma_wait3A_98 = tpu.memref_squeeze %dma_wait3A_97 : memref<1x80xi32, #tpu.memory_space<vmem>> -> memref<80xi32, #tpu.memory_space<vmem>>
        %dma_wait3A_99 = tpu.memref_slice %arg4[%multiple_of3A_47] : memref<320000xi32, #tpu.memory_space<hbm>> -> memref<80xi32, #tpu.memory_space<hbm>>
        tpu.wait_dma2 semaphore(%run_scoped3A_83 : memref<!tpu.dma_semaphore, #tpu.memory_space<semaphore_mem>>) src(%dma_wait3A_99 : memref<80xi32, #tpu.memory_space<hbm>>) dst(%dma_wait3A_98 : memref<80xi32, #tpu.memory_space<vmem>>)
        tpu.yield
      }) : () -> ()
      %scan3A_50 = arith.constant 0 : i32
      %scan3A_51 = arith.constant 0 : i32
      %scan3A_52 = arith.constant 5 : i32
      %scan3A_53 = arith.addi %scan3A_51, %scan3A_52 : i32
      %scan3A_54 = arith.constant 1 : i32
      scf.for %scan3A_83 = %scan3A_51 to %scan3A_53 step %scan3A_54  : i32 {
        %mul3A_84 = arith.constant 16 : i32
        %mul3A_85 = arith.muli %scan3A_83, %mul3A_84 : i32
        %multiple_of3A_86 = tpu.assume_multiple %mul3A_85, 16 : i32
        %get3A = arith.constant 0 : i32
        %get3A_87 = arith.index_cast %get3A : i32 to index
        %get3A_88 = arith.index_cast %multiple_of3A_86 : i32 to index
        %get3A_89 = tpu.vector_load %arg12[%get3A_87, %get3A_88] {strides = array<i32>} : memref<1x80xi32, #tpu.memory_space<vmem>>, vector<1x16xi32>,
        %get3A_90 = vector.shape_cast %get3A_89 : vector<1x16xi32> to vector<16xi32>
        %add3A_91 = vector.broadcast %mul3A_8 : i32 to vector<16xi32>
        %add3A_92 = arith.addi %get3A_90, %add3A_91 : vector<16xi32>
        %swap3A = arith.constant 0 : i32
        %swap3A_93 = arith.index_cast %swap3A : i32 to index
        %swap3A_94 = arith.index_cast %multiple_of3A_86 : i32 to index
        %swap3A_95 = tpu.vector_load %arg12[%swap3A_93, %swap3A_94] {strides = array<i32>} : memref<1x80xi32, #tpu.memory_space<vmem>>, vector<1x16xi32>,
        %swap3A_96 = vector.shape_cast %swap3A_95 : vector<1x16xi32> to vector<16xi32>
        %swap3A_97 = vector.shape_cast %add3A_92 : vector<16xi32> to vector<1x16xi32>
        tpu.vector_store %arg12[%swap3A_93, %swap3A_94], %swap3A_97 {strides = array<i32>} : memref<1x80xi32, #tpu.memory_space<vmem>>, vector<1x16xi32>,
      }
      %scan3A_55 = arith.constant 5 : i32
      %dma_start3A_56 = arith.constant 0 : i32
      %dma_start3A_57 = arith.constant 0 : i32
      %dma_start3A_58 = tpu.memref_slice %arg12[%dma_start3A_56, %dma_start3A_57] : memref<1x80xi32, #tpu.memory_space<vmem>> -> memref<1x80xi32, #tpu.memory_space<vmem>>
      %dma_start3A_59 = tpu.memref_squeeze %dma_start3A_58 : memref<1x80xi32, #tpu.memory_space<vmem>> -> memref<80xi32, #tpu.memory_space<vmem>>
      %dma_start3A_60 = arith.constant 0 : i32
      %dma_start3A_61 = arith.constant 0 : i32
      %dma_start3A_62 = tpu.memref_slice %arg2[%dma_start3A_60, %dma_start3A_61] : memref<20000x128xf32, #tpu.memory_space<hbm>> -> memref<20000x128xf32, #tpu.memory_space<hbm>>
      tpu.enqueue_indirect_dma source(%dma_start3A_62 : memref<20000x128xf32, #tpu.memory_space<hbm>>) target(%arg14 : memref<80x128xf32, #tpu.memory_space<vmem>>) offsets(%dma_start3A_59 : memref<80xi32, #tpu.memory_space<vmem>>) semaphore(%arg15 : memref<!tpu.dma_semaphore, #tpu.memory_space<semaphore_mem>>)
      %dma_wait3A = arith.constant 0 : i32
      %dma_wait3A_63 = arith.constant 0 : i32
      %dma_wait3A_64 = tpu.memref_slice %arg8[%dma_wait3A, %dma_wait3A_63] : memref<1x80xi32, #tpu.memory_space<vmem>> -> memref<1x80xi32, #tpu.memory_space<vmem>>
      %dma_wait3A_65 = tpu.memref_squeeze %dma_wait3A_64 : memref<1x80xi32, #tpu.memory_space<vmem>> -> memref<80xi32, #tpu.memory_space<vmem>>
      %dma_wait3A_66 = arith.constant 0 : i32
      %dma_wait3A_67 = arith.constant 0 : i32
      %dma_wait3A_68 = tpu.memref_slice %arg2[%dma_wait3A_66, %dma_wait3A_67] : memref<20000x128xf32, #tpu.memory_space<hbm>> -> memref<20000x128xf32, #tpu.memory_space<hbm>>
      tpu.wait_indirect_dma semaphore(%arg11 : memref<!tpu.dma_semaphore, #tpu.memory_space<semaphore_mem>>) src(%dma_wait3A_68 : memref<20000x128xf32, #tpu.memory_space<hbm>>) dst(%arg10 : memref<80x128xf32, #tpu.memory_space<vmem>>)
      %run_scoped3A_69 = arith.constant 0 : i32
      "tpu.region"() ({
        %run_scoped3A_83 = tpu.sem_alloc : memref<!tpu.dma_semaphore, #tpu.memory_space<semaphore_mem>>
        %dma_start3A_84 = arith.constant 0 : i32
        %dma_start3A_85 = tpu.memref_slice %arg9[%run_scoped3A_69, %dma_start3A_84] : memref<1x80xi32, #tpu.memory_space<vmem>> -> memref<1x80xi32, #tpu.memory_space<vmem>>
        %dma_start3A_86 = tpu.memref_squeeze %dma_start3A_85 : memref<1x80xi32, #tpu.memory_space<vmem>> -> memref<80xi32, #tpu.memory_space<vmem>>
        %dma_start3A_87 = arith.constant 0 : i32
        %dma_start3A_88 = arith.constant 0 : i32
        %dma_start3A_89 = tpu.memref_slice %arg7[%dma_start3A_87, %dma_start3A_88] : memref<10000x128xf32, #tpu.memory_space<vmem_shared>> -> memref<10000x128xf32, #tpu.memory_space<vmem_shared>>
        tpu.enqueue_indirect_dma source(%arg10 : memref<80x128xf32, #tpu.memory_space<vmem>>) target(%dma_start3A_89 : memref<10000x128xf32, #tpu.memory_space<vmem_shared>>) offsets(%dma_start3A_86 : memref<80xi32, #tpu.memory_space<vmem>>) semaphore(%run_scoped3A_83 : memref<!tpu.dma_semaphore, #tpu.memory_space<semaphore_mem>>) {add = true}
        %dma_wait3A_90 = arith.constant 0 : i32
        %dma_wait3A_91 = tpu.memref_slice %arg9[%run_scoped3A_69, %dma_wait3A_90] : memref<1x80xi32, #tpu.memory_space<vmem>> -> memref<1x80xi32, #tpu.memory_space<vmem>>
        %dma_wait3A_92 = tpu.memref_squeeze %dma_wait3A_91 : memref<1x80xi32, #tpu.memory_space<vmem>> -> memref<80xi32, #tpu.memory_space<vmem>>
        %dma_wait3A_93 = arith.constant 0 : i32
        %dma_wait3A_94 = arith.constant 0 : i32
        %dma_wait3A_95 = tpu.memref_slice %arg7[%dma_wait3A_93, %dma_wait3A_94] : memref<10000x128xf32, #tpu.memory_space<vmem_shared>> -> memref<10000x128xf32, #tpu.memory_space<vmem_shared>>
        tpu.wait_indirect_dma semaphore(%run_scoped3A_83 : memref<!tpu.dma_semaphore, #tpu.memory_space<semaphore_mem>>) src(%arg10 : memref<80x128xf32, #tpu.memory_space<vmem>>) dst(%dma_wait3A_95 : memref<10000x128xf32, #tpu.memory_space<vmem_shared>>)
        tpu.yield
      }) : () -> ()
      %lt3A_70 = arith.constant 124 : i32
      %lt3A_71 = arith.cmpi slt, %scan3A_39, %lt3A_70 : i32
      %convert_element_type3A_72 = arith.extui %lt3A_71 : i1 to i32
      %cond3A_73 = arith.constant 0 : i32
      %cond3A_74 = arith.cmpi ne, %convert_element_type3A_72, %cond3A_73 : i32
      scf.if %cond3A_74 {
        %mul3A_83 = arith.constant 2 : i32
        %mul3A_84 = arith.muli %mul3A_83, %scan3A_39 : i32
        %add3A_85 = arith.constant 2 : i32
        %add3A_86 = arith.addi %mul3A_84, %add3A_85 : i32
        %mul3A_87 = arith.constant 80 : i32
        %mul3A_88 = arith.muli %add3A_86, %mul3A_87 : i32
        %add3A_89 = arith.addi %mul3A_6, %mul3A_88 : i32
        %multiple_of3A_90 = tpu.assume_multiple %add3A_89, 8 : i32
        %run_scoped3A_91 = arith.constant 0 : i32
        "tpu.region"() ({
          %run_scoped3A_106 = tpu.sem_alloc : memref<!tpu.dma_semaphore, #tpu.memory_space<semaphore_mem>>
          %dma_start3A_107 = arith.constant 0 : i32
          %dma_start3A_108 = tpu.memref_slice %arg8[%run_scoped3A_91, %dma_start3A_107] : memref<1x80xi32, #tpu.memory_space<vmem>> -> memref<1x80xi32, #tpu.memory_space<vmem>>
          %dma_start3A_109 = tpu.memref_squeeze %dma_start3A_108 : memref<1x80xi32, #tpu.memory_space<vmem>> -> memref<80xi32, #tpu.memory_space<vmem>>
          %dma_start3A_110 = tpu.memref_slice %arg3[%multiple_of3A_90] : memref<320000xi32, #tpu.memory_space<hbm>> -> memref<80xi32, #tpu.memory_space<hbm>>
          %dma_start3A_111 = arith.constant 0 : i32
          %dma_start3A_112 = tpu.memref_slice %arg8[%run_scoped3A_91, %dma_start3A_111] : memref<1x80xi32, #tpu.memory_space<vmem>> -> memref<1x80xi32, #tpu.memory_space<vmem>>
          %dma_start3A_113 = tpu.memref_squeeze %dma_start3A_112 : memref<1x80xi32, #tpu.memory_space<vmem>> -> memref<80xi32, #tpu.memory_space<vmem>>
          %dma_start3A_114 = tpu.memref_slice %arg3[%multiple_of3A_90] : memref<320000xi32, #tpu.memory_space<hbm>> -> memref<80xi32, #tpu.memory_space<hbm>>
          tpu.enqueue_dma source(%dma_start3A_114 : memref<80xi32, #tpu.memory_space<hbm>>) target(%dma_start3A_113 : memref<80xi32, #tpu.memory_space<vmem>>) target_semaphore(%run_scoped3A_106 : memref<!tpu.dma_semaphore, #tpu.memory_space<semaphore_mem>>)
          %dma_wait3A_115 = arith.constant 0 : i32
          %dma_wait3A_116 = tpu.memref_slice %arg8[%run_scoped3A_91, %dma_wait3A_115] : memref<1x80xi32, #tpu.memory_space<vmem>> -> memref<1x80xi32, #tpu.memory_space<vmem>>
          %dma_wait3A_117 = tpu.memref_squeeze %dma_wait3A_116 : memref<1x80xi32, #tpu.memory_space<vmem>> -> memref<80xi32, #tpu.memory_space<vmem>>
          %dma_wait3A_118 = tpu.memref_slice %arg3[%multiple_of3A_90] : memref<320000xi32, #tpu.memory_space<hbm>> -> memref<80xi32, #tpu.memory_space<hbm>>
          %dma_wait3A_119 = arith.constant 0 : i32
          %dma_wait3A_120 = tpu.memref_slice %arg8[%run_scoped3A_91, %dma_wait3A_119] : memref<1x80xi32, #tpu.memory_space<vmem>> -> memref<1x80xi32, #tpu.memory_space<vmem>>
          %dma_wait3A_121 = tpu.memref_squeeze %dma_wait3A_120 : memref<1x80xi32, #tpu.memory_space<vmem>> -> memref<80xi32, #tpu.memory_space<vmem>>
          %dma_wait3A_122 = tpu.memref_slice %arg3[%multiple_of3A_90] : memref<320000xi32, #tpu.memory_space<hbm>> -> memref<80xi32, #tpu.memory_space<hbm>>
          tpu.wait_dma2 semaphore(%run_scoped3A_106 : memref<!tpu.dma_semaphore, #tpu.memory_space<semaphore_mem>>) src(%dma_wait3A_122 : memref<80xi32, #tpu.memory_space<hbm>>) dst(%dma_wait3A_121 : memref<80xi32, #tpu.memory_space<vmem>>)
          tpu.yield
        }) : () -> ()
        %run_scoped3A_92 = arith.constant 0 : i32
        "tpu.region"() ({
          %run_scoped3A_106 = tpu.sem_alloc : memref<!tpu.dma_semaphore, #tpu.memory_space<semaphore_mem>>
          %dma_start3A_107 = arith.constant 0 : i32
          %dma_start3A_108 = tpu.memref_slice %arg9[%run_scoped3A_92, %dma_start3A_107] : memref<1x80xi32, #tpu.memory_space<vmem>> -> memref<1x80xi32, #tpu.memory_space<vmem>>
          %dma_start3A_109 = tpu.memref_squeeze %dma_start3A_108 : memref<1x80xi32, #tpu.memory_space<vmem>> -> memref<80xi32, #tpu.memory_space<vmem>>
          %dma_start3A_110 = tpu.memref_slice %arg4[%multiple_of3A_90] : memref<320000xi32, #tpu.memory_space<hbm>> -> memref<80xi32, #tpu.memory_space<hbm>>
          %dma_start3A_111 = arith.constant 0 : i32
          %dma_start3A_112 = tpu.memref_slice %arg9[%run_scoped3A_92, %dma_start3A_111] : memref<1x80xi32, #tpu.memory_space<vmem>> -> memref<1x80xi32, #tpu.memory_space<vmem>>
          %dma_start3A_113 = tpu.memref_squeeze %dma_start3A_112 : memref<1x80xi32, #tpu.memory_space<vmem>> -> memref<80xi32, #tpu.memory_space<vmem>>
          %dma_start3A_114 = tpu.memref_slice %arg4[%multiple_of3A_90] : memref<320000xi32, #tpu.memory_space<hbm>> -> memref<80xi32, #tpu.memory_space<hbm>>
          tpu.enqueue_dma source(%dma_start3A_114 : memref<80xi32, #tpu.memory_space<hbm>>) target(%dma_start3A_113 : memref<80xi32, #tpu.memory_space<vmem>>) target_semaphore(%run_scoped3A_106 : memref<!tpu.dma_semaphore, #tpu.memory_space<semaphore_mem>>)
          %dma_wait3A_115 = arith.constant 0 : i32
          %dma_wait3A_116 = tpu.memref_slice %arg9[%run_scoped3A_92, %dma_wait3A_115] : memref<1x80xi32, #tpu.memory_space<vmem>> -> memref<1x80xi32, #tpu.memory_space<vmem>>
          %dma_wait3A_117 = tpu.memref_squeeze %dma_wait3A_116 : memref<1x80xi32, #tpu.memory_space<vmem>> -> memref<80xi32, #tpu.memory_space<vmem>>
          %dma_wait3A_118 = tpu.memref_slice %arg4[%multiple_of3A_90] : memref<320000xi32, #tpu.memory_space<hbm>> -> memref<80xi32, #tpu.memory_space<hbm>>
          %dma_wait3A_119 = arith.constant 0 : i32
          %dma_wait3A_120 = tpu.memref_slice %arg9[%run_scoped3A_92, %dma_wait3A_119] : memref<1x80xi32, #tpu.memory_space<vmem>> -> memref<1x80xi32, #tpu.memory_space<vmem>>
          %dma_wait3A_121 = tpu.memref_squeeze %dma_wait3A_120 : memref<1x80xi32, #tpu.memory_space<vmem>> -> memref<80xi32, #tpu.memory_space<vmem>>
          %dma_wait3A_122 = tpu.memref_slice %arg4[%multiple_of3A_90] : memref<320000xi32, #tpu.memory_space<hbm>> -> memref<80xi32, #tpu.memory_space<hbm>>
          tpu.wait_dma2 semaphore(%run_scoped3A_106 : memref<!tpu.dma_semaphore, #tpu.memory_space<semaphore_mem>>) src(%dma_wait3A_122 : memref<80xi32, #tpu.memory_space<hbm>>) dst(%dma_wait3A_121 : memref<80xi32, #tpu.memory_space<vmem>>)
          tpu.yield
        }) : () -> ()
        %scan3A_93 = arith.constant 0 : i32
        %scan3A_94 = arith.constant 0 : i32
        %scan3A_95 = arith.constant 5 : i32
        %scan3A_96 = arith.addi %scan3A_94, %scan3A_95 : i32
        %scan3A_97 = arith.constant 1 : i32
        scf.for %scan3A_106 = %scan3A_94 to %scan3A_96 step %scan3A_97  : i32 {
          %mul3A_107 = arith.constant 16 : i32
          %mul3A_108 = arith.muli %scan3A_106, %mul3A_107 : i32
          %multiple_of3A_109 = tpu.assume_multiple %mul3A_108, 16 : i32
          %get3A = arith.constant 0 : i32
          %get3A_110 = arith.index_cast %get3A : i32 to index
          %get3A_111 = arith.index_cast %multiple_of3A_109 : i32 to index
          %get3A_112 = tpu.vector_load %arg8[%get3A_110, %get3A_111] {strides = array<i32>} : memref<1x80xi32, #tpu.memory_space<vmem>>, vector<1x16xi32>,
          %get3A_113 = vector.shape_cast %get3A_112 : vector<1x16xi32> to vector<16xi32>
          %add3A_114 = vector.broadcast %mul3A_8 : i32 to vector<16xi32>
          %add3A_115 = arith.addi %get3A_113, %add3A_114 : vector<16xi32>
          %swap3A = arith.constant 0 : i32
          %swap3A_116 = arith.index_cast %swap3A : i32 to index
          %swap3A_117 = arith.index_cast %multiple_of3A_109 : i32 to index
          %swap3A_118 = tpu.vector_load %arg8[%swap3A_116, %swap3A_117] {strides = array<i32>} : memref<1x80xi32, #tpu.memory_space<vmem>>, vector<1x16xi32>,
          %swap3A_119 = vector.shape_cast %swap3A_118 : vector<1x16xi32> to vector<16xi32>
          %swap3A_120 = vector.shape_cast %add3A_115 : vector<16xi32> to vector<1x16xi32>
          tpu.vector_store %arg8[%swap3A_116, %swap3A_117], %swap3A_120 {strides = array<i32>} : memref<1x80xi32, #tpu.memory_space<vmem>>, vector<1x16xi32>,
        }
        %scan3A_98 = arith.constant 5 : i32
        %dma_start3A_99 = arith.constant 0 : i32
        %dma_start3A_100 = arith.constant 0 : i32
        %dma_start3A_101 = tpu.memref_slice %arg8[%dma_start3A_99, %dma_start3A_100] : memref<1x80xi32, #tpu.memory_space<vmem>> -> memref<1x80xi32, #tpu.memory_space<vmem>>
        %dma_start3A_102 = tpu.memref_squeeze %dma_start3A_101 : memref<1x80xi32, #tpu.memory_space<vmem>> -> memref<80xi32, #tpu.memory_space<vmem>>
        %dma_start3A_103 = arith.constant 0 : i32
        %dma_start3A_104 = arith.constant 0 : i32
        %dma_start3A_105 = tpu.memref_slice %arg2[%dma_start3A_103, %dma_start3A_104] : memref<20000x128xf32, #tpu.memory_space<hbm>> -> memref<20000x128xf32, #tpu.memory_space<hbm>>
        tpu.enqueue_indirect_dma source(%dma_start3A_105 : memref<20000x128xf32, #tpu.memory_space<hbm>>) target(%arg10 : memref<80x128xf32, #tpu.memory_space<vmem>>) offsets(%dma_start3A_102 : memref<80xi32, #tpu.memory_space<vmem>>) semaphore(%arg11 : memref<!tpu.dma_semaphore, #tpu.memory_space<semaphore_mem>>)
      } else {
      }
      %dma_wait3A_75 = arith.constant 0 : i32
      %dma_wait3A_76 = arith.constant 0 : i32
      %dma_wait3A_77 = tpu.memref_slice %arg12[%dma_wait3A_75, %dma_wait3A_76] : memref<1x80xi32, #tpu.memory_space<vmem>> -> memref<1x80xi32, #tpu.memory_space<vmem>>
      %dma_wait3A_78 = tpu.memref_squeeze %dma_wait3A_77 : memref<1x80xi32, #tpu.memory_space<vmem>> -> memref<80xi32, #tpu.memory_space<vmem>>
      %dma_wait3A_79 = arith.constant 0 : i32
      %dma_wait3A_80 = arith.constant 0 : i32
      %dma_wait3A_81 = tpu.memref_slice %arg2[%dma_wait3A_79, %dma_wait3A_80] : memref<20000x128xf32, #tpu.memory_space<hbm>> -> memref<20000x128xf32, #tpu.memory_space<hbm>>
      tpu.wait_indirect_dma semaphore(%arg15 : memref<!tpu.dma_semaphore, #tpu.memory_space<semaphore_mem>>) src(%dma_wait3A_81 : memref<20000x128xf32, #tpu.memory_space<hbm>>) dst(%arg14 : memref<80x128xf32, #tpu.memory_space<vmem>>)
      %run_scoped3A_82 = arith.constant 0 : i32
      "tpu.region"() ({
        %run_scoped3A_83 = tpu.sem_alloc : memref<!tpu.dma_semaphore, #tpu.memory_space<semaphore_mem>>
        %dma_start3A_84 = arith.constant 0 : i32
        %dma_start3A_85 = tpu.memref_slice %arg13[%run_scoped3A_82, %dma_start3A_84] : memref<1x80xi32, #tpu.memory_space<vmem>> -> memref<1x80xi32, #tpu.memory_space<vmem>>
        %dma_start3A_86 = tpu.memref_squeeze %dma_start3A_85 : memref<1x80xi32, #tpu.memory_space<vmem>> -> memref<80xi32, #tpu.memory_space<vmem>>
        %dma_start3A_87 = arith.constant 0 : i32
        %dma_start3A_88 = arith.constant 0 : i32
        %dma_start3A_89 = tpu.memref_slice %arg7[%dma_start3A_87, %dma_start3A_88] : memref<10000x128xf32, #tpu.memory_space<vmem_shared>> -> memref<10000x128xf32, #tpu.memory_space<vmem_shared>>
        tpu.enqueue_indirect_dma source(%arg14 : memref<80x128xf32, #tpu.memory_space<vmem>>) target(%dma_start3A_89 : memref<10000x128xf32, #tpu.memory_space<vmem_shared>>) offsets(%dma_start3A_86 : memref<80xi32, #tpu.memory_space<vmem>>) semaphore(%run_scoped3A_83 : memref<!tpu.dma_semaphore, #tpu.memory_space<semaphore_mem>>) {add = true}
        %dma_wait3A_90 = arith.constant 0 : i32
        %dma_wait3A_91 = tpu.memref_slice %arg13[%run_scoped3A_82, %dma_wait3A_90] : memref<1x80xi32, #tpu.memory_space<vmem>> -> memref<1x80xi32, #tpu.memory_space<vmem>>
        %dma_wait3A_92 = tpu.memref_squeeze %dma_wait3A_91 : memref<1x80xi32, #tpu.memory_space<vmem>> -> memref<80xi32, #tpu.memory_space<vmem>>
        %dma_wait3A_93 = arith.constant 0 : i32
        %dma_wait3A_94 = arith.constant 0 : i32
        %dma_wait3A_95 = tpu.memref_slice %arg7[%dma_wait3A_93, %dma_wait3A_94] : memref<10000x128xf32, #tpu.memory_space<vmem_shared>> -> memref<10000x128xf32, #tpu.memory_space<vmem_shared>>
        tpu.wait_indirect_dma semaphore(%run_scoped3A_83 : memref<!tpu.dma_semaphore, #tpu.memory_space<semaphore_mem>>) src(%arg14 : memref<80x128xf32, #tpu.memory_space<vmem>>) dst(%dma_wait3A_95 : memref<10000x128xf32, #tpu.memory_space<vmem_shared>>)
        tpu.yield
      }) : () -> ()
    }
    %scan3A_27 = arith.constant 125 : i32
    %barrier3A_28 = arith.constant 0 : index
    tpu.barrier barrier_id(%barrier3A_28)
    %lt3A_29 = arith.constant 15 : i32
    %lt3A_30 = arith.cmpi slt, %arg1, %lt3A_29 : i32
    %convert_element_type3A_31 = arith.extui %lt3A_30 : i1 to i32
    %cond3A_32 = arith.constant 0 : i32
    %cond3A_33 = arith.cmpi ne, %convert_element_type3A_31, %cond3A_32 : i32
    scf.if %cond3A_33 {
      %mul3A_39 = arith.constant 624 : i32
      %mul3A_40 = arith.muli %arg1, %mul3A_39 : i32
      %multiple_of3A_41 = tpu.assume_multiple %mul3A_40, 8 : i32
      %mul3A_42 = arith.constant 624 : i32
      %mul3A_43 = arith.muli %arg1, %mul3A_42 : i32
      %add3A_44 = arith.addi %mul3A_8, %mul3A_43 : i32
      %multiple_of3A_45 = tpu.assume_multiple %add3A_44, 8 : i32
      "tpu.region"() ({
        %run_scoped3A_46 = tpu.sem_alloc : memref<!tpu.dma_semaphore, #tpu.memory_space<semaphore_mem>>
        %dma_start3A_47 = arith.constant 0 : i32
        %dma_start3A_48 = tpu.memref_slice %arg6[%multiple_of3A_45, %dma_start3A_47] : memref<20000x128xf32, #tpu.memory_space<hbm>> -> memref<624x128xf32, #tpu.memory_space<hbm>>
        %dma_start3A_49 = arith.constant 0 : i32
        %dma_start3A_50 = tpu.memref_slice %arg7[%multiple_of3A_41, %dma_start3A_49] : memref<10000x128xf32, #tpu.memory_space<vmem_shared>> -> memref<624x128xf32, #tpu.memory_space<vmem_shared>>
        tpu.enqueue_dma source(%dma_start3A_50 : memref<624x128xf32, #tpu.memory_space<vmem_shared>>) target(%dma_start3A_48 : memref<624x128xf32, #tpu.memory_space<hbm>>) target_semaphore(%run_scoped3A_46 : memref<!tpu.dma_semaphore, #tpu.memory_space<semaphore_mem>>)
        %dma_wait3A = arith.constant 0 : i32
        %dma_wait3A_51 = tpu.memref_slice %arg6[%multiple_of3A_45, %dma_wait3A] : memref<20000x128xf32, #tpu.memory_space<hbm>> -> memref<624x128xf32, #tpu.memory_space<hbm>>
        %dma_wait3A_52 = arith.constant 0 : i32
        %dma_wait3A_53 = tpu.memref_slice %arg7[%multiple_of3A_41, %dma_wait3A_52] : memref<10000x128xf32, #tpu.memory_space<vmem_shared>> -> memref<624x128xf32, #tpu.memory_space<vmem_shared>>
        tpu.wait_dma2 semaphore(%run_scoped3A_46 : memref<!tpu.dma_semaphore, #tpu.memory_space<semaphore_mem>>) src(%dma_wait3A_53 : memref<624x128xf32, #tpu.memory_space<vmem_shared>>) dst(%dma_wait3A_51 : memref<624x128xf32, #tpu.memory_space<hbm>>)
        tpu.yield
      }) : () -> ()
    } else {
    }
    %eq3A_34 = arith.constant 15 : i32
    %eq3A_35 = arith.cmpi eq, %arg1, %eq3A_34 : i32
    %convert_element_type3A_36 = arith.extui %eq3A_35 : i1 to i32
    %cond3A_37 = arith.constant 0 : i32
    %cond3A_38 = arith.cmpi ne, %convert_element_type3A_36, %cond3A_37 : i32
    scf.if %cond3A_38 {
      %add3A_39 = arith.constant 9360 : i32
      %add3A_40 = arith.addi %mul3A_8, %add3A_39 : i32
      %multiple_of3A_41 = tpu.assume_multiple %add3A_40, 8 : i32
      "tpu.region"() ({
        %run_scoped3A_42 = tpu.sem_alloc : memref<!tpu.dma_semaphore, #tpu.memory_space<semaphore_mem>>
        %dma_start3A_43 = arith.constant 0 : i32
        %dma_start3A_44 = tpu.memref_slice %arg6[%multiple_of3A_41, %dma_start3A_43] : memref<20000x128xf32, #tpu.memory_space<hbm>> -> memref<640x128xf32, #tpu.memory_space<hbm>>
        %dma_start3A_45 = arith.constant 9360 : i32
        %dma_start3A_46 = arith.constant 0 : i32
        %dma_start3A_47 = tpu.memref_slice %arg7[%dma_start3A_45, %dma_start3A_46] : memref<10000x128xf32, #tpu.memory_space<vmem_shared>> -> memref<640x128xf32, #tpu.memory_space<vmem_shared>>
        tpu.enqueue_dma source(%dma_start3A_47 : memref<640x128xf32, #tpu.memory_space<vmem_shared>>) target(%dma_start3A_44 : memref<640x128xf32, #tpu.memory_space<hbm>>) target_semaphore(%run_scoped3A_42 : memref<!tpu.dma_semaphore, #tpu.memory_space<semaphore_mem>>)
        %dma_wait3A = arith.constant 0 : i32
        %dma_wait3A_48 = tpu.memref_slice %arg6[%multiple_of3A_41, %dma_wait3A] : memref<20000x128xf32, #tpu.memory_space<hbm>> -> memref<640x128xf32, #tpu.memory_space<hbm>>
        %dma_wait3A_49 = arith.constant 9360 : i32
        %dma_wait3A_50 = arith.constant 0 : i32
        %dma_wait3A_51 = tpu.memref_slice %arg7[%dma_wait3A_49, %dma_wait3A_50] : memref<10000x128xf32, #tpu.memory_space<vmem_shared>> -> memref<640x128xf32, #tpu.memory_space<vmem_shared>>
        tpu.wait_dma2 semaphore(%run_scoped3A_42 : memref<!tpu.dma_semaphore, #tpu.memory_space<semaphore_mem>>) src(%dma_wait3A_51 : memref<640x128xf32, #tpu.memory_space<vmem_shared>>) dst(%dma_wait3A_48 : memref<640x128xf32, #tpu.memory_space<hbm>>)
        tpu.yield
      }) : () -> ()
    } else {
    }
    return
  }
}

#map = affine_map<(d0, d1) -> (0, 0)>
#map1 = affine_map<(d0, d1) -> (0)>
module attributes {stable_mosaic.version = 14 : i64} {
  func.func @_spmm(%arg0: i32, %arg1: i32, %arg2: memref<20000x128xf32, #tpu.memory_space<hbm>>, %arg3: memref<320000xi32, #tpu.memory_space<hbm>>, %arg4: memref<320000xi32, #tpu.memory_space<hbm>>, %arg5: memref<640x128xf32, #tpu.memory_space<hbm>>, %arg6: memref<20000x128xf32, #tpu.memory_space<hbm>>, %arg7: memref<10000x128xf32, #tpu.memory_space<vmem_shared>>, %arg8: memref<1x80xi32, #tpu.memory_space<vmem>>, %arg9: memref<1x80xi32, #tpu.memory_space<vmem>>, %arg10: memref<80x128xf32, #tpu.memory_space<vmem>>, %arg11: memref<!tpu.dma_semaphore, #tpu.memory_space<semaphore_mem>>, %arg12: memref<1x80xi32, #tpu.memory_space<vmem>>, %arg13: memref<1x80xi32, #tpu.memory_space<vmem>>, %arg14: memref<80x128xf32, #tpu.memory_space<vmem>>, %arg15: memref<!tpu.dma_semaphore, #tpu.memory_space<semaphore_mem>>) attributes {dimension_semantics = [#tpu.dimension_semantics<core_parallel>, #tpu.dimension_semantics<subcore_parallel>], iteration_bounds = array<i64: 2, 16>, scalar_prefetch = 0 : i64, scratch_operands = 9 : i64, tpu.core_type = #tpu.core_type<sc_vector_subcore>, window_params = [{transform_indices = #map}, {transform_indices = #map1}, {transform_indices = #map1}, {transform_indices = #map}, {transform_indices = #map}]} {
    %lt3A = arith.constant 15 : i32
    %lt3A_0 = arith.cmpi slt, %arg1, %lt3A : i32
    %convert_element_type3A = arith.extui %lt3A_0 : i1 to i32
    %cond3A = arith.constant 0 : i32
    %cond3A_1 = arith.cmpi ne, %convert_element_type3A, %cond3A : i32
    scf.if %cond3A_1 {
      %mul3A_39 = arith.constant 624 : i32
      %mul3A_40 = arith.muli %arg1, %mul3A_39 : i32
      %multiple_of3A_41 = tpu.assume_multiple %mul3A_40, 8 : i32
      "tpu.region"() ({
        %run_scoped3A_42 = tpu.sem_alloc : memref<!tpu.dma_semaphore, #tpu.memory_space<semaphore_mem>>
        %dma_start3A_43 = arith.constant 0 : i32
        %dma_start3A_44 = tpu.memref_slice %arg7[%multiple_of3A_41, %dma_start3A_43] : memref<10000x128xf32, #tpu.memory_space<vmem_shared>> -> memref<624x128xf32, #tpu.memory_space<vmem_shared>>
        %dma_start3A_45 = arith.constant 0 : i32
        %dma_start3A_46 = arith.constant 0 : i32
        %dma_start3A_47 = tpu.memref_slice %arg5[%dma_start3A_45, %dma_start3A_46] : memref<640x128xf32, #tpu.memory_space<hbm>> -> memref<624x128xf32, #tpu.memory_space<hbm>>
        tpu.enqueue_dma source(%dma_start3A_47 : memref<624x128xf32, #tpu.memory_space<hbm>>) target(%dma_start3A_44 : memref<624x128xf32, #tpu.memory_space<vmem_shared>>) target_semaphore(%run_scoped3A_42 : memref<!tpu.dma_semaphore, #tpu.memory_space<semaphore_mem>>)
        %dma_wait3A = arith.constant 0 : i32
        %dma_wait3A_48 = tpu.memref_slice %arg7[%multiple_of3A_41, %dma_wait3A] : memref<10000x128xf32, #tpu.memory_space<vmem_shared>> -> memref<624x128xf32, #tpu.memory_space<vmem_shared>>
        %dma_wait3A_49 = arith.constant 0 : i32
        %dma_wait3A_50 = arith.constant 0 : i32
        %dma_wait3A_51 = tpu.memref_slice %arg5[%dma_wait3A_49, %dma_wait3A_50] : memref<640x128xf32, #tpu.memory_space<hbm>> -> memref<624x128xf32, #tpu.memory_space<hbm>>
        tpu.wait_dma2 semaphore(%run_scoped3A_42 : memref<!tpu.dma_semaphore, #tpu.memory_space<semaphore_mem>>) src(%dma_wait3A_51 : memref<624x128xf32, #tpu.memory_space<hbm>>) dst(%dma_wait3A_48 : memref<624x128xf32, #tpu.memory_space<vmem_shared>>)
        tpu.yield
      }) : () -> ()
    } else {
    }
    %eq3A = arith.constant 15 : i32
    %eq3A_2 = arith.cmpi eq, %arg1, %eq3A : i32
    %convert_element_type3A_3 = arith.extui %eq3A_2 : i1 to i32
    %cond3A_4 = arith.constant 0 : i32
    %cond3A_5 = arith.cmpi ne, %convert_element_type3A_3, %cond3A_4 : i32
    scf.if %cond3A_5 {
      "tpu.region"() ({
        %run_scoped3A_39 = tpu.sem_alloc : memref<!tpu.dma_semaphore, #tpu.memory_space<semaphore_mem>>
        %dma_start3A_40 = arith.constant 9360 : i32
        %dma_start3A_41 = arith.constant 0 : i32
        %dma_start3A_42 = tpu.memref_slice %arg7[%dma_start3A_40, %dma_start3A_41] : memref<10000x128xf32, #tpu.memory_space<vmem_shared>> -> memref<640x128xf32, #tpu.memory_space<vmem_shared>>
        tpu.enqueue_dma source(%arg5 : memref<640x128xf32, #tpu.memory_space<hbm>>) target(%dma_start3A_42 : memref<640x128xf32, #tpu.memory_space<vmem_shared>>) target_semaphore(%run_scoped3A_39 : memref<!tpu.dma_semaphore, #tpu.memory_space<semaphore_mem>>)
        %dma_wait3A = arith.constant 9360 : i32
        %dma_wait3A_43 = arith.constant 0 : i32
        %dma_wait3A_44 = tpu.memref_slice %arg7[%dma_wait3A, %dma_wait3A_43] : memref<10000x128xf32, #tpu.memory_space<vmem_shared>> -> memref<640x128xf32, #tpu.memory_space<vmem_shared>>
        tpu.wait_dma2 semaphore(%run_scoped3A_39 : memref<!tpu.dma_semaphore, #tpu.memory_space<semaphore_mem>>) src(%arg5 : memref<640x128xf32, #tpu.memory_space<hbm>>) dst(%dma_wait3A_44 : memref<640x128xf32, #tpu.memory_space<vmem_shared>>)
        tpu.yield
      }) : () -> ()
    } else {
    }
    %barrier3A = arith.constant 0 : index
    tpu.barrier barrier_id(%barrier3A)
    %mul3A = arith.constant 20000 : i32
    %mul3A_6 = arith.muli %arg1, %mul3A : i32
    %mul3A_7 = arith.constant 10000 : i32
    %mul3A_8 = arith.muli %arg0, %mul3A_7 : i32
    %add3A = arith.constant 0 : i32
    %add3A_9 = arith.addi %mul3A_6, %add3A : i32
    %multiple_of3A = tpu.assume_multiple %add3A_9, 8 : i32
    %run_scoped3A = arith.constant 0 : i32
    "tpu.region"() ({
      %run_scoped3A_39 = tpu.sem_alloc : memref<!tpu.dma_semaphore, #tpu.memory_space<semaphore_mem>>
      %dma_start3A_40 = arith.constant 0 : i32
      %dma_start3A_41 = tpu.memref_slice %arg8[%run_scoped3A, %dma_start3A_40] : memref<1x80xi32, #tpu.memory_space<vmem>> -> memref<1x80xi32, #tpu.memory_space<vmem>>
      %dma_start3A_42 = tpu.memref_squeeze %dma_start3A_41 : memref<1x80xi32, #tpu.memory_space<vmem>> -> memref<80xi32, #tpu.memory_space<vmem>>
      %dma_start3A_43 = tpu.memref_slice %arg3[%multiple_of3A] : memref<320000xi32, #tpu.memory_space<hbm>> -> memref<80xi32, #tpu.memory_space<hbm>>
      %dma_start3A_44 = arith.constant 0 : i32
      %dma_start3A_45 = tpu.memref_slice %arg8[%run_scoped3A, %dma_start3A_44] : memref<1x80xi32, #tpu.memory_space<vmem>> -> memref<1x80xi32, #tpu.memory_space<vmem>>
      %dma_start3A_46 = tpu.memref_squeeze %dma_start3A_45 : memref<1x80xi32, #tpu.memory_space<vmem>> -> memref<80xi32, #tpu.memory_space<vmem>>
      %dma_start3A_47 = tpu.memref_slice %arg3[%multiple_of3A] : memref<320000xi32, #tpu.memory_space<hbm>> -> memref<80xi32, #tpu.memory_space<hbm>>
      tpu.enqueue_dma source(%dma_start3A_47 : memref<80xi32, #tpu.memory_space<hbm>>) target(%dma_start3A_46 : memref<80xi32, #tpu.memory_space<vmem>>) target_semaphore(%run_scoped3A_39 : memref<!tpu.dma_semaphore, #tpu.memory_space<semaphore_mem>>)
      %dma_wait3A = arith.constant 0 : i32
      %dma_wait3A_48 = tpu.memref_slice %arg8[%run_scoped3A, %dma_wait3A] : memref<1x80xi32, #tpu.memory_space<vmem>> -> memref<1x80xi32, #tpu.memory_space<vmem>>
      %dma_wait3A_49 = tpu.memref_squeeze %dma_wait3A_48 : memref<1x80xi32, #tpu.memory_space<vmem>> -> memref<80xi32, #tpu.memory_space<vmem>>
      %dma_wait3A_50 = tpu.memref_slice %arg3[%multiple_of3A] : memref<320000xi32, #tpu.memory_space<hbm>> -> memref<80xi32, #tpu.memory_space<hbm>>
      %dma_wait3A_51 = arith.constant 0 : i32
      %dma_wait3A_52 = tpu.memref_slice %arg8[%run_scoped3A, %dma_wait3A_51] : memref<1x80xi32, #tpu.memory_space<vmem>> -> memref<1x80xi32, #tpu.memory_space<vmem>>
      %dma_wait3A_53 = tpu.memref_squeeze %dma_wait3A_52 : memref<1x80xi32, #tpu.memory_space<vmem>> -> memref<80xi32, #tpu.memory_space<vmem>>
      %dma_wait3A_54 = tpu.memref_slice %arg3[%multiple_of3A] : memref<320000xi32, #tpu.memory_space<hbm>> -> memref<80xi32, #tpu.memory_space<hbm>>
      tpu.wait_dma2 semaphore(%run_scoped3A_39 : memref<!tpu.dma_semaphore, #tpu.memory_space<semaphore_mem>>) src(%dma_wait3A_54 : memref<80xi32, #tpu.memory_space<hbm>>) dst(%dma_wait3A_53 : memref<80xi32, #tpu.memory_space<vmem>>)
      tpu.yield
    }) : () -> ()
    %run_scoped3A_10 = arith.constant 0 : i32
    "tpu.region"() ({
      %run_scoped3A_39 = tpu.sem_alloc : memref<!tpu.dma_semaphore, #tpu.memory_space<semaphore_mem>>
      %dma_start3A_40 = arith.constant 0 : i32
      %dma_start3A_41 = tpu.memref_slice %arg9[%run_scoped3A_10, %dma_start3A_40] : memref<1x80xi32, #tpu.memory_space<vmem>> -> memref<1x80xi32, #tpu.memory_space<vmem>>
      %dma_start3A_42 = tpu.memref_squeeze %dma_start3A_41 : memref<1x80xi32, #tpu.memory_space<vmem>> -> memref<80xi32, #tpu.memory_space<vmem>>
      %dma_start3A_43 = tpu.memref_slice %arg4[%multiple_of3A] : memref<320000xi32, #tpu.memory_space<hbm>> -> memref<80xi32, #tpu.memory_space<hbm>>
      %dma_start3A_44 = arith.constant 0 : i32
      %dma_start3A_45 = tpu.memref_slice %arg9[%run_scoped3A_10, %dma_start3A_44] : memref<1x80xi32, #tpu.memory_space<vmem>> -> memref<1x80xi32, #tpu.memory_space<vmem>>
      %dma_start3A_46 = tpu.memref_squeeze %dma_start3A_45 : memref<1x80xi32, #tpu.memory_space<vmem>> -> memref<80xi32, #tpu.memory_space<vmem>>
      %dma_start3A_47 = tpu.memref_slice %arg4[%multiple_of3A] : memref<320000xi32, #tpu.memory_space<hbm>> -> memref<80xi32, #tpu.memory_space<hbm>>
      tpu.enqueue_dma source(%dma_start3A_47 : memref<80xi32, #tpu.memory_space<hbm>>) target(%dma_start3A_46 : memref<80xi32, #tpu.memory_space<vmem>>) target_semaphore(%run_scoped3A_39 : memref<!tpu.dma_semaphore, #tpu.memory_space<semaphore_mem>>)
      %dma_wait3A = arith.constant 0 : i32
      %dma_wait3A_48 = tpu.memref_slice %arg9[%run_scoped3A_10, %dma_wait3A] : memref<1x80xi32, #tpu.memory_space<vmem>> -> memref<1x80xi32, #tpu.memory_space<vmem>>
      %dma_wait3A_49 = tpu.memref_squeeze %dma_wait3A_48 : memref<1x80xi32, #tpu.memory_space<vmem>> -> memref<80xi32, #tpu.memory_space<vmem>>
      %dma_wait3A_50 = tpu.memref_slice %arg4[%multiple_of3A] : memref<320000xi32, #tpu.memory_space<hbm>> -> memref<80xi32, #tpu.memory_space<hbm>>
      %dma_wait3A_51 = arith.constant 0 : i32
      %dma_wait3A_52 = tpu.memref_slice %arg9[%run_scoped3A_10, %dma_wait3A_51] : memref<1x80xi32, #tpu.memory_space<vmem>> -> memref<1x80xi32, #tpu.memory_space<vmem>>
      %dma_wait3A_53 = tpu.memref_squeeze %dma_wait3A_52 : memref<1x80xi32, #tpu.memory_space<vmem>> -> memref<80xi32, #tpu.memory_space<vmem>>
      %dma_wait3A_54 = tpu.memref_slice %arg4[%multiple_of3A] : memref<320000xi32, #tpu.memory_space<hbm>> -> memref<80xi32, #tpu.memory_space<hbm>>
      tpu.wait_dma2 semaphore(%run_scoped3A_39 : memref<!tpu.dma_semaphore, #tpu.memory_space<semaphore_mem>>) src(%dma_wait3A_54 : memref<80xi32, #tpu.memory_space<hbm>>) dst(%dma_wait3A_53 : memref<80xi32, #tpu.memory_space<vmem>>)
      tpu.yield
    }) : () -> ()
    %scan3A = arith.constant 0 : i32
    %scan3A_11 = arith.constant 0 : i32
    %scan3A_12 = arith.constant 5 : i32
    %scan3A_13 = arith.addi %scan3A_11, %scan3A_12 : i32
    %scan3A_14 = arith.constant 1 : i32
    scf.for %scan3A_39 = %scan3A_11 to %scan3A_13 step %scan3A_14  : i32 {
      %mul3A_40 = arith.constant 16 : i32
      %mul3A_41 = arith.muli %scan3A_39, %mul3A_40 : i32
      %multiple_of3A_42 = tpu.assume_multiple %mul3A_41, 16 : i32
      %get3A = arith.constant 0 : i32
      %get3A_43 = arith.index_cast %get3A : i32 to index
      %get3A_44 = arith.index_cast %multiple_of3A_42 : i32 to index
      %get3A_45 = tpu.vector_load %arg8[%get3A_43, %get3A_44] {strides = array<i32>} : memref<1x80xi32, #tpu.memory_space<vmem>>, vector<1x16xi32>,
      %get3A_46 = vector.shape_cast %get3A_45 : vector<1x16xi32> to vector<16xi32>
      %add3A_47 = vector.broadcast %mul3A_8 : i32 to vector<16xi32>
      %add3A_48 = arith.addi %get3A_46, %add3A_47 : vector<16xi32>
      %swap3A = arith.constant 0 : i32
      %swap3A_49 = arith.index_cast %swap3A : i32 to index
      %swap3A_50 = arith.index_cast %multiple_of3A_42 : i32 to index
      %swap3A_51 = tpu.vector_load %arg8[%swap3A_49, %swap3A_50] {strides = array<i32>} : memref<1x80xi32, #tpu.memory_space<vmem>>, vector<1x16xi32>,
      %swap3A_52 = vector.shape_cast %swap3A_51 : vector<1x16xi32> to vector<16xi32>
      %swap3A_53 = vector.shape_cast %add3A_48 : vector<16xi32> to vector<1x16xi32>
      tpu.vector_store %arg8[%swap3A_49, %swap3A_50], %swap3A_53 {strides = array<i32>} : memref<1x80xi32, #tpu.memory_space<vmem>>, vector<1x16xi32>,
    }
    %scan3A_15 = arith.constant 5 : i32
    %dma_start3A = arith.constant 0 : i32
    %dma_start3A_16 = arith.constant 0 : i32
    %dma_start3A_17 = tpu.memref_slice %arg8[%dma_start3A, %dma_start3A_16] : memref<1x80xi32, #tpu.memory_space<vmem>> -> memref<1x80xi32, #tpu.memory_space<vmem>>
    %dma_start3A_18 = tpu.memref_squeeze %dma_start3A_17 : memref<1x80xi32, #tpu.memory_space<vmem>> -> memref<80xi32, #tpu.memory_space<vmem>>
    %dma_start3A_19 = arith.constant 0 : i32
    %dma_start3A_20 = arith.constant 0 : i32
    %dma_start3A_21 = tpu.memref_slice %arg2[%dma_start3A_19, %dma_start3A_20] : memref<20000x128xf32, #tpu.memory_space<hbm>> -> memref<20000x128xf32, #tpu.memory_space<hbm>>
    tpu.enqueue_indirect_dma source(%dma_start3A_21 : memref<20000x128xf32, #tpu.memory_space<hbm>>) target(%arg10 : memref<80x128xf32, #tpu.memory_space<vmem>>) offsets(%dma_start3A_18 : memref<80xi32, #tpu.memory_space<vmem>>) semaphore(%arg11 : memref<!tpu.dma_semaphore, #tpu.memory_space<semaphore_mem>>)
    %scan3A_22 = arith.constant 0 : i32
    %scan3A_23 = arith.constant 0 : i32
    %scan3A_24 = arith.constant 125 : i32
    %scan3A_25 = arith.addi %scan3A_23, %scan3A_24 : i32
    %scan3A_26 = arith.constant 1 : i32
    scf.for %scan3A_39 = %scan3A_23 to %scan3A_25 step %scan3A_26  : i32 {
      %mul3A_40 = arith.constant 2 : i32
      %mul3A_41 = arith.muli %mul3A_40, %scan3A_39 : i32
      %add3A_42 = arith.constant 1 : i32
      %add3A_43 = arith.addi %mul3A_41, %add3A_42 : i32
      %mul3A_44 = arith.constant 80 : i32
      %mul3A_45 = arith.muli %add3A_43, %mul3A_44 : i32
      %add3A_46 = arith.addi %mul3A_6, %mul3A_45 : i32
      %multiple_of3A_47 = tpu.assume_multiple %add3A_46, 8 : i32
      %run_scoped3A_48 = arith.constant 0 : i32
      "tpu.region"() ({
        %run_scoped3A_83 = tpu.sem_alloc : memref<!tpu.dma_semaphore, #tpu.memory_space<semaphore_mem>>
        %dma_start3A_84 = arith.constant 0 : i32
        %dma_start3A_85 = tpu.memref_slice %arg12[%run_scoped3A_48, %dma_start3A_84] : memref<1x80xi32, #tpu.memory_space<vmem>> -> memref<1x80xi32, #tpu.memory_space<vmem>>
        %dma_start3A_86 = tpu.memref_squeeze %dma_start3A_85 : memref<1x80xi32, #tpu.memory_space<vmem>> -> memref<80xi32, #tpu.memory_space<vmem>>
        %dma_start3A_87 = tpu.memref_slice %arg3[%multiple_of3A_47] : memref<320000xi32, #tpu.memory_space<hbm>> -> memref<80xi32, #tpu.memory_space<hbm>>
        %dma_start3A_88 = arith.constant 0 : i32
        %dma_start3A_89 = tpu.memref_slice %arg12[%run_scoped3A_48, %dma_start3A_88] : memref<1x80xi32, #tpu.memory_space<vmem>> -> memref<1x80xi32, #tpu.memory_space<vmem>>
        %dma_start3A_90 = tpu.memref_squeeze %dma_start3A_89 : memref<1x80xi32, #tpu.memory_space<vmem>> -> memref<80xi32, #tpu.memory_space<vmem>>
        %dma_start3A_91 = tpu.memref_slice %arg3[%multiple_of3A_47] : memref<320000xi32, #tpu.memory_space<hbm>> -> memref<80xi32, #tpu.memory_space<hbm>>
        tpu.enqueue_dma source(%dma_start3A_91 : memref<80xi32, #tpu.memory_space<hbm>>) target(%dma_start3A_90 : memref<80xi32, #tpu.memory_space<vmem>>) target_semaphore(%run_scoped3A_83 : memref<!tpu.dma_semaphore, #tpu.memory_space<semaphore_mem>>)
        %dma_wait3A_92 = arith.constant 0 : i32
        %dma_wait3A_93 = tpu.memref_slice %arg12[%run_scoped3A_48, %dma_wait3A_92] : memref<1x80xi32, #tpu.memory_space<vmem>> -> memref<1x80xi32, #tpu.memory_space<vmem>>
        %dma_wait3A_94 = tpu.memref_squeeze %dma_wait3A_93 : memref<1x80xi32, #tpu.memory_space<vmem>> -> memref<80xi32, #tpu.memory_space<vmem>>
        %dma_wait3A_95 = tpu.memref_slice %arg3[%multiple_of3A_47] : memref<320000xi32, #tpu.memory_space<hbm>> -> memref<80xi32, #tpu.memory_space<hbm>>
        %dma_wait3A_96 = arith.constant 0 : i32
        %dma_wait3A_97 = tpu.memref_slice %arg12[%run_scoped3A_48, %dma_wait3A_96] : memref<1x80xi32, #tpu.memory_space<vmem>> -> memref<1x80xi32, #tpu.memory_space<vmem>>
        %dma_wait3A_98 = tpu.memref_squeeze %dma_wait3A_97 : memref<1x80xi32, #tpu.memory_space<vmem>> -> memref<80xi32, #tpu.memory_space<vmem>>
        %dma_wait3A_99 = tpu.memref_slice %arg3[%multiple_of3A_47] : memref<320000xi32, #tpu.memory_space<hbm>> -> memref<80xi32, #tpu.memory_space<hbm>>
        tpu.wait_dma2 semaphore(%run_scoped3A_83 : memref<!tpu.dma_semaphore, #tpu.memory_space<semaphore_mem>>) src(%dma_wait3A_99 : memref<80xi32, #tpu.memory_space<hbm>>) dst(%dma_wait3A_98 : memref<80xi32, #tpu.memory_space<vmem>>)
        tpu.yield
      }) : () -> ()
      %run_scoped3A_49 = arith.constant 0 : i32
      "tpu.region"() ({
        %run_scoped3A_83 = tpu.sem_alloc : memref<!tpu.dma_semaphore, #tpu.memory_space<semaphore_mem>>
        %dma_start3A_84 = arith.constant 0 : i32
        %dma_start3A_85 = tpu.memref_slice %arg13[%run_scoped3A_49, %dma_start3A_84] : memref<1x80xi32, #tpu.memory_space<vmem>> -> memref<1x80xi32, #tpu.memory_space<vmem>>
        %dma_start3A_86 = tpu.memref_squeeze %dma_start3A_85 : memref<1x80xi32, #tpu.memory_space<vmem>> -> memref<80xi32, #tpu.memory_space<vmem>>
        %dma_start3A_87 = tpu.memref_slice %arg4[%multiple_of3A_47] : memref<320000xi32, #tpu.memory_space<hbm>> -> memref<80xi32, #tpu.memory_space<hbm>>
        %dma_start3A_88 = arith.constant 0 : i32
        %dma_start3A_89 = tpu.memref_slice %arg13[%run_scoped3A_49, %dma_start3A_88] : memref<1x80xi32, #tpu.memory_space<vmem>> -> memref<1x80xi32, #tpu.memory_space<vmem>>
        %dma_start3A_90 = tpu.memref_squeeze %dma_start3A_89 : memref<1x80xi32, #tpu.memory_space<vmem>> -> memref<80xi32, #tpu.memory_space<vmem>>
        %dma_start3A_91 = tpu.memref_slice %arg4[%multiple_of3A_47] : memref<320000xi32, #tpu.memory_space<hbm>> -> memref<80xi32, #tpu.memory_space<hbm>>
        tpu.enqueue_dma source(%dma_start3A_91 : memref<80xi32, #tpu.memory_space<hbm>>) target(%dma_start3A_90 : memref<80xi32, #tpu.memory_space<vmem>>) target_semaphore(%run_scoped3A_83 : memref<!tpu.dma_semaphore, #tpu.memory_space<semaphore_mem>>)
        %dma_wait3A_92 = arith.constant 0 : i32
        %dma_wait3A_93 = tpu.memref_slice %arg13[%run_scoped3A_49, %dma_wait3A_92] : memref<1x80xi32, #tpu.memory_space<vmem>> -> memref<1x80xi32, #tpu.memory_space<vmem>>
        %dma_wait3A_94 = tpu.memref_squeeze %dma_wait3A_93 : memref<1x80xi32, #tpu.memory_space<vmem>> -> memref<80xi32, #tpu.memory_space<vmem>>
        %dma_wait3A_95 = tpu.memref_slice %arg4[%multiple_of3A_47] : memref<320000xi32, #tpu.memory_space<hbm>> -> memref<80xi32, #tpu.memory_space<hbm>>
        %dma_wait3A_96 = arith.constant 0 : i32
        %dma_wait3A_97 = tpu.memref_slice %arg13[%run_scoped3A_49, %dma_wait3A_96] : memref<1x80xi32, #tpu.memory_space<vmem>> -> memref<1x80xi32, #tpu.memory_space<vmem>>
        %dma_wait3A_98 = tpu.memref_squeeze %dma_wait3A_97 : memref<1x80xi32, #tpu.memory_space<vmem>> -> memref<80xi32, #tpu.memory_space<vmem>>
        %dma_wait3A_99 = tpu.memref_slice %arg4[%multiple_of3A_47] : memref<320000xi32, #tpu.memory_space<hbm>> -> memref<80xi32, #tpu.memory_space<hbm>>
        tpu.wait_dma2 semaphore(%run_scoped3A_83 : memref<!tpu.dma_semaphore, #tpu.memory_space<semaphore_mem>>) src(%dma_wait3A_99 : memref<80xi32, #tpu.memory_space<hbm>>) dst(%dma_wait3A_98 : memref<80xi32, #tpu.memory_space<vmem>>)
        tpu.yield
      }) : () -> ()
      %scan3A_50 = arith.constant 0 : i32
      %scan3A_51 = arith.constant 0 : i32
      %scan3A_52 = arith.constant 5 : i32
      %scan3A_53 = arith.addi %scan3A_51, %scan3A_52 : i32
      %scan3A_54 = arith.constant 1 : i32
      scf.for %scan3A_83 = %scan3A_51 to %scan3A_53 step %scan3A_54  : i32 {
        %mul3A_84 = arith.constant 16 : i32
        %mul3A_85 = arith.muli %scan3A_83, %mul3A_84 : i32
        %multiple_of3A_86 = tpu.assume_multiple %mul3A_85, 16 : i32
        %get3A = arith.constant 0 : i32
        %get3A_87 = arith.index_cast %get3A : i32 to index
        %get3A_88 = arith.index_cast %multiple_of3A_86 : i32 to index
        %get3A_89 = tpu.vector_load %arg12[%get3A_87, %get3A_88] {strides = array<i32>} : memref<1x80xi32, #tpu.memory_space<vmem>>, vector<1x16xi32>,
        %get3A_90 = vector.shape_cast %get3A_89 : vector<1x16xi32> to vector<16xi32>
        %add3A_91 = vector.broadcast %mul3A_8 : i32 to vector<16xi32>
        %add3A_92 = arith.addi %get3A_90, %add3A_91 : vector<16xi32>
        %swap3A = arith.constant 0 : i32
        %swap3A_93 = arith.index_cast %swap3A : i32 to index
        %swap3A_94 = arith.index_cast %multiple_of3A_86 : i32 to index
        %swap3A_95 = tpu.vector_load %arg12[%swap3A_93, %swap3A_94] {strides = array<i32>} : memref<1x80xi32, #tpu.memory_space<vmem>>, vector<1x16xi32>,
        %swap3A_96 = vector.shape_cast %swap3A_95 : vector<1x16xi32> to vector<16xi32>
        %swap3A_97 = vector.shape_cast %add3A_92 : vector<16xi32> to vector<1x16xi32>
        tpu.vector_store %arg12[%swap3A_93, %swap3A_94], %swap3A_97 {strides = array<i32>} : memref<1x80xi32, #tpu.memory_space<vmem>>, vector<1x16xi32>,
      }
      %scan3A_55 = arith.constant 5 : i32
      %dma_start3A_56 = arith.constant 0 : i32
      %dma_start3A_57 = arith.constant 0 : i32
      %dma_start3A_58 = tpu.memref_slice %arg12[%dma_start3A_56, %dma_start3A_57] : memref<1x80xi32, #tpu.memory_space<vmem>> -> memref<1x80xi32, #tpu.memory_space<vmem>>
      %dma_start3A_59 = tpu.memref_squeeze %dma_start3A_58 : memref<1x80xi32, #tpu.memory_space<vmem>> -> memref<80xi32, #tpu.memory_space<vmem>>
      %dma_start3A_60 = arith.constant 0 : i32
      %dma_start3A_61 = arith.constant 0 : i32
      %dma_start3A_62 = tpu.memref_slice %arg2[%dma_start3A_60, %dma_start3A_61] : memref<20000x128xf32, #tpu.memory_space<hbm>> -> memref<20000x128xf32, #tpu.memory_space<hbm>>
      tpu.enqueue_indirect_dma source(%dma_start3A_62 : memref<20000x128xf32, #tpu.memory_space<hbm>>) target(%arg14 : memref<80x128xf32, #tpu.memory_space<vmem>>) offsets(%dma_start3A_59 : memref<80xi32, #tpu.memory_space<vmem>>) semaphore(%arg15 : memref<!tpu.dma_semaphore, #tpu.memory_space<semaphore_mem>>)
      %dma_wait3A = arith.constant 0 : i32
      %dma_wait3A_63 = arith.constant 0 : i32
      %dma_wait3A_64 = tpu.memref_slice %arg8[%dma_wait3A, %dma_wait3A_63] : memref<1x80xi32, #tpu.memory_space<vmem>> -> memref<1x80xi32, #tpu.memory_space<vmem>>
      %dma_wait3A_65 = tpu.memref_squeeze %dma_wait3A_64 : memref<1x80xi32, #tpu.memory_space<vmem>> -> memref<80xi32, #tpu.memory_space<vmem>>
      %dma_wait3A_66 = arith.constant 0 : i32
      %dma_wait3A_67 = arith.constant 0 : i32
      %dma_wait3A_68 = tpu.memref_slice %arg2[%dma_wait3A_66, %dma_wait3A_67] : memref<20000x128xf32, #tpu.memory_space<hbm>> -> memref<20000x128xf32, #tpu.memory_space<hbm>>
      tpu.wait_indirect_dma semaphore(%arg11 : memref<!tpu.dma_semaphore, #tpu.memory_space<semaphore_mem>>) src(%dma_wait3A_68 : memref<20000x128xf32, #tpu.memory_space<hbm>>) dst(%arg10 : memref<80x128xf32, #tpu.memory_space<vmem>>)
      %run_scoped3A_69 = arith.constant 0 : i32
      "tpu.region"() ({
        %run_scoped3A_83 = tpu.sem_alloc : memref<!tpu.dma_semaphore, #tpu.memory_space<semaphore_mem>>
        %dma_start3A_84 = arith.constant 0 : i32
        %dma_start3A_85 = tpu.memref_slice %arg9[%run_scoped3A_69, %dma_start3A_84] : memref<1x80xi32, #tpu.memory_space<vmem>> -> memref<1x80xi32, #tpu.memory_space<vmem>>
        %dma_start3A_86 = tpu.memref_squeeze %dma_start3A_85 : memref<1x80xi32, #tpu.memory_space<vmem>> -> memref<80xi32, #tpu.memory_space<vmem>>
        %dma_start3A_87 = arith.constant 0 : i32
        %dma_start3A_88 = arith.constant 0 : i32
        %dma_start3A_89 = tpu.memref_slice %arg7[%dma_start3A_87, %dma_start3A_88] : memref<10000x128xf32, #tpu.memory_space<vmem_shared>> -> memref<10000x128xf32, #tpu.memory_space<vmem_shared>>
        tpu.enqueue_indirect_dma source(%arg10 : memref<80x128xf32, #tpu.memory_space<vmem>>) target(%dma_start3A_89 : memref<10000x128xf32, #tpu.memory_space<vmem_shared>>) offsets(%dma_start3A_86 : memref<80xi32, #tpu.memory_space<vmem>>) semaphore(%run_scoped3A_83 : memref<!tpu.dma_semaphore, #tpu.memory_space<semaphore_mem>>) {add = true}
        %dma_wait3A_90 = arith.constant 0 : i32
        %dma_wait3A_91 = tpu.memref_slice %arg9[%run_scoped3A_69, %dma_wait3A_90] : memref<1x80xi32, #tpu.memory_space<vmem>> -> memref<1x80xi32, #tpu.memory_space<vmem>>
        %dma_wait3A_92 = tpu.memref_squeeze %dma_wait3A_91 : memref<1x80xi32, #tpu.memory_space<vmem>> -> memref<80xi32, #tpu.memory_space<vmem>>
        %dma_wait3A_93 = arith.constant 0 : i32
        %dma_wait3A_94 = arith.constant 0 : i32
        %dma_wait3A_95 = tpu.memref_slice %arg7[%dma_wait3A_93, %dma_wait3A_94] : memref<10000x128xf32, #tpu.memory_space<vmem_shared>> -> memref<10000x128xf32, #tpu.memory_space<vmem_shared>>
        tpu.wait_indirect_dma semaphore(%run_scoped3A_83 : memref<!tpu.dma_semaphore, #tpu.memory_space<semaphore_mem>>) src(%arg10 : memref<80x128xf32, #tpu.memory_space<vmem>>) dst(%dma_wait3A_95 : memref<10000x128xf32, #tpu.memory_space<vmem_shared>>)
        tpu.yield
      }) : () -> ()
      %lt3A_70 = arith.constant 124 : i32
      %lt3A_71 = arith.cmpi slt, %scan3A_39, %lt3A_70 : i32
      %convert_element_type3A_72 = arith.extui %lt3A_71 : i1 to i32
      %cond3A_73 = arith.constant 0 : i32
      %cond3A_74 = arith.cmpi ne, %convert_element_type3A_72, %cond3A_73 : i32
      scf.if %cond3A_74 {
        %mul3A_83 = arith.constant 2 : i32
        %mul3A_84 = arith.muli %mul3A_83, %scan3A_39 : i32
        %add3A_85 = arith.constant 2 : i32
        %add3A_86 = arith.addi %mul3A_84, %add3A_85 : i32
        %mul3A_87 = arith.constant 80 : i32
        %mul3A_88 = arith.muli %add3A_86, %mul3A_87 : i32
        %add3A_89 = arith.addi %mul3A_6, %mul3A_88 : i32
        %multiple_of3A_90 = tpu.assume_multiple %add3A_89, 8 : i32
        %run_scoped3A_91 = arith.constant 0 : i32
        "tpu.region"() ({
          %run_scoped3A_106 = tpu.sem_alloc : memref<!tpu.dma_semaphore, #tpu.memory_space<semaphore_mem>>
          %dma_start3A_107 = arith.constant 0 : i32
          %dma_start3A_108 = tpu.memref_slice %arg8[%run_scoped3A_91, %dma_start3A_107] : memref<1x80xi32, #tpu.memory_space<vmem>> -> memref<1x80xi32, #tpu.memory_space<vmem>>
          %dma_start3A_109 = tpu.memref_squeeze %dma_start3A_108 : memref<1x80xi32, #tpu.memory_space<vmem>> -> memref<80xi32, #tpu.memory_space<vmem>>
          %dma_start3A_110 = tpu.memref_slice %arg3[%multiple_of3A_90] : memref<320000xi32, #tpu.memory_space<hbm>> -> memref<80xi32, #tpu.memory_space<hbm>>
          %dma_start3A_111 = arith.constant 0 : i32
          %dma_start3A_112 = tpu.memref_slice %arg8[%run_scoped3A_91, %dma_start3A_111] : memref<1x80xi32, #tpu.memory_space<vmem>> -> memref<1x80xi32, #tpu.memory_space<vmem>>
          %dma_start3A_113 = tpu.memref_squeeze %dma_start3A_112 : memref<1x80xi32, #tpu.memory_space<vmem>> -> memref<80xi32, #tpu.memory_space<vmem>>
          %dma_start3A_114 = tpu.memref_slice %arg3[%multiple_of3A_90] : memref<320000xi32, #tpu.memory_space<hbm>> -> memref<80xi32, #tpu.memory_space<hbm>>
          tpu.enqueue_dma source(%dma_start3A_114 : memref<80xi32, #tpu.memory_space<hbm>>) target(%dma_start3A_113 : memref<80xi32, #tpu.memory_space<vmem>>) target_semaphore(%run_scoped3A_106 : memref<!tpu.dma_semaphore, #tpu.memory_space<semaphore_mem>>)
          %dma_wait3A_115 = arith.constant 0 : i32
          %dma_wait3A_116 = tpu.memref_slice %arg8[%run_scoped3A_91, %dma_wait3A_115] : memref<1x80xi32, #tpu.memory_space<vmem>> -> memref<1x80xi32, #tpu.memory_space<vmem>>
          %dma_wait3A_117 = tpu.memref_squeeze %dma_wait3A_116 : memref<1x80xi32, #tpu.memory_space<vmem>> -> memref<80xi32, #tpu.memory_space<vmem>>
          %dma_wait3A_118 = tpu.memref_slice %arg3[%multiple_of3A_90] : memref<320000xi32, #tpu.memory_space<hbm>> -> memref<80xi32, #tpu.memory_space<hbm>>
          %dma_wait3A_119 = arith.constant 0 : i32
          %dma_wait3A_120 = tpu.memref_slice %arg8[%run_scoped3A_91, %dma_wait3A_119] : memref<1x80xi32, #tpu.memory_space<vmem>> -> memref<1x80xi32, #tpu.memory_space<vmem>>
          %dma_wait3A_121 = tpu.memref_squeeze %dma_wait3A_120 : memref<1x80xi32, #tpu.memory_space<vmem>> -> memref<80xi32, #tpu.memory_space<vmem>>
          %dma_wait3A_122 = tpu.memref_slice %arg3[%multiple_of3A_90] : memref<320000xi32, #tpu.memory_space<hbm>> -> memref<80xi32, #tpu.memory_space<hbm>>
          tpu.wait_dma2 semaphore(%run_scoped3A_106 : memref<!tpu.dma_semaphore, #tpu.memory_space<semaphore_mem>>) src(%dma_wait3A_122 : memref<80xi32, #tpu.memory_space<hbm>>) dst(%dma_wait3A_121 : memref<80xi32, #tpu.memory_space<vmem>>)
          tpu.yield
        }) : () -> ()
        %run_scoped3A_92 = arith.constant 0 : i32
        "tpu.region"() ({
          %run_scoped3A_106 = tpu.sem_alloc : memref<!tpu.dma_semaphore, #tpu.memory_space<semaphore_mem>>
          %dma_start3A_107 = arith.constant 0 : i32
          %dma_start3A_108 = tpu.memref_slice %arg9[%run_scoped3A_92, %dma_start3A_107] : memref<1x80xi32, #tpu.memory_space<vmem>> -> memref<1x80xi32, #tpu.memory_space<vmem>>
          %dma_start3A_109 = tpu.memref_squeeze %dma_start3A_108 : memref<1x80xi32, #tpu.memory_space<vmem>> -> memref<80xi32, #tpu.memory_space<vmem>>
          %dma_start3A_110 = tpu.memref_slice %arg4[%multiple_of3A_90] : memref<320000xi32, #tpu.memory_space<hbm>> -> memref<80xi32, #tpu.memory_space<hbm>>
          %dma_start3A_111 = arith.constant 0 : i32
          %dma_start3A_112 = tpu.memref_slice %arg9[%run_scoped3A_92, %dma_start3A_111] : memref<1x80xi32, #tpu.memory_space<vmem>> -> memref<1x80xi32, #tpu.memory_space<vmem>>
          %dma_start3A_113 = tpu.memref_squeeze %dma_start3A_112 : memref<1x80xi32, #tpu.memory_space<vmem>> -> memref<80xi32, #tpu.memory_space<vmem>>
          %dma_start3A_114 = tpu.memref_slice %arg4[%multiple_of3A_90] : memref<320000xi32, #tpu.memory_space<hbm>> -> memref<80xi32, #tpu.memory_space<hbm>>
          tpu.enqueue_dma source(%dma_start3A_114 : memref<80xi32, #tpu.memory_space<hbm>>) target(%dma_start3A_113 : memref<80xi32, #tpu.memory_space<vmem>>) target_semaphore(%run_scoped3A_106 : memref<!tpu.dma_semaphore, #tpu.memory_space<semaphore_mem>>)
          %dma_wait3A_115 = arith.constant 0 : i32
          %dma_wait3A_116 = tpu.memref_slice %arg9[%run_scoped3A_92, %dma_wait3A_115] : memref<1x80xi32, #tpu.memory_space<vmem>> -> memref<1x80xi32, #tpu.memory_space<vmem>>
          %dma_wait3A_117 = tpu.memref_squeeze %dma_wait3A_116 : memref<1x80xi32, #tpu.memory_space<vmem>> -> memref<80xi32, #tpu.memory_space<vmem>>
          %dma_wait3A_118 = tpu.memref_slice %arg4[%multiple_of3A_90] : memref<320000xi32, #tpu.memory_space<hbm>> -> memref<80xi32, #tpu.memory_space<hbm>>
          %dma_wait3A_119 = arith.constant 0 : i32
          %dma_wait3A_120 = tpu.memref_slice %arg9[%run_scoped3A_92, %dma_wait3A_119] : memref<1x80xi32, #tpu.memory_space<vmem>> -> memref<1x80xi32, #tpu.memory_space<vmem>>
          %dma_wait3A_121 = tpu.memref_squeeze %dma_wait3A_120 : memref<1x80xi32, #tpu.memory_space<vmem>> -> memref<80xi32, #tpu.memory_space<vmem>>
          %dma_wait3A_122 = tpu.memref_slice %arg4[%multiple_of3A_90] : memref<320000xi32, #tpu.memory_space<hbm>> -> memref<80xi32, #tpu.memory_space<hbm>>
          tpu.wait_dma2 semaphore(%run_scoped3A_106 : memref<!tpu.dma_semaphore, #tpu.memory_space<semaphore_mem>>) src(%dma_wait3A_122 : memref<80xi32, #tpu.memory_space<hbm>>) dst(%dma_wait3A_121 : memref<80xi32, #tpu.memory_space<vmem>>)
          tpu.yield
        }) : () -> ()
        %scan3A_93 = arith.constant 0 : i32
        %scan3A_94 = arith.constant 0 : i32
        %scan3A_95 = arith.constant 5 : i32
        %scan3A_96 = arith.addi %scan3A_94, %scan3A_95 : i32
        %scan3A_97 = arith.constant 1 : i32
        scf.for %scan3A_106 = %scan3A_94 to %scan3A_96 step %scan3A_97  : i32 {
          %mul3A_107 = arith.constant 16 : i32
          %mul3A_108 = arith.muli %scan3A_106, %mul3A_107 : i32
          %multiple_of3A_109 = tpu.assume_multiple %mul3A_108, 16 : i32
          %get3A = arith.constant 0 : i32
          %get3A_110 = arith.index_cast %get3A : i32 to index
          %get3A_111 = arith.index_cast %multiple_of3A_109 : i32 to index
          %get3A_112 = tpu.vector_load %arg8[%get3A_110, %get3A_111] {strides = array<i32>} : memref<1x80xi32, #tpu.memory_space<vmem>>, vector<1x16xi32>,
          %get3A_113 = vector.shape_cast %get3A_112 : vector<1x16xi32> to vector<16xi32>
          %add3A_114 = vector.broadcast %mul3A_8 : i32 to vector<16xi32>
          %add3A_115 = arith.addi %get3A_113, %add3A_114 : vector<16xi32>
          %swap3A = arith.constant 0 : i32
          %swap3A_116 = arith.index_cast %swap3A : i32 to index
          %swap3A_117 = arith.index_cast %multiple_of3A_109 : i32 to index
          %swap3A_118 = tpu.vector_load %arg8[%swap3A_116, %swap3A_117] {strides = array<i32>} : memref<1x80xi32, #tpu.memory_space<vmem>>, vector<1x16xi32>,
          %swap3A_119 = vector.shape_cast %swap3A_118 : vector<1x16xi32> to vector<16xi32>
          %swap3A_120 = vector.shape_cast %add3A_115 : vector<16xi32> to vector<1x16xi32>
          tpu.vector_store %arg8[%swap3A_116, %swap3A_117], %swap3A_120 {strides = array<i32>} : memref<1x80xi32, #tpu.memory_space<vmem>>, vector<1x16xi32>,
        }
        %scan3A_98 = arith.constant 5 : i32
        %dma_start3A_99 = arith.constant 0 : i32
        %dma_start3A_100 = arith.constant 0 : i32
        %dma_start3A_101 = tpu.memref_slice %arg8[%dma_start3A_99, %dma_start3A_100] : memref<1x80xi32, #tpu.memory_space<vmem>> -> memref<1x80xi32, #tpu.memory_space<vmem>>
        %dma_start3A_102 = tpu.memref_squeeze %dma_start3A_101 : memref<1x80xi32, #tpu.memory_space<vmem>> -> memref<80xi32, #tpu.memory_space<vmem>>
        %dma_start3A_103 = arith.constant 0 : i32
        %dma_start3A_104 = arith.constant 0 : i32
        %dma_start3A_105 = tpu.memref_slice %arg2[%dma_start3A_103, %dma_start3A_104] : memref<20000x128xf32, #tpu.memory_space<hbm>> -> memref<20000x128xf32, #tpu.memory_space<hbm>>
        tpu.enqueue_indirect_dma source(%dma_start3A_105 : memref<20000x128xf32, #tpu.memory_space<hbm>>) target(%arg10 : memref<80x128xf32, #tpu.memory_space<vmem>>) offsets(%dma_start3A_102 : memref<80xi32, #tpu.memory_space<vmem>>) semaphore(%arg11 : memref<!tpu.dma_semaphore, #tpu.memory_space<semaphore_mem>>)
      } else {
      }
      %dma_wait3A_75 = arith.constant 0 : i32
      %dma_wait3A_76 = arith.constant 0 : i32
      %dma_wait3A_77 = tpu.memref_slice %arg12[%dma_wait3A_75, %dma_wait3A_76] : memref<1x80xi32, #tpu.memory_space<vmem>> -> memref<1x80xi32, #tpu.memory_space<vmem>>
      %dma_wait3A_78 = tpu.memref_squeeze %dma_wait3A_77 : memref<1x80xi32, #tpu.memory_space<vmem>> -> memref<80xi32, #tpu.memory_space<vmem>>
      %dma_wait3A_79 = arith.constant 0 : i32
      %dma_wait3A_80 = arith.constant 0 : i32
      %dma_wait3A_81 = tpu.memref_slice %arg2[%dma_wait3A_79, %dma_wait3A_80] : memref<20000x128xf32, #tpu.memory_space<hbm>> -> memref<20000x128xf32, #tpu.memory_space<hbm>>
      tpu.wait_indirect_dma semaphore(%arg15 : memref<!tpu.dma_semaphore, #tpu.memory_space<semaphore_mem>>) src(%dma_wait3A_81 : memref<20000x128xf32, #tpu.memory_space<hbm>>) dst(%arg14 : memref<80x128xf32, #tpu.memory_space<vmem>>)
      %run_scoped3A_82 = arith.constant 0 : i32
      "tpu.region"() ({
        %run_scoped3A_83 = tpu.sem_alloc : memref<!tpu.dma_semaphore, #tpu.memory_space<semaphore_mem>>
        %dma_start3A_84 = arith.constant 0 : i32
        %dma_start3A_85 = tpu.memref_slice %arg13[%run_scoped3A_82, %dma_start3A_84] : memref<1x80xi32, #tpu.memory_space<vmem>> -> memref<1x80xi32, #tpu.memory_space<vmem>>
        %dma_start3A_86 = tpu.memref_squeeze %dma_start3A_85 : memref<1x80xi32, #tpu.memory_space<vmem>> -> memref<80xi32, #tpu.memory_space<vmem>>
        %dma_start3A_87 = arith.constant 0 : i32
        %dma_start3A_88 = arith.constant 0 : i32
        %dma_start3A_89 = tpu.memref_slice %arg7[%dma_start3A_87, %dma_start3A_88] : memref<10000x128xf32, #tpu.memory_space<vmem_shared>> -> memref<10000x128xf32, #tpu.memory_space<vmem_shared>>
        tpu.enqueue_indirect_dma source(%arg14 : memref<80x128xf32, #tpu.memory_space<vmem>>) target(%dma_start3A_89 : memref<10000x128xf32, #tpu.memory_space<vmem_shared>>) offsets(%dma_start3A_86 : memref<80xi32, #tpu.memory_space<vmem>>) semaphore(%run_scoped3A_83 : memref<!tpu.dma_semaphore, #tpu.memory_space<semaphore_mem>>) {add = true}
        %dma_wait3A_90 = arith.constant 0 : i32
        %dma_wait3A_91 = tpu.memref_slice %arg13[%run_scoped3A_82, %dma_wait3A_90] : memref<1x80xi32, #tpu.memory_space<vmem>> -> memref<1x80xi32, #tpu.memory_space<vmem>>
        %dma_wait3A_92 = tpu.memref_squeeze %dma_wait3A_91 : memref<1x80xi32, #tpu.memory_space<vmem>> -> memref<80xi32, #tpu.memory_space<vmem>>
        %dma_wait3A_93 = arith.constant 0 : i32
        %dma_wait3A_94 = arith.constant 0 : i32
        %dma_wait3A_95 = tpu.memref_slice %arg7[%dma_wait3A_93, %dma_wait3A_94] : memref<10000x128xf32, #tpu.memory_space<vmem_shared>> -> memref<10000x128xf32, #tpu.memory_space<vmem_shared>>
        tpu.wait_indirect_dma semaphore(%run_scoped3A_83 : memref<!tpu.dma_semaphore, #tpu.memory_space<semaphore_mem>>) src(%arg14 : memref<80x128xf32, #tpu.memory_space<vmem>>) dst(%dma_wait3A_95 : memref<10000x128xf32, #tpu.memory_space<vmem_shared>>)
        tpu.yield
      }) : () -> ()
    }
    %scan3A_27 = arith.constant 125 : i32
    %barrier3A_28 = arith.constant 0 : index
    tpu.barrier barrier_id(%barrier3A_28)
    %lt3A_29 = arith.constant 15 : i32
    %lt3A_30 = arith.cmpi slt, %arg1, %lt3A_29 : i32
    %convert_element_type3A_31 = arith.extui %lt3A_30 : i1 to i32
    %cond3A_32 = arith.constant 0 : i32
    %cond3A_33 = arith.cmpi ne, %convert_element_type3A_31, %cond3A_32 : i32
    scf.if %cond3A_33 {
      %mul3A_39 = arith.constant 624 : i32
      %mul3A_40 = arith.muli %arg1, %mul3A_39 : i32
      %multiple_of3A_41 = tpu.assume_multiple %mul3A_40, 8 : i32
      %mul3A_42 = arith.constant 624 : i32
      %mul3A_43 = arith.muli %arg1, %mul3A_42 : i32
      %add3A_44 = arith.addi %mul3A_8, %mul3A_43 : i32
      %multiple_of3A_45 = tpu.assume_multiple %add3A_44, 8 : i32
      "tpu.region"() ({
        %run_scoped3A_46 = tpu.sem_alloc : memref<!tpu.dma_semaphore, #tpu.memory_space<semaphore_mem>>
        %dma_start3A_47 = arith.constant 0 : i32
        %dma_start3A_48 = tpu.memref_slice %arg6[%multiple_of3A_45, %dma_start3A_47] : memref<20000x128xf32, #tpu.memory_space<hbm>> -> memref<624x128xf32, #tpu.memory_space<hbm>>
        %dma_start3A_49 = arith.constant 0 : i32
        %dma_start3A_50 = tpu.memref_slice %arg7[%multiple_of3A_41, %dma_start3A_49] : memref<10000x128xf32, #tpu.memory_space<vmem_shared>> -> memref<624x128xf32, #tpu.memory_space<vmem_shared>>
        tpu.enqueue_dma source(%dma_start3A_50 : memref<624x128xf32, #tpu.memory_space<vmem_shared>>) target(%dma_start3A_48 : memref<624x128xf32, #tpu.memory_space<hbm>>) target_semaphore(%run_scoped3A_46 : memref<!tpu.dma_semaphore, #tpu.memory_space<semaphore_mem>>)
        %dma_wait3A = arith.constant 0 : i32
        %dma_wait3A_51 = tpu.memref_slice %arg6[%multiple_of3A_45, %dma_wait3A] : memref<20000x128xf32, #tpu.memory_space<hbm>> -> memref<624x128xf32, #tpu.memory_space<hbm>>
        %dma_wait3A_52 = arith.constant 0 : i32
        %dma_wait3A_53 = tpu.memref_slice %arg7[%multiple_of3A_41, %dma_wait3A_52] : memref<10000x128xf32, #tpu.memory_space<vmem_shared>> -> memref<624x128xf32, #tpu.memory_space<vmem_shared>>
        tpu.wait_dma2 semaphore(%run_scoped3A_46 : memref<!tpu.dma_semaphore, #tpu.memory_space<semaphore_mem>>) src(%dma_wait3A_53 : memref<624x128xf32, #tpu.memory_space<vmem_shared>>) dst(%dma_wait3A_51 : memref<624x128xf32, #tpu.memory_space<hbm>>)
        tpu.yield
      }) : () -> ()
    } else {
    }
    %eq3A_34 = arith.constant 15 : i32
    %eq3A_35 = arith.cmpi eq, %arg1, %eq3A_34 : i32
    %convert_element_type3A_36 = arith.extui %eq3A_35 : i1 to i32
    %cond3A_37 = arith.constant 0 : i32
    %cond3A_38 = arith.cmpi ne, %convert_element_type3A_36, %cond3A_37 : i32
    scf.if %cond3A_38 {
      %add3A_39 = arith.constant 9360 : i32
      %add3A_40 = arith.addi %mul3A_8, %add3A_39 : i32
      %multiple_of3A_41 = tpu.assume_multiple %add3A_40, 8 : i32
      "tpu.region"() ({
        %run_scoped3A_42 = tpu.sem_alloc : memref<!tpu.dma_semaphore, #tpu.memory_space<semaphore_mem>>
        %dma_start3A_43 = arith.constant 0 : i32
        %dma_start3A_44 = tpu.memref_slice %arg6[%multiple_of3A_41, %dma_start3A_43] : memref<20000x128xf32, #tpu.memory_space<hbm>> -> memref<640x128xf32, #tpu.memory_space<hbm>>
        %dma_start3A_45 = arith.constant 9360 : i32
        %dma_start3A_46 = arith.constant 0 : i32
        %dma_start3A_47 = tpu.memref_slice %arg7[%dma_start3A_45, %dma_start3A_46] : memref<10000x128xf32, #tpu.memory_space<vmem_shared>> -> memref<640x128xf32, #tpu.memory_space<vmem_shared>>
        tpu.enqueue_dma source(%dma_start3A_47 : memref<640x128xf32, #tpu.memory_space<vmem_shared>>) target(%dma_start3A_44 : memref<640x128xf32, #tpu.memory_space<hbm>>) target_semaphore(%run_scoped3A_42 : memref<!tpu.dma_semaphore, #tpu.memory_space<semaphore_mem>>)
        %dma_wait3A = arith.constant 0 : i32
        %dma_wait3A_48 = tpu.memref_slice %arg6[%multiple_of3A_41, %dma_wait3A] : memref<20000x128xf32, #tpu.memory_space<hbm>> -> memref<640x128xf32, #tpu.memory_space<hbm>>
        %dma_wait3A_49 = arith.constant 9360 : i32
        %dma_wait3A_50 = arith.constant 0 : i32
        %dma_wait3A_51 = tpu.memref_slice %arg7[%dma_wait3A_49, %dma_wait3A_50] : memref<10000x128xf32, #tpu.memory_space<vmem_shared>> -> memref<640x128xf32, #tpu.memory_space<vmem_shared>>
        tpu.wait_dma2 semaphore(%run_scoped3A_42 : memref<!tpu.dma_semaphore, #tpu.memory_space<semaphore_mem>>) src(%dma_wait3A_51 : memref<640x128xf32, #tpu.memory_space<vmem_shared>>) dst(%dma_wait3A_48 : memref<640x128xf32, #tpu.memory_space<hbm>>)
        tpu.yield
      }) : () -> ()
    } else {
    }
    return
  }
}

#map = affine_map<(d0, d1) -> (0, 0)>
#map1 = affine_map<(d0, d1) -> (0)>
module attributes {stable_mosaic.version = 14 : i64} {
  func.func @_edge_scatter(%arg0: i32, %arg1: i32, %arg2: memref<320000x32xf32, #tpu.memory_space<hbm>>, %arg3: memref<320000xi32, #tpu.memory_space<hbm>>, %arg4: memref<640x32xf32, #tpu.memory_space<hbm>>, %arg5: memref<20000x32xf32, #tpu.memory_space<hbm>>, %arg6: memref<10000x32xf32, #tpu.memory_space<vmem_shared>>, %arg7: memref<1x80xi32, #tpu.memory_space<vmem>>, %arg8: memref<80x32xf32, #tpu.memory_space<vmem>>) attributes {dimension_semantics = [#tpu.dimension_semantics<core_parallel>, #tpu.dimension_semantics<subcore_parallel>], iteration_bounds = array<i64: 2, 16>, scalar_prefetch = 0 : i64, scratch_operands = 3 : i64, tpu.core_type = #tpu.core_type<sc_vector_subcore>, window_params = [{transform_indices = #map}, {transform_indices = #map1}, {transform_indices = #map}, {transform_indices = #map}]} {
    %lt3A = arith.constant 15 : i32
    %lt3A_0 = arith.cmpi slt, %arg1, %lt3A : i32
    %convert_element_type3A = arith.extui %lt3A_0 : i1 to i32
    %cond3A = arith.constant 0 : i32
    %cond3A_1 = arith.cmpi ne, %convert_element_type3A, %cond3A : i32
    scf.if %cond3A_1 {
      %mul3A_27 = arith.constant 624 : i32
      %mul3A_28 = arith.muli %arg1, %mul3A_27 : i32
      %multiple_of3A = tpu.assume_multiple %mul3A_28, 8 : i32
      "tpu.region"() ({
        %run_scoped3A = tpu.sem_alloc : memref<!tpu.dma_semaphore, #tpu.memory_space<semaphore_mem>>
        %dma_start3A = arith.constant 0 : i32
        %dma_start3A_29 = tpu.memref_slice %arg6[%multiple_of3A, %dma_start3A] : memref<10000x32xf32, #tpu.memory_space<vmem_shared>> -> memref<624x32xf32, #tpu.memory_space<vmem_shared>>
        %dma_start3A_30 = arith.constant 0 : i32
        %dma_start3A_31 = arith.constant 0 : i32
        %dma_start3A_32 = tpu.memref_slice %arg4[%dma_start3A_30, %dma_start3A_31] : memref<640x32xf32, #tpu.memory_space<hbm>> -> memref<624x32xf32, #tpu.memory_space<hbm>>
        tpu.enqueue_dma source(%dma_start3A_32 : memref<624x32xf32, #tpu.memory_space<hbm>>) target(%dma_start3A_29 : memref<624x32xf32, #tpu.memory_space<vmem_shared>>) target_semaphore(%run_scoped3A : memref<!tpu.dma_semaphore, #tpu.memory_space<semaphore_mem>>)
        %dma_wait3A = arith.constant 0 : i32
        %dma_wait3A_33 = tpu.memref_slice %arg6[%multiple_of3A, %dma_wait3A] : memref<10000x32xf32, #tpu.memory_space<vmem_shared>> -> memref<624x32xf32, #tpu.memory_space<vmem_shared>>
        %dma_wait3A_34 = arith.constant 0 : i32
        %dma_wait3A_35 = arith.constant 0 : i32
        %dma_wait3A_36 = tpu.memref_slice %arg4[%dma_wait3A_34, %dma_wait3A_35] : memref<640x32xf32, #tpu.memory_space<hbm>> -> memref<624x32xf32, #tpu.memory_space<hbm>>
        tpu.wait_dma2 semaphore(%run_scoped3A : memref<!tpu.dma_semaphore, #tpu.memory_space<semaphore_mem>>) src(%dma_wait3A_36 : memref<624x32xf32, #tpu.memory_space<hbm>>) dst(%dma_wait3A_33 : memref<624x32xf32, #tpu.memory_space<vmem_shared>>)
        tpu.yield
      }) : () -> ()
    } else {
    }
    %eq3A = arith.constant 15 : i32
    %eq3A_2 = arith.cmpi eq, %arg1, %eq3A : i32
    %convert_element_type3A_3 = arith.extui %eq3A_2 : i1 to i32
    %cond3A_4 = arith.constant 0 : i32
    %cond3A_5 = arith.cmpi ne, %convert_element_type3A_3, %cond3A_4 : i32
    scf.if %cond3A_5 {
      "tpu.region"() ({
        %run_scoped3A = tpu.sem_alloc : memref<!tpu.dma_semaphore, #tpu.memory_space<semaphore_mem>>
        %dma_start3A = arith.constant 9360 : i32
        %dma_start3A_27 = arith.constant 0 : i32
        %dma_start3A_28 = tpu.memref_slice %arg6[%dma_start3A, %dma_start3A_27] : memref<10000x32xf32, #tpu.memory_space<vmem_shared>> -> memref<640x32xf32, #tpu.memory_space<vmem_shared>>
        tpu.enqueue_dma source(%arg4 : memref<640x32xf32, #tpu.memory_space<hbm>>) target(%dma_start3A_28 : memref<640x32xf32, #tpu.memory_space<vmem_shared>>) target_semaphore(%run_scoped3A : memref<!tpu.dma_semaphore, #tpu.memory_space<semaphore_mem>>)
        %dma_wait3A = arith.constant 9360 : i32
        %dma_wait3A_29 = arith.constant 0 : i32
        %dma_wait3A_30 = tpu.memref_slice %arg6[%dma_wait3A, %dma_wait3A_29] : memref<10000x32xf32, #tpu.memory_space<vmem_shared>> -> memref<640x32xf32, #tpu.memory_space<vmem_shared>>
        tpu.wait_dma2 semaphore(%run_scoped3A : memref<!tpu.dma_semaphore, #tpu.memory_space<semaphore_mem>>) src(%arg4 : memref<640x32xf32, #tpu.memory_space<hbm>>) dst(%dma_wait3A_30 : memref<640x32xf32, #tpu.memory_space<vmem_shared>>)
        tpu.yield
      }) : () -> ()
    } else {
    }
    %barrier3A = arith.constant 0 : index
    tpu.barrier barrier_id(%barrier3A)
    %mul3A = arith.constant 16 : i32
    %mul3A_6 = arith.muli %arg0, %mul3A : i32
    %add3A = arith.addi %mul3A_6, %arg1 : i32
    %mul3A_7 = arith.constant 10000 : i32
    %mul3A_8 = arith.muli %add3A, %mul3A_7 : i32
    %scan3A = arith.constant 0 : i32
    %scan3A_9 = arith.constant 0 : i32
    %scan3A_10 = arith.constant 125 : i32
    %scan3A_11 = arith.addi %scan3A_9, %scan3A_10 : i32
    %scan3A_12 = arith.constant 1 : i32
    scf.for %scan3A_27 = %scan3A_9 to %scan3A_11 step %scan3A_12  : i32 {
      %mul3A_28 = arith.constant 80 : i32
      %mul3A_29 = arith.muli %scan3A_27, %mul3A_28 : i32
      %add3A_30 = arith.addi %mul3A_8, %mul3A_29 : i32
      %multiple_of3A = tpu.assume_multiple %add3A_30, 8 : i32
      %run_scoped3A = arith.constant 0 : i32
      "tpu.region"() ({
        %run_scoped3A_32 = tpu.sem_alloc : memref<!tpu.dma_semaphore, #tpu.memory_space<semaphore_mem>>
        %dma_start3A = arith.constant 0 : i32
        %dma_start3A_33 = tpu.memref_slice %arg7[%run_scoped3A, %dma_start3A] : memref<1x80xi32, #tpu.memory_space<vmem>> -> memref<1x80xi32, #tpu.memory_space<vmem>>
        %dma_start3A_34 = tpu.memref_squeeze %dma_start3A_33 : memref<1x80xi32, #tpu.memory_space<vmem>> -> memref<80xi32, #tpu.memory_space<vmem>>
        %dma_start3A_35 = tpu.memref_slice %arg3[%multiple_of3A] : memref<320000xi32, #tpu.memory_space<hbm>> -> memref<80xi32, #tpu.memory_space<hbm>>
        %dma_start3A_36 = arith.constant 0 : i32
        %dma_start3A_37 = tpu.memref_slice %arg7[%run_scoped3A, %dma_start3A_36] : memref<1x80xi32, #tpu.memory_space<vmem>> -> memref<1x80xi32, #tpu.memory_space<vmem>>
        %dma_start3A_38 = tpu.memref_squeeze %dma_start3A_37 : memref<1x80xi32, #tpu.memory_space<vmem>> -> memref<80xi32, #tpu.memory_space<vmem>>
        %dma_start3A_39 = tpu.memref_slice %arg3[%multiple_of3A] : memref<320000xi32, #tpu.memory_space<hbm>> -> memref<80xi32, #tpu.memory_space<hbm>>
        tpu.enqueue_dma source(%dma_start3A_39 : memref<80xi32, #tpu.memory_space<hbm>>) target(%dma_start3A_38 : memref<80xi32, #tpu.memory_space<vmem>>) target_semaphore(%run_scoped3A_32 : memref<!tpu.dma_semaphore, #tpu.memory_space<semaphore_mem>>)
        %dma_wait3A = arith.constant 0 : i32
        %dma_wait3A_40 = tpu.memref_slice %arg7[%run_scoped3A, %dma_wait3A] : memref<1x80xi32, #tpu.memory_space<vmem>> -> memref<1x80xi32, #tpu.memory_space<vmem>>
        %dma_wait3A_41 = tpu.memref_squeeze %dma_wait3A_40 : memref<1x80xi32, #tpu.memory_space<vmem>> -> memref<80xi32, #tpu.memory_space<vmem>>
        %dma_wait3A_42 = tpu.memref_slice %arg3[%multiple_of3A] : memref<320000xi32, #tpu.memory_space<hbm>> -> memref<80xi32, #tpu.memory_space<hbm>>
        %dma_wait3A_43 = arith.constant 0 : i32
        %dma_wait3A_44 = tpu.memref_slice %arg7[%run_scoped3A, %dma_wait3A_43] : memref<1x80xi32, #tpu.memory_space<vmem>> -> memref<1x80xi32, #tpu.memory_space<vmem>>
        %dma_wait3A_45 = tpu.memref_squeeze %dma_wait3A_44 : memref<1x80xi32, #tpu.memory_space<vmem>> -> memref<80xi32, #tpu.memory_space<vmem>>
        %dma_wait3A_46 = tpu.memref_slice %arg3[%multiple_of3A] : memref<320000xi32, #tpu.memory_space<hbm>> -> memref<80xi32, #tpu.memory_space<hbm>>
        tpu.wait_dma2 semaphore(%run_scoped3A_32 : memref<!tpu.dma_semaphore, #tpu.memory_space<semaphore_mem>>) src(%dma_wait3A_46 : memref<80xi32, #tpu.memory_space<hbm>>) dst(%dma_wait3A_45 : memref<80xi32, #tpu.memory_space<vmem>>)
        tpu.yield
      }) : () -> ()
      "tpu.region"() ({
        %run_scoped3A_32 = tpu.sem_alloc : memref<!tpu.dma_semaphore, #tpu.memory_space<semaphore_mem>>
        %dma_start3A = arith.constant 0 : i32
        %dma_start3A_33 = tpu.memref_slice %arg2[%multiple_of3A, %dma_start3A] : memref<320000x32xf32, #tpu.memory_space<hbm>> -> memref<80x32xf32, #tpu.memory_space<hbm>>
        %dma_start3A_34 = arith.constant 0 : i32
        %dma_start3A_35 = tpu.memref_slice %arg2[%multiple_of3A, %dma_start3A_34] : memref<320000x32xf32, #tpu.memory_space<hbm>> -> memref<80x32xf32, #tpu.memory_space<hbm>>
        tpu.enqueue_dma source(%dma_start3A_35 : memref<80x32xf32, #tpu.memory_space<hbm>>) target(%arg8 : memref<80x32xf32, #tpu.memory_space<vmem>>) target_semaphore(%run_scoped3A_32 : memref<!tpu.dma_semaphore, #tpu.memory_space<semaphore_mem>>)
        %dma_wait3A = arith.constant 0 : i32
        %dma_wait3A_36 = tpu.memref_slice %arg2[%multiple_of3A, %dma_wait3A] : memref<320000x32xf32, #tpu.memory_space<hbm>> -> memref<80x32xf32, #tpu.memory_space<hbm>>
        %dma_wait3A_37 = arith.constant 0 : i32
        %dma_wait3A_38 = tpu.memref_slice %arg2[%multiple_of3A, %dma_wait3A_37] : memref<320000x32xf32, #tpu.memory_space<hbm>> -> memref<80x32xf32, #tpu.memory_space<hbm>>
        tpu.wait_dma2 semaphore(%run_scoped3A_32 : memref<!tpu.dma_semaphore, #tpu.memory_space<semaphore_mem>>) src(%dma_wait3A_38 : memref<80x32xf32, #tpu.memory_space<hbm>>) dst(%arg8 : memref<80x32xf32, #tpu.memory_space<vmem>>)
        tpu.yield
      }) : () -> ()
      %run_scoped3A_31 = arith.constant 0 : i32
      "tpu.region"() ({
        %run_scoped3A_32 = tpu.sem_alloc : memref<!tpu.dma_semaphore, #tpu.memory_space<semaphore_mem>>
        %dma_start3A = arith.constant 0 : i32
        %dma_start3A_33 = tpu.memref_slice %arg7[%run_scoped3A_31, %dma_start3A] : memref<1x80xi32, #tpu.memory_space<vmem>> -> memref<1x80xi32, #tpu.memory_space<vmem>>
        %dma_start3A_34 = tpu.memref_squeeze %dma_start3A_33 : memref<1x80xi32, #tpu.memory_space<vmem>> -> memref<80xi32, #tpu.memory_space<vmem>>
        %dma_start3A_35 = arith.constant 0 : i32
        %dma_start3A_36 = arith.constant 0 : i32
        %dma_start3A_37 = tpu.memref_slice %arg6[%dma_start3A_35, %dma_start3A_36] : memref<10000x32xf32, #tpu.memory_space<vmem_shared>> -> memref<10000x32xf32, #tpu.memory_space<vmem_shared>>
        tpu.enqueue_indirect_dma source(%arg8 : memref<80x32xf32, #tpu.memory_space<vmem>>) target(%dma_start3A_37 : memref<10000x32xf32, #tpu.memory_space<vmem_shared>>) offsets(%dma_start3A_34 : memref<80xi32, #tpu.memory_space<vmem>>) semaphore(%run_scoped3A_32 : memref<!tpu.dma_semaphore, #tpu.memory_space<semaphore_mem>>) {add = true}
        %dma_wait3A = arith.constant 0 : i32
        %dma_wait3A_38 = tpu.memref_slice %arg7[%run_scoped3A_31, %dma_wait3A] : memref<1x80xi32, #tpu.memory_space<vmem>> -> memref<1x80xi32, #tpu.memory_space<vmem>>
        %dma_wait3A_39 = tpu.memref_squeeze %dma_wait3A_38 : memref<1x80xi32, #tpu.memory_space<vmem>> -> memref<80xi32, #tpu.memory_space<vmem>>
        %dma_wait3A_40 = arith.constant 0 : i32
        %dma_wait3A_41 = arith.constant 0 : i32
        %dma_wait3A_42 = tpu.memref_slice %arg6[%dma_wait3A_40, %dma_wait3A_41] : memref<10000x32xf32, #tpu.memory_space<vmem_shared>> -> memref<10000x32xf32, #tpu.memory_space<vmem_shared>>
        tpu.wait_indirect_dma semaphore(%run_scoped3A_32 : memref<!tpu.dma_semaphore, #tpu.memory_space<semaphore_mem>>) src(%arg8 : memref<80x32xf32, #tpu.memory_space<vmem>>) dst(%dma_wait3A_42 : memref<10000x32xf32, #tpu.memory_space<vmem_shared>>)
        tpu.yield
      }) : () -> ()
    }
    %scan3A_13 = arith.constant 125 : i32
    %barrier3A_14 = arith.constant 0 : index
    tpu.barrier barrier_id(%barrier3A_14)
    %mul3A_15 = arith.constant 10000 : i32
    %mul3A_16 = arith.muli %arg0, %mul3A_15 : i32
    %lt3A_17 = arith.constant 15 : i32
    %lt3A_18 = arith.cmpi slt, %arg1, %lt3A_17 : i32
    %convert_element_type3A_19 = arith.extui %lt3A_18 : i1 to i32
    %cond3A_20 = arith.constant 0 : i32
    %cond3A_21 = arith.cmpi ne, %convert_element_type3A_19, %cond3A_20 : i32
    scf.if %cond3A_21 {
      %mul3A_27 = arith.constant 624 : i32
      %mul3A_28 = arith.muli %arg1, %mul3A_27 : i32
      %multiple_of3A = tpu.assume_multiple %mul3A_28, 8 : i32
      %mul3A_29 = arith.constant 624 : i32
      %mul3A_30 = arith.muli %arg1, %mul3A_29 : i32
      %add3A_31 = arith.addi %mul3A_16, %mul3A_30 : i32
      %multiple_of3A_32 = tpu.assume_multiple %add3A_31, 8 : i32
      "tpu.region"() ({
        %run_scoped3A = tpu.sem_alloc : memref<!tpu.dma_semaphore, #tpu.memory_space<semaphore_mem>>
        %dma_start3A = arith.constant 0 : i32
        %dma_start3A_33 = tpu.memref_slice %arg5[%multiple_of3A_32, %dma_start3A] : memref<20000x32xf32, #tpu.memory_space<hbm>> -> memref<624x32xf32, #tpu.memory_space<hbm>>
        %dma_start3A_34 = arith.constant 0 : i32
        %dma_start3A_35 = tpu.memref_slice %arg6[%multiple_of3A, %dma_start3A_34] : memref<10000x32xf32, #tpu.memory_space<vmem_shared>> -> memref<624x32xf32, #tpu.memory_space<vmem_shared>>
        tpu.enqueue_dma source(%dma_start3A_35 : memref<624x32xf32, #tpu.memory_space<vmem_shared>>) target(%dma_start3A_33 : memref<624x32xf32, #tpu.memory_space<hbm>>) target_semaphore(%run_scoped3A : memref<!tpu.dma_semaphore, #tpu.memory_space<semaphore_mem>>)
        %dma_wait3A = arith.constant 0 : i32
        %dma_wait3A_36 = tpu.memref_slice %arg5[%multiple_of3A_32, %dma_wait3A] : memref<20000x32xf32, #tpu.memory_space<hbm>> -> memref<624x32xf32, #tpu.memory_space<hbm>>
        %dma_wait3A_37 = arith.constant 0 : i32
        %dma_wait3A_38 = tpu.memref_slice %arg6[%multiple_of3A, %dma_wait3A_37] : memref<10000x32xf32, #tpu.memory_space<vmem_shared>> -> memref<624x32xf32, #tpu.memory_space<vmem_shared>>
        tpu.wait_dma2 semaphore(%run_scoped3A : memref<!tpu.dma_semaphore, #tpu.memory_space<semaphore_mem>>) src(%dma_wait3A_38 : memref<624x32xf32, #tpu.memory_space<vmem_shared>>) dst(%dma_wait3A_36 : memref<624x32xf32, #tpu.memory_space<hbm>>)
        tpu.yield
      }) : () -> ()
    } else {
    }
    %eq3A_22 = arith.constant 15 : i32
    %eq3A_23 = arith.cmpi eq, %arg1, %eq3A_22 : i32
    %convert_element_type3A_24 = arith.extui %eq3A_23 : i1 to i32
    %cond3A_25 = arith.constant 0 : i32
    %cond3A_26 = arith.cmpi ne, %convert_element_type3A_24, %cond3A_25 : i32
    scf.if %cond3A_26 {
      %add3A_27 = arith.constant 9360 : i32
      %add3A_28 = arith.addi %mul3A_16, %add3A_27 : i32
      %multiple_of3A = tpu.assume_multiple %add3A_28, 8 : i32
      "tpu.region"() ({
        %run_scoped3A = tpu.sem_alloc : memref<!tpu.dma_semaphore, #tpu.memory_space<semaphore_mem>>
        %dma_start3A = arith.constant 0 : i32
        %dma_start3A_29 = tpu.memref_slice %arg5[%multiple_of3A, %dma_start3A] : memref<20000x32xf32, #tpu.memory_space<hbm>> -> memref<640x32xf32, #tpu.memory_space<hbm>>
        %dma_start3A_30 = arith.constant 9360 : i32
        %dma_start3A_31 = arith.constant 0 : i32
        %dma_start3A_32 = tpu.memref_slice %arg6[%dma_start3A_30, %dma_start3A_31] : memref<10000x32xf32, #tpu.memory_space<vmem_shared>> -> memref<640x32xf32, #tpu.memory_space<vmem_shared>>
        tpu.enqueue_dma source(%dma_start3A_32 : memref<640x32xf32, #tpu.memory_space<vmem_shared>>) target(%dma_start3A_29 : memref<640x32xf32, #tpu.memory_space<hbm>>) target_semaphore(%run_scoped3A : memref<!tpu.dma_semaphore, #tpu.memory_space<semaphore_mem>>)
        %dma_wait3A = arith.constant 0 : i32
        %dma_wait3A_33 = tpu.memref_slice %arg5[%multiple_of3A, %dma_wait3A] : memref<20000x32xf32, #tpu.memory_space<hbm>> -> memref<640x32xf32, #tpu.memory_space<hbm>>
        %dma_wait3A_34 = arith.constant 9360 : i32
        %dma_wait3A_35 = arith.constant 0 : i32
        %dma_wait3A_36 = tpu.memref_slice %arg6[%dma_wait3A_34, %dma_wait3A_35] : memref<10000x32xf32, #tpu.memory_space<vmem_shared>> -> memref<640x32xf32, #tpu.memory_space<vmem_shared>>
        tpu.wait_dma2 semaphore(%run_scoped3A : memref<!tpu.dma_semaphore, #tpu.memory_space<semaphore_mem>>) src(%dma_wait3A_36 : memref<640x32xf32, #tpu.memory_space<vmem_shared>>) dst(%dma_wait3A_33 : memref<640x32xf32, #tpu.memory_space<hbm>>)
        tpu.yield
      }) : () -> ()
    } else {
    }
    return
  }
}

#map = affine_map<(d0, d1) -> (0, 0)>
#map1 = affine_map<(d0, d1) -> (0)>
module attributes {stable_mosaic.version = 14 : i64} {
  func.func @_spmm(%arg0: i32, %arg1: i32, %arg2: memref<20000x128xf32, #tpu.memory_space<hbm>>, %arg3: memref<320000xi32, #tpu.memory_space<hbm>>, %arg4: memref<320000xi32, #tpu.memory_space<hbm>>, %arg5: memref<640x128xf32, #tpu.memory_space<hbm>>, %arg6: memref<20000x128xf32, #tpu.memory_space<hbm>>, %arg7: memref<10000x128xf32, #tpu.memory_space<vmem_shared>>, %arg8: memref<1x80xi32, #tpu.memory_space<vmem>>, %arg9: memref<1x80xi32, #tpu.memory_space<vmem>>, %arg10: memref<80x128xf32, #tpu.memory_space<vmem>>, %arg11: memref<!tpu.dma_semaphore, #tpu.memory_space<semaphore_mem>>, %arg12: memref<1x80xi32, #tpu.memory_space<vmem>>, %arg13: memref<1x80xi32, #tpu.memory_space<vmem>>, %arg14: memref<80x128xf32, #tpu.memory_space<vmem>>, %arg15: memref<!tpu.dma_semaphore, #tpu.memory_space<semaphore_mem>>) attributes {dimension_semantics = [#tpu.dimension_semantics<core_parallel>, #tpu.dimension_semantics<subcore_parallel>], iteration_bounds = array<i64: 2, 16>, scalar_prefetch = 0 : i64, scratch_operands = 9 : i64, tpu.core_type = #tpu.core_type<sc_vector_subcore>, window_params = [{transform_indices = #map}, {transform_indices = #map1}, {transform_indices = #map1}, {transform_indices = #map}, {transform_indices = #map}]} {
    %lt3A = arith.constant 15 : i32
    %lt3A_0 = arith.cmpi slt, %arg1, %lt3A : i32
    %convert_element_type3A = arith.extui %lt3A_0 : i1 to i32
    %cond3A = arith.constant 0 : i32
    %cond3A_1 = arith.cmpi ne, %convert_element_type3A, %cond3A : i32
    scf.if %cond3A_1 {
      %mul3A_39 = arith.constant 624 : i32
      %mul3A_40 = arith.muli %arg1, %mul3A_39 : i32
      %multiple_of3A_41 = tpu.assume_multiple %mul3A_40, 8 : i32
      "tpu.region"() ({
        %run_scoped3A_42 = tpu.sem_alloc : memref<!tpu.dma_semaphore, #tpu.memory_space<semaphore_mem>>
        %dma_start3A_43 = arith.constant 0 : i32
        %dma_start3A_44 = tpu.memref_slice %arg7[%multiple_of3A_41, %dma_start3A_43] : memref<10000x128xf32, #tpu.memory_space<vmem_shared>> -> memref<624x128xf32, #tpu.memory_space<vmem_shared>>
        %dma_start3A_45 = arith.constant 0 : i32
        %dma_start3A_46 = arith.constant 0 : i32
        %dma_start3A_47 = tpu.memref_slice %arg5[%dma_start3A_45, %dma_start3A_46] : memref<640x128xf32, #tpu.memory_space<hbm>> -> memref<624x128xf32, #tpu.memory_space<hbm>>
        tpu.enqueue_dma source(%dma_start3A_47 : memref<624x128xf32, #tpu.memory_space<hbm>>) target(%dma_start3A_44 : memref<624x128xf32, #tpu.memory_space<vmem_shared>>) target_semaphore(%run_scoped3A_42 : memref<!tpu.dma_semaphore, #tpu.memory_space<semaphore_mem>>)
        %dma_wait3A = arith.constant 0 : i32
        %dma_wait3A_48 = tpu.memref_slice %arg7[%multiple_of3A_41, %dma_wait3A] : memref<10000x128xf32, #tpu.memory_space<vmem_shared>> -> memref<624x128xf32, #tpu.memory_space<vmem_shared>>
        %dma_wait3A_49 = arith.constant 0 : i32
        %dma_wait3A_50 = arith.constant 0 : i32
        %dma_wait3A_51 = tpu.memref_slice %arg5[%dma_wait3A_49, %dma_wait3A_50] : memref<640x128xf32, #tpu.memory_space<hbm>> -> memref<624x128xf32, #tpu.memory_space<hbm>>
        tpu.wait_dma2 semaphore(%run_scoped3A_42 : memref<!tpu.dma_semaphore, #tpu.memory_space<semaphore_mem>>) src(%dma_wait3A_51 : memref<624x128xf32, #tpu.memory_space<hbm>>) dst(%dma_wait3A_48 : memref<624x128xf32, #tpu.memory_space<vmem_shared>>)
        tpu.yield
      }) : () -> ()
    } else {
    }
    %eq3A = arith.constant 15 : i32
    %eq3A_2 = arith.cmpi eq, %arg1, %eq3A : i32
    %convert_element_type3A_3 = arith.extui %eq3A_2 : i1 to i32
    %cond3A_4 = arith.constant 0 : i32
    %cond3A_5 = arith.cmpi ne, %convert_element_type3A_3, %cond3A_4 : i32
    scf.if %cond3A_5 {
      "tpu.region"() ({
        %run_scoped3A_39 = tpu.sem_alloc : memref<!tpu.dma_semaphore, #tpu.memory_space<semaphore_mem>>
        %dma_start3A_40 = arith.constant 9360 : i32
        %dma_start3A_41 = arith.constant 0 : i32
        %dma_start3A_42 = tpu.memref_slice %arg7[%dma_start3A_40, %dma_start3A_41] : memref<10000x128xf32, #tpu.memory_space<vmem_shared>> -> memref<640x128xf32, #tpu.memory_space<vmem_shared>>
        tpu.enqueue_dma source(%arg5 : memref<640x128xf32, #tpu.memory_space<hbm>>) target(%dma_start3A_42 : memref<640x128xf32, #tpu.memory_space<vmem_shared>>) target_semaphore(%run_scoped3A_39 : memref<!tpu.dma_semaphore, #tpu.memory_space<semaphore_mem>>)
        %dma_wait3A = arith.constant 9360 : i32
        %dma_wait3A_43 = arith.constant 0 : i32
        %dma_wait3A_44 = tpu.memref_slice %arg7[%dma_wait3A, %dma_wait3A_43] : memref<10000x128xf32, #tpu.memory_space<vmem_shared>> -> memref<640x128xf32, #tpu.memory_space<vmem_shared>>
        tpu.wait_dma2 semaphore(%run_scoped3A_39 : memref<!tpu.dma_semaphore, #tpu.memory_space<semaphore_mem>>) src(%arg5 : memref<640x128xf32, #tpu.memory_space<hbm>>) dst(%dma_wait3A_44 : memref<640x128xf32, #tpu.memory_space<vmem_shared>>)
        tpu.yield
      }) : () -> ()
    } else {
    }
    %barrier3A = arith.constant 0 : index
    tpu.barrier barrier_id(%barrier3A)
    %mul3A = arith.constant 20000 : i32
    %mul3A_6 = arith.muli %arg1, %mul3A : i32
    %mul3A_7 = arith.constant 10000 : i32
    %mul3A_8 = arith.muli %arg0, %mul3A_7 : i32
    %add3A = arith.constant 0 : i32
    %add3A_9 = arith.addi %mul3A_6, %add3A : i32
    %multiple_of3A = tpu.assume_multiple %add3A_9, 8 : i32
    %run_scoped3A = arith.constant 0 : i32
    "tpu.region"() ({
      %run_scoped3A_39 = tpu.sem_alloc : memref<!tpu.dma_semaphore, #tpu.memory_space<semaphore_mem>>
      %dma_start3A_40 = arith.constant 0 : i32
      %dma_start3A_41 = tpu.memref_slice %arg8[%run_scoped3A, %dma_start3A_40] : memref<1x80xi32, #tpu.memory_space<vmem>> -> memref<1x80xi32, #tpu.memory_space<vmem>>
      %dma_start3A_42 = tpu.memref_squeeze %dma_start3A_41 : memref<1x80xi32, #tpu.memory_space<vmem>> -> memref<80xi32, #tpu.memory_space<vmem>>
      %dma_start3A_43 = tpu.memref_slice %arg3[%multiple_of3A] : memref<320000xi32, #tpu.memory_space<hbm>> -> memref<80xi32, #tpu.memory_space<hbm>>
      %dma_start3A_44 = arith.constant 0 : i32
      %dma_start3A_45 = tpu.memref_slice %arg8[%run_scoped3A, %dma_start3A_44] : memref<1x80xi32, #tpu.memory_space<vmem>> -> memref<1x80xi32, #tpu.memory_space<vmem>>
      %dma_start3A_46 = tpu.memref_squeeze %dma_start3A_45 : memref<1x80xi32, #tpu.memory_space<vmem>> -> memref<80xi32, #tpu.memory_space<vmem>>
      %dma_start3A_47 = tpu.memref_slice %arg3[%multiple_of3A] : memref<320000xi32, #tpu.memory_space<hbm>> -> memref<80xi32, #tpu.memory_space<hbm>>
      tpu.enqueue_dma source(%dma_start3A_47 : memref<80xi32, #tpu.memory_space<hbm>>) target(%dma_start3A_46 : memref<80xi32, #tpu.memory_space<vmem>>) target_semaphore(%run_scoped3A_39 : memref<!tpu.dma_semaphore, #tpu.memory_space<semaphore_mem>>)
      %dma_wait3A = arith.constant 0 : i32
      %dma_wait3A_48 = tpu.memref_slice %arg8[%run_scoped3A, %dma_wait3A] : memref<1x80xi32, #tpu.memory_space<vmem>> -> memref<1x80xi32, #tpu.memory_space<vmem>>
      %dma_wait3A_49 = tpu.memref_squeeze %dma_wait3A_48 : memref<1x80xi32, #tpu.memory_space<vmem>> -> memref<80xi32, #tpu.memory_space<vmem>>
      %dma_wait3A_50 = tpu.memref_slice %arg3[%multiple_of3A] : memref<320000xi32, #tpu.memory_space<hbm>> -> memref<80xi32, #tpu.memory_space<hbm>>
      %dma_wait3A_51 = arith.constant 0 : i32
      %dma_wait3A_52 = tpu.memref_slice %arg8[%run_scoped3A, %dma_wait3A_51] : memref<1x80xi32, #tpu.memory_space<vmem>> -> memref<1x80xi32, #tpu.memory_space<vmem>>
      %dma_wait3A_53 = tpu.memref_squeeze %dma_wait3A_52 : memref<1x80xi32, #tpu.memory_space<vmem>> -> memref<80xi32, #tpu.memory_space<vmem>>
      %dma_wait3A_54 = tpu.memref_slice %arg3[%multiple_of3A] : memref<320000xi32, #tpu.memory_space<hbm>> -> memref<80xi32, #tpu.memory_space<hbm>>
      tpu.wait_dma2 semaphore(%run_scoped3A_39 : memref<!tpu.dma_semaphore, #tpu.memory_space<semaphore_mem>>) src(%dma_wait3A_54 : memref<80xi32, #tpu.memory_space<hbm>>) dst(%dma_wait3A_53 : memref<80xi32, #tpu.memory_space<vmem>>)
      tpu.yield
    }) : () -> ()
    %run_scoped3A_10 = arith.constant 0 : i32
    "tpu.region"() ({
      %run_scoped3A_39 = tpu.sem_alloc : memref<!tpu.dma_semaphore, #tpu.memory_space<semaphore_mem>>
      %dma_start3A_40 = arith.constant 0 : i32
      %dma_start3A_41 = tpu.memref_slice %arg9[%run_scoped3A_10, %dma_start3A_40] : memref<1x80xi32, #tpu.memory_space<vmem>> -> memref<1x80xi32, #tpu.memory_space<vmem>>
      %dma_start3A_42 = tpu.memref_squeeze %dma_start3A_41 : memref<1x80xi32, #tpu.memory_space<vmem>> -> memref<80xi32, #tpu.memory_space<vmem>>
      %dma_start3A_43 = tpu.memref_slice %arg4[%multiple_of3A] : memref<320000xi32, #tpu.memory_space<hbm>> -> memref<80xi32, #tpu.memory_space<hbm>>
      %dma_start3A_44 = arith.constant 0 : i32
      %dma_start3A_45 = tpu.memref_slice %arg9[%run_scoped3A_10, %dma_start3A_44] : memref<1x80xi32, #tpu.memory_space<vmem>> -> memref<1x80xi32, #tpu.memory_space<vmem>>
      %dma_start3A_46 = tpu.memref_squeeze %dma_start3A_45 : memref<1x80xi32, #tpu.memory_space<vmem>> -> memref<80xi32, #tpu.memory_space<vmem>>
      %dma_start3A_47 = tpu.memref_slice %arg4[%multiple_of3A] : memref<320000xi32, #tpu.memory_space<hbm>> -> memref<80xi32, #tpu.memory_space<hbm>>
      tpu.enqueue_dma source(%dma_start3A_47 : memref<80xi32, #tpu.memory_space<hbm>>) target(%dma_start3A_46 : memref<80xi32, #tpu.memory_space<vmem>>) target_semaphore(%run_scoped3A_39 : memref<!tpu.dma_semaphore, #tpu.memory_space<semaphore_mem>>)
      %dma_wait3A = arith.constant 0 : i32
      %dma_wait3A_48 = tpu.memref_slice %arg9[%run_scoped3A_10, %dma_wait3A] : memref<1x80xi32, #tpu.memory_space<vmem>> -> memref<1x80xi32, #tpu.memory_space<vmem>>
      %dma_wait3A_49 = tpu.memref_squeeze %dma_wait3A_48 : memref<1x80xi32, #tpu.memory_space<vmem>> -> memref<80xi32, #tpu.memory_space<vmem>>
      %dma_wait3A_50 = tpu.memref_slice %arg4[%multiple_of3A] : memref<320000xi32, #tpu.memory_space<hbm>> -> memref<80xi32, #tpu.memory_space<hbm>>
      %dma_wait3A_51 = arith.constant 0 : i32
      %dma_wait3A_52 = tpu.memref_slice %arg9[%run_scoped3A_10, %dma_wait3A_51] : memref<1x80xi32, #tpu.memory_space<vmem>> -> memref<1x80xi32, #tpu.memory_space<vmem>>
      %dma_wait3A_53 = tpu.memref_squeeze %dma_wait3A_52 : memref<1x80xi32, #tpu.memory_space<vmem>> -> memref<80xi32, #tpu.memory_space<vmem>>
      %dma_wait3A_54 = tpu.memref_slice %arg4[%multiple_of3A] : memref<320000xi32, #tpu.memory_space<hbm>> -> memref<80xi32, #tpu.memory_space<hbm>>
      tpu.wait_dma2 semaphore(%run_scoped3A_39 : memref<!tpu.dma_semaphore, #tpu.memory_space<semaphore_mem>>) src(%dma_wait3A_54 : memref<80xi32, #tpu.memory_space<hbm>>) dst(%dma_wait3A_53 : memref<80xi32, #tpu.memory_space<vmem>>)
      tpu.yield
    }) : () -> ()
    %scan3A = arith.constant 0 : i32
    %scan3A_11 = arith.constant 0 : i32
    %scan3A_12 = arith.constant 5 : i32
    %scan3A_13 = arith.addi %scan3A_11, %scan3A_12 : i32
    %scan3A_14 = arith.constant 1 : i32
    scf.for %scan3A_39 = %scan3A_11 to %scan3A_13 step %scan3A_14  : i32 {
      %mul3A_40 = arith.constant 16 : i32
      %mul3A_41 = arith.muli %scan3A_39, %mul3A_40 : i32
      %multiple_of3A_42 = tpu.assume_multiple %mul3A_41, 16 : i32
      %get3A = arith.constant 0 : i32
      %get3A_43 = arith.index_cast %get3A : i32 to index
      %get3A_44 = arith.index_cast %multiple_of3A_42 : i32 to index
      %get3A_45 = tpu.vector_load %arg8[%get3A_43, %get3A_44] {strides = array<i32>} : memref<1x80xi32, #tpu.memory_space<vmem>>, vector<1x16xi32>,
      %get3A_46 = vector.shape_cast %get3A_45 : vector<1x16xi32> to vector<16xi32>
      %add3A_47 = vector.broadcast %mul3A_8 : i32 to vector<16xi32>
      %add3A_48 = arith.addi %get3A_46, %add3A_47 : vector<16xi32>
      %swap3A = arith.constant 0 : i32
      %swap3A_49 = arith.index_cast %swap3A : i32 to index
      %swap3A_50 = arith.index_cast %multiple_of3A_42 : i32 to index
      %swap3A_51 = tpu.vector_load %arg8[%swap3A_49, %swap3A_50] {strides = array<i32>} : memref<1x80xi32, #tpu.memory_space<vmem>>, vector<1x16xi32>,
      %swap3A_52 = vector.shape_cast %swap3A_51 : vector<1x16xi32> to vector<16xi32>
      %swap3A_53 = vector.shape_cast %add3A_48 : vector<16xi32> to vector<1x16xi32>
      tpu.vector_store %arg8[%swap3A_49, %swap3A_50], %swap3A_53 {strides = array<i32>} : memref<1x80xi32, #tpu.memory_space<vmem>>, vector<1x16xi32>,
    }
    %scan3A_15 = arith.constant 5 : i32
    %dma_start3A = arith.constant 0 : i32
    %dma_start3A_16 = arith.constant 0 : i32
    %dma_start3A_17 = tpu.memref_slice %arg8[%dma_start3A, %dma_start3A_16] : memref<1x80xi32, #tpu.memory_space<vmem>> -> memref<1x80xi32, #tpu.memory_space<vmem>>
    %dma_start3A_18 = tpu.memref_squeeze %dma_start3A_17 : memref<1x80xi32, #tpu.memory_space<vmem>> -> memref<80xi32, #tpu.memory_space<vmem>>
    %dma_start3A_19 = arith.constant 0 : i32
    %dma_start3A_20 = arith.constant 0 : i32
    %dma_start3A_21 = tpu.memref_slice %arg2[%dma_start3A_19, %dma_start3A_20] : memref<20000x128xf32, #tpu.memory_space<hbm>> -> memref<20000x128xf32, #tpu.memory_space<hbm>>
    tpu.enqueue_indirect_dma source(%dma_start3A_21 : memref<20000x128xf32, #tpu.memory_space<hbm>>) target(%arg10 : memref<80x128xf32, #tpu.memory_space<vmem>>) offsets(%dma_start3A_18 : memref<80xi32, #tpu.memory_space<vmem>>) semaphore(%arg11 : memref<!tpu.dma_semaphore, #tpu.memory_space<semaphore_mem>>)
    %scan3A_22 = arith.constant 0 : i32
    %scan3A_23 = arith.constant 0 : i32
    %scan3A_24 = arith.constant 125 : i32
    %scan3A_25 = arith.addi %scan3A_23, %scan3A_24 : i32
    %scan3A_26 = arith.constant 1 : i32
    scf.for %scan3A_39 = %scan3A_23 to %scan3A_25 step %scan3A_26  : i32 {
      %mul3A_40 = arith.constant 2 : i32
      %mul3A_41 = arith.muli %mul3A_40, %scan3A_39 : i32
      %add3A_42 = arith.constant 1 : i32
      %add3A_43 = arith.addi %mul3A_41, %add3A_42 : i32
      %mul3A_44 = arith.constant 80 : i32
      %mul3A_45 = arith.muli %add3A_43, %mul3A_44 : i32
      %add3A_46 = arith.addi %mul3A_6, %mul3A_45 : i32
      %multiple_of3A_47 = tpu.assume_multiple %add3A_46, 8 : i32
      %run_scoped3A_48 = arith.constant 0 : i32
      "tpu.region"() ({
        %run_scoped3A_83 = tpu.sem_alloc : memref<!tpu.dma_semaphore, #tpu.memory_space<semaphore_mem>>
        %dma_start3A_84 = arith.constant 0 : i32
        %dma_start3A_85 = tpu.memref_slice %arg12[%run_scoped3A_48, %dma_start3A_84] : memref<1x80xi32, #tpu.memory_space<vmem>> -> memref<1x80xi32, #tpu.memory_space<vmem>>
        %dma_start3A_86 = tpu.memref_squeeze %dma_start3A_85 : memref<1x80xi32, #tpu.memory_space<vmem>> -> memref<80xi32, #tpu.memory_space<vmem>>
        %dma_start3A_87 = tpu.memref_slice %arg3[%multiple_of3A_47] : memref<320000xi32, #tpu.memory_space<hbm>> -> memref<80xi32, #tpu.memory_space<hbm>>
        %dma_start3A_88 = arith.constant 0 : i32
        %dma_start3A_89 = tpu.memref_slice %arg12[%run_scoped3A_48, %dma_start3A_88] : memref<1x80xi32, #tpu.memory_space<vmem>> -> memref<1x80xi32, #tpu.memory_space<vmem>>
        %dma_start3A_90 = tpu.memref_squeeze %dma_start3A_89 : memref<1x80xi32, #tpu.memory_space<vmem>> -> memref<80xi32, #tpu.memory_space<vmem>>
        %dma_start3A_91 = tpu.memref_slice %arg3[%multiple_of3A_47] : memref<320000xi32, #tpu.memory_space<hbm>> -> memref<80xi32, #tpu.memory_space<hbm>>
        tpu.enqueue_dma source(%dma_start3A_91 : memref<80xi32, #tpu.memory_space<hbm>>) target(%dma_start3A_90 : memref<80xi32, #tpu.memory_space<vmem>>) target_semaphore(%run_scoped3A_83 : memref<!tpu.dma_semaphore, #tpu.memory_space<semaphore_mem>>)
        %dma_wait3A_92 = arith.constant 0 : i32
        %dma_wait3A_93 = tpu.memref_slice %arg12[%run_scoped3A_48, %dma_wait3A_92] : memref<1x80xi32, #tpu.memory_space<vmem>> -> memref<1x80xi32, #tpu.memory_space<vmem>>
        %dma_wait3A_94 = tpu.memref_squeeze %dma_wait3A_93 : memref<1x80xi32, #tpu.memory_space<vmem>> -> memref<80xi32, #tpu.memory_space<vmem>>
        %dma_wait3A_95 = tpu.memref_slice %arg3[%multiple_of3A_47] : memref<320000xi32, #tpu.memory_space<hbm>> -> memref<80xi32, #tpu.memory_space<hbm>>
        %dma_wait3A_96 = arith.constant 0 : i32
        %dma_wait3A_97 = tpu.memref_slice %arg12[%run_scoped3A_48, %dma_wait3A_96] : memref<1x80xi32, #tpu.memory_space<vmem>> -> memref<1x80xi32, #tpu.memory_space<vmem>>
        %dma_wait3A_98 = tpu.memref_squeeze %dma_wait3A_97 : memref<1x80xi32, #tpu.memory_space<vmem>> -> memref<80xi32, #tpu.memory_space<vmem>>
        %dma_wait3A_99 = tpu.memref_slice %arg3[%multiple_of3A_47] : memref<320000xi32, #tpu.memory_space<hbm>> -> memref<80xi32, #tpu.memory_space<hbm>>
        tpu.wait_dma2 semaphore(%run_scoped3A_83 : memref<!tpu.dma_semaphore, #tpu.memory_space<semaphore_mem>>) src(%dma_wait3A_99 : memref<80xi32, #tpu.memory_space<hbm>>) dst(%dma_wait3A_98 : memref<80xi32, #tpu.memory_space<vmem>>)
        tpu.yield
      }) : () -> ()
      %run_scoped3A_49 = arith.constant 0 : i32
      "tpu.region"() ({
        %run_scoped3A_83 = tpu.sem_alloc : memref<!tpu.dma_semaphore, #tpu.memory_space<semaphore_mem>>
        %dma_start3A_84 = arith.constant 0 : i32
        %dma_start3A_85 = tpu.memref_slice %arg13[%run_scoped3A_49, %dma_start3A_84] : memref<1x80xi32, #tpu.memory_space<vmem>> -> memref<1x80xi32, #tpu.memory_space<vmem>>
        %dma_start3A_86 = tpu.memref_squeeze %dma_start3A_85 : memref<1x80xi32, #tpu.memory_space<vmem>> -> memref<80xi32, #tpu.memory_space<vmem>>
        %dma_start3A_87 = tpu.memref_slice %arg4[%multiple_of3A_47] : memref<320000xi32, #tpu.memory_space<hbm>> -> memref<80xi32, #tpu.memory_space<hbm>>
        %dma_start3A_88 = arith.constant 0 : i32
        %dma_start3A_89 = tpu.memref_slice %arg13[%run_scoped3A_49, %dma_start3A_88] : memref<1x80xi32, #tpu.memory_space<vmem>> -> memref<1x80xi32, #tpu.memory_space<vmem>>
        %dma_start3A_90 = tpu.memref_squeeze %dma_start3A_89 : memref<1x80xi32, #tpu.memory_space<vmem>> -> memref<80xi32, #tpu.memory_space<vmem>>
        %dma_start3A_91 = tpu.memref_slice %arg4[%multiple_of3A_47] : memref<320000xi32, #tpu.memory_space<hbm>> -> memref<80xi32, #tpu.memory_space<hbm>>
        tpu.enqueue_dma source(%dma_start3A_91 : memref<80xi32, #tpu.memory_space<hbm>>) target(%dma_start3A_90 : memref<80xi32, #tpu.memory_space<vmem>>) target_semaphore(%run_scoped3A_83 : memref<!tpu.dma_semaphore, #tpu.memory_space<semaphore_mem>>)
        %dma_wait3A_92 = arith.constant 0 : i32
        %dma_wait3A_93 = tpu.memref_slice %arg13[%run_scoped3A_49, %dma_wait3A_92] : memref<1x80xi32, #tpu.memory_space<vmem>> -> memref<1x80xi32, #tpu.memory_space<vmem>>
        %dma_wait3A_94 = tpu.memref_squeeze %dma_wait3A_93 : memref<1x80xi32, #tpu.memory_space<vmem>> -> memref<80xi32, #tpu.memory_space<vmem>>
        %dma_wait3A_95 = tpu.memref_slice %arg4[%multiple_of3A_47] : memref<320000xi32, #tpu.memory_space<hbm>> -> memref<80xi32, #tpu.memory_space<hbm>>
        %dma_wait3A_96 = arith.constant 0 : i32
        %dma_wait3A_97 = tpu.memref_slice %arg13[%run_scoped3A_49, %dma_wait3A_96] : memref<1x80xi32, #tpu.memory_space<vmem>> -> memref<1x80xi32, #tpu.memory_space<vmem>>
        %dma_wait3A_98 = tpu.memref_squeeze %dma_wait3A_97 : memref<1x80xi32, #tpu.memory_space<vmem>> -> memref<80xi32, #tpu.memory_space<vmem>>
        %dma_wait3A_99 = tpu.memref_slice %arg4[%multiple_of3A_47] : memref<320000xi32, #tpu.memory_space<hbm>> -> memref<80xi32, #tpu.memory_space<hbm>>
        tpu.wait_dma2 semaphore(%run_scoped3A_83 : memref<!tpu.dma_semaphore, #tpu.memory_space<semaphore_mem>>) src(%dma_wait3A_99 : memref<80xi32, #tpu.memory_space<hbm>>) dst(%dma_wait3A_98 : memref<80xi32, #tpu.memory_space<vmem>>)
        tpu.yield
      }) : () -> ()
      %scan3A_50 = arith.constant 0 : i32
      %scan3A_51 = arith.constant 0 : i32
      %scan3A_52 = arith.constant 5 : i32
      %scan3A_53 = arith.addi %scan3A_51, %scan3A_52 : i32
      %scan3A_54 = arith.constant 1 : i32
      scf.for %scan3A_83 = %scan3A_51 to %scan3A_53 step %scan3A_54  : i32 {
        %mul3A_84 = arith.constant 16 : i32
        %mul3A_85 = arith.muli %scan3A_83, %mul3A_84 : i32
        %multiple_of3A_86 = tpu.assume_multiple %mul3A_85, 16 : i32
        %get3A = arith.constant 0 : i32
        %get3A_87 = arith.index_cast %get3A : i32 to index
        %get3A_88 = arith.index_cast %multiple_of3A_86 : i32 to index
        %get3A_89 = tpu.vector_load %arg12[%get3A_87, %get3A_88] {strides = array<i32>} : memref<1x80xi32, #tpu.memory_space<vmem>>, vector<1x16xi32>,
        %get3A_90 = vector.shape_cast %get3A_89 : vector<1x16xi32> to vector<16xi32>
        %add3A_91 = vector.broadcast %mul3A_8 : i32 to vector<16xi32>
        %add3A_92 = arith.addi %get3A_90, %add3A_91 : vector<16xi32>
        %swap3A = arith.constant 0 : i32
        %swap3A_93 = arith.index_cast %swap3A : i32 to index
        %swap3A_94 = arith.index_cast %multiple_of3A_86 : i32 to index
        %swap3A_95 = tpu.vector_load %arg12[%swap3A_93, %swap3A_94] {strides = array<i32>} : memref<1x80xi32, #tpu.memory_space<vmem>>, vector<1x16xi32>,
        %swap3A_96 = vector.shape_cast %swap3A_95 : vector<1x16xi32> to vector<16xi32>
        %swap3A_97 = vector.shape_cast %add3A_92 : vector<16xi32> to vector<1x16xi32>
        tpu.vector_store %arg12[%swap3A_93, %swap3A_94], %swap3A_97 {strides = array<i32>} : memref<1x80xi32, #tpu.memory_space<vmem>>, vector<1x16xi32>,
      }
      %scan3A_55 = arith.constant 5 : i32
      %dma_start3A_56 = arith.constant 0 : i32
      %dma_start3A_57 = arith.constant 0 : i32
      %dma_start3A_58 = tpu.memref_slice %arg12[%dma_start3A_56, %dma_start3A_57] : memref<1x80xi32, #tpu.memory_space<vmem>> -> memref<1x80xi32, #tpu.memory_space<vmem>>
      %dma_start3A_59 = tpu.memref_squeeze %dma_start3A_58 : memref<1x80xi32, #tpu.memory_space<vmem>> -> memref<80xi32, #tpu.memory_space<vmem>>
      %dma_start3A_60 = arith.constant 0 : i32
      %dma_start3A_61 = arith.constant 0 : i32
      %dma_start3A_62 = tpu.memref_slice %arg2[%dma_start3A_60, %dma_start3A_61] : memref<20000x128xf32, #tpu.memory_space<hbm>> -> memref<20000x128xf32, #tpu.memory_space<hbm>>
      tpu.enqueue_indirect_dma source(%dma_start3A_62 : memref<20000x128xf32, #tpu.memory_space<hbm>>) target(%arg14 : memref<80x128xf32, #tpu.memory_space<vmem>>) offsets(%dma_start3A_59 : memref<80xi32, #tpu.memory_space<vmem>>) semaphore(%arg15 : memref<!tpu.dma_semaphore, #tpu.memory_space<semaphore_mem>>)
      %dma_wait3A = arith.constant 0 : i32
      %dma_wait3A_63 = arith.constant 0 : i32
      %dma_wait3A_64 = tpu.memref_slice %arg8[%dma_wait3A, %dma_wait3A_63] : memref<1x80xi32, #tpu.memory_space<vmem>> -> memref<1x80xi32, #tpu.memory_space<vmem>>
      %dma_wait3A_65 = tpu.memref_squeeze %dma_wait3A_64 : memref<1x80xi32, #tpu.memory_space<vmem>> -> memref<80xi32, #tpu.memory_space<vmem>>
      %dma_wait3A_66 = arith.constant 0 : i32
      %dma_wait3A_67 = arith.constant 0 : i32
      %dma_wait3A_68 = tpu.memref_slice %arg2[%dma_wait3A_66, %dma_wait3A_67] : memref<20000x128xf32, #tpu.memory_space<hbm>> -> memref<20000x128xf32, #tpu.memory_space<hbm>>
      tpu.wait_indirect_dma semaphore(%arg11 : memref<!tpu.dma_semaphore, #tpu.memory_space<semaphore_mem>>) src(%dma_wait3A_68 : memref<20000x128xf32, #tpu.memory_space<hbm>>) dst(%arg10 : memref<80x128xf32, #tpu.memory_space<vmem>>)
      %run_scoped3A_69 = arith.constant 0 : i32
      "tpu.region"() ({
        %run_scoped3A_83 = tpu.sem_alloc : memref<!tpu.dma_semaphore, #tpu.memory_space<semaphore_mem>>
        %dma_start3A_84 = arith.constant 0 : i32
        %dma_start3A_85 = tpu.memref_slice %arg9[%run_scoped3A_69, %dma_start3A_84] : memref<1x80xi32, #tpu.memory_space<vmem>> -> memref<1x80xi32, #tpu.memory_space<vmem>>
        %dma_start3A_86 = tpu.memref_squeeze %dma_start3A_85 : memref<1x80xi32, #tpu.memory_space<vmem>> -> memref<80xi32, #tpu.memory_space<vmem>>
        %dma_start3A_87 = arith.constant 0 : i32
        %dma_start3A_88 = arith.constant 0 : i32
        %dma_start3A_89 = tpu.memref_slice %arg7[%dma_start3A_87, %dma_start3A_88] : memref<10000x128xf32, #tpu.memory_space<vmem_shared>> -> memref<10000x128xf32, #tpu.memory_space<vmem_shared>>
        tpu.enqueue_indirect_dma source(%arg10 : memref<80x128xf32, #tpu.memory_space<vmem>>) target(%dma_start3A_89 : memref<10000x128xf32, #tpu.memory_space<vmem_shared>>) offsets(%dma_start3A_86 : memref<80xi32, #tpu.memory_space<vmem>>) semaphore(%run_scoped3A_83 : memref<!tpu.dma_semaphore, #tpu.memory_space<semaphore_mem>>) {add = true}
        %dma_wait3A_90 = arith.constant 0 : i32
        %dma_wait3A_91 = tpu.memref_slice %arg9[%run_scoped3A_69, %dma_wait3A_90] : memref<1x80xi32, #tpu.memory_space<vmem>> -> memref<1x80xi32, #tpu.memory_space<vmem>>
        %dma_wait3A_92 = tpu.memref_squeeze %dma_wait3A_91 : memref<1x80xi32, #tpu.memory_space<vmem>> -> memref<80xi32, #tpu.memory_space<vmem>>
        %dma_wait3A_93 = arith.constant 0 : i32
        %dma_wait3A_94 = arith.constant 0 : i32
        %dma_wait3A_95 = tpu.memref_slice %arg7[%dma_wait3A_93, %dma_wait3A_94] : memref<10000x128xf32, #tpu.memory_space<vmem_shared>> -> memref<10000x128xf32, #tpu.memory_space<vmem_shared>>
        tpu.wait_indirect_dma semaphore(%run_scoped3A_83 : memref<!tpu.dma_semaphore, #tpu.memory_space<semaphore_mem>>) src(%arg10 : memref<80x128xf32, #tpu.memory_space<vmem>>) dst(%dma_wait3A_95 : memref<10000x128xf32, #tpu.memory_space<vmem_shared>>)
        tpu.yield
      }) : () -> ()
      %lt3A_70 = arith.constant 124 : i32
      %lt3A_71 = arith.cmpi slt, %scan3A_39, %lt3A_70 : i32
      %convert_element_type3A_72 = arith.extui %lt3A_71 : i1 to i32
      %cond3A_73 = arith.constant 0 : i32
      %cond3A_74 = arith.cmpi ne, %convert_element_type3A_72, %cond3A_73 : i32
      scf.if %cond3A_74 {
        %mul3A_83 = arith.constant 2 : i32
        %mul3A_84 = arith.muli %mul3A_83, %scan3A_39 : i32
        %add3A_85 = arith.constant 2 : i32
        %add3A_86 = arith.addi %mul3A_84, %add3A_85 : i32
        %mul3A_87 = arith.constant 80 : i32
        %mul3A_88 = arith.muli %add3A_86, %mul3A_87 : i32
        %add3A_89 = arith.addi %mul3A_6, %mul3A_88 : i32
        %multiple_of3A_90 = tpu.assume_multiple %add3A_89, 8 : i32
        %run_scoped3A_91 = arith.constant 0 : i32
        "tpu.region"() ({
          %run_scoped3A_106 = tpu.sem_alloc : memref<!tpu.dma_semaphore, #tpu.memory_space<semaphore_mem>>
          %dma_start3A_107 = arith.constant 0 : i32
          %dma_start3A_108 = tpu.memref_slice %arg8[%run_scoped3A_91, %dma_start3A_107] : memref<1x80xi32, #tpu.memory_space<vmem>> -> memref<1x80xi32, #tpu.memory_space<vmem>>
          %dma_start3A_109 = tpu.memref_squeeze %dma_start3A_108 : memref<1x80xi32, #tpu.memory_space<vmem>> -> memref<80xi32, #tpu.memory_space<vmem>>
          %dma_start3A_110 = tpu.memref_slice %arg3[%multiple_of3A_90] : memref<320000xi32, #tpu.memory_space<hbm>> -> memref<80xi32, #tpu.memory_space<hbm>>
          %dma_start3A_111 = arith.constant 0 : i32
          %dma_start3A_112 = tpu.memref_slice %arg8[%run_scoped3A_91, %dma_start3A_111] : memref<1x80xi32, #tpu.memory_space<vmem>> -> memref<1x80xi32, #tpu.memory_space<vmem>>
          %dma_start3A_113 = tpu.memref_squeeze %dma_start3A_112 : memref<1x80xi32, #tpu.memory_space<vmem>> -> memref<80xi32, #tpu.memory_space<vmem>>
          %dma_start3A_114 = tpu.memref_slice %arg3[%multiple_of3A_90] : memref<320000xi32, #tpu.memory_space<hbm>> -> memref<80xi32, #tpu.memory_space<hbm>>
          tpu.enqueue_dma source(%dma_start3A_114 : memref<80xi32, #tpu.memory_space<hbm>>) target(%dma_start3A_113 : memref<80xi32, #tpu.memory_space<vmem>>) target_semaphore(%run_scoped3A_106 : memref<!tpu.dma_semaphore, #tpu.memory_space<semaphore_mem>>)
          %dma_wait3A_115 = arith.constant 0 : i32
          %dma_wait3A_116 = tpu.memref_slice %arg8[%run_scoped3A_91, %dma_wait3A_115] : memref<1x80xi32, #tpu.memory_space<vmem>> -> memref<1x80xi32, #tpu.memory_space<vmem>>
          %dma_wait3A_117 = tpu.memref_squeeze %dma_wait3A_116 : memref<1x80xi32, #tpu.memory_space<vmem>> -> memref<80xi32, #tpu.memory_space<vmem>>
          %dma_wait3A_118 = tpu.memref_slice %arg3[%multiple_of3A_90] : memref<320000xi32, #tpu.memory_space<hbm>> -> memref<80xi32, #tpu.memory_space<hbm>>
          %dma_wait3A_119 = arith.constant 0 : i32
          %dma_wait3A_120 = tpu.memref_slice %arg8[%run_scoped3A_91, %dma_wait3A_119] : memref<1x80xi32, #tpu.memory_space<vmem>> -> memref<1x80xi32, #tpu.memory_space<vmem>>
          %dma_wait3A_121 = tpu.memref_squeeze %dma_wait3A_120 : memref<1x80xi32, #tpu.memory_space<vmem>> -> memref<80xi32, #tpu.memory_space<vmem>>
          %dma_wait3A_122 = tpu.memref_slice %arg3[%multiple_of3A_90] : memref<320000xi32, #tpu.memory_space<hbm>> -> memref<80xi32, #tpu.memory_space<hbm>>
          tpu.wait_dma2 semaphore(%run_scoped3A_106 : memref<!tpu.dma_semaphore, #tpu.memory_space<semaphore_mem>>) src(%dma_wait3A_122 : memref<80xi32, #tpu.memory_space<hbm>>) dst(%dma_wait3A_121 : memref<80xi32, #tpu.memory_space<vmem>>)
          tpu.yield
        }) : () -> ()
        %run_scoped3A_92 = arith.constant 0 : i32
        "tpu.region"() ({
          %run_scoped3A_106 = tpu.sem_alloc : memref<!tpu.dma_semaphore, #tpu.memory_space<semaphore_mem>>
          %dma_start3A_107 = arith.constant 0 : i32
          %dma_start3A_108 = tpu.memref_slice %arg9[%run_scoped3A_92, %dma_start3A_107] : memref<1x80xi32, #tpu.memory_space<vmem>> -> memref<1x80xi32, #tpu.memory_space<vmem>>
          %dma_start3A_109 = tpu.memref_squeeze %dma_start3A_108 : memref<1x80xi32, #tpu.memory_space<vmem>> -> memref<80xi32, #tpu.memory_space<vmem>>
          %dma_start3A_110 = tpu.memref_slice %arg4[%multiple_of3A_90] : memref<320000xi32, #tpu.memory_space<hbm>> -> memref<80xi32, #tpu.memory_space<hbm>>
          %dma_start3A_111 = arith.constant 0 : i32
          %dma_start3A_112 = tpu.memref_slice %arg9[%run_scoped3A_92, %dma_start3A_111] : memref<1x80xi32, #tpu.memory_space<vmem>> -> memref<1x80xi32, #tpu.memory_space<vmem>>
          %dma_start3A_113 = tpu.memref_squeeze %dma_start3A_112 : memref<1x80xi32, #tpu.memory_space<vmem>> -> memref<80xi32, #tpu.memory_space<vmem>>
          %dma_start3A_114 = tpu.memref_slice %arg4[%multiple_of3A_90] : memref<320000xi32, #tpu.memory_space<hbm>> -> memref<80xi32, #tpu.memory_space<hbm>>
          tpu.enqueue_dma source(%dma_start3A_114 : memref<80xi32, #tpu.memory_space<hbm>>) target(%dma_start3A_113 : memref<80xi32, #tpu.memory_space<vmem>>) target_semaphore(%run_scoped3A_106 : memref<!tpu.dma_semaphore, #tpu.memory_space<semaphore_mem>>)
          %dma_wait3A_115 = arith.constant 0 : i32
          %dma_wait3A_116 = tpu.memref_slice %arg9[%run_scoped3A_92, %dma_wait3A_115] : memref<1x80xi32, #tpu.memory_space<vmem>> -> memref<1x80xi32, #tpu.memory_space<vmem>>
          %dma_wait3A_117 = tpu.memref_squeeze %dma_wait3A_116 : memref<1x80xi32, #tpu.memory_space<vmem>> -> memref<80xi32, #tpu.memory_space<vmem>>
          %dma_wait3A_118 = tpu.memref_slice %arg4[%multiple_of3A_90] : memref<320000xi32, #tpu.memory_space<hbm>> -> memref<80xi32, #tpu.memory_space<hbm>>
          %dma_wait3A_119 = arith.constant 0 : i32
          %dma_wait3A_120 = tpu.memref_slice %arg9[%run_scoped3A_92, %dma_wait3A_119] : memref<1x80xi32, #tpu.memory_space<vmem>> -> memref<1x80xi32, #tpu.memory_space<vmem>>
          %dma_wait3A_121 = tpu.memref_squeeze %dma_wait3A_120 : memref<1x80xi32, #tpu.memory_space<vmem>> -> memref<80xi32, #tpu.memory_space<vmem>>
          %dma_wait3A_122 = tpu.memref_slice %arg4[%multiple_of3A_90] : memref<320000xi32, #tpu.memory_space<hbm>> -> memref<80xi32, #tpu.memory_space<hbm>>
          tpu.wait_dma2 semaphore(%run_scoped3A_106 : memref<!tpu.dma_semaphore, #tpu.memory_space<semaphore_mem>>) src(%dma_wait3A_122 : memref<80xi32, #tpu.memory_space<hbm>>) dst(%dma_wait3A_121 : memref<80xi32, #tpu.memory_space<vmem>>)
          tpu.yield
        }) : () -> ()
        %scan3A_93 = arith.constant 0 : i32
        %scan3A_94 = arith.constant 0 : i32
        %scan3A_95 = arith.constant 5 : i32
        %scan3A_96 = arith.addi %scan3A_94, %scan3A_95 : i32
        %scan3A_97 = arith.constant 1 : i32
        scf.for %scan3A_106 = %scan3A_94 to %scan3A_96 step %scan3A_97  : i32 {
          %mul3A_107 = arith.constant 16 : i32
          %mul3A_108 = arith.muli %scan3A_106, %mul3A_107 : i32
          %multiple_of3A_109 = tpu.assume_multiple %mul3A_108, 16 : i32
          %get3A = arith.constant 0 : i32
          %get3A_110 = arith.index_cast %get3A : i32 to index
          %get3A_111 = arith.index_cast %multiple_of3A_109 : i32 to index
          %get3A_112 = tpu.vector_load %arg8[%get3A_110, %get3A_111] {strides = array<i32>} : memref<1x80xi32, #tpu.memory_space<vmem>>, vector<1x16xi32>,
          %get3A_113 = vector.shape_cast %get3A_112 : vector<1x16xi32> to vector<16xi32>
          %add3A_114 = vector.broadcast %mul3A_8 : i32 to vector<16xi32>
          %add3A_115 = arith.addi %get3A_113, %add3A_114 : vector<16xi32>
          %swap3A = arith.constant 0 : i32
          %swap3A_116 = arith.index_cast %swap3A : i32 to index
          %swap3A_117 = arith.index_cast %multiple_of3A_109 : i32 to index
          %swap3A_118 = tpu.vector_load %arg8[%swap3A_116, %swap3A_117] {strides = array<i32>} : memref<1x80xi32, #tpu.memory_space<vmem>>, vector<1x16xi32>,
          %swap3A_119 = vector.shape_cast %swap3A_118 : vector<1x16xi32> to vector<16xi32>
          %swap3A_120 = vector.shape_cast %add3A_115 : vector<16xi32> to vector<1x16xi32>
          tpu.vector_store %arg8[%swap3A_116, %swap3A_117], %swap3A_120 {strides = array<i32>} : memref<1x80xi32, #tpu.memory_space<vmem>>, vector<1x16xi32>,
        }
        %scan3A_98 = arith.constant 5 : i32
        %dma_start3A_99 = arith.constant 0 : i32
        %dma_start3A_100 = arith.constant 0 : i32
        %dma_start3A_101 = tpu.memref_slice %arg8[%dma_start3A_99, %dma_start3A_100] : memref<1x80xi32, #tpu.memory_space<vmem>> -> memref<1x80xi32, #tpu.memory_space<vmem>>
        %dma_start3A_102 = tpu.memref_squeeze %dma_start3A_101 : memref<1x80xi32, #tpu.memory_space<vmem>> -> memref<80xi32, #tpu.memory_space<vmem>>
        %dma_start3A_103 = arith.constant 0 : i32
        %dma_start3A_104 = arith.constant 0 : i32
        %dma_start3A_105 = tpu.memref_slice %arg2[%dma_start3A_103, %dma_start3A_104] : memref<20000x128xf32, #tpu.memory_space<hbm>> -> memref<20000x128xf32, #tpu.memory_space<hbm>>
        tpu.enqueue_indirect_dma source(%dma_start3A_105 : memref<20000x128xf32, #tpu.memory_space<hbm>>) target(%arg10 : memref<80x128xf32, #tpu.memory_space<vmem>>) offsets(%dma_start3A_102 : memref<80xi32, #tpu.memory_space<vmem>>) semaphore(%arg11 : memref<!tpu.dma_semaphore, #tpu.memory_space<semaphore_mem>>)
      } else {
      }
      %dma_wait3A_75 = arith.constant 0 : i32
      %dma_wait3A_76 = arith.constant 0 : i32
      %dma_wait3A_77 = tpu.memref_slice %arg12[%dma_wait3A_75, %dma_wait3A_76] : memref<1x80xi32, #tpu.memory_space<vmem>> -> memref<1x80xi32, #tpu.memory_space<vmem>>
      %dma_wait3A_78 = tpu.memref_squeeze %dma_wait3A_77 : memref<1x80xi32, #tpu.memory_space<vmem>> -> memref<80xi32, #tpu.memory_space<vmem>>
      %dma_wait3A_79 = arith.constant 0 : i32
      %dma_wait3A_80 = arith.constant 0 : i32
      %dma_wait3A_81 = tpu.memref_slice %arg2[%dma_wait3A_79, %dma_wait3A_80] : memref<20000x128xf32, #tpu.memory_space<hbm>> -> memref<20000x128xf32, #tpu.memory_space<hbm>>
      tpu.wait_indirect_dma semaphore(%arg15 : memref<!tpu.dma_semaphore, #tpu.memory_space<semaphore_mem>>) src(%dma_wait3A_81 : memref<20000x128xf32, #tpu.memory_space<hbm>>) dst(%arg14 : memref<80x128xf32, #tpu.memory_space<vmem>>)
      %run_scoped3A_82 = arith.constant 0 : i32
      "tpu.region"() ({
        %run_scoped3A_83 = tpu.sem_alloc : memref<!tpu.dma_semaphore, #tpu.memory_space<semaphore_mem>>
        %dma_start3A_84 = arith.constant 0 : i32
        %dma_start3A_85 = tpu.memref_slice %arg13[%run_scoped3A_82, %dma_start3A_84] : memref<1x80xi32, #tpu.memory_space<vmem>> -> memref<1x80xi32, #tpu.memory_space<vmem>>
        %dma_start3A_86 = tpu.memref_squeeze %dma_start3A_85 : memref<1x80xi32, #tpu.memory_space<vmem>> -> memref<80xi32, #tpu.memory_space<vmem>>
        %dma_start3A_87 = arith.constant 0 : i32
        %dma_start3A_88 = arith.constant 0 : i32
        %dma_start3A_89 = tpu.memref_slice %arg7[%dma_start3A_87, %dma_start3A_88] : memref<10000x128xf32, #tpu.memory_space<vmem_shared>> -> memref<10000x128xf32, #tpu.memory_space<vmem_shared>>
        tpu.enqueue_indirect_dma source(%arg14 : memref<80x128xf32, #tpu.memory_space<vmem>>) target(%dma_start3A_89 : memref<10000x128xf32, #tpu.memory_space<vmem_shared>>) offsets(%dma_start3A_86 : memref<80xi32, #tpu.memory_space<vmem>>) semaphore(%run_scoped3A_83 : memref<!tpu.dma_semaphore, #tpu.memory_space<semaphore_mem>>) {add = true}
        %dma_wait3A_90 = arith.constant 0 : i32
        %dma_wait3A_91 = tpu.memref_slice %arg13[%run_scoped3A_82, %dma_wait3A_90] : memref<1x80xi32, #tpu.memory_space<vmem>> -> memref<1x80xi32, #tpu.memory_space<vmem>>
        %dma_wait3A_92 = tpu.memref_squeeze %dma_wait3A_91 : memref<1x80xi32, #tpu.memory_space<vmem>> -> memref<80xi32, #tpu.memory_space<vmem>>
        %dma_wait3A_93 = arith.constant 0 : i32
        %dma_wait3A_94 = arith.constant 0 : i32
        %dma_wait3A_95 = tpu.memref_slice %arg7[%dma_wait3A_93, %dma_wait3A_94] : memref<10000x128xf32, #tpu.memory_space<vmem_shared>> -> memref<10000x128xf32, #tpu.memory_space<vmem_shared>>
        tpu.wait_indirect_dma semaphore(%run_scoped3A_83 : memref<!tpu.dma_semaphore, #tpu.memory_space<semaphore_mem>>) src(%arg14 : memref<80x128xf32, #tpu.memory_space<vmem>>) dst(%dma_wait3A_95 : memref<10000x128xf32, #tpu.memory_space<vmem_shared>>)
        tpu.yield
      }) : () -> ()
    }
    %scan3A_27 = arith.constant 125 : i32
    %barrier3A_28 = arith.constant 0 : index
    tpu.barrier barrier_id(%barrier3A_28)
    %lt3A_29 = arith.constant 15 : i32
    %lt3A_30 = arith.cmpi slt, %arg1, %lt3A_29 : i32
    %convert_element_type3A_31 = arith.extui %lt3A_30 : i1 to i32
    %cond3A_32 = arith.constant 0 : i32
    %cond3A_33 = arith.cmpi ne, %convert_element_type3A_31, %cond3A_32 : i32
    scf.if %cond3A_33 {
      %mul3A_39 = arith.constant 624 : i32
      %mul3A_40 = arith.muli %arg1, %mul3A_39 : i32
      %multiple_of3A_41 = tpu.assume_multiple %mul3A_40, 8 : i32
      %mul3A_42 = arith.constant 624 : i32
      %mul3A_43 = arith.muli %arg1, %mul3A_42 : i32
      %add3A_44 = arith.addi %mul3A_8, %mul3A_43 : i32
      %multiple_of3A_45 = tpu.assume_multiple %add3A_44, 8 : i32
      "tpu.region"() ({
        %run_scoped3A_46 = tpu.sem_alloc : memref<!tpu.dma_semaphore, #tpu.memory_space<semaphore_mem>>
        %dma_start3A_47 = arith.constant 0 : i32
        %dma_start3A_48 = tpu.memref_slice %arg6[%multiple_of3A_45, %dma_start3A_47] : memref<20000x128xf32, #tpu.memory_space<hbm>> -> memref<624x128xf32, #tpu.memory_space<hbm>>
        %dma_start3A_49 = arith.constant 0 : i32
        %dma_start3A_50 = tpu.memref_slice %arg7[%multiple_of3A_41, %dma_start3A_49] : memref<10000x128xf32, #tpu.memory_space<vmem_shared>> -> memref<624x128xf32, #tpu.memory_space<vmem_shared>>
        tpu.enqueue_dma source(%dma_start3A_50 : memref<624x128xf32, #tpu.memory_space<vmem_shared>>) target(%dma_start3A_48 : memref<624x128xf32, #tpu.memory_space<hbm>>) target_semaphore(%run_scoped3A_46 : memref<!tpu.dma_semaphore, #tpu.memory_space<semaphore_mem>>)
        %dma_wait3A = arith.constant 0 : i32
        %dma_wait3A_51 = tpu.memref_slice %arg6[%multiple_of3A_45, %dma_wait3A] : memref<20000x128xf32, #tpu.memory_space<hbm>> -> memref<624x128xf32, #tpu.memory_space<hbm>>
        %dma_wait3A_52 = arith.constant 0 : i32
        %dma_wait3A_53 = tpu.memref_slice %arg7[%multiple_of3A_41, %dma_wait3A_52] : memref<10000x128xf32, #tpu.memory_space<vmem_shared>> -> memref<624x128xf32, #tpu.memory_space<vmem_shared>>
        tpu.wait_dma2 semaphore(%run_scoped3A_46 : memref<!tpu.dma_semaphore, #tpu.memory_space<semaphore_mem>>) src(%dma_wait3A_53 : memref<624x128xf32, #tpu.memory_space<vmem_shared>>) dst(%dma_wait3A_51 : memref<624x128xf32, #tpu.memory_space<hbm>>)
        tpu.yield
      }) : () -> ()
    } else {
    }
    %eq3A_34 = arith.constant 15 : i32
    %eq3A_35 = arith.cmpi eq, %arg1, %eq3A_34 : i32
    %convert_element_type3A_36 = arith.extui %eq3A_35 : i1 to i32
    %cond3A_37 = arith.constant 0 : i32
    %cond3A_38 = arith.cmpi ne, %convert_element_type3A_36, %cond3A_37 : i32
    scf.if %cond3A_38 {
      %add3A_39 = arith.constant 9360 : i32
      %add3A_40 = arith.addi %mul3A_8, %add3A_39 : i32
      %multiple_of3A_41 = tpu.assume_multiple %add3A_40, 8 : i32
      "tpu.region"() ({
        %run_scoped3A_42 = tpu.sem_alloc : memref<!tpu.dma_semaphore, #tpu.memory_space<semaphore_mem>>
        %dma_start3A_43 = arith.constant 0 : i32
        %dma_start3A_44 = tpu.memref_slice %arg6[%multiple_of3A_41, %dma_start3A_43] : memref<20000x128xf32, #tpu.memory_space<hbm>> -> memref<640x128xf32, #tpu.memory_space<hbm>>
        %dma_start3A_45 = arith.constant 9360 : i32
        %dma_start3A_46 = arith.constant 0 : i32
        %dma_start3A_47 = tpu.memref_slice %arg7[%dma_start3A_45, %dma_start3A_46] : memref<10000x128xf32, #tpu.memory_space<vmem_shared>> -> memref<640x128xf32, #tpu.memory_space<vmem_shared>>
        tpu.enqueue_dma source(%dma_start3A_47 : memref<640x128xf32, #tpu.memory_space<vmem_shared>>) target(%dma_start3A_44 : memref<640x128xf32, #tpu.memory_space<hbm>>) target_semaphore(%run_scoped3A_42 : memref<!tpu.dma_semaphore, #tpu.memory_space<semaphore_mem>>)
        %dma_wait3A = arith.constant 0 : i32
        %dma_wait3A_48 = tpu.memref_slice %arg6[%multiple_of3A_41, %dma_wait3A] : memref<20000x128xf32, #tpu.memory_space<hbm>> -> memref<640x128xf32, #tpu.memory_space<hbm>>
        %dma_wait3A_49 = arith.constant 9360 : i32
        %dma_wait3A_50 = arith.constant 0 : i32
        %dma_wait3A_51 = tpu.memref_slice %arg7[%dma_wait3A_49, %dma_wait3A_50] : memref<10000x128xf32, #tpu.memory_space<vmem_shared>> -> memref<640x128xf32, #tpu.memory_space<vmem_shared>>
        tpu.wait_dma2 semaphore(%run_scoped3A_42 : memref<!tpu.dma_semaphore, #tpu.memory_space<semaphore_mem>>) src(%dma_wait3A_51 : memref<640x128xf32, #tpu.memory_space<vmem_shared>>) dst(%dma_wait3A_48 : memref<640x128xf32, #tpu.memory_space<hbm>>)
        tpu.yield
      }) : () -> ()
    } else {
    }
    return
  }
}

module attributes {stable_mosaic.version = 14 : i64} {
  func.func @_nstats_body(%arg0: i32, %arg1: memref<2000x128xf32, #tpu.memory_space<vmem>>, %arg2: memref<2000x1xi32, #tpu.memory_space<vmem>>, %arg3: memref<128x128xf32, #tpu.memory_space<vmem>>, %arg4: memref<128x128xf32, #tpu.memory_space<vmem>>, %arg5: memref<128x1xf32, #tpu.memory_space<vmem>>, %arg6: memref<1x128xf32, #tpu.memory_space<vmem>>) attributes {dimension_semantics = [#tpu.dimension_semantics<arbitrary>], iteration_bounds = array<i64: 5>, scalar_prefetch = 0 : i64, scratch_operands = 0 : i64, tpu.core_type = #tpu.core_type<tc>, window_params = [{transform_indices = @transform_0, window_bounds = array<i64: 2000, 128>}, {transform_indices = @transform_1, window_bounds = array<i64: 2000, 1>}, {pipeline_mode = #tpu.pipeline_mode<synchronous>, transform_indices = @transform_2, window_bounds = array<i64: 128, 128>}, {pipeline_mode = #tpu.pipeline_mode<synchronous>, transform_indices = @transform_3, window_bounds = array<i64: 128, 128>}, {pipeline_mode = #tpu.pipeline_mode<synchronous>, transform_indices = @transform_4, window_bounds = array<i64: 128, 1>}, {pipeline_mode = #tpu.pipeline_mode<synchronous>, transform_indices = @transform_5, window_bounds = array<i64: 1, 128>}]} {
    %eq3A = arith.constant 0 : i32
    %eq3A_0 = arith.cmpi eq, %arg0, %eq3A : i32
    %convert_element_type3A = arith.extui %eq3A_0 : i1 to i32
    %cond3A = arith.constant 0 : i32
    %cond3A_1 = arith.cmpi ne, %convert_element_type3A, %cond3A : i32
    scf.if %cond3A_1 {
      %broadcast_in_dim3A_46 = arith.constant 0.000000e+00 : f32
      %broadcast_in_dim3A_47 = vector.broadcast %broadcast_in_dim3A_46 : f32 to vector<128x128xf32>
      %swap3A_48 = arith.constant 0 : index
      %swap3A_49 = arith.constant 0 : index
      %swap3A_50 = vector.load %arg3[%swap3A_48, %swap3A_49] : memref<128x128xf32, #tpu.memory_space<vmem>>, vector<128x128xf32>
      tpu.vector_store %arg3[%swap3A_48, %swap3A_49], %broadcast_in_dim3A_47 {strides = array<i32>} : memref<128x128xf32, #tpu.memory_space<vmem>>, vector<128x128xf32>,
      %broadcast_in_dim3A_51 = arith.constant 0.000000e+00 : f32
      %broadcast_in_dim3A_52 = vector.broadcast %broadcast_in_dim3A_51 : f32 to vector<128x128xf32>
      %swap3A_53 = arith.constant 0 : index
      %swap3A_54 = arith.constant 0 : index
      %swap3A_55 = vector.load %arg4[%swap3A_53, %swap3A_54] : memref<128x128xf32, #tpu.memory_space<vmem>>, vector<128x128xf32>
      tpu.vector_store %arg4[%swap3A_53, %swap3A_54], %broadcast_in_dim3A_52 {strides = array<i32>} : memref<128x128xf32, #tpu.memory_space<vmem>>, vector<128x128xf32>,
      %broadcast_in_dim3A_56 = arith.constant 0.000000e+00 : f32
      %broadcast_in_dim3A_57 = vector.broadcast %broadcast_in_dim3A_56 : f32 to vector<128x1xf32>
      %swap3A_58 = arith.constant 0 : index
      %swap3A_59 = arith.constant 0 : index
      %swap3A_60 = vector.load %arg5[%swap3A_58, %swap3A_59] : memref<128x1xf32, #tpu.memory_space<vmem>>, vector<128x1xf32>
      tpu.vector_store %arg5[%swap3A_58, %swap3A_59], %broadcast_in_dim3A_57 {strides = array<i32>} : memref<128x1xf32, #tpu.memory_space<vmem>>, vector<128x1xf32>,
      %broadcast_in_dim3A_61 = arith.constant 0.000000e+00 : f32
      %broadcast_in_dim3A_62 = vector.broadcast %broadcast_in_dim3A_61 : f32 to vector<1x128xf32>
      %swap3A_63 = arith.constant 0 : index
      %swap3A_64 = arith.constant 0 : index
      %swap3A_65 = vector.load %arg6[%swap3A_63, %swap3A_64] : memref<1x128xf32, #tpu.memory_space<vmem>>, vector<1x128xf32>
      tpu.vector_store %arg6[%swap3A_63, %swap3A_64], %broadcast_in_dim3A_62 {strides = array<i32>} : memref<1x128xf32, #tpu.memory_space<vmem>>, vector<1x128xf32>,
    } else {
    }
    %get3A = arith.constant 0 : index
    %get3A_2 = arith.constant 0 : index
    %get3A_3 = vector.load %arg1[%get3A, %get3A_2] : memref<2000x128xf32, #tpu.memory_space<vmem>>, vector<2000x128xf32>
    %get3A_4 = arith.constant 0 : index
    %get3A_5 = arith.constant 0 : index
    %get3A_6 = vector.load %arg2[%get3A_4, %get3A_5] : memref<2000x1xi32, #tpu.memory_space<vmem>>, vector<2000x1xi32>
    %iota3A = tpu.iota {dimensions = array<i32: 1>} : vector<1x128xi32>
    %eq3A_7 = vector.broadcast %get3A_6 : vector<2000x1xi32> to vector<2000x128xi32>
    %eq3A_8 = vector.broadcast %iota3A : vector<1x128xi32> to vector<2000x128xi32>
    %eq3A_9 = arith.cmpi eq, %eq3A_7, %eq3A_8 : vector<2000x128xi32>
    %convert_element_type3A_10 = arith.extui %eq3A_9 : vector<2000x128xi1> to vector<2000x128xi32>
    %convert_element_type3A_11 = arith.sitofp %convert_element_type3A_10 : vector<2000x128xi32> to vector<2000x128xf32>
    %get3A_12 = arith.constant 0 : index
    %get3A_13 = arith.constant 0 : index
    %get3A_14 = vector.load %arg3[%get3A_12, %get3A_13] : memref<128x128xf32, #tpu.memory_space<vmem>>, vector<128x128xf32>
    %dot_general3A = arith.constant dense<0.000000e+00> : vector<128x128xf32>
    %dot_general3A_15 = tpu.matmul %convert_element_type3A_11, %get3A_3, %dot_general3A {dimension_numbers = #tpu.dot_dimension_numbers<[0], [0], [1], [1], [0, 1, 1, 1], [], []>, transpose_lhs_hint = false} : vector<2000x128xf32>, vector<2000x128xf32>, vector<128x128xf32> -> vector<128x128xf32>
    %add3A = arith.addf %get3A_14, %dot_general3A_15 : vector<128x128xf32>
    %swap3A = arith.constant 0 : index
    %swap3A_16 = arith.constant 0 : index
    %swap3A_17 = vector.load %arg3[%swap3A, %swap3A_16] : memref<128x128xf32, #tpu.memory_space<vmem>>, vector<128x128xf32>
    tpu.vector_store %arg3[%swap3A, %swap3A_16], %add3A {strides = array<i32>} : memref<128x128xf32, #tpu.memory_space<vmem>>, vector<128x128xf32>,
    %get3A_18 = arith.constant 0 : index
    %get3A_19 = arith.constant 0 : index
    %get3A_20 = vector.load %arg4[%get3A_18, %get3A_19] : memref<128x128xf32, #tpu.memory_space<vmem>>, vector<128x128xf32>
    %mul3A = arith.mulf %get3A_3, %get3A_3 : vector<2000x128xf32>
    %dot_general3A_21 = arith.constant dense<0.000000e+00> : vector<128x128xf32>
    %dot_general3A_22 = tpu.matmul %convert_element_type3A_11, %mul3A, %dot_general3A_21 {dimension_numbers = #tpu.dot_dimension_numbers<[0], [0], [1], [1], [0, 1, 1, 1], [], []>, transpose_lhs_hint = false} : vector<2000x128xf32>, vector<2000x128xf32>, vector<128x128xf32> -> vector<128x128xf32>
    %add3A_23 = arith.addf %get3A_20, %dot_general3A_22 : vector<128x128xf32>
    %swap3A_24 = arith.constant 0 : index
    %swap3A_25 = arith.constant 0 : index
    %swap3A_26 = vector.load %arg4[%swap3A_24, %swap3A_25] : memref<128x128xf32, #tpu.memory_space<vmem>>, vector<128x128xf32>
    tpu.vector_store %arg4[%swap3A_24, %swap3A_25], %add3A_23 {strides = array<i32>} : memref<128x128xf32, #tpu.memory_space<vmem>>, vector<128x128xf32>,
    %get3A_27 = arith.constant 0 : index
    %get3A_28 = arith.constant 0 : index
    %get3A_29 = vector.load %arg5[%get3A_27, %get3A_28] : memref<128x1xf32, #tpu.memory_space<vmem>>, vector<128x1xf32>
    %broadcast_in_dim3A = arith.constant 1.000000e+00 : f32
    %broadcast_in_dim3A_30 = vector.broadcast %broadcast_in_dim3A : f32 to vector<2000x1xf32>
    %dot_general3A_31 = arith.constant dense<0.000000e+00> : vector<128x1xf32>
    %dot_general3A_32 = tpu.matmul %convert_element_type3A_11, %broadcast_in_dim3A_30, %dot_general3A_31 {dimension_numbers = #tpu.dot_dimension_numbers<[0], [0], [1], [1], [0, 1, 1, 1], [], []>, transpose_lhs_hint = false} : vector<2000x128xf32>, vector<2000x1xf32>, vector<128x1xf32> -> vector<128x1xf32>
    %add3A_33 = arith.addf %get3A_29, %dot_general3A_32 : vector<128x1xf32>
    %swap3A_34 = arith.constant 0 : index
    %swap3A_35 = arith.constant 0 : index
    %swap3A_36 = vector.load %arg5[%swap3A_34, %swap3A_35] : memref<128x1xf32, #tpu.memory_space<vmem>>, vector<128x1xf32>
    tpu.vector_store %arg5[%swap3A_34, %swap3A_35], %add3A_33 {strides = array<i32>} : memref<128x1xf32, #tpu.memory_space<vmem>>, vector<128x1xf32>,
    %get3A_37 = arith.constant 0 : index
    %get3A_38 = arith.constant 0 : index
    %get3A_39 = vector.load %arg6[%get3A_37, %get3A_38] : memref<1x128xf32, #tpu.memory_space<vmem>>, vector<1x128xf32>
    %reduce_sum3A = arith.constant dense<0.000000e+00> : vector<128xf32>
    %reduce_sum3A_40 = vector.multi_reduction <add>, %convert_element_type3A_11, %reduce_sum3A [0] : vector<2000x128xf32> to vector<128xf32>
    %broadcast_in_dim3A_41 = vector.shape_cast %reduce_sum3A_40 : vector<128xf32> to vector<1x128xf32>
    %add3A_42 = arith.addf %get3A_39, %broadcast_in_dim3A_41 : vector<1x128xf32>
    %swap3A_43 = arith.constant 0 : index
    %swap3A_44 = arith.constant 0 : index
    %swap3A_45 = vector.load %arg6[%swap3A_43, %swap3A_44] : memref<1x128xf32, #tpu.memory_space<vmem>>, vector<1x128xf32>
    tpu.vector_store %arg6[%swap3A_43, %swap3A_44], %add3A_42 {strides = array<i32>} : memref<1x128xf32, #tpu.memory_space<vmem>>, vector<1x128xf32>,
    return
  }
  func.func @transform_0(%arg0: i32) -> (i32, i32) {
    %c0_i32 = arith.constant 0 : i32
    %c0_i32_0 = arith.constant 0 : i32
    return %arg0, %c0_i32 : i32, i32
  }
  func.func @transform_1(%arg0: i32) -> (i32, i32) {
    %c0_i32 = arith.constant 0 : i32
    %c0_i32_0 = arith.constant 0 : i32
    return %arg0, %c0_i32 : i32, i32
  }
  func.func @transform_2(%arg0: i32) -> (i32, i32) {
    %c0_i32 = arith.constant 0 : i32
    %c0_i32_0 = arith.constant 0 : i32
    %c0_i32_1 = arith.constant 0 : i32
    return %c0_i32, %c0_i32_0 : i32, i32
  }
  func.func @transform_3(%arg0: i32) -> (i32, i32) {
    %c0_i32 = arith.constant 0 : i32
    %c0_i32_0 = arith.constant 0 : i32
    %c0_i32_1 = arith.constant 0 : i32
    return %c0_i32, %c0_i32_0 : i32, i32
  }
  func.func @transform_4(%arg0: i32) -> (i32, i32) {
    %c0_i32 = arith.constant 0 : i32
    %c0_i32_0 = arith.constant 0 : i32
    %c0_i32_1 = arith.constant 0 : i32
    return %c0_i32, %c0_i32_0 : i32, i32
  }
  func.func @transform_5(%arg0: i32) -> (i32, i32) {
    %c0_i32 = arith.constant 0 : i32
    %c0_i32_0 = arith.constant 0 : i32
    %c0_i32_1 = arith.constant 0 : i32
    return %c0_i32, %c0_i32_0 : i32, i32
  }
}

module attributes {stable_mosaic.version = 14 : i64} {
  func.func @_estats_body(%arg0: i32, %arg1: memref<8000x16xf32, #tpu.memory_space<vmem>>, %arg2: memref<8000x1xi32, #tpu.memory_space<vmem>>, %arg3: memref<1x128xf32, #tpu.memory_space<vmem>>, %arg4: memref<128x16xf32, #tpu.memory_space<vmem>>, %arg5: memref<128x16xf32, #tpu.memory_space<vmem>>, %arg6: memref<128x1xf32, #tpu.memory_space<vmem>>) attributes {dimension_semantics = [#tpu.dimension_semantics<arbitrary>], iteration_bounds = array<i64: 40>, scalar_prefetch = 0 : i64, scratch_operands = 0 : i64, tpu.core_type = #tpu.core_type<tc>, window_params = [{transform_indices = @transform_0, window_bounds = array<i64: 8000, 16>}, {transform_indices = @transform_1, window_bounds = array<i64: 8000, 1>}, {pipeline_mode = #tpu.pipeline_mode<synchronous>, transform_indices = @transform_2, window_bounds = array<i64: 1, 128>}, {pipeline_mode = #tpu.pipeline_mode<synchronous>, transform_indices = @transform_3, window_bounds = array<i64: 128, 16>}, {pipeline_mode = #tpu.pipeline_mode<synchronous>, transform_indices = @transform_4, window_bounds = array<i64: 128, 16>}, {pipeline_mode = #tpu.pipeline_mode<synchronous>, transform_indices = @transform_5, window_bounds = array<i64: 128, 1>}]} {
    %eq3A = arith.constant 0 : i32
    %eq3A_0 = arith.cmpi eq, %arg0, %eq3A : i32
    %convert_element_type3A = arith.extui %eq3A_0 : i1 to i32
    %cond3A = arith.constant 0 : i32
    %cond3A_1 = arith.cmpi ne, %convert_element_type3A, %cond3A : i32
    scf.if %cond3A_1 {
      %broadcast_in_dim3A_49 = arith.constant 0.000000e+00 : f32
      %broadcast_in_dim3A_50 = vector.broadcast %broadcast_in_dim3A_49 : f32 to vector<128x16xf32>
      %swap3A_51 = arith.constant 0 : index
      %swap3A_52 = arith.constant 0 : index
      %swap3A_53 = vector.load %arg4[%swap3A_51, %swap3A_52] : memref<128x16xf32, #tpu.memory_space<vmem>>, vector<128x16xf32>
      tpu.vector_store %arg4[%swap3A_51, %swap3A_52], %broadcast_in_dim3A_50 {strides = array<i32>} : memref<128x16xf32, #tpu.memory_space<vmem>>, vector<128x16xf32>,
      %broadcast_in_dim3A_54 = arith.constant 0.000000e+00 : f32
      %broadcast_in_dim3A_55 = vector.broadcast %broadcast_in_dim3A_54 : f32 to vector<128x16xf32>
      %swap3A_56 = arith.constant 0 : index
      %swap3A_57 = arith.constant 0 : index
      %swap3A_58 = vector.load %arg5[%swap3A_56, %swap3A_57] : memref<128x16xf32, #tpu.memory_space<vmem>>, vector<128x16xf32>
      tpu.vector_store %arg5[%swap3A_56, %swap3A_57], %broadcast_in_dim3A_55 {strides = array<i32>} : memref<128x16xf32, #tpu.memory_space<vmem>>, vector<128x16xf32>,
      %broadcast_in_dim3A_59 = arith.constant 0.000000e+00 : f32
      %broadcast_in_dim3A_60 = vector.broadcast %broadcast_in_dim3A_59 : f32 to vector<128x1xf32>
      %swap3A_61 = arith.constant 0 : index
      %swap3A_62 = arith.constant 0 : index
      %swap3A_63 = vector.load %arg6[%swap3A_61, %swap3A_62] : memref<128x1xf32, #tpu.memory_space<vmem>>, vector<128x1xf32>
      tpu.vector_store %arg6[%swap3A_61, %swap3A_62], %broadcast_in_dim3A_60 {strides = array<i32>} : memref<128x1xf32, #tpu.memory_space<vmem>>, vector<128x1xf32>,
    } else {
    }
    %get3A = arith.constant 0 : index
    %get3A_2 = arith.constant 0 : index
    %get3A_3 = vector.load %arg1[%get3A, %get3A_2] : memref<8000x16xf32, #tpu.memory_space<vmem>>, vector<8000x16xf32>
    %get3A_4 = arith.constant 0 : index
    %get3A_5 = arith.constant 0 : index
    %get3A_6 = vector.load %arg3[%get3A_4, %get3A_5] : memref<1x128xf32, #tpu.memory_space<vmem>>, vector<1x128xf32>
    %iota3A = tpu.iota {dimensions = array<i32: 0>} : vector<128x128xi32>
    %iota3A_7 = tpu.iota {dimensions = array<i32: 1>} : vector<128x128xi32>
    %lt3A = arith.cmpi slt, %iota3A, %iota3A_7 : vector<128x128xi32>
    %convert_element_type3A_8 = arith.extui %lt3A : vector<128x128xi1> to vector<128x128xi32>
    %convert_element_type3A_9 = arith.sitofp %convert_element_type3A_8 : vector<128x128xi32> to vector<128x128xf32>
    %dot_general3A = arith.constant dense<0.000000e+00> : vector<1x128xf32>
    %dot_general3A_10 = tpu.matmul %get3A_6, %convert_element_type3A_9, %dot_general3A {dimension_numbers = #tpu.dot_dimension_numbers<[1], [0], [0], [1], [0, 0, 1, 1], [], []>, transpose_lhs_hint = false} : vector<1x128xf32>, vector<128x128xf32>, vector<1x128xf32> -> vector<1x128xf32>
    %add3A = arith.addf %dot_general3A_10, %get3A_6 : vector<1x128xf32>
    %get3A_11 = arith.constant 0 : index
    %get3A_12 = arith.constant 0 : index
    %get3A_13 = vector.load %arg2[%get3A_11, %get3A_12] : memref<8000x1xi32, #tpu.memory_space<vmem>>, vector<8000x1xi32>
    %convert_element_type3A_14 = arith.sitofp %get3A_13 : vector<8000x1xi32> to vector<8000x1xf32>
    %ge3A = vector.broadcast %convert_element_type3A_14 : vector<8000x1xf32> to vector<8000x128xf32>
    %ge3A_15 = vector.broadcast %dot_general3A_10 : vector<1x128xf32> to vector<8000x128xf32>
    %ge3A_16 = arith.cmpf oge, %ge3A, %ge3A_15 : vector<8000x128xf32>
    %lt3A_17 = vector.broadcast %convert_element_type3A_14 : vector<8000x1xf32> to vector<8000x128xf32>
    %lt3A_18 = vector.broadcast %add3A : vector<1x128xf32> to vector<8000x128xf32>
    %lt3A_19 = arith.cmpf olt, %lt3A_17, %lt3A_18 : vector<8000x128xf32>
    %and3A = arith.andi %ge3A_16, %lt3A_19 : vector<8000x128xi1>
    %convert_element_type3A_20 = arith.extui %and3A : vector<8000x128xi1> to vector<8000x128xi32>
    %convert_element_type3A_21 = arith.sitofp %convert_element_type3A_20 : vector<8000x128xi32> to vector<8000x128xf32>
    %get3A_22 = arith.constant 0 : index
    %get3A_23 = arith.constant 0 : index
    %get3A_24 = vector.load %arg4[%get3A_22, %get3A_23] : memref<128x16xf32, #tpu.memory_space<vmem>>, vector<128x16xf32>
    %dot_general3A_25 = arith.constant dense<0.000000e+00> : vector<128x16xf32>
    %dot_general3A_26 = tpu.matmul %convert_element_type3A_21, %get3A_3, %dot_general3A_25 {dimension_numbers = #tpu.dot_dimension_numbers<[0], [0], [1], [1], [0, 1, 1, 1], [], []>, transpose_lhs_hint = false} : vector<8000x128xf32>, vector<8000x16xf32>, vector<128x16xf32> -> vector<128x16xf32>
    %add3A_27 = arith.addf %get3A_24, %dot_general3A_26 : vector<128x16xf32>
    %swap3A = arith.constant 0 : index
    %swap3A_28 = arith.constant 0 : index
    %swap3A_29 = vector.load %arg4[%swap3A, %swap3A_28] : memref<128x16xf32, #tpu.memory_space<vmem>>, vector<128x16xf32>
    tpu.vector_store %arg4[%swap3A, %swap3A_28], %add3A_27 {strides = array<i32>} : memref<128x16xf32, #tpu.memory_space<vmem>>, vector<128x16xf32>,
    %get3A_30 = arith.constant 0 : index
    %get3A_31 = arith.constant 0 : index
    %get3A_32 = vector.load %arg5[%get3A_30, %get3A_31] : memref<128x16xf32, #tpu.memory_space<vmem>>, vector<128x16xf32>
    %mul3A = arith.mulf %get3A_3, %get3A_3 : vector<8000x16xf32>
    %dot_general3A_33 = arith.constant dense<0.000000e+00> : vector<128x16xf32>
    %dot_general3A_34 = tpu.matmul %convert_element_type3A_21, %mul3A, %dot_general3A_33 {dimension_numbers = #tpu.dot_dimension_numbers<[0], [0], [1], [1], [0, 1, 1, 1], [], []>, transpose_lhs_hint = false} : vector<8000x128xf32>, vector<8000x16xf32>, vector<128x16xf32> -> vector<128x16xf32>
    %add3A_35 = arith.addf %get3A_32, %dot_general3A_34 : vector<128x16xf32>
    %swap3A_36 = arith.constant 0 : index
    %swap3A_37 = arith.constant 0 : index
    %swap3A_38 = vector.load %arg5[%swap3A_36, %swap3A_37] : memref<128x16xf32, #tpu.memory_space<vmem>>, vector<128x16xf32>
    tpu.vector_store %arg5[%swap3A_36, %swap3A_37], %add3A_35 {strides = array<i32>} : memref<128x16xf32, #tpu.memory_space<vmem>>, vector<128x16xf32>,
    %get3A_39 = arith.constant 0 : index
    %get3A_40 = arith.constant 0 : index
    %get3A_41 = vector.load %arg6[%get3A_39, %get3A_40] : memref<128x1xf32, #tpu.memory_space<vmem>>, vector<128x1xf32>
    %broadcast_in_dim3A = arith.constant 1.000000e+00 : f32
    %broadcast_in_dim3A_42 = vector.broadcast %broadcast_in_dim3A : f32 to vector<8000x1xf32>
    %dot_general3A_43 = arith.constant dense<0.000000e+00> : vector<128x1xf32>
    %dot_general3A_44 = tpu.matmul %convert_element_type3A_21, %broadcast_in_dim3A_42, %dot_general3A_43 {dimension_numbers = #tpu.dot_dimension_numbers<[0], [0], [1], [1], [0, 1, 1, 1], [], []>, transpose_lhs_hint = false} : vector<8000x128xf32>, vector<8000x1xf32>, vector<128x1xf32> -> vector<128x1xf32>
    %add3A_45 = arith.addf %get3A_41, %dot_general3A_44 : vector<128x1xf32>
    %swap3A_46 = arith.constant 0 : index
    %swap3A_47 = arith.constant 0 : index
    %swap3A_48 = vector.load %arg6[%swap3A_46, %swap3A_47] : memref<128x1xf32, #tpu.memory_space<vmem>>, vector<128x1xf32>
    tpu.vector_store %arg6[%swap3A_46, %swap3A_47], %add3A_45 {strides = array<i32>} : memref<128x1xf32, #tpu.memory_space<vmem>>, vector<128x1xf32>,
    return
  }
  func.func @transform_0(%arg0: i32) -> (i32, i32) {
    %c0_i32 = arith.constant 0 : i32
    %c0_i32_0 = arith.constant 0 : i32
    return %arg0, %c0_i32 : i32, i32
  }
  func.func @transform_1(%arg0: i32) -> (i32, i32) {
    %c0_i32 = arith.constant 0 : i32
    %c0_i32_0 = arith.constant 0 : i32
    return %arg0, %c0_i32 : i32, i32
  }
  func.func @transform_2(%arg0: i32) -> (i32, i32) {
    %c0_i32 = arith.constant 0 : i32
    %c0_i32_0 = arith.constant 0 : i32
    %c0_i32_1 = arith.constant 0 : i32
    return %c0_i32, %c0_i32_0 : i32, i32
  }
  func.func @transform_3(%arg0: i32) -> (i32, i32) {
    %c0_i32 = arith.constant 0 : i32
    %c0_i32_0 = arith.constant 0 : i32
    %c0_i32_1 = arith.constant 0 : i32
    return %c0_i32, %c0_i32_0 : i32, i32
  }
  func.func @transform_4(%arg0: i32) -> (i32, i32) {
    %c0_i32 = arith.constant 0 : i32
    %c0_i32_0 = arith.constant 0 : i32
    %c0_i32_1 = arith.constant 0 : i32
    return %c0_i32, %c0_i32_0 : i32, i32
  }
  func.func @transform_5(%arg0: i32) -> (i32, i32) {
    %c0_i32 = arith.constant 0 : i32
    %c0_i32_0 = arith.constant 0 : i32
    %c0_i32_1 = arith.constant 0 : i32
    return %c0_i32, %c0_i32_0 : i32, i32
  }
}

module attributes {stable_mosaic.version = 14 : i64} {
  func.func @_eembed_body(%arg0: i32, %arg1: memref<8000x16xf32, #tpu.memory_space<vmem>>, %arg2: memref<8000x1xi32, #tpu.memory_space<vmem>>, %arg3: memref<1x128xf32, #tpu.memory_space<vmem>>, %arg4: memref<128x16xf32, #tpu.memory_space<vmem>>, %arg5: memref<128x16xf32, #tpu.memory_space<vmem>>, %arg6: memref<128x1xf32, #tpu.memory_space<vmem>>, %arg7: memref<16x16xf32, #tpu.memory_space<vmem>>, %arg8: memref<1x16xf32, #tpu.memory_space<vmem>>, %arg9: memref<8000x32xf32, #tpu.memory_space<vmem>>) attributes {dimension_semantics = [#tpu.dimension_semantics<arbitrary>], iteration_bounds = array<i64: 40>, scalar_prefetch = 0 : i64, scratch_operands = 0 : i64, tpu.core_type = #tpu.core_type<tc>, window_params = [{transform_indices = @transform_0, window_bounds = array<i64: 8000, 16>}, {transform_indices = @transform_1, window_bounds = array<i64: 8000, 1>}, {pipeline_mode = #tpu.pipeline_mode<synchronous>, transform_indices = @transform_2, window_bounds = array<i64: 1, 128>}, {pipeline_mode = #tpu.pipeline_mode<synchronous>, transform_indices = @transform_3, window_bounds = array<i64: 128, 16>}, {pipeline_mode = #tpu.pipeline_mode<synchronous>, transform_indices = @transform_4, window_bounds = array<i64: 128, 16>}, {pipeline_mode = #tpu.pipeline_mode<synchronous>, transform_indices = @transform_5, window_bounds = array<i64: 128, 1>}, {pipeline_mode = #tpu.pipeline_mode<synchronous>, transform_indices = @transform_6, window_bounds = array<i64: 16, 16>}, {pipeline_mode = #tpu.pipeline_mode<synchronous>, transform_indices = @transform_7, window_bounds = array<i64: 1, 16>}, {transform_indices = @transform_8, window_bounds = array<i64: 8000, 32>}]} {
    %get3A = arith.constant 0 : index
    %get3A_0 = arith.constant 0 : index
    %get3A_1 = vector.load %arg6[%get3A, %get3A_0] : memref<128x1xf32, #tpu.memory_space<vmem>>, vector<128x1xf32>
    %max3A = arith.constant 1.000000e+00 : f32
    %max3A_2 = vector.broadcast %max3A : f32 to vector<128x1xf32>
    %max3A_3 = arith.maximumf %get3A_1, %max3A_2 : vector<128x1xf32>
    %get3A_4 = arith.constant 0 : index
    %get3A_5 = arith.constant 0 : index
    %get3A_6 = vector.load %arg4[%get3A_4, %get3A_5] : memref<128x16xf32, #tpu.memory_space<vmem>>, vector<128x16xf32>
    %div3A = vector.broadcast %max3A_3 : vector<128x1xf32> to vector<128x16xf32>
    %div3A_7 = arith.divf %get3A_6, %div3A : vector<128x16xf32>
    %get3A_8 = arith.constant 0 : index
    %get3A_9 = arith.constant 0 : index
    %get3A_10 = vector.load %arg5[%get3A_8, %get3A_9] : memref<128x16xf32, #tpu.memory_space<vmem>>, vector<128x16xf32>
    %div3A_11 = vector.broadcast %max3A_3 : vector<128x1xf32> to vector<128x16xf32>
    %div3A_12 = arith.divf %get3A_10, %div3A_11 : vector<128x16xf32>
    %mul3A = arith.mulf %div3A_7, %div3A_7 : vector<128x16xf32>
    %sub3A = arith.subf %div3A_12, %mul3A : vector<128x16xf32>
    %max3A_13 = arith.constant 0.000000e+00 : f32
    %max3A_14 = vector.broadcast %max3A_13 : f32 to vector<128x16xf32>
    %max3A_15 = arith.maximumf %sub3A, %max3A_14 : vector<128x16xf32>
    %add3A = arith.constant 9.99999993E-9 : f32
    %add3A_16 = vector.broadcast %add3A : f32 to vector<128x16xf32>
    %add3A_17 = arith.addf %max3A_15, %add3A_16 : vector<128x16xf32>
    %sqrt3A = math.sqrt %add3A_17 : vector<128x16xf32>
    %get3A_18 = arith.constant 0 : index
    %get3A_19 = arith.constant 0 : index
    %get3A_20 = vector.load %arg3[%get3A_18, %get3A_19] : memref<1x128xf32, #tpu.memory_space<vmem>>, vector<1x128xf32>
    %iota3A = tpu.iota {dimensions = array<i32: 0>} : vector<128x128xi32>
    %iota3A_21 = tpu.iota {dimensions = array<i32: 1>} : vector<128x128xi32>
    %lt3A = arith.cmpi slt, %iota3A, %iota3A_21 : vector<128x128xi32>
    %convert_element_type3A = arith.extui %lt3A : vector<128x128xi1> to vector<128x128xi32>
    %convert_element_type3A_22 = arith.sitofp %convert_element_type3A : vector<128x128xi32> to vector<128x128xf32>
    %dot_general3A = arith.constant dense<0.000000e+00> : vector<1x128xf32>
    %dot_general3A_23 = tpu.matmul %get3A_20, %convert_element_type3A_22, %dot_general3A {dimension_numbers = #tpu.dot_dimension_numbers<[1], [0], [0], [1], [0, 0, 1, 1], [], []>, transpose_lhs_hint = false} : vector<1x128xf32>, vector<128x128xf32>, vector<1x128xf32> -> vector<1x128xf32>
    %add3A_24 = arith.addf %dot_general3A_23, %get3A_20 : vector<1x128xf32>
    %get3A_25 = arith.constant 0 : index
    %get3A_26 = arith.constant 0 : index
    %get3A_27 = vector.load %arg2[%get3A_25, %get3A_26] : memref<8000x1xi32, #tpu.memory_space<vmem>>, vector<8000x1xi32>
    %convert_element_type3A_28 = arith.sitofp %get3A_27 : vector<8000x1xi32> to vector<8000x1xf32>
    %ge3A = vector.broadcast %convert_element_type3A_28 : vector<8000x1xf32> to vector<8000x128xf32>
    %ge3A_29 = vector.broadcast %dot_general3A_23 : vector<1x128xf32> to vector<8000x128xf32>
    %ge3A_30 = arith.cmpf oge, %ge3A, %ge3A_29 : vector<8000x128xf32>
    %lt3A_31 = vector.broadcast %convert_element_type3A_28 : vector<8000x1xf32> to vector<8000x128xf32>
    %lt3A_32 = vector.broadcast %add3A_24 : vector<1x128xf32> to vector<8000x128xf32>
    %lt3A_33 = arith.cmpf olt, %lt3A_31, %lt3A_32 : vector<8000x128xf32>
    %and3A = arith.andi %ge3A_30, %lt3A_33 : vector<8000x128xi1>
    %convert_element_type3A_34 = arith.extui %and3A : vector<8000x128xi1> to vector<8000x128xi32>
    %convert_element_type3A_35 = arith.sitofp %convert_element_type3A_34 : vector<8000x128xi32> to vector<8000x128xf32>
    %dot_general3A_36 = arith.constant dense<0.000000e+00> : vector<8000x16xf32>
    %dot_general3A_37 = tpu.matmul %convert_element_type3A_35, %div3A_7, %dot_general3A_36 {dimension_numbers = #tpu.dot_dimension_numbers<[1], [0], [0], [1], [0, 0, 1, 1], [], []>, transpose_lhs_hint = false} : vector<8000x128xf32>, vector<128x16xf32>, vector<8000x16xf32> -> vector<8000x16xf32>
    %dot_general3A_38 = arith.constant dense<0.000000e+00> : vector<8000x16xf32>
    %dot_general3A_39 = tpu.matmul %convert_element_type3A_35, %sqrt3A, %dot_general3A_38 {dimension_numbers = #tpu.dot_dimension_numbers<[1], [0], [0], [1], [0, 0, 1, 1], [], []>, transpose_lhs_hint = false} : vector<8000x128xf32>, vector<128x16xf32>, vector<8000x16xf32> -> vector<8000x16xf32>
    %get3A_40 = arith.constant 0 : index
    %get3A_41 = arith.constant 0 : index
    %get3A_42 = vector.load %arg1[%get3A_40, %get3A_41] : memref<8000x16xf32, #tpu.memory_space<vmem>>, vector<8000x16xf32>
    %sub3A_43 = arith.subf %get3A_42, %dot_general3A_37 : vector<8000x16xf32>
    %add3A_44 = arith.constant 9.99999993E-9 : f32
    %add3A_45 = vector.broadcast %add3A_44 : f32 to vector<8000x16xf32>
    %add3A_46 = arith.addf %dot_general3A_39, %add3A_45 : vector<8000x16xf32>
    %div3A_47 = arith.divf %sub3A_43, %add3A_46 : vector<8000x16xf32>
    %get3A_48 = arith.constant 0 : index
    %get3A_49 = arith.constant 0 : index
    %get3A_50 = vector.load %arg7[%get3A_48, %get3A_49] : memref<16x16xf32, #tpu.memory_space<vmem>>, vector<16x16xf32>
    %dot_general3A_51 = arith.constant dense<0.000000e+00> : vector<8000x16xf32>
    %dot_general3A_52 = tpu.matmul %div3A_47, %get3A_50, %dot_general3A_51 {dimension_numbers = #tpu.dot_dimension_numbers<[1], [0], [0], [1], [0, 0, 1, 1], [], []>, transpose_lhs_hint = false} : vector<8000x16xf32>, vector<16x16xf32>, vector<8000x16xf32> -> vector<8000x16xf32>
    %get3A_53 = arith.constant 0 : index
    %get3A_54 = arith.constant 0 : index
    %get3A_55 = vector.load %arg8[%get3A_53, %get3A_54] : memref<1x16xf32, #tpu.memory_space<vmem>>, vector<1x16xf32>
    %add3A_56 = vector.broadcast %get3A_55 : vector<1x16xf32> to vector<8000x16xf32>
    %add3A_57 = arith.addf %dot_general3A_52, %add3A_56 : vector<8000x16xf32>
    %broadcast_in_dim3A = arith.constant 1.000000e+00 : f32
    %broadcast_in_dim3A_58 = vector.broadcast %broadcast_in_dim3A : f32 to vector<8000x1xf32>
    %broadcast_in_dim3A_59 = arith.constant 0.000000e+00 : f32
    %broadcast_in_dim3A_60 = vector.broadcast %broadcast_in_dim3A_59 : f32 to vector<8000x15xf32>
    %concatenate3A = tpu.concatenate %add3A_57, %broadcast_in_dim3A_58, %broadcast_in_dim3A_60 in 1 : vector<8000x16xf32>, vector<8000x1xf32>, vector<8000x15xf32> -> vector<8000x32xf32>
    %swap3A = arith.constant 0 : index
    %swap3A_61 = arith.constant 0 : index
    %swap3A_62 = vector.load %arg9[%swap3A, %swap3A_61] : memref<8000x32xf32, #tpu.memory_space<vmem>>, vector<8000x32xf32>
    tpu.vector_store %arg9[%swap3A, %swap3A_61], %concatenate3A {strides = array<i32>} : memref<8000x32xf32, #tpu.memory_space<vmem>>, vector<8000x32xf32>,
    return
  }
  func.func @transform_0(%arg0: i32) -> (i32, i32) {
    %c0_i32 = arith.constant 0 : i32
    %c0_i32_0 = arith.constant 0 : i32
    return %arg0, %c0_i32 : i32, i32
  }
  func.func @transform_1(%arg0: i32) -> (i32, i32) {
    %c0_i32 = arith.constant 0 : i32
    %c0_i32_0 = arith.constant 0 : i32
    return %arg0, %c0_i32 : i32, i32
  }
  func.func @transform_2(%arg0: i32) -> (i32, i32) {
    %c0_i32 = arith.constant 0 : i32
    %c0_i32_0 = arith.constant 0 : i32
    %c0_i32_1 = arith.constant 0 : i32
    return %c0_i32, %c0_i32_0 : i32, i32
  }
  func.func @transform_3(%arg0: i32) -> (i32, i32) {
    %c0_i32 = arith.constant 0 : i32
    %c0_i32_0 = arith.constant 0 : i32
    %c0_i32_1 = arith.constant 0 : i32
    return %c0_i32, %c0_i32_0 : i32, i32
  }
  func.func @transform_4(%arg0: i32) -> (i32, i32) {
    %c0_i32 = arith.constant 0 : i32
    %c0_i32_0 = arith.constant 0 : i32
    %c0_i32_1 = arith.constant 0 : i32
    return %c0_i32, %c0_i32_0 : i32, i32
  }
  func.func @transform_5(%arg0: i32) -> (i32, i32) {
    %c0_i32 = arith.constant 0 : i32
    %c0_i32_0 = arith.constant 0 : i32
    %c0_i32_1 = arith.constant 0 : i32
    return %c0_i32, %c0_i32_0 : i32, i32
  }
  func.func @transform_6(%arg0: i32) -> (i32, i32) {
    %c0_i32 = arith.constant 0 : i32
    %c0_i32_0 = arith.constant 0 : i32
    %c0_i32_1 = arith.constant 0 : i32
    return %c0_i32, %c0_i32_0 : i32, i32
  }
  func.func @transform_7(%arg0: i32) -> (i32, i32) {
    %c0_i32 = arith.constant 0 : i32
    %c0_i32_0 = arith.constant 0 : i32
    %c0_i32_1 = arith.constant 0 : i32
    return %c0_i32, %c0_i32_0 : i32, i32
  }
  func.func @transform_8(%arg0: i32) -> (i32, i32) {
    %c0_i32 = arith.constant 0 : i32
    %c0_i32_0 = arith.constant 0 : i32
    return %arg0, %c0_i32 : i32, i32
  }
}

module attributes {stable_mosaic.version = 14 : i64} {
  func.func @_layer1_body(%arg0: i32, %arg1: memref<2000x128xf32, #tpu.memory_space<vmem>>, %arg2: memref<2000x1xi32, #tpu.memory_space<vmem>>, %arg3: memref<128x128xf32, #tpu.memory_space<vmem>>, %arg4: memref<128x128xf32, #tpu.memory_space<vmem>>, %arg5: memref<128x1xf32, #tpu.memory_space<vmem>>, %arg6: memref<2000x32xf32, #tpu.memory_space<vmem>>, %arg7: memref<2000x32xf32, #tpu.memory_space<vmem>>, %arg8: memref<128x256xf32, #tpu.memory_space<vmem>>, %arg9: memref<1x256xf32, #tpu.memory_space<vmem>>, %arg10: memref<16x256xf32, #tpu.memory_space<vmem>>, %arg11: memref<1x256xf32, #tpu.memory_space<vmem>>, %arg12: memref<256x256xf32, #tpu.memory_space<vmem>>, %arg13: memref<1x256xf32, #tpu.memory_space<vmem>>, %arg14: memref<2000x128xf32, #tpu.memory_space<vmem>>, %arg15: memref<2000x128xf32, #tpu.memory_space<vmem>>) attributes {dimension_semantics = [#tpu.dimension_semantics<arbitrary>], iteration_bounds = array<i64: 5>, scalar_prefetch = 0 : i64, scratch_operands = 0 : i64, tpu.core_type = #tpu.core_type<tc>, window_params = [{transform_indices = @transform_0, window_bounds = array<i64: 2000, 128>}, {transform_indices = @transform_1, window_bounds = array<i64: 2000, 1>}, {pipeline_mode = #tpu.pipeline_mode<synchronous>, transform_indices = @transform_2, window_bounds = array<i64: 128, 128>}, {pipeline_mode = #tpu.pipeline_mode<synchronous>, transform_indices = @transform_3, window_bounds = array<i64: 128, 128>}, {pipeline_mode = #tpu.pipeline_mode<synchronous>, transform_indices = @transform_4, window_bounds = array<i64: 128, 1>}, {transform_indices = @transform_5, window_bounds = array<i64: 2000, 32>}, {transform_indices = @transform_6, window_bounds = array<i64: 2000, 32>}, {pipeline_mode = #tpu.pipeline_mode<synchronous>, transform_indices = @transform_7, window_bounds = array<i64: 128, 256>}, {pipeline_mode = #tpu.pipeline_mode<synchronous>, transform_indices = @transform_8, window_bounds = array<i64: 1, 256>}, {pipeline_mode = #tpu.pipeline_mode<synchronous>, transform_indices = @transform_9, window_bounds = array<i64: 16, 256>}, {pipeline_mode = #tpu.pipeline_mode<synchronous>, transform_indices = @transform_10, window_bounds = array<i64: 1, 256>}, {pipeline_mode = #tpu.pipeline_mode<synchronous>, transform_indices = @transform_11, window_bounds = array<i64: 256, 256>}, {pipeline_mode = #tpu.pipeline_mode<synchronous>, transform_indices = @transform_12, window_bounds = array<i64: 1, 256>}, {transform_indices = @transform_13, window_bounds = array<i64: 2000, 128>}, {transform_indices = @transform_14, window_bounds = array<i64: 2000, 128>}]} {
    %get3A = arith.constant 0 : index
    %get3A_0 = arith.constant 0 : index
    %get3A_1 = vector.load %arg5[%get3A, %get3A_0] : memref<128x1xf32, #tpu.memory_space<vmem>>, vector<128x1xf32>
    %max3A = arith.constant 1.000000e+00 : f32
    %max3A_2 = vector.broadcast %max3A : f32 to vector<128x1xf32>
    %max3A_3 = arith.maximumf %get3A_1, %max3A_2 : vector<128x1xf32>
    %get3A_4 = arith.constant 0 : index
    %get3A_5 = arith.constant 0 : index
    %get3A_6 = vector.load %arg3[%get3A_4, %get3A_5] : memref<128x128xf32, #tpu.memory_space<vmem>>, vector<128x128xf32>
    %div3A = vector.broadcast %max3A_3 : vector<128x1xf32> to vector<128x128xf32>
    %div3A_7 = arith.divf %get3A_6, %div3A : vector<128x128xf32>
    %get3A_8 = arith.constant 0 : index
    %get3A_9 = arith.constant 0 : index
    %get3A_10 = vector.load %arg4[%get3A_8, %get3A_9] : memref<128x128xf32, #tpu.memory_space<vmem>>, vector<128x128xf32>
    %div3A_11 = vector.broadcast %max3A_3 : vector<128x1xf32> to vector<128x128xf32>
    %div3A_12 = arith.divf %get3A_10, %div3A_11 : vector<128x128xf32>
    %mul3A = arith.mulf %div3A_7, %div3A_7 : vector<128x128xf32>
    %sub3A = arith.subf %div3A_12, %mul3A : vector<128x128xf32>
    %max3A_13 = arith.constant 0.000000e+00 : f32
    %max3A_14 = vector.broadcast %max3A_13 : f32 to vector<128x128xf32>
    %max3A_15 = arith.maximumf %sub3A, %max3A_14 : vector<128x128xf32>
    %add3A = arith.constant 9.99999993E-9 : f32
    %add3A_16 = vector.broadcast %add3A : f32 to vector<128x128xf32>
    %add3A_17 = arith.addf %max3A_15, %add3A_16 : vector<128x128xf32>
    %sqrt3A = math.sqrt %add3A_17 : vector<128x128xf32>
    %get3A_18 = arith.constant 0 : index
    %get3A_19 = arith.constant 0 : index
    %get3A_20 = vector.load %arg2[%get3A_18, %get3A_19] : memref<2000x1xi32, #tpu.memory_space<vmem>>, vector<2000x1xi32>
    %iota3A = tpu.iota {dimensions = array<i32: 1>} : vector<1x128xi32>
    %eq3A = vector.broadcast %get3A_20 : vector<2000x1xi32> to vector<2000x128xi32>
    %eq3A_21 = vector.broadcast %iota3A : vector<1x128xi32> to vector<2000x128xi32>
    %eq3A_22 = arith.cmpi eq, %eq3A, %eq3A_21 : vector<2000x128xi32>
    %convert_element_type3A = arith.extui %eq3A_22 : vector<2000x128xi1> to vector<2000x128xi32>
    %convert_element_type3A_23 = arith.sitofp %convert_element_type3A : vector<2000x128xi32> to vector<2000x128xf32>
    %dot_general3A = arith.constant dense<0.000000e+00> : vector<2000x128xf32>
    %dot_general3A_24 = tpu.matmul %convert_element_type3A_23, %div3A_7, %dot_general3A {dimension_numbers = #tpu.dot_dimension_numbers<[1], [0], [0], [1], [0, 0, 1, 1], [], []>, transpose_lhs_hint = false} : vector<2000x128xf32>, vector<128x128xf32>, vector<2000x128xf32> -> vector<2000x128xf32>
    %dot_general3A_25 = arith.constant dense<0.000000e+00> : vector<2000x128xf32>
    %dot_general3A_26 = tpu.matmul %convert_element_type3A_23, %sqrt3A, %dot_general3A_25 {dimension_numbers = #tpu.dot_dimension_numbers<[1], [0], [0], [1], [0, 0, 1, 1], [], []>, transpose_lhs_hint = false} : vector<2000x128xf32>, vector<128x128xf32>, vector<2000x128xf32> -> vector<2000x128xf32>
    %get3A_27 = arith.constant 0 : index
    %get3A_28 = arith.constant 0 : index
    %get3A_29 = vector.load %arg1[%get3A_27, %get3A_28] : memref<2000x128xf32, #tpu.memory_space<vmem>>, vector<2000x128xf32>
    %sub3A_30 = arith.subf %get3A_29, %dot_general3A_24 : vector<2000x128xf32>
    %add3A_31 = arith.constant 9.99999993E-9 : f32
    %add3A_32 = vector.broadcast %add3A_31 : f32 to vector<2000x128xf32>
    %add3A_33 = arith.addf %dot_general3A_26, %add3A_32 : vector<2000x128xf32>
    %div3A_34 = arith.divf %sub3A_30, %add3A_33 : vector<2000x128xf32>
    %get3A_35 = arith.constant 0 : index
    %get3A_36 = arith.constant 0 : index
    %get3A_37 = vector.load %arg8[%get3A_35, %get3A_36] : memref<128x256xf32, #tpu.memory_space<vmem>>, vector<128x256xf32>
    %dot_general3A_38 = arith.constant dense<0.000000e+00> : vector<2000x256xf32>
    %dot_general3A_39 = tpu.matmul %div3A_34, %get3A_37, %dot_general3A_38 {dimension_numbers = #tpu.dot_dimension_numbers<[1], [0], [0], [1], [0, 0, 1, 1], [], []>, transpose_lhs_hint = false} : vector<2000x128xf32>, vector<128x256xf32>, vector<2000x256xf32> -> vector<2000x256xf32>
    %get3A_40 = arith.constant 0 : index
    %get3A_41 = arith.constant 0 : index
    %get3A_42 = vector.load %arg9[%get3A_40, %get3A_41] : memref<1x256xf32, #tpu.memory_space<vmem>>, vector<1x256xf32>
    %add3A_43 = vector.broadcast %get3A_42 : vector<1x256xf32> to vector<2000x256xf32>
    %add3A_44 = arith.addf %dot_general3A_39, %add3A_43 : vector<2000x256xf32>
    %max3A_45 = arith.constant 0.000000e+00 : f32
    %max3A_46 = vector.broadcast %max3A_45 : f32 to vector<2000x256xf32>
    %max3A_47 = arith.maximumf %add3A_44, %max3A_46 : vector<2000x256xf32>
    %get3A_48 = arith.constant 0 : index
    %get3A_49 = arith.constant 0 : index
    %get3A_50 = vector.load %arg6[%get3A_48, %get3A_49] : memref<2000x32xf32, #tpu.memory_space<vmem>>, vector<2000x32xf32>
    %get3A_51 = arith.constant 0 : index
    %get3A_52 = arith.constant 0 : index
    %get3A_53 = vector.load %arg7[%get3A_51, %get3A_52] : memref<2000x32xf32, #tpu.memory_space<vmem>>, vector<2000x32xf32>
    %slice3A = vector.extract_strided_slice %get3A_50 {offsets = [0, 16], sizes = [2000, 1], strides = [1, 1]} : vector<2000x32xf32> to vector<2000x1xf32>
    %slice3A_54 = vector.extract_strided_slice %get3A_53 {offsets = [0, 16], sizes = [2000, 1], strides = [1, 1]} : vector<2000x32xf32> to vector<2000x1xf32>
    %add3A_55 = arith.addf %slice3A, %slice3A_54 : vector<2000x1xf32>
    %gt3A = arith.constant 0.000000e+00 : f32
    %gt3A_56 = vector.broadcast %gt3A : f32 to vector<2000x1xf32>
    %gt3A_57 = arith.cmpf ogt, %add3A_55, %gt3A_56 : vector<2000x1xf32>
    %convert_element_type3A_58 = arith.extui %gt3A_57 : vector<2000x1xi1> to vector<2000x1xi32>
    %convert_element_type3A_59 = arith.sitofp %convert_element_type3A_58 : vector<2000x1xi32> to vector<2000x1xf32>
    %gt3A_60 = arith.constant 0.000000e+00 : f32
    %gt3A_61 = vector.broadcast %gt3A_60 : f32 to vector<2000x1xf32>
    %gt3A_62 = arith.cmpf ogt, %add3A_55, %gt3A_61 : vector<2000x1xf32>
    %max3A_63 = arith.constant 1.000000e+00 : f32
    %max3A_64 = vector.broadcast %max3A_63 : f32 to vector<2000x1xf32>
    %max3A_65 = arith.maximumf %add3A_55, %max3A_64 : vector<2000x1xf32>
    %rsqrt3A = math.rsqrt %max3A_65 : vector<2000x1xf32>
    %jit3A = arith.constant 0.000000e+00 : f32
    %broadcast_in_dim3A = vector.broadcast %jit3A : f32 to vector<2000x1xf32>
    %select_n3A = arith.select %gt3A_62, %rsqrt3A, %broadcast_in_dim3A : vector<2000x1xi1>, vector<2000x1xf32>
    %slice3A_66 = vector.extract_strided_slice %get3A_50 {offsets = [0, 0], sizes = [2000, 16], strides = [1, 1]} : vector<2000x32xf32> to vector<2000x16xf32>
    %slice3A_67 = vector.extract_strided_slice %get3A_53 {offsets = [0, 0], sizes = [2000, 16], strides = [1, 1]} : vector<2000x32xf32> to vector<2000x16xf32>
    %add3A_68 = arith.addf %slice3A_66, %slice3A_67 : vector<2000x16xf32>
    %max3A_69 = arith.constant 1.000000e+00 : f32
    %max3A_70 = vector.broadcast %max3A_69 : f32 to vector<2000x1xf32>
    %max3A_71 = arith.maximumf %add3A_55, %max3A_70 : vector<2000x1xf32>
    %div3A_72 = vector.broadcast %max3A_71 : vector<2000x1xf32> to vector<2000x16xf32>
    %div3A_73 = arith.divf %add3A_68, %div3A_72 : vector<2000x16xf32>
    %get3A_74 = arith.constant 0 : index
    %get3A_75 = arith.constant 0 : index
    %get3A_76 = vector.load %arg10[%get3A_74, %get3A_75] : memref<16x256xf32, #tpu.memory_space<vmem>>, vector<16x256xf32>
    %dot_general3A_77 = arith.constant dense<0.000000e+00> : vector<2000x256xf32>
    %dot_general3A_78 = tpu.matmul %div3A_73, %get3A_76, %dot_general3A_77 {dimension_numbers = #tpu.dot_dimension_numbers<[1], [0], [0], [1], [0, 0, 1, 1], [], []>, transpose_lhs_hint = false} : vector<2000x16xf32>, vector<16x256xf32>, vector<2000x256xf32> -> vector<2000x256xf32>
    %add3A_79 = arith.addf %max3A_47, %dot_general3A_78 : vector<2000x256xf32>
    %get3A_80 = arith.constant 0 : index
    %get3A_81 = arith.constant 0 : index
    %get3A_82 = vector.load %arg11[%get3A_80, %get3A_81] : memref<1x256xf32, #tpu.memory_space<vmem>>, vector<1x256xf32>
    %mul3A_83 = vector.broadcast %convert_element_type3A_59 : vector<2000x1xf32> to vector<2000x256xf32>
    %mul3A_84 = vector.broadcast %get3A_82 : vector<1x256xf32> to vector<2000x256xf32>
    %mul3A_85 = arith.mulf %mul3A_83, %mul3A_84 : vector<2000x256xf32>
    %add3A_86 = arith.addf %add3A_79, %mul3A_85 : vector<2000x256xf32>
    %get3A_87 = arith.constant 0 : index
    %get3A_88 = arith.constant 0 : index
    %get3A_89 = vector.load %arg12[%get3A_87, %get3A_88] : memref<256x256xf32, #tpu.memory_space<vmem>>, vector<256x256xf32>
    %dot_general3A_90 = arith.constant dense<0.000000e+00> : vector<2000x256xf32>
    %dot_general3A_91 = tpu.matmul %add3A_86, %get3A_89, %dot_general3A_90 {dimension_numbers = #tpu.dot_dimension_numbers<[1], [0], [0], [1], [0, 0, 1, 1], [], []>, transpose_lhs_hint = false} : vector<2000x256xf32>, vector<256x256xf32>, vector<2000x256xf32> -> vector<2000x256xf32>
    %get3A_92 = arith.constant 0 : index
    %get3A_93 = arith.constant 0 : index
    %get3A_94 = vector.load %arg13[%get3A_92, %get3A_93] : memref<1x256xf32, #tpu.memory_space<vmem>>, vector<1x256xf32>
    %add3A_95 = vector.broadcast %get3A_94 : vector<1x256xf32> to vector<2000x256xf32>
    %add3A_96 = arith.addf %dot_general3A_91, %add3A_95 : vector<2000x256xf32>
    %mul3A_97 = vector.broadcast %select_n3A : vector<2000x1xf32> to vector<2000x256xf32>
    %mul3A_98 = arith.mulf %mul3A_97, %add3A_96 : vector<2000x256xf32>
    %slice3A_99 = vector.extract_strided_slice %mul3A_98 {offsets = [0, 0], sizes = [2000, 128], strides = [1, 1]} : vector<2000x256xf32> to vector<2000x128xf32>
    %swap3A = arith.constant 0 : index
    %swap3A_100 = arith.constant 0 : index
    %swap3A_101 = vector.load %arg14[%swap3A, %swap3A_100] : memref<2000x128xf32, #tpu.memory_space<vmem>>, vector<2000x128xf32>
    tpu.vector_store %arg14[%swap3A, %swap3A_100], %slice3A_99 {strides = array<i32>} : memref<2000x128xf32, #tpu.memory_space<vmem>>, vector<2000x128xf32>,
    %slice3A_102 = vector.extract_strided_slice %mul3A_98 {offsets = [0, 128], sizes = [2000, 128], strides = [1, 1]} : vector<2000x256xf32> to vector<2000x128xf32>
    %swap3A_103 = arith.constant 0 : index
    %swap3A_104 = arith.constant 0 : index
    %swap3A_105 = vector.load %arg15[%swap3A_103, %swap3A_104] : memref<2000x128xf32, #tpu.memory_space<vmem>>, vector<2000x128xf32>
    tpu.vector_store %arg15[%swap3A_103, %swap3A_104], %slice3A_102 {strides = array<i32>} : memref<2000x128xf32, #tpu.memory_space<vmem>>, vector<2000x128xf32>,
    return
  }
  func.func @transform_0(%arg0: i32) -> (i32, i32) {
    %c0_i32 = arith.constant 0 : i32
    %c0_i32_0 = arith.constant 0 : i32
    return %arg0, %c0_i32 : i32, i32
  }
  func.func @transform_1(%arg0: i32) -> (i32, i32) {
    %c0_i32 = arith.constant 0 : i32
    %c0_i32_0 = arith.constant 0 : i32
    return %arg0, %c0_i32 : i32, i32
  }
  func.func @transform_2(%arg0: i32) -> (i32, i32) {
    %c0_i32 = arith.constant 0 : i32
    %c0_i32_0 = arith.constant 0 : i32
    %c0_i32_1 = arith.constant 0 : i32
    return %c0_i32, %c0_i32_0 : i32, i32
  }
  func.func @transform_3(%arg0: i32) -> (i32, i32) {
    %c0_i32 = arith.constant 0 : i32
    %c0_i32_0 = arith.constant 0 : i32
    %c0_i32_1 = arith.constant 0 : i32
    return %c0_i32, %c0_i32_0 : i32, i32
  }
  func.func @transform_4(%arg0: i32) -> (i32, i32) {
    %c0_i32 = arith.constant 0 : i32
    %c0_i32_0 = arith.constant 0 : i32
    %c0_i32_1 = arith.constant 0 : i32
    return %c0_i32, %c0_i32_0 : i32, i32
  }
  func.func @transform_5(%arg0: i32) -> (i32, i32) {
    %c0_i32 = arith.constant 0 : i32
    %c0_i32_0 = arith.constant 0 : i32
    return %arg0, %c0_i32 : i32, i32
  }
  func.func @transform_6(%arg0: i32) -> (i32, i32) {
    %add3A = arith.constant 5 : i32
    %add3A_0 = arith.addi %arg0, %add3A : i32
    %c0_i32 = arith.constant 0 : i32
    %c0_i32_1 = arith.constant 0 : i32
    return %add3A_0, %c0_i32 : i32, i32
  }
  func.func @transform_7(%arg0: i32) -> (i32, i32) {
    %c0_i32 = arith.constant 0 : i32
    %c0_i32_0 = arith.constant 0 : i32
    %c0_i32_1 = arith.constant 0 : i32
    return %c0_i32, %c0_i32_0 : i32, i32
  }
  func.func @transform_8(%arg0: i32) -> (i32, i32) {
    %c0_i32 = arith.constant 0 : i32
    %c0_i32_0 = arith.constant 0 : i32
    %c0_i32_1 = arith.constant 0 : i32
    return %c0_i32, %c0_i32_0 : i32, i32
  }
  func.func @transform_9(%arg0: i32) -> (i32, i32) {
    %c0_i32 = arith.constant 0 : i32
    %c0_i32_0 = arith.constant 0 : i32
    %c0_i32_1 = arith.constant 0 : i32
    return %c0_i32, %c0_i32_0 : i32, i32
  }
  func.func @transform_10(%arg0: i32) -> (i32, i32) {
    %c0_i32 = arith.constant 0 : i32
    %c0_i32_0 = arith.constant 0 : i32
    %c0_i32_1 = arith.constant 0 : i32
    return %c0_i32, %c0_i32_0 : i32, i32
  }
  func.func @transform_11(%arg0: i32) -> (i32, i32) {
    %c0_i32 = arith.constant 0 : i32
    %c0_i32_0 = arith.constant 0 : i32
    %c0_i32_1 = arith.constant 0 : i32
    return %c0_i32, %c0_i32_0 : i32, i32
  }
  func.func @transform_12(%arg0: i32) -> (i32, i32) {
    %c0_i32 = arith.constant 0 : i32
    %c0_i32_0 = arith.constant 0 : i32
    %c0_i32_1 = arith.constant 0 : i32
    return %c0_i32, %c0_i32_0 : i32, i32
  }
  func.func @transform_13(%arg0: i32) -> (i32, i32) {
    %c0_i32 = arith.constant 0 : i32
    %c0_i32_0 = arith.constant 0 : i32
    return %arg0, %c0_i32 : i32, i32
  }
  func.func @transform_14(%arg0: i32) -> (i32, i32) {
    %c0_i32 = arith.constant 0 : i32
    %c0_i32_0 = arith.constant 0 : i32
    return %arg0, %c0_i32 : i32, i32
  }
}

module attributes {stable_mosaic.version = 14 : i64} {
  func.func @_bnstats_body(%arg0: i32, %arg1: memref<2000x128xf32, #tpu.memory_space<vmem>>, %arg2: memref<2000x128xf32, #tpu.memory_space<vmem>>, %arg3: memref<2000x32xf32, #tpu.memory_space<vmem>>, %arg4: memref<2000x32xf32, #tpu.memory_space<vmem>>, %arg5: memref<1x256xf32, #tpu.memory_space<vmem>>, %arg6: memref<1x256xf32, #tpu.memory_space<vmem>>) attributes {dimension_semantics = [#tpu.dimension_semantics<arbitrary>], iteration_bounds = array<i64: 5>, scalar_prefetch = 0 : i64, scratch_operands = 0 : i64, tpu.core_type = #tpu.core_type<tc>, window_params = [{transform_indices = @transform_0, window_bounds = array<i64: 2000, 128>}, {transform_indices = @transform_1, window_bounds = array<i64: 2000, 128>}, {transform_indices = @transform_2, window_bounds = array<i64: 2000, 32>}, {transform_indices = @transform_3, window_bounds = array<i64: 2000, 32>}, {pipeline_mode = #tpu.pipeline_mode<synchronous>, transform_indices = @transform_4, window_bounds = array<i64: 1, 256>}, {pipeline_mode = #tpu.pipeline_mode<synchronous>, transform_indices = @transform_5, window_bounds = array<i64: 1, 256>}]} {
    %eq3A = arith.constant 0 : i32
    %eq3A_0 = arith.cmpi eq, %arg0, %eq3A : i32
    %convert_element_type3A = arith.extui %eq3A_0 : i1 to i32
    %cond3A = arith.constant 0 : i32
    %cond3A_1 = arith.cmpi ne, %convert_element_type3A, %cond3A : i32
    scf.if %cond3A_1 {
      %broadcast_in_dim3A_38 = arith.constant 0.000000e+00 : f32
      %broadcast_in_dim3A_39 = vector.broadcast %broadcast_in_dim3A_38 : f32 to vector<1x256xf32>
      %swap3A_40 = arith.constant 0 : index
      %swap3A_41 = arith.constant 0 : index
      %swap3A_42 = vector.load %arg5[%swap3A_40, %swap3A_41] : memref<1x256xf32, #tpu.memory_space<vmem>>, vector<1x256xf32>
      tpu.vector_store %arg5[%swap3A_40, %swap3A_41], %broadcast_in_dim3A_39 {strides = array<i32>} : memref<1x256xf32, #tpu.memory_space<vmem>>, vector<1x256xf32>,
      %broadcast_in_dim3A_43 = arith.constant 0.000000e+00 : f32
      %broadcast_in_dim3A_44 = vector.broadcast %broadcast_in_dim3A_43 : f32 to vector<1x256xf32>
      %swap3A_45 = arith.constant 0 : index
      %swap3A_46 = arith.constant 0 : index
      %swap3A_47 = vector.load %arg6[%swap3A_45, %swap3A_46] : memref<1x256xf32, #tpu.memory_space<vmem>>, vector<1x256xf32>
      tpu.vector_store %arg6[%swap3A_45, %swap3A_46], %broadcast_in_dim3A_44 {strides = array<i32>} : memref<1x256xf32, #tpu.memory_space<vmem>>, vector<1x256xf32>,
    } else {
    }
    %get3A = arith.constant 0 : index
    %get3A_2 = arith.constant 0 : index
    %get3A_3 = vector.load %arg3[%get3A, %get3A_2] : memref<2000x32xf32, #tpu.memory_space<vmem>>, vector<2000x32xf32>
    %get3A_4 = arith.constant 0 : index
    %get3A_5 = arith.constant 0 : index
    %get3A_6 = vector.load %arg4[%get3A_4, %get3A_5] : memref<2000x32xf32, #tpu.memory_space<vmem>>, vector<2000x32xf32>
    %slice3A = vector.extract_strided_slice %get3A_3 {offsets = [0, 16], sizes = [2000, 1], strides = [1, 1]} : vector<2000x32xf32> to vector<2000x1xf32>
    %slice3A_7 = vector.extract_strided_slice %get3A_6 {offsets = [0, 16], sizes = [2000, 1], strides = [1, 1]} : vector<2000x32xf32> to vector<2000x1xf32>
    %add3A = arith.addf %slice3A, %slice3A_7 : vector<2000x1xf32>
    %gt3A = arith.constant 0.000000e+00 : f32
    %gt3A_8 = vector.broadcast %gt3A : f32 to vector<2000x1xf32>
    %gt3A_9 = arith.cmpf ogt, %add3A, %gt3A_8 : vector<2000x1xf32>
    %max3A = arith.constant 1.000000e+00 : f32
    %max3A_10 = vector.broadcast %max3A : f32 to vector<2000x1xf32>
    %max3A_11 = arith.maximumf %add3A, %max3A_10 : vector<2000x1xf32>
    %rsqrt3A = math.rsqrt %max3A_11 : vector<2000x1xf32>
    %jit3A = arith.constant 0.000000e+00 : f32
    %broadcast_in_dim3A = vector.broadcast %jit3A : f32 to vector<2000x1xf32>
    %select_n3A = arith.select %gt3A_9, %rsqrt3A, %broadcast_in_dim3A : vector<2000x1xi1>, vector<2000x1xf32>
    %get3A_12 = arith.constant 0 : index
    %get3A_13 = arith.constant 0 : index
    %get3A_14 = vector.load %arg1[%get3A_12, %get3A_13] : memref<2000x128xf32, #tpu.memory_space<vmem>>, vector<2000x128xf32>
    %get3A_15 = arith.constant 0 : index
    %get3A_16 = arith.constant 0 : index
    %get3A_17 = vector.load %arg2[%get3A_15, %get3A_16] : memref<2000x128xf32, #tpu.memory_space<vmem>>, vector<2000x128xf32>
    %concatenate3A = tpu.concatenate %get3A_14, %get3A_17 in 1 : vector<2000x128xf32>, vector<2000x128xf32> -> vector<2000x256xf32>
    %mul3A = vector.broadcast %select_n3A : vector<2000x1xf32> to vector<2000x256xf32>
    %mul3A_18 = arith.mulf %concatenate3A, %mul3A : vector<2000x256xf32>
    %get3A_19 = arith.constant 0 : index
    %get3A_20 = arith.constant 0 : index
    %get3A_21 = vector.load %arg5[%get3A_19, %get3A_20] : memref<1x256xf32, #tpu.memory_space<vmem>>, vector<1x256xf32>
    %reduce_sum3A = arith.constant dense<0.000000e+00> : vector<256xf32>
    %reduce_sum3A_22 = vector.multi_reduction <add>, %mul3A_18, %reduce_sum3A [0] : vector<2000x256xf32> to vector<256xf32>
    %broadcast_in_dim3A_23 = vector.shape_cast %reduce_sum3A_22 : vector<256xf32> to vector<1x256xf32>
    %add3A_24 = arith.addf %get3A_21, %broadcast_in_dim3A_23 : vector<1x256xf32>
    %swap3A = arith.constant 0 : index
    %swap3A_25 = arith.constant 0 : index
    %swap3A_26 = vector.load %arg5[%swap3A, %swap3A_25] : memref<1x256xf32, #tpu.memory_space<vmem>>, vector<1x256xf32>
    tpu.vector_store %arg5[%swap3A, %swap3A_25], %add3A_24 {strides = array<i32>} : memref<1x256xf32, #tpu.memory_space<vmem>>, vector<1x256xf32>,
    %get3A_27 = arith.constant 0 : index
    %get3A_28 = arith.constant 0 : index
    %get3A_29 = vector.load %arg6[%get3A_27, %get3A_28] : memref<1x256xf32, #tpu.memory_space<vmem>>, vector<1x256xf32>
    %mul3A_30 = arith.mulf %mul3A_18, %mul3A_18 : vector<2000x256xf32>
    %reduce_sum3A_31 = arith.constant dense<0.000000e+00> : vector<256xf32>
    %reduce_sum3A_32 = vector.multi_reduction <add>, %mul3A_30, %reduce_sum3A_31 [0] : vector<2000x256xf32> to vector<256xf32>
    %broadcast_in_dim3A_33 = vector.shape_cast %reduce_sum3A_32 : vector<256xf32> to vector<1x256xf32>
    %add3A_34 = arith.addf %get3A_29, %broadcast_in_dim3A_33 : vector<1x256xf32>
    %swap3A_35 = arith.constant 0 : index
    %swap3A_36 = arith.constant 0 : index
    %swap3A_37 = vector.load %arg6[%swap3A_35, %swap3A_36] : memref<1x256xf32, #tpu.memory_space<vmem>>, vector<1x256xf32>
    tpu.vector_store %arg6[%swap3A_35, %swap3A_36], %add3A_34 {strides = array<i32>} : memref<1x256xf32, #tpu.memory_space<vmem>>, vector<1x256xf32>,
    return
  }
  func.func @transform_0(%arg0: i32) -> (i32, i32) {
    %c0_i32 = arith.constant 0 : i32
    %c0_i32_0 = arith.constant 0 : i32
    return %arg0, %c0_i32 : i32, i32
  }
  func.func @transform_1(%arg0: i32) -> (i32, i32) {
    %add3A = arith.constant 5 : i32
    %add3A_0 = arith.addi %arg0, %add3A : i32
    %c0_i32 = arith.constant 0 : i32
    %c0_i32_1 = arith.constant 0 : i32
    return %add3A_0, %c0_i32 : i32, i32
  }
  func.func @transform_2(%arg0: i32) -> (i32, i32) {
    %c0_i32 = arith.constant 0 : i32
    %c0_i32_0 = arith.constant 0 : i32
    return %arg0, %c0_i32 : i32, i32
  }
  func.func @transform_3(%arg0: i32) -> (i32, i32) {
    %add3A = arith.constant 5 : i32
    %add3A_0 = arith.addi %arg0, %add3A : i32
    %c0_i32 = arith.constant 0 : i32
    %c0_i32_1 = arith.constant 0 : i32
    return %add3A_0, %c0_i32 : i32, i32
  }
  func.func @transform_4(%arg0: i32) -> (i32, i32) {
    %c0_i32 = arith.constant 0 : i32
    %c0_i32_0 = arith.constant 0 : i32
    %c0_i32_1 = arith.constant 0 : i32
    return %c0_i32, %c0_i32_0 : i32, i32
  }
  func.func @transform_5(%arg0: i32) -> (i32, i32) {
    %c0_i32 = arith.constant 0 : i32
    %c0_i32_0 = arith.constant 0 : i32
    %c0_i32_1 = arith.constant 0 : i32
    return %c0_i32, %c0_i32_0 : i32, i32
  }
}

module attributes {stable_mosaic.version = 14 : i64} {
  func.func @_layer23_body(%arg0: i32, %arg1: memref<2000x128xf32, #tpu.memory_space<vmem>>, %arg2: memref<2000x128xf32, #tpu.memory_space<vmem>>, %arg3: memref<2000x32xf32, #tpu.memory_space<vmem>>, %arg4: memref<2000x32xf32, #tpu.memory_space<vmem>>, %arg5: memref<1x256xf32, #tpu.memory_space<vmem>>, %arg6: memref<1x256xf32, #tpu.memory_space<vmem>>, %arg7: memref<1x256xf32, #tpu.memory_space<vmem>>, %arg8: memref<1x256xf32, #tpu.memory_space<vmem>>, %arg9: memref<16x256xf32, #tpu.memory_space<vmem>>, %arg10: memref<1x256xf32, #tpu.memory_space<vmem>>, %arg11: memref<256x256xf32, #tpu.memory_space<vmem>>, %arg12: memref<1x256xf32, #tpu.memory_space<vmem>>, %arg13: memref<2000x128xf32, #tpu.memory_space<vmem>>, %arg14: memref<2000x128xf32, #tpu.memory_space<vmem>>) attributes {dimension_semantics = [#tpu.dimension_semantics<arbitrary>], iteration_bounds = array<i64: 5>, scalar_prefetch = 0 : i64, scratch_operands = 0 : i64, tpu.core_type = #tpu.core_type<tc>, window_params = [{transform_indices = @transform_0, window_bounds = array<i64: 2000, 128>}, {transform_indices = @transform_1, window_bounds = array<i64: 2000, 128>}, {transform_indices = @transform_2, window_bounds = array<i64: 2000, 32>}, {transform_indices = @transform_3, window_bounds = array<i64: 2000, 32>}, {pipeline_mode = #tpu.pipeline_mode<synchronous>, transform_indices = @transform_4, window_bounds = array<i64: 1, 256>}, {pipeline_mode = #tpu.pipeline_mode<synchronous>, transform_indices = @transform_5, window_bounds = array<i64: 1, 256>}, {pipeline_mode = #tpu.pipeline_mode<synchronous>, transform_indices = @transform_6, window_bounds = array<i64: 1, 256>}, {pipeline_mode = #tpu.pipeline_mode<synchronous>, transform_indices = @transform_7, window_bounds = array<i64: 1, 256>}, {pipeline_mode = #tpu.pipeline_mode<synchronous>, transform_indices = @transform_8, window_bounds = array<i64: 16, 256>}, {pipeline_mode = #tpu.pipeline_mode<synchronous>, transform_indices = @transform_9, window_bounds = array<i64: 1, 256>}, {pipeline_mode = #tpu.pipeline_mode<synchronous>, transform_indices = @transform_10, window_bounds = array<i64: 256, 256>}, {pipeline_mode = #tpu.pipeline_mode<synchronous>, transform_indices = @transform_11, window_bounds = array<i64: 1, 256>}, {transform_indices = @transform_12, window_bounds = array<i64: 2000, 128>}, {transform_indices = @transform_13, window_bounds = array<i64: 2000, 128>}]} {
    %get3A = arith.constant 0 : index
    %get3A_0 = arith.constant 0 : index
    %get3A_1 = vector.load %arg3[%get3A, %get3A_0] : memref<2000x32xf32, #tpu.memory_space<vmem>>, vector<2000x32xf32>
    %get3A_2 = arith.constant 0 : index
    %get3A_3 = arith.constant 0 : index
    %get3A_4 = vector.load %arg4[%get3A_2, %get3A_3] : memref<2000x32xf32, #tpu.memory_space<vmem>>, vector<2000x32xf32>
    %slice3A = vector.extract_strided_slice %get3A_1 {offsets = [0, 16], sizes = [2000, 1], strides = [1, 1]} : vector<2000x32xf32> to vector<2000x1xf32>
    %slice3A_5 = vector.extract_strided_slice %get3A_4 {offsets = [0, 16], sizes = [2000, 1], strides = [1, 1]} : vector<2000x32xf32> to vector<2000x1xf32>
    %add3A = arith.addf %slice3A, %slice3A_5 : vector<2000x1xf32>
    %gt3A = arith.constant 0.000000e+00 : f32
    %gt3A_6 = vector.broadcast %gt3A : f32 to vector<2000x1xf32>
    %gt3A_7 = arith.cmpf ogt, %add3A, %gt3A_6 : vector<2000x1xf32>
    %convert_element_type3A = arith.extui %gt3A_7 : vector<2000x1xi1> to vector<2000x1xi32>
    %convert_element_type3A_8 = arith.sitofp %convert_element_type3A : vector<2000x1xi32> to vector<2000x1xf32>
    %gt3A_9 = arith.constant 0.000000e+00 : f32
    %gt3A_10 = vector.broadcast %gt3A_9 : f32 to vector<2000x1xf32>
    %gt3A_11 = arith.cmpf ogt, %add3A, %gt3A_10 : vector<2000x1xf32>
    %max3A = arith.constant 1.000000e+00 : f32
    %max3A_12 = vector.broadcast %max3A : f32 to vector<2000x1xf32>
    %max3A_13 = arith.maximumf %add3A, %max3A_12 : vector<2000x1xf32>
    %rsqrt3A = math.rsqrt %max3A_13 : vector<2000x1xf32>
    %jit3A = arith.constant 0.000000e+00 : f32
    %broadcast_in_dim3A = vector.broadcast %jit3A : f32 to vector<2000x1xf32>
    %select_n3A = arith.select %gt3A_11, %rsqrt3A, %broadcast_in_dim3A : vector<2000x1xi1>, vector<2000x1xf32>
    %slice3A_14 = vector.extract_strided_slice %get3A_1 {offsets = [0, 0], sizes = [2000, 16], strides = [1, 1]} : vector<2000x32xf32> to vector<2000x16xf32>
    %slice3A_15 = vector.extract_strided_slice %get3A_4 {offsets = [0, 0], sizes = [2000, 16], strides = [1, 1]} : vector<2000x32xf32> to vector<2000x16xf32>
    %add3A_16 = arith.addf %slice3A_14, %slice3A_15 : vector<2000x16xf32>
    %max3A_17 = arith.constant 1.000000e+00 : f32
    %max3A_18 = vector.broadcast %max3A_17 : f32 to vector<2000x1xf32>
    %max3A_19 = arith.maximumf %add3A, %max3A_18 : vector<2000x1xf32>
    %div3A = vector.broadcast %max3A_19 : vector<2000x1xf32> to vector<2000x16xf32>
    %div3A_20 = arith.divf %add3A_16, %div3A : vector<2000x16xf32>
    %get3A_21 = arith.constant 0 : index
    %get3A_22 = arith.constant 0 : index
    %get3A_23 = vector.load %arg1[%get3A_21, %get3A_22] : memref<2000x128xf32, #tpu.memory_space<vmem>>, vector<2000x128xf32>
    %get3A_24 = arith.constant 0 : index
    %get3A_25 = arith.constant 0 : index
    %get3A_26 = vector.load %arg2[%get3A_24, %get3A_25] : memref<2000x128xf32, #tpu.memory_space<vmem>>, vector<2000x128xf32>
    %concatenate3A = tpu.concatenate %get3A_23, %get3A_26 in 1 : vector<2000x128xf32>, vector<2000x128xf32> -> vector<2000x256xf32>
    %mul3A = vector.broadcast %select_n3A : vector<2000x1xf32> to vector<2000x256xf32>
    %mul3A_27 = arith.mulf %concatenate3A, %mul3A : vector<2000x256xf32>
    %get3A_28 = arith.constant 0 : index
    %get3A_29 = arith.constant 0 : index
    %get3A_30 = vector.load %arg5[%get3A_28, %get3A_29] : memref<1x256xf32, #tpu.memory_space<vmem>>, vector<1x256xf32>
    %div3A_31 = arith.constant 1.000000e+04 : f32
    %div3A_32 = vector.broadcast %div3A_31 : f32 to vector<1x256xf32>
    %div3A_33 = arith.divf %get3A_30, %div3A_32 : vector<1x256xf32>
    %get3A_34 = arith.constant 0 : index
    %get3A_35 = arith.constant 0 : index
    %get3A_36 = vector.load %arg6[%get3A_34, %get3A_35] : memref<1x256xf32, #tpu.memory_space<vmem>>, vector<1x256xf32>
    %div3A_37 = arith.constant 1.000000e+04 : f32
    %div3A_38 = vector.broadcast %div3A_37 : f32 to vector<1x256xf32>
    %div3A_39 = arith.divf %get3A_36, %div3A_38 : vector<1x256xf32>
    %mul3A_40 = arith.mulf %div3A_33, %div3A_33 : vector<1x256xf32>
    %sub3A = arith.subf %div3A_39, %mul3A_40 : vector<1x256xf32>
    %sub3A_41 = vector.broadcast %div3A_33 : vector<1x256xf32> to vector<2000x256xf32>
    %sub3A_42 = arith.subf %mul3A_27, %sub3A_41 : vector<2000x256xf32>
    %max3A_43 = arith.constant 0.000000e+00 : f32
    %max3A_44 = vector.broadcast %max3A_43 : f32 to vector<1x256xf32>
    %max3A_45 = arith.maximumf %sub3A, %max3A_44 : vector<1x256xf32>
    %add3A_46 = arith.constant 9.99999974E-6 : f32
    %add3A_47 = vector.broadcast %add3A_46 : f32 to vector<1x256xf32>
    %add3A_48 = arith.addf %max3A_45, %add3A_47 : vector<1x256xf32>
    %sqrt3A = math.sqrt %add3A_48 : vector<1x256xf32>
    %div3A_49 = vector.broadcast %sqrt3A : vector<1x256xf32> to vector<2000x256xf32>
    %div3A_50 = arith.divf %sub3A_42, %div3A_49 : vector<2000x256xf32>
    %get3A_51 = arith.constant 0 : index
    %get3A_52 = arith.constant 0 : index
    %get3A_53 = vector.load %arg7[%get3A_51, %get3A_52] : memref<1x256xf32, #tpu.memory_space<vmem>>, vector<1x256xf32>
    %mul3A_54 = vector.broadcast %get3A_53 : vector<1x256xf32> to vector<2000x256xf32>
    %mul3A_55 = arith.mulf %div3A_50, %mul3A_54 : vector<2000x256xf32>
    %get3A_56 = arith.constant 0 : index
    %get3A_57 = arith.constant 0 : index
    %get3A_58 = vector.load %arg8[%get3A_56, %get3A_57] : memref<1x256xf32, #tpu.memory_space<vmem>>, vector<1x256xf32>
    %add3A_59 = vector.broadcast %get3A_58 : vector<1x256xf32> to vector<2000x256xf32>
    %add3A_60 = arith.addf %mul3A_55, %add3A_59 : vector<2000x256xf32>
    %max3A_61 = arith.constant 0.000000e+00 : f32
    %max3A_62 = vector.broadcast %max3A_61 : f32 to vector<2000x256xf32>
    %max3A_63 = arith.maximumf %add3A_60, %max3A_62 : vector<2000x256xf32>
    %get3A_64 = arith.constant 0 : index
    %get3A_65 = arith.constant 0 : index
    %get3A_66 = vector.load %arg9[%get3A_64, %get3A_65] : memref<16x256xf32, #tpu.memory_space<vmem>>, vector<16x256xf32>
    %dot_general3A = arith.constant dense<0.000000e+00> : vector<2000x256xf32>
    %dot_general3A_67 = tpu.matmul %div3A_20, %get3A_66, %dot_general3A {dimension_numbers = #tpu.dot_dimension_numbers<[1], [0], [0], [1], [0, 0, 1, 1], [], []>, transpose_lhs_hint = false} : vector<2000x16xf32>, vector<16x256xf32>, vector<2000x256xf32> -> vector<2000x256xf32>
    %add3A_68 = arith.addf %max3A_63, %dot_general3A_67 : vector<2000x256xf32>
    %get3A_69 = arith.constant 0 : index
    %get3A_70 = arith.constant 0 : index
    %get3A_71 = vector.load %arg10[%get3A_69, %get3A_70] : memref<1x256xf32, #tpu.memory_space<vmem>>, vector<1x256xf32>
    %mul3A_72 = vector.broadcast %convert_element_type3A_8 : vector<2000x1xf32> to vector<2000x256xf32>
    %mul3A_73 = vector.broadcast %get3A_71 : vector<1x256xf32> to vector<2000x256xf32>
    %mul3A_74 = arith.mulf %mul3A_72, %mul3A_73 : vector<2000x256xf32>
    %add3A_75 = arith.addf %add3A_68, %mul3A_74 : vector<2000x256xf32>
    %get3A_76 = arith.constant 0 : index
    %get3A_77 = arith.constant 0 : index
    %get3A_78 = vector.load %arg11[%get3A_76, %get3A_77] : memref<256x256xf32, #tpu.memory_space<vmem>>, vector<256x256xf32>
    %dot_general3A_79 = arith.constant dense<0.000000e+00> : vector<2000x256xf32>
    %dot_general3A_80 = tpu.matmul %add3A_75, %get3A_78, %dot_general3A_79 {dimension_numbers = #tpu.dot_dimension_numbers<[1], [0], [0], [1], [0, 0, 1, 1], [], []>, transpose_lhs_hint = false} : vector<2000x256xf32>, vector<256x256xf32>, vector<2000x256xf32> -> vector<2000x256xf32>
    %get3A_81 = arith.constant 0 : index
    %get3A_82 = arith.constant 0 : index
    %get3A_83 = vector.load %arg12[%get3A_81, %get3A_82] : memref<1x256xf32, #tpu.memory_space<vmem>>, vector<1x256xf32>
    %add3A_84 = vector.broadcast %get3A_83 : vector<1x256xf32> to vector<2000x256xf32>
    %add3A_85 = arith.addf %dot_general3A_80, %add3A_84 : vector<2000x256xf32>
    %mul3A_86 = vector.broadcast %select_n3A : vector<2000x1xf32> to vector<2000x256xf32>
    %mul3A_87 = arith.mulf %mul3A_86, %add3A_85 : vector<2000x256xf32>
    %slice3A_88 = vector.extract_strided_slice %mul3A_87 {offsets = [0, 0], sizes = [2000, 128], strides = [1, 1]} : vector<2000x256xf32> to vector<2000x128xf32>
    %swap3A = arith.constant 0 : index
    %swap3A_89 = arith.constant 0 : index
    %swap3A_90 = vector.load %arg13[%swap3A, %swap3A_89] : memref<2000x128xf32, #tpu.memory_space<vmem>>, vector<2000x128xf32>
    tpu.vector_store %arg13[%swap3A, %swap3A_89], %slice3A_88 {strides = array<i32>} : memref<2000x128xf32, #tpu.memory_space<vmem>>, vector<2000x128xf32>,
    %slice3A_91 = vector.extract_strided_slice %mul3A_87 {offsets = [0, 128], sizes = [2000, 128], strides = [1, 1]} : vector<2000x256xf32> to vector<2000x128xf32>
    %swap3A_92 = arith.constant 0 : index
    %swap3A_93 = arith.constant 0 : index
    %swap3A_94 = vector.load %arg14[%swap3A_92, %swap3A_93] : memref<2000x128xf32, #tpu.memory_space<vmem>>, vector<2000x128xf32>
    tpu.vector_store %arg14[%swap3A_92, %swap3A_93], %slice3A_91 {strides = array<i32>} : memref<2000x128xf32, #tpu.memory_space<vmem>>, vector<2000x128xf32>,
    return
  }
  func.func @transform_0(%arg0: i32) -> (i32, i32) {
    %c0_i32 = arith.constant 0 : i32
    %c0_i32_0 = arith.constant 0 : i32
    return %arg0, %c0_i32 : i32, i32
  }
  func.func @transform_1(%arg0: i32) -> (i32, i32) {
    %add3A = arith.constant 5 : i32
    %add3A_0 = arith.addi %arg0, %add3A : i32
    %c0_i32 = arith.constant 0 : i32
    %c0_i32_1 = arith.constant 0 : i32
    return %add3A_0, %c0_i32 : i32, i32
  }
  func.func @transform_2(%arg0: i32) -> (i32, i32) {
    %c0_i32 = arith.constant 0 : i32
    %c0_i32_0 = arith.constant 0 : i32
    return %arg0, %c0_i32 : i32, i32
  }
  func.func @transform_3(%arg0: i32) -> (i32, i32) {
    %add3A = arith.constant 5 : i32
    %add3A_0 = arith.addi %arg0, %add3A : i32
    %c0_i32 = arith.constant 0 : i32
    %c0_i32_1 = arith.constant 0 : i32
    return %add3A_0, %c0_i32 : i32, i32
  }
  func.func @transform_4(%arg0: i32) -> (i32, i32) {
    %c0_i32 = arith.constant 0 : i32
    %c0_i32_0 = arith.constant 0 : i32
    %c0_i32_1 = arith.constant 0 : i32
    return %c0_i32, %c0_i32_0 : i32, i32
  }
  func.func @transform_5(%arg0: i32) -> (i32, i32) {
    %c0_i32 = arith.constant 0 : i32
    %c0_i32_0 = arith.constant 0 : i32
    %c0_i32_1 = arith.constant 0 : i32
    return %c0_i32, %c0_i32_0 : i32, i32
  }
  func.func @transform_6(%arg0: i32) -> (i32, i32) {
    %c0_i32 = arith.constant 0 : i32
    %c0_i32_0 = arith.constant 0 : i32
    %c0_i32_1 = arith.constant 0 : i32
    return %c0_i32, %c0_i32_0 : i32, i32
  }
  func.func @transform_7(%arg0: i32) -> (i32, i32) {
    %c0_i32 = arith.constant 0 : i32
    %c0_i32_0 = arith.constant 0 : i32
    %c0_i32_1 = arith.constant 0 : i32
    return %c0_i32, %c0_i32_0 : i32, i32
  }
  func.func @transform_8(%arg0: i32) -> (i32, i32) {
    %c0_i32 = arith.constant 0 : i32
    %c0_i32_0 = arith.constant 0 : i32
    %c0_i32_1 = arith.constant 0 : i32
    return %c0_i32, %c0_i32_0 : i32, i32
  }
  func.func @transform_9(%arg0: i32) -> (i32, i32) {
    %c0_i32 = arith.constant 0 : i32
    %c0_i32_0 = arith.constant 0 : i32
    %c0_i32_1 = arith.constant 0 : i32
    return %c0_i32, %c0_i32_0 : i32, i32
  }
  func.func @transform_10(%arg0: i32) -> (i32, i32) {
    %c0_i32 = arith.constant 0 : i32
    %c0_i32_0 = arith.constant 0 : i32
    %c0_i32_1 = arith.constant 0 : i32
    return %c0_i32, %c0_i32_0 : i32, i32
  }
  func.func @transform_11(%arg0: i32) -> (i32, i32) {
    %c0_i32 = arith.constant 0 : i32
    %c0_i32_0 = arith.constant 0 : i32
    %c0_i32_1 = arith.constant 0 : i32
    return %c0_i32, %c0_i32_0 : i32, i32
  }
  func.func @transform_12(%arg0: i32) -> (i32, i32) {
    %c0_i32 = arith.constant 0 : i32
    %c0_i32_0 = arith.constant 0 : i32
    return %arg0, %c0_i32 : i32, i32
  }
  func.func @transform_13(%arg0: i32) -> (i32, i32) {
    %c0_i32 = arith.constant 0 : i32
    %c0_i32_0 = arith.constant 0 : i32
    return %arg0, %c0_i32 : i32, i32
  }
}

module attributes {stable_mosaic.version = 14 : i64} {
  func.func @_pool_body(%arg0: i32, %arg1: memref<2000x128xf32, #tpu.memory_space<vmem>>, %arg2: memref<2000x128xf32, #tpu.memory_space<vmem>>, %arg3: memref<2000x32xf32, #tpu.memory_space<vmem>>, %arg4: memref<2000x32xf32, #tpu.memory_space<vmem>>, %arg5: memref<1x256xf32, #tpu.memory_space<vmem>>, %arg6: memref<1x256xf32, #tpu.memory_space<vmem>>, %arg7: memref<1x256xf32, #tpu.memory_space<vmem>>, %arg8: memref<1x256xf32, #tpu.memory_space<vmem>>, %arg9: memref<2000x1xi32, #tpu.memory_space<vmem>>, %arg10: memref<128x1xf32, #tpu.memory_space<vmem>>, %arg11: memref<256x32xf32, #tpu.memory_space<vmem>>, %arg12: memref<1x32xf32, #tpu.memory_space<vmem>>, %arg13: memref<128x256xf32, #tpu.memory_space<vmem>>, %arg14: memref<128x32xf32, #tpu.memory_space<vmem>>) attributes {dimension_semantics = [#tpu.dimension_semantics<arbitrary>], iteration_bounds = array<i64: 5>, scalar_prefetch = 0 : i64, scratch_operands = 0 : i64, tpu.core_type = #tpu.core_type<tc>, window_params = [{transform_indices = @transform_0, window_bounds = array<i64: 2000, 128>}, {transform_indices = @transform_1, window_bounds = array<i64: 2000, 128>}, {transform_indices = @transform_2, window_bounds = array<i64: 2000, 32>}, {transform_indices = @transform_3, window_bounds = array<i64: 2000, 32>}, {pipeline_mode = #tpu.pipeline_mode<synchronous>, transform_indices = @transform_4, window_bounds = array<i64: 1, 256>}, {pipeline_mode = #tpu.pipeline_mode<synchronous>, transform_indices = @transform_5, window_bounds = array<i64: 1, 256>}, {pipeline_mode = #tpu.pipeline_mode<synchronous>, transform_indices = @transform_6, window_bounds = array<i64: 1, 256>}, {pipeline_mode = #tpu.pipeline_mode<synchronous>, transform_indices = @transform_7, window_bounds = array<i64: 1, 256>}, {transform_indices = @transform_8, window_bounds = array<i64: 2000, 1>}, {pipeline_mode = #tpu.pipeline_mode<synchronous>, transform_indices = @transform_9, window_bounds = array<i64: 128, 1>}, {pipeline_mode = #tpu.pipeline_mode<synchronous>, transform_indices = @transform_10, window_bounds = array<i64: 256, 32>}, {pipeline_mode = #tpu.pipeline_mode<synchronous>, transform_indices = @transform_11, window_bounds = array<i64: 1, 32>}, {pipeline_mode = #tpu.pipeline_mode<synchronous>, transform_indices = @transform_12, window_bounds = array<i64: 128, 256>}, {pipeline_mode = #tpu.pipeline_mode<synchronous>, transform_indices = @transform_13, window_bounds = array<i64: 128, 32>}]} {
    %eq3A = arith.constant 0 : i32
    %eq3A_0 = arith.cmpi eq, %arg0, %eq3A : i32
    %convert_element_type3A = arith.extui %eq3A_0 : i1 to i32
    %cond3A = arith.constant 0 : i32
    %cond3A_1 = arith.cmpi ne, %convert_element_type3A, %cond3A : i32
    scf.if %cond3A_1 {
      %broadcast_in_dim3A_74 = arith.constant 0.000000e+00 : f32
      %broadcast_in_dim3A_75 = vector.broadcast %broadcast_in_dim3A_74 : f32 to vector<128x256xf32>
      %swap3A_76 = arith.constant 0 : index
      %swap3A_77 = arith.constant 0 : index
      %swap3A_78 = vector.load %arg13[%swap3A_76, %swap3A_77] : memref<128x256xf32, #tpu.memory_space<vmem>>, vector<128x256xf32>
      tpu.vector_store %arg13[%swap3A_76, %swap3A_77], %broadcast_in_dim3A_75 {strides = array<i32>} : memref<128x256xf32, #tpu.memory_space<vmem>>, vector<128x256xf32>,
    } else {
    }
    %get3A = arith.constant 0 : index
    %get3A_2 = arith.constant 0 : index
    %get3A_3 = vector.load %arg3[%get3A, %get3A_2] : memref<2000x32xf32, #tpu.memory_space<vmem>>, vector<2000x32xf32>
    %get3A_4 = arith.constant 0 : index
    %get3A_5 = arith.constant 0 : index
    %get3A_6 = vector.load %arg4[%get3A_4, %get3A_5] : memref<2000x32xf32, #tpu.memory_space<vmem>>, vector<2000x32xf32>
    %slice3A = vector.extract_strided_slice %get3A_3 {offsets = [0, 16], sizes = [2000, 1], strides = [1, 1]} : vector<2000x32xf32> to vector<2000x1xf32>
    %slice3A_7 = vector.extract_strided_slice %get3A_6 {offsets = [0, 16], sizes = [2000, 1], strides = [1, 1]} : vector<2000x32xf32> to vector<2000x1xf32>
    %add3A = arith.addf %slice3A, %slice3A_7 : vector<2000x1xf32>
    %gt3A = arith.constant 0.000000e+00 : f32
    %gt3A_8 = vector.broadcast %gt3A : f32 to vector<2000x1xf32>
    %gt3A_9 = arith.cmpf ogt, %add3A, %gt3A_8 : vector<2000x1xf32>
    %max3A = arith.constant 1.000000e+00 : f32
    %max3A_10 = vector.broadcast %max3A : f32 to vector<2000x1xf32>
    %max3A_11 = arith.maximumf %add3A, %max3A_10 : vector<2000x1xf32>
    %rsqrt3A = math.rsqrt %max3A_11 : vector<2000x1xf32>
    %jit3A = arith.constant 0.000000e+00 : f32
    %broadcast_in_dim3A = vector.broadcast %jit3A : f32 to vector<2000x1xf32>
    %select_n3A = arith.select %gt3A_9, %rsqrt3A, %broadcast_in_dim3A : vector<2000x1xi1>, vector<2000x1xf32>
    %get3A_12 = arith.constant 0 : index
    %get3A_13 = arith.constant 0 : index
    %get3A_14 = vector.load %arg1[%get3A_12, %get3A_13] : memref<2000x128xf32, #tpu.memory_space<vmem>>, vector<2000x128xf32>
    %get3A_15 = arith.constant 0 : index
    %get3A_16 = arith.constant 0 : index
    %get3A_17 = vector.load %arg2[%get3A_15, %get3A_16] : memref<2000x128xf32, #tpu.memory_space<vmem>>, vector<2000x128xf32>
    %concatenate3A = tpu.concatenate %get3A_14, %get3A_17 in 1 : vector<2000x128xf32>, vector<2000x128xf32> -> vector<2000x256xf32>
    %mul3A = vector.broadcast %select_n3A : vector<2000x1xf32> to vector<2000x256xf32>
    %mul3A_18 = arith.mulf %concatenate3A, %mul3A : vector<2000x256xf32>
    %get3A_19 = arith.constant 0 : index
    %get3A_20 = arith.constant 0 : index
    %get3A_21 = vector.load %arg5[%get3A_19, %get3A_20] : memref<1x256xf32, #tpu.memory_space<vmem>>, vector<1x256xf32>
    %div3A = arith.constant 1.000000e+04 : f32
    %div3A_22 = vector.broadcast %div3A : f32 to vector<1x256xf32>
    %div3A_23 = arith.divf %get3A_21, %div3A_22 : vector<1x256xf32>
    %get3A_24 = arith.constant 0 : index
    %get3A_25 = arith.constant 0 : index
    %get3A_26 = vector.load %arg6[%get3A_24, %get3A_25] : memref<1x256xf32, #tpu.memory_space<vmem>>, vector<1x256xf32>
    %div3A_27 = arith.constant 1.000000e+04 : f32
    %div3A_28 = vector.broadcast %div3A_27 : f32 to vector<1x256xf32>
    %div3A_29 = arith.divf %get3A_26, %div3A_28 : vector<1x256xf32>
    %mul3A_30 = arith.mulf %div3A_23, %div3A_23 : vector<1x256xf32>
    %sub3A = arith.subf %div3A_29, %mul3A_30 : vector<1x256xf32>
    %sub3A_31 = vector.broadcast %div3A_23 : vector<1x256xf32> to vector<2000x256xf32>
    %sub3A_32 = arith.subf %mul3A_18, %sub3A_31 : vector<2000x256xf32>
    %max3A_33 = arith.constant 0.000000e+00 : f32
    %max3A_34 = vector.broadcast %max3A_33 : f32 to vector<1x256xf32>
    %max3A_35 = arith.maximumf %sub3A, %max3A_34 : vector<1x256xf32>
    %add3A_36 = arith.constant 9.99999974E-6 : f32
    %add3A_37 = vector.broadcast %add3A_36 : f32 to vector<1x256xf32>
    %add3A_38 = arith.addf %max3A_35, %add3A_37 : vector<1x256xf32>
    %sqrt3A = math.sqrt %add3A_38 : vector<1x256xf32>
    %div3A_39 = vector.broadcast %sqrt3A : vector<1x256xf32> to vector<2000x256xf32>
    %div3A_40 = arith.divf %sub3A_32, %div3A_39 : vector<2000x256xf32>
    %get3A_41 = arith.constant 0 : index
    %get3A_42 = arith.constant 0 : index
    %get3A_43 = vector.load %arg7[%get3A_41, %get3A_42] : memref<1x256xf32, #tpu.memory_space<vmem>>, vector<1x256xf32>
    %mul3A_44 = vector.broadcast %get3A_43 : vector<1x256xf32> to vector<2000x256xf32>
    %mul3A_45 = arith.mulf %div3A_40, %mul3A_44 : vector<2000x256xf32>
    %get3A_46 = arith.constant 0 : index
    %get3A_47 = arith.constant 0 : index
    %get3A_48 = vector.load %arg8[%get3A_46, %get3A_47] : memref<1x256xf32, #tpu.memory_space<vmem>>, vector<1x256xf32>
    %add3A_49 = vector.broadcast %get3A_48 : vector<1x256xf32> to vector<2000x256xf32>
    %add3A_50 = arith.addf %mul3A_45, %add3A_49 : vector<2000x256xf32>
    %max3A_51 = arith.constant 0.000000e+00 : f32
    %max3A_52 = vector.broadcast %max3A_51 : f32 to vector<2000x256xf32>
    %max3A_53 = arith.maximumf %add3A_50, %max3A_52 : vector<2000x256xf32>
    %get3A_54 = arith.constant 0 : index
    %get3A_55 = arith.constant 0 : index
    %get3A_56 = vector.load %arg9[%get3A_54, %get3A_55] : memref<2000x1xi32, #tpu.memory_space<vmem>>, vector<2000x1xi32>
    %iota3A = tpu.iota {dimensions = array<i32: 1>} : vector<1x128xi32>
    %eq3A_57 = vector.broadcast %get3A_56 : vector<2000x1xi32> to vector<2000x128xi32>
    %eq3A_58 = vector.broadcast %iota3A : vector<1x128xi32> to vector<2000x128xi32>
    %eq3A_59 = arith.cmpi eq, %eq3A_57, %eq3A_58 : vector<2000x128xi32>
    %convert_element_type3A_60 = arith.extui %eq3A_59 : vector<2000x128xi1> to vector<2000x128xi32>
    %convert_element_type3A_61 = arith.sitofp %convert_element_type3A_60 : vector<2000x128xi32> to vector<2000x128xf32>
    %get3A_62 = arith.constant 0 : index
    %get3A_63 = arith.constant 0 : index
    %get3A_64 = vector.load %arg13[%get3A_62, %get3A_63] : memref<128x256xf32, #tpu.memory_space<vmem>>, vector<128x256xf32>
    %dot_general3A = arith.constant dense<0.000000e+00> : vector<128x256xf32>
    %dot_general3A_65 = tpu.matmul %convert_element_type3A_61, %max3A_53, %dot_general3A {dimension_numbers = #tpu.dot_dimension_numbers<[0], [0], [1], [1], [0, 1, 1, 1], [], []>, transpose_lhs_hint = false} : vector<2000x128xf32>, vector<2000x256xf32>, vector<128x256xf32> -> vector<128x256xf32>
    %add3A_66 = arith.addf %get3A_64, %dot_general3A_65 : vector<128x256xf32>
    %swap3A = arith.constant 0 : index
    %swap3A_67 = arith.constant 0 : index
    %swap3A_68 = vector.load %arg13[%swap3A, %swap3A_67] : memref<128x256xf32, #tpu.memory_space<vmem>>, vector<128x256xf32>
    tpu.vector_store %arg13[%swap3A, %swap3A_67], %add3A_66 {strides = array<i32>} : memref<128x256xf32, #tpu.memory_space<vmem>>, vector<128x256xf32>,
    %eq3A_69 = arith.constant 4 : i32
    %eq3A_70 = arith.cmpi eq, %arg0, %eq3A_69 : i32
    %convert_element_type3A_71 = arith.extui %eq3A_70 : i1 to i32
    %cond3A_72 = arith.constant 0 : i32
    %cond3A_73 = arith.cmpi ne, %convert_element_type3A_71, %cond3A_72 : i32
    scf.if %cond3A_73 {
      %get3A_74 = arith.constant 0 : index
      %get3A_75 = arith.constant 0 : index
      %get3A_76 = vector.load %arg10[%get3A_74, %get3A_75] : memref<128x1xf32, #tpu.memory_space<vmem>>, vector<128x1xf32>
      %max3A_77 = arith.constant 1.000000e+00 : f32
      %max3A_78 = vector.broadcast %max3A_77 : f32 to vector<128x1xf32>
      %max3A_79 = arith.maximumf %get3A_76, %max3A_78 : vector<128x1xf32>
      %get3A_80 = arith.constant 0 : index
      %get3A_81 = arith.constant 0 : index
      %get3A_82 = vector.load %arg13[%get3A_80, %get3A_81] : memref<128x256xf32, #tpu.memory_space<vmem>>, vector<128x256xf32>
      %div3A_83 = vector.broadcast %max3A_79 : vector<128x1xf32> to vector<128x256xf32>
      %div3A_84 = arith.divf %get3A_82, %div3A_83 : vector<128x256xf32>
      %get3A_85 = arith.constant 0 : index
      %get3A_86 = arith.constant 0 : index
      %get3A_87 = vector.load %arg11[%get3A_85, %get3A_86] : memref<256x32xf32, #tpu.memory_space<vmem>>, vector<256x32xf32>
      %dot_general3A_88 = arith.constant dense<0.000000e+00> : vector<128x32xf32>
      %dot_general3A_89 = tpu.matmul %div3A_84, %get3A_87, %dot_general3A_88 {dimension_numbers = #tpu.dot_dimension_numbers<[1], [0], [0], [1], [0, 0, 1, 1], [], []>, transpose_lhs_hint = false} : vector<128x256xf32>, vector<256x32xf32>, vector<128x32xf32> -> vector<128x32xf32>
      %get3A_90 = arith.constant 0 : index
      %get3A_91 = arith.constant 0 : index
      %get3A_92 = vector.load %arg12[%get3A_90, %get3A_91] : memref<1x32xf32, #tpu.memory_space<vmem>>, vector<1x32xf32>
      %add3A_93 = vector.broadcast %get3A_92 : vector<1x32xf32> to vector<128x32xf32>
      %add3A_94 = arith.addf %dot_general3A_89, %add3A_93 : vector<128x32xf32>
      %swap3A_95 = arith.constant 0 : index
      %swap3A_96 = arith.constant 0 : index
      %swap3A_97 = vector.load %arg14[%swap3A_95, %swap3A_96] : memref<128x32xf32, #tpu.memory_space<vmem>>, vector<128x32xf32>
      tpu.vector_store %arg14[%swap3A_95, %swap3A_96], %add3A_94 {strides = array<i32>} : memref<128x32xf32, #tpu.memory_space<vmem>>, vector<128x32xf32>,
    } else {
    }
    return
  }
  func.func @transform_0(%arg0: i32) -> (i32, i32) {
    %c0_i32 = arith.constant 0 : i32
    %c0_i32_0 = arith.constant 0 : i32
    return %arg0, %c0_i32 : i32, i32
  }
  func.func @transform_1(%arg0: i32) -> (i32, i32) {
    %add3A = arith.constant 5 : i32
    %add3A_0 = arith.addi %arg0, %add3A : i32
    %c0_i32 = arith.constant 0 : i32
    %c0_i32_1 = arith.constant 0 : i32
    return %add3A_0, %c0_i32 : i32, i32
  }
  func.func @transform_2(%arg0: i32) -> (i32, i32) {
    %c0_i32 = arith.constant 0 : i32
    %c0_i32_0 = arith.constant 0 : i32
    return %arg0, %c0_i32 : i32, i32
  }
  func.func @transform_3(%arg0: i32) -> (i32, i32) {
    %add3A = arith.constant 5 : i32
    %add3A_0 = arith.addi %arg0, %add3A : i32
    %c0_i32 = arith.constant 0 : i32
    %c0_i32_1 = arith.constant 0 : i32
    return %add3A_0, %c0_i32 : i32, i32
  }
  func.func @transform_4(%arg0: i32) -> (i32, i32) {
    %c0_i32 = arith.constant 0 : i32
    %c0_i32_0 = arith.constant 0 : i32
    %c0_i32_1 = arith.constant 0 : i32
    return %c0_i32, %c0_i32_0 : i32, i32
  }
  func.func @transform_5(%arg0: i32) -> (i32, i32) {
    %c0_i32 = arith.constant 0 : i32
    %c0_i32_0 = arith.constant 0 : i32
    %c0_i32_1 = arith.constant 0 : i32
    return %c0_i32, %c0_i32_0 : i32, i32
  }
  func.func @transform_6(%arg0: i32) -> (i32, i32) {
    %c0_i32 = arith.constant 0 : i32
    %c0_i32_0 = arith.constant 0 : i32
    %c0_i32_1 = arith.constant 0 : i32
    return %c0_i32, %c0_i32_0 : i32, i32
  }
  func.func @transform_7(%arg0: i32) -> (i32, i32) {
    %c0_i32 = arith.constant 0 : i32
    %c0_i32_0 = arith.constant 0 : i32
    %c0_i32_1 = arith.constant 0 : i32
    return %c0_i32, %c0_i32_0 : i32, i32
  }
  func.func @transform_8(%arg0: i32) -> (i32, i32) {
    %c0_i32 = arith.constant 0 : i32
    %c0_i32_0 = arith.constant 0 : i32
    return %arg0, %c0_i32 : i32, i32
  }
  func.func @transform_9(%arg0: i32) -> (i32, i32) {
    %c0_i32 = arith.constant 0 : i32
    %c0_i32_0 = arith.constant 0 : i32
    %c0_i32_1 = arith.constant 0 : i32
    return %c0_i32, %c0_i32_0 : i32, i32
  }
  func.func @transform_10(%arg0: i32) -> (i32, i32) {
    %c0_i32 = arith.constant 0 : i32
    %c0_i32_0 = arith.constant 0 : i32
    %c0_i32_1 = arith.constant 0 : i32
    return %c0_i32, %c0_i32_0 : i32, i32
  }
  func.func @transform_11(%arg0: i32) -> (i32, i32) {
    %c0_i32 = arith.constant 0 : i32
    %c0_i32_0 = arith.constant 0 : i32
    %c0_i32_1 = arith.constant 0 : i32
    return %c0_i32, %c0_i32_0 : i32, i32
  }
  func.func @transform_12(%arg0: i32) -> (i32, i32) {
    %c0_i32 = arith.constant 0 : i32
    %c0_i32_0 = arith.constant 0 : i32
    %c0_i32_1 = arith.constant 0 : i32
    return %c0_i32, %c0_i32_0 : i32, i32
  }
  func.func @transform_13(%arg0: i32) -> (i32, i32) {
    %c0_i32 = arith.constant 0 : i32
    %c0_i32_0 = arith.constant 0 : i32
    %c0_i32_1 = arith.constant 0 : i32
    return %c0_i32, %c0_i32_0 : i32, i32
  }
}

</mosaic_0001>

<sc_bundles>
// kernel: kernel.16.cloned.1.call-start
scs
__scs_entry_jumppad:
0x0: {  	(pc) =	sbr.rel $0x88, $3  }
0x1: {  	(tag) =	ssettag $0x0;
	lr =	simm.s32 $0x1  }
0x2: {  	[smem:$0x3F85] =	sst lr;
	_ =	strace $0xD0000000  }
0x3: {  	_ = 	snop  }
0x4: {  	_ = 	snop  }
0x5: {  	_ = 	snop  }
0x6: {  	_ = 	snop  }
0x7: {  	_ = 	snop  }
__scs_overlays_trampoline_lowered:
0x8: {  	[smem:$0x3F94] =	sst s0  }
0x9: {  	[smem:$0x3F95] =	sst s1  }
0xa: {  	[smem:$0x3F96] =	sst s2  }
0xb: {  	[smem:$0x3F97] =	sst s3  }
0xc: {  	[smem:$0x3F98] =	sst s4  }
0xd: {  	[smem:$0x3F99] =	sst s5  }
0xe: {  	[smem:$0x3F9A] =	sst s6  }
0xf: {  	[smem:$0x3F9B] =	sst s7  }
0x10: {  	[smem:$0x3F9C] =	sst s8  }
0x11: {  	[smem:$0x3F9D] =	sst s9;
	s0 =	simm.s32 @!p0 $0x0  }
0x12: {  	s1 =	sld [smem:$0x3F83];
	s0 =	simm.s32 @p0 $0x1  }
0x13: {  	[smem:$0x3F9E] =	sst s0;
	s0 =	simm.s32 @!p1 $0x0  }
0x14: {  	s2 =	sld [smem:$0x3F82];
	s0 =	simm.s32 @p1 $0x1  }
0x15: {  	[smem:$0x3F9F] =	sst s0;
	s0 =	simm.s32 @!p2 $0x0  }
0x16: {  	s3 =	sld [smem:$0x3FDB];
	s0 =	simm.s32 @p2 $0x1  }
0x17: {  	s4 =	simm.s32 $0x1BF5;
	[smem:$0x3FA1] =	sst s0  }
0x18: {  	s0 =	sld [smem:$0x3F84];
	_ =	swait.ge [sflag:s4], $0x0  }
0x19: {  	s7 =	sld [smem:$0x3F85]  }
0x1a: {  	s8 =	sadd.s32 $0xFFFFE003, lr  }
0x1b: {  	s9 =	sadd.s32 $0xFFFFFEF7, lr;
	s5 =	simm.s32 $0xFFFFFFFF;
	p2 =	slt.u32 s8, $0xFFFFF086  }
0x1c: {  	p1 =	slt.u32 s9, $0xF7A;
	s5 =	simm.s32 @!p2 $0x0  }
0x1d: {  	s5 =	simm.s32 @p1 $0x1;
	p0 =	seq.s32 s7, s2  }
0x1e: {  	s7 =	smul.u32 @!p0 $0xF7A, s2;
	p2 =	seq.s32 @!p0 s5, $0x0  }
0x1f: {  	s9 =	smul.u32 $0xF7A, s1;
	s8 =	simm.s32 @!p0 $0x1BF5;
	p2 =	por !p2, p0  }
0x20: {  	[sflag:s8] =	ssyncset.s32 @!p0 $0xFFFFF086;
	s6 =	sadd.s32 @!p0 s3, s7;
	s7 =	simm.s32 @!p0 $0x108  }
0x21: {  	s3 =	sadd.s32 s3, s9;
	s6 =	sadd.s32 @!p0 $0x88, s6;
	s7 =	simm.s32 @p2 $0x1082  }
0x22: {  	[simem:s7], [sflag:s8] =	dma.local @!p0 [hbm:s6], $0xF7A  }
0x23: {  	s9 =	sor.u32 $0xD0000000, s2;
	s6 =	simm.s32 $0x108;
	_ =	swait.ge @!p0 [sflag:s8], $0x0  }
0x24: {  	s3 =	sadd.s32 $0x88, s3;
	s6 =	simm.s32 @!p1 $0x1082;
	[sflag:s4] =	ssyncset.s32 $0xFFFFF086  }
0x25: {  	[simem:s6], [sflag:s4] =	dma.local [hbm:s3], $0xF7A  }
0x26: {  	[smem:$0x3F85] =	sst s1;
	(tag) =	ssettag s2;
	_ =	strace s9  }
0x27: {  	s1 =	sld [smem:$0x3F95]  }
0x28: {  	s2 =	sld [smem:$0x3F96]  }
0x29: {  	s4 =	sld [smem:$0x3F98]  }
0x2a: {  	p0 =	seq.s32 s5, $0x0;
	s5 =	sld [smem:$0x3F99]  }
0x2b: {  	s6 =	sld [smem:$0x3F9A]  }
0x2c: {  	s7 =	sld [smem:$0x3F9B]  }
0x2d: {  	s3 =	simm.s32 $0x108;
	s8 =	sld [smem:$0x3F9C]  }
0x2e: {  	s3 =	simm.s32 @!p0 $0x1082;
	s9 =	sld [smem:$0x3F9D]  }
0x2f: {  	lr =	sadd.s32 s0, s3;
	s0 =	sld [smem:$0x3F94]  }
0x30: {  	s3 =	sld [smem:$0x3F97]  }
0x31: {  	[smem:$0x3FA0] =	sst s10  }
0x32: {  	s10 =	sld [smem:$0x3F9E];
	_ =	sdelay $0x3  }
0x33: {  	p0 =	seq.s32 s10, $0x1;
	s10 =	sld [smem:$0x3FA0];
	_ =	sdelay $0x3  }
0x34: {  	[smem:$0x3FA0] =	sst s10  }
0x35: {  	s10 =	sld [smem:$0x3F9F];
	_ =	sdelay $0x3  }
0x36: {  	p1 =	seq.s32 s10, $0x1;
	s10 =	sld [smem:$0x3FA0];
	_ =	sdelay $0x3  }
0x37: {  	[smem:$0x3FA0] =	sst s10  }
0x38: {  	s10 =	sld [smem:$0x3FA1]  }
0x39: {  	_ = 	snop;
	(pc) =	sbr.ind lr, $3  }
0x3a: {  	_ = 	snop  }
0x3b: {  	_ = 	snop  }
0x3c: {  	p2 =	seq.s32 s10, $0x1;
	s10 =	sld [smem:$0x3FA0]  }
0x3d: {  	_ =	shalt  }
0x3e: {  	_ =	shalt  }
0x3f: {  	_ =	shalt  }
0x40: {  	_ =	shalt  }
0x41: {  	_ =	shalt  }
0x42: {  	_ =	shalt  }
0x43: {  	_ =	shalt  }
0x44: {  	_ =	shalt  }
0x45: {  	_ =	shalt  }
0x46: {  	_ =	shalt  }
0x47: {  	_ =	shalt  }
0x48: {  	_ =	shalt  }
0x49: {  	_ =	shalt  }
0x4a: {  	_ =	shalt  }
0x4b: {  	_ =	shalt  }
0x4c: {  	_ =	shalt  }
0x4d: {  	_ =	shalt  }
0x4e: {  	_ =	shalt  }
0x4f: {  	_ =	shalt  }
0x50: {  	_ =	shalt  }
0x51: {  	_ =	shalt  }
0x52: {  	_ =	shalt  }
0x53: {  	_ =	shalt  }
0x54: {  	_ =	shalt  }
0x55: {  	_ =	shalt  }
0x56: {  	_ =	shalt  }
0x57: {  	_ =	shalt  }
0x58: {  	_ =	shalt  }
0x59: {  	_ =	shalt  }
0x5a: {  	_ =	shalt  }
0x5b: {  	_ =	shalt  }
0x5c: {  	_ =	shalt  }
0x5d: {  	_ =	shalt  }
0x5e: {  	_ =	shalt  }
0x5f: {  	_ =	shalt  }
0x60: {  	_ =	shalt  }
0x61: {  	_ =	shalt  }
0x62: {  	_ =	shalt  }
0x63: {  	_ =	shalt  }
0x64: {  	_ =	shalt  }
0x65: {  	_ =	shalt  }
0x66: {  	_ =	shalt  }
0x67: {  	_ =	shalt  }
0x68: {  	_ =	shalt  }
0x69: {  	_ =	shalt  }
0x6a: {  	_ =	shalt  }
0x6b: {  	_ =	shalt  }
0x6c: {  	_ =	shalt  }
0x6d: {  	_ =	shalt  }
0x6e: {  	_ =	shalt  }
0x6f: {  	_ =	shalt  }
0x70: {  	_ =	shalt  }
0x71: {  	_ =	shalt  }
0x72: {  	_ =	shalt  }
0x73: {  	_ =	shalt  }
0x74: {  	_ =	shalt  }
0x75: {  	_ =	shalt  }
0x76: {  	_ =	shalt  }
0x77: {  	_ =	shalt  }
0x78: {  	_ =	shalt  }
0x79: {  	_ =	shalt  }
0x7a: {  	_ =	shalt  }
0x7b: {  	_ =	shalt  }
0x7c: {  	_ =	shalt  }
0x7d: {  	_ =	shalt  }
0x7e: {  	_ =	shalt  }
0x7f: {  	_ =	shalt  }
0x80: {  	_ =	shalt  }
0x81: {  	_ =	shalt  }
0x82: {  	_ =	shalt  }
0x83: {  	_ =	shalt  }
0x84: {  	_ =	shalt  }
0x85: {  	_ =	shalt  }
0x86: {  	_ =	shalt  }
0x87: {  	_ =	shalt  }
.Lfunc_end0:
.L_simem_size_0:
called_computation_lowered:
.L_overlay_start_0:
0x88: {  	s2 =	sld [smem:$0x3FD9]  }
0x89: {  	s3 =	sld [smem:$0x3FFE];
	_ =	sdelay $0x1  }
0x8a: {  	s1 =	srdreg.scid  }
0x8b: {  	s0 =	sand.u32 $0x1, s1  }
0x8c: {  	s16 =	sshll.u32 s0, $0xA;
	s2 =	sadd.s32 s3, s2  }
0x8d: {  	s2 =	sadd.s32 s2, s16  }
0x8e: {  	[smem:$0x3FAC] =	sst s2  }
0x8f: {  	_ = 	snop  }
0x90: {  	(tm) =	ssettm $0x1  }
0x91: {  	s17 =	sld [smem:$0x3FFB];
	_ =	sdelay $0x3  }
0x92: {  	_ =	strace s17  }
0x93: {  	s2 =	sld [smem:$0x3FFC];
	_ =	sdelay $0x3  }
0x94: {  	_ =	strace s2  }
0x95: {  	s2 =	sld [smem:$0x3FFD];
	_ =	sdelay $0x3  }
0x96: {  	_ =	strace s2  }
0x97: {  	_ =	strace $0x8FFFFFFF  }
0x98: {  	s18 =	sld [smem:$0x3FDB];
	_ =	sdelay $0x1  }
0x99: {  	s19 =	simm.s32 $_scs_section_size  }
0x9a: {  	s4 =	simm.s32 $_size__tile_overlayer_lowered;
	s5 =	simm.s32 $_tile_overlayer_lowered  }
0x9b: {  	s22 =	simm.s32 $0x1BFF;
	s21 =	sshll.u32 s5, $0x1;
	s2 =	sadd.s32 s19, s18  }
0x9c: {  	s6 =	simm.s32 $0x0;
	s20 =	sshll.u32 s4, $0x1;
	s4 =	sadd.s32 s21, s2  }
0x9d: {  	[timem:s6], [sflag:s22] =	dma.local [hbm:s4], s20  }
0x9e: {  	_ =	swait.ge [sflag:s22], s20  }
0x9f: {  	s3 =	ssub.s32 $0x0, s20;
	[sflag:s22] =	ssyncset.done $0x0  }
0xa0: {  	[sflag:s22] =	ssyncadd.s32 s3;
	_ =	sdelay $0x1  }
0xa1: {  	s23 =	simm.s32 $0x1B8B  }
0xa2: {  	_ =	swait.ge [sflag:s23], $0x1  }
0xa3: {  	[sflag:s23] =	ssyncset.done $0x0  }
0xa4: {  	s25 =	simm.s32 $0x1B8E;
	s24 =	sld [smem:$0x3FFE];
	[sflag:s23] =	ssyncadd.s32 $0xFFFFFFFF  }
0xa5: {  	s26 =	simm.s32 $execute0_lowered;
	[smem:$0x3FD2] =	sst s25  }
0xa6: {  	s4 =	sshll.u32 s26, $0x1;
	_ =	strace $0x80000046;
	[dreg:$0x1] =	wrdreg $0xFFFFFFFF  }
0xa7: {  	s28 =	simm.s32 $_size_execute0_lowered;
	s2 =	sadd.s32 s2, s4;
	[dreg:$0x0] =	wrdreg $0x0  }
0xa8: {  	s4 =	sshll.u32 s28, $0x1;
	[dreg:$0x2] =	wrdreg s2  }
0xa9: {  	[dreg:$0x3] =	wrdreg s4  }
0xaa: {  	[dreg:$0x4] =	wrdreg $0xC0  }
0xab: {  	_ =	task [dreg:s6], $0x5FFFF  }
0xac: {  	[dreg:$0x1] =	wrdreg $0xFFFFFFFF  }
0xad: {  	[dreg:$0x0] =	wrdreg $0x60  }
0xae: {  	[dreg:$0x2] =	wrdreg s24  }
0xaf: {  	[dreg:$0x3] =	wrdreg $0x0  }
0xb0: {  	[dreg:$0x4] =	wrdreg $0x9  }
0xb1: {  	_ =	task.clear_ibuf [dreg:s6], $0x5FFFF;
	_ =	strace $0x90000046  }
0xb2: {  	s29 =	simm.s32 $0x9;
	_ =	strace $0x80000048  }
0xb3: {  	_ =	swait.ge [sflag:s29], $0x1  }
0xb4: {  	[sflag:s29] =	ssyncadd.s32 $0xFFFFFFFF  }
0xb5: {  	_ =	strace $0x90000048  }
0xb6: {  	_ =	sfence  }
0xb7: {  	s30 =	sld [smem:$0x0];
	_ =	sdelay $0x2  }
0xb8: {  	s31 =	sshll.u32 s1, $0xD;
	s1 =	sshrl.u32 s1, $0x2  }
0xb9: {  	s3 =	sand.u32 $0x4000, s31;
	s1 =	sadd.s32 s1, s30  }
0xba: {  	s0 =	sor.u32 s3, s0;
	s1 =	sshll.u32 s1, $0x11  }
0xbb: {  	s0 =	sor.u32 s1, s0  }
0xbc: {  	s0 =	sadd.s32 $0x8F2B, s0  }
0xbd: {  	[sflag:s0] =	ssyncadd.remote.s32 $0x1  }
0xbe: {  	_ =	sfence.sel $0xFFFF  }
0xbf: {  	[dreg:$0x0] =	wrdreg $0xFFFFFFFF;
	(pc) =	sbr.abs _section_cstart, $3  }
0xc0: {  	[dreg:$0x1] =	wrdreg $0xFFFFFFFF  }
0xc1: {  	_ =	task.clear_ibuf [dreg:s6], $0x2FFFF;
	_ =	strace $0x9FFFFFFF  }
0xc2: {  	(tm) =	ssettm $0x7FFFFFFF  }
0xc3: {  	_ =	shalt  }
tec
execute0_lowered:
.L_overlay_start_1:
0x0: {  	(tag) =	ssettag $0x1  }
0x1: {  	s0 =	srdreg.scid  }
0x2: {  	s5 =	rddreg [dreg:$0x0];
	s6 =	sand.u32 $0x1, s0  }
0x3: {  	s0 =	stileid.u32;
	s4 =	smul.u32 $0x27100, s6  }
0x4: {  	s2 =	rddreg [dreg:$0x1];
	s7 =	smul.u32 $0x2710, s0  }
0x5: {  	s1 =	rddreg [dreg:$0x2];
	s8 =	smul.u32 $0x9C400, s6  }
0x6: {  	s3 =	simm.s32 $0x0;
	s15 =	simm.s32 $0x4E70;
	s29 =	smul.u32 $0x13800, s0  }
0x7: {  	s16 =	simm.s32 $0x50;
	s17 =	simm.s32 $0x0;
	s10 =	smul.u32 $0x9C40, s6  }
0x8: {  	[smem:$0x7FF] =	sst s3;
	s14 =	sadd.s32 $0x169C00, s5;
	s12 =	smul.u32 $0x9C0, s0  }
0x9: {  	_ =	strace $0x80000047;
	s11 =	ssub.s32 $0x2, s6;
	s6 =	smul.u32 $0x4E200, s6  }
0xa: {  	s31 =	smul.u32 $0x9C40, s0;
	p0 =	seq.s32 s0, $0xF;
	s13 =	sshrl.u32 s11, $0x1  }
0xb: {  	s4 =	sadd.s32 s7, s4;
	s8 =	sadd.s32 s8, s5;
	s7 =	sshrl.u32 s29, $0x2  }
0xc: {  	s11 =	ssub.s32 s11, s13;
	s30 =	sadd.s32 s12, s10;
	s6 =	sshrl.u32 s6, $0x3  }
0xd: {  	s10 =	sadd.s32 $0x49200, s2;
	s4 =	sshrl.u32 s4, $0x3;
	s13 =	sadd.s32 s7, s2  }
0xe: {  	s6 =	sadd.s32 s14, s6;
	s8 =	sadd.s32 s31, s8;
	s7 =	smax.u32 s11, $0x1  }
0xf: {  	s11 =	sshll.u32 @!p0 s0, $0x6;
	s10 =	sshrl.u32 @p0 s10, $0x3;
	s9 =	sadd.s32 s4, s5  }
0x10: {  	s4 =	sadd.s32 $0x169200, s5;
	s5 =	sadd.s32 s14, s30;
	s6 =	sadd.s32 $0x9240, s6  }
0x11: {  	s8 =	sadd.s32 $0x30A00, s8;
	s11 =	sor.u32 @!p0 $0x1C01, s11;
	s12 =	sshrl.u32 @!p0 s13, $0x3  }
0x12: {  	s13 =	simm.s32 $0x4E20;
	s14 =	simm.s32 $0x1;
	s9 =	sadd.s32 $0x51C800, s9  }
.LBB2_1:
0x13: {  	s18 =	simm.s32 @p0 $0x1FC1  }
0x14: {  	[spmem:s10], [sflag:s18] =	dma.local @p0 [hbm:s4], $0xA00  }
0x15: {  	s18 =	simm.s32 @p0 $0x1  }
0x16: {  	_ =	swait.ge @p0 [sflag:s18], $0xA00  }
0x17: {  	[sflag:s18] =	ssyncset.done @p0 $0x0  }
0x18: {  	[sflag:s18] =	ssyncadd.s32 @p0 $0xFFFFF600;
	s18 =	simm.s32 @!p0 $0x1  }
0x19: {  	[spmem:s12], [sflag:s11] =	dma.local @!p0 [hbm:s4], $0x9C0  }
0x1a: {  	_ =	swait.ge @!p0 [sflag:s18], $0x9C0  }
0x1b: {  	[sflag:s18] =	ssyncset.done @!p0 $0x0  }
0x1c: {  	[sflag:s18] =	ssyncadd.s32 @!p0 $0xFFFFF640  }
0x1d: {  	s31 =	sadd.s32 $0x0, s9;
	[bflag:$0x0] =	sbarrier.arrive $0xFFFF  }
0x1e: {  	[tilespmem:s13], [sflag:$0x1] =	stream.linear.gather [hbm4b:s31+s3], $0x50, $0x38;
	[tilespmem:$0x5870] =	vst v63  }
0x1f: {  	_ =	swait.ge [sflag:s14], $0x50  }
0x20: {  	[sflag:s14] =	ssyncset.done $0x0  }
0x21: {  	[sflag:s14] =	ssyncadd.s32 $0xFFFFFFB0  }
0x22: {  	[tilespmem:s15], [sflag:$0x1] =	stream.linear.gather [hbm4b:s8+s3], $0xA00, $0x38;
	[tilespmem:$0x5870] =	vst v63  }
0x23: {  	_ =	swait.ge [sflag:s14], $0xA00  }
0x24: {  	[sflag:s14] =	ssyncset.done $0x0  }
0x25: {  	[sflag:s14] =	ssyncadd.s32 $0xFFFFF600  }
0x26: {  	[spmem:s2] =	stream.indirect.scatter.add.f32 [tilespmem:s15], [sflag:$0x1], $0x20, s13, s16, $0xb8;
	[tilespmem:$0x5870] =	vst v63  }
0x27: {  	s19 =	simm.s32 $0xA;
	_ =	swait.ge [sflag:s14], $0xA00  }
0x28: {  	s20 =	simm.s32 $0x14;
	s18 =	sadd.s32 $0x140, s8;
	[sflag:s14] =	ssyncset.done $0x0  }
.LBB2_2:
0x29: {  	s21 =	sadd.s32 s19, s9  }
0x2a: {  	[sflag:s14] =	ssyncadd.s32 $0xFFFFF600;
	s19 =	smov.u32 s20;
	s22 =	sadd.s32 $0xA, s20  }
0x2b: {  	[tilespmem:s13], [sflag:$0x1] =	stream.linear.gather [hbm4b:s21+s3], $0x50, $0x38;
	[tilespmem:$0x5870] =	vst v63  }
0x2c: {  	p1 =	sne.s32 s20, $0x4D8;
	_ =	swait.ge [sflag:s14], $0x50  }
0x2d: {  	[sflag:s14] =	ssyncset.done $0x0  }
0x2e: {  	[sflag:s14] =	ssyncadd.s32 $0xFFFFFFB0  }
0x2f: {  	[tilespmem:s15], [sflag:$0x1] =	stream.linear.gather [hbm4b:s18+s3], $0xA00, $0x38;
	[tilespmem:$0x5870] =	vst v63  }
0x30: {  	_ =	swait.ge [sflag:s14], $0xA00  }
.Ltmp0:
0x31: {  	[sflag:s14] =	ssyncset.done $0x0;
	(pc) =	sbr.rel @p1 .LBB2_2-.Ltmp0, $4  }
0x32: {  	[sflag:s14] =	ssyncadd.s32 $0xFFFFF600  }
0x33: {  	[spmem:s2] =	stream.indirect.scatter.add.f32 [tilespmem:s15], [sflag:$0x1], $0x20, s13, s16, $0xb8;
	[tilespmem:$0x5870] =	vst v63  }
0x34: {  	_ =	swait.ge [sflag:s14], $0xA00  }
0x35: {  	s20 =	smov.u32 s22;
	s18 =	sadd.s32 $0x140, s18;
	[sflag:s14] =	ssyncset.done $0x0  }
0x36: {  	s19 =	sadd.s32 s19, s9;
	[sflag:s14] =	ssyncadd.s32 $0xFFFFF600  }
0x37: {  	[tilespmem:s13], [sflag:$0x1] =	stream.linear.gather [hbm4b:s19+s3], $0x50, $0x38;
	[tilespmem:$0x5870] =	vst v63  }
0x38: {  	_ =	swait.ge [sflag:s14], $0x50  }
0x39: {  	[sflag:s14] =	ssyncset.done $0x0  }
0x3a: {  	[sflag:s14] =	ssyncadd.s32 $0xFFFFFFB0  }
0x3b: {  	[tilespmem:s15], [sflag:$0x1] =	stream.linear.gather [hbm4b:s18+s3], $0xA00, $0x38;
	[tilespmem:$0x5870] =	vst v63  }
0x3c: {  	_ =	swait.ge [sflag:s14], $0xA00  }
0x3d: {  	[sflag:s14] =	ssyncset.done $0x0  }
0x3e: {  	[sflag:s14] =	ssyncadd.s32 $0xFFFFF600  }
0x3f: {  	[spmem:s2] =	stream.indirect.scatter.add.f32 [tilespmem:s15], [sflag:$0x1], $0x20, s13, s16, $0xb8;
	[tilespmem:$0x5870] =	vst v63  }
0x40: {  	_ =	swait.ge [sflag:s14], $0xA00  }
0x41: {  	[sflag:s14] =	ssyncset.done $0x0  }
0x42: {  	[sflag:s14] =	ssyncadd.s32 $0xFFFFF600  }
0x43: {  	s18 =	simm.s32 @p0 $0x1FC1;
	[bflag:$0x0] =	sbarrier.arrive $0xFFFF  }
0x44: {  	[hbm:s6], [sflag:s18] =	dma.local @p0 [spmem:s10], $0xA00  }
0x45: {  	s18 =	simm.s32 @p0 $0x1  }
0x46: {  	s17 =	sadd.s32 $0x1, s17;
	_ =	swait.ge @p0 [sflag:s18], $0xA00  }
0x47: {  	p1 =	sne.s32 s17, s7;
	[sflag:s18] =	ssyncset.done @p0 $0x0  }
.Ltmp1:
0x48: {  	[sflag:s18] =	ssyncadd.s32 @p0 $0xFFFFF600;
	s18 =	simm.s32 @!p0 $0x1;
	(pc) =	sbr.rel @p1 .LBB2_1-.Ltmp1, $4  }
0x49: {  	[hbm:s5], [sflag:s11] =	dma.local @!p0 [spmem:s12], $0x9C0  }
0x4a: {  	_ =	swait.ge @!p0 [sflag:s18], $0x9C0  }
0x4b: {  	[sflag:s18] =	ssyncset.done @!p0 $0x0  }
0x4c: {  	[sflag:s18] =	ssyncadd.s32 @!p0 $0xFFFFF640  }
0x4d: {  	_ =	sfence.sel $0x180000  }
0x4e: {  	[bflag:$0x0] =	sbarrier.arrive $0xFFFF  }
0x4f: {  	p0 =	sne.s32 s0, $0x0;
	_ =	strace $0x90000047  }
0x50: {  	s0 =	sadd.s32 @!p0 $0x100000, s1;
	[bflag:$0x2] =	sbarrier.arrive $0xFFFF  }
0x51: {  	[sflag:s0] =	ssyncadd.tile.s32 @!p0 $0x1;
	_ =	shalt  }
.Lfunc_end2:
_tile_overlayer_lowered:
.L_overlay_start_2:
0x52: {  	(tag) =	ssettag $0x2  }
0x53: {  	s0 =	rddreg [dreg:$0x0];
	s2 =	stileid.u32  }
0x54: {  	s1 =	rddreg [dreg:$0x1];
	p0 =	sne.s32 s2, $0x0  }
0x55: {  	s3 =	rddreg [dreg:$0x2];
	[bflag:$0x3] =	sbarrier.arrive $0xFFFF;
	s2 =	simm.s32 @!p0 $0x1C01  }
0x56: {  	[timem:s3], [sflag:s2] =	dma.local @!p0 [hbm:s0], s1  }
0x57: {  	s0 =	simm.s32 @!p0 $0x1  }
0x58: {  	_ =	swait.ge @!p0 [sflag:s0], s1  }
0x59: {  	s1 =	ssub.s32 @!p0 $0x0, s1;
	[sflag:s0] =	ssyncset.done @!p0 $0x0  }
0x5a: {  	[sflag:s0] =	ssyncadd.s32 @!p0 s1  }
0x5b: {  	[bflag:$0x3] =	sbarrier.arrive $0xFFFF  }
0x5c: {  	_ =	shalt  }

// kernel: kernel.19.cloned.1.call-start
scs
__scs_entry_jumppad:
0x0: {  	(pc) =	sbr.rel $0x88, $3  }
0x1: {  	(tag) =	ssettag $0x0;
	lr =	simm.s32 $0x1  }
0x2: {  	[smem:$0x3F85] =	sst lr;
	_ =	strace $0xD0000000  }
0x3: {  	_ = 	snop  }
0x4: {  	_ = 	snop  }
0x5: {  	_ = 	snop  }
0x6: {  	_ = 	snop  }
0x7: {  	_ = 	snop  }
__scs_overlays_trampoline_lowered:
0x8: {  	[smem:$0x3F94] =	sst s0  }
0x9: {  	[smem:$0x3F95] =	sst s1  }
0xa: {  	[smem:$0x3F96] =	sst s2  }
0xb: {  	[smem:$0x3F97] =	sst s3  }
0xc: {  	[smem:$0x3F98] =	sst s4  }
0xd: {  	[smem:$0x3F99] =	sst s5  }
0xe: {  	[smem:$0x3F9A] =	sst s6  }
0xf: {  	[smem:$0x3F9B] =	sst s7  }
0x10: {  	[smem:$0x3F9C] =	sst s8  }
0x11: {  	[smem:$0x3F9D] =	sst s9;
	s0 =	simm.s32 @!p0 $0x0  }
0x12: {  	s1 =	sld [smem:$0x3F83];
	s0 =	simm.s32 @p0 $0x1  }
0x13: {  	[smem:$0x3F9E] =	sst s0;
	s0 =	simm.s32 @!p1 $0x0  }
0x14: {  	s2 =	sld [smem:$0x3F82];
	s0 =	simm.s32 @p1 $0x1  }
0x15: {  	[smem:$0x3F9F] =	sst s0;
	s0 =	simm.s32 @!p2 $0x0  }
0x16: {  	s3 =	sld [smem:$0x3FDB];
	s0 =	simm.s32 @p2 $0x1  }
0x17: {  	s4 =	simm.s32 $0x1BF5;
	[smem:$0x3FA1] =	sst s0  }
0x18: {  	s0 =	sld [smem:$0x3F84];
	_ =	swait.ge [sflag:s4], $0x0  }
0x19: {  	s7 =	sld [smem:$0x3F85]  }
0x1a: {  	s8 =	sadd.s32 $0xFFFFE003, lr  }
0x1b: {  	s9 =	sadd.s32 $0xFFFFFEF7, lr;
	s5 =	simm.s32 $0xFFFFFFFF;
	p2 =	slt.u32 s8, $0xFFFFF086  }
0x1c: {  	p1 =	slt.u32 s9, $0xF7A;
	s5 =	simm.s32 @!p2 $0x0  }
0x1d: {  	s5 =	simm.s32 @p1 $0x1;
	p0 =	seq.s32 s7, s2  }
0x1e: {  	s7 =	smul.u32 @!p0 $0xF7A, s2;
	p2 =	seq.s32 @!p0 s5, $0x0  }
0x1f: {  	s9 =	smul.u32 $0xF7A, s1;
	s8 =	simm.s32 @!p0 $0x1BF5;
	p2 =	por !p2, p0  }
0x20: {  	[sflag:s8] =	ssyncset.s32 @!p0 $0xFFFFF086;
	s6 =	sadd.s32 @!p0 s3, s7;
	s7 =	simm.s32 @!p0 $0x108  }
0x21: {  	s3 =	sadd.s32 s3, s9;
	s6 =	sadd.s32 @!p0 $0x88, s6;
	s7 =	simm.s32 @p2 $0x1082  }
0x22: {  	[simem:s7], [sflag:s8] =	dma.local @!p0 [hbm:s6], $0xF7A  }
0x23: {  	s9 =	sor.u32 $0xD0000000, s2;
	s6 =	simm.s32 $0x108;
	_ =	swait.ge @!p0 [sflag:s8], $0x0  }
0x24: {  	s3 =	sadd.s32 $0x88, s3;
	s6 =	simm.s32 @!p1 $0x1082;
	[sflag:s4] =	ssyncset.s32 $0xFFFFF086  }
0x25: {  	[simem:s6], [sflag:s4] =	dma.local [hbm:s3], $0xF7A  }
0x26: {  	[smem:$0x3F85] =	sst s1;
	(tag) =	ssettag s2;
	_ =	strace s9  }
0x27: {  	s1 =	sld [smem:$0x3F95]  }
0x28: {  	s2 =	sld [smem:$0x3F96]  }
0x29: {  	s4 =	sld [smem:$0x3F98]  }
0x2a: {  	p0 =	seq.s32 s5, $0x0;
	s5 =	sld [smem:$0x3F99]  }
0x2b: {  	s6 =	sld [smem:$0x3F9A]  }
0x2c: {  	s7 =	sld [smem:$0x3F9B]  }
0x2d: {  	s3 =	simm.s32 $0x108;
	s8 =	sld [smem:$0x3F9C]  }
0x2e: {  	s3 =	simm.s32 @!p0 $0x1082;
	s9 =	sld [smem:$0x3F9D]  }
0x2f: {  	lr =	sadd.s32 s0, s3;
	s0 =	sld [smem:$0x3F94]  }
0x30: {  	s3 =	sld [smem:$0x3F97]  }
0x31: {  	[smem:$0x3FA0] =	sst s10  }
0x32: {  	s10 =	sld [smem:$0x3F9E];
	_ =	sdelay $0x3  }
0x33: {  	p0 =	seq.s32 s10, $0x1;
	s10 =	sld [smem:$0x3FA0];
	_ =	sdelay $0x3  }
0x34: {  	[smem:$0x3FA0] =	sst s10  }
0x35: {  	s10 =	sld [smem:$0x3F9F];
	_ =	sdelay $0x3  }
0x36: {  	p1 =	seq.s32 s10, $0x1;
	s10 =	sld [smem:$0x3FA0];
	_ =	sdelay $0x3  }
0x37: {  	[smem:$0x3FA0] =	sst s10  }
0x38: {  	s10 =	sld [smem:$0x3FA1]  }
0x39: {  	_ = 	snop;
	(pc) =	sbr.ind lr, $3  }
0x3a: {  	_ = 	snop  }
0x3b: {  	_ = 	snop  }
0x3c: {  	p2 =	seq.s32 s10, $0x1;
	s10 =	sld [smem:$0x3FA0]  }
0x3d: {  	_ =	shalt  }
0x3e: {  	_ =	shalt  }
0x3f: {  	_ =	shalt  }
0x40: {  	_ =	shalt  }
0x41: {  	_ =	shalt  }
0x42: {  	_ =	shalt  }
0x43: {  	_ =	shalt  }
0x44: {  	_ =	shalt  }
0x45: {  	_ =	shalt  }
0x46: {  	_ =	shalt  }
0x47: {  	_ =	shalt  }
0x48: {  	_ =	shalt  }
0x49: {  	_ =	shalt  }
0x4a: {  	_ =	shalt  }
0x4b: {  	_ =	shalt  }
0x4c: {  	_ =	shalt  }
0x4d: {  	_ =	shalt  }
0x4e: {  	_ =	shalt  }
0x4f: {  	_ =	shalt  }
0x50: {  	_ =	shalt  }
0x51: {  	_ =	shalt  }
0x52: {  	_ =	shalt  }
0x53: {  	_ =	shalt  }
0x54: {  	_ =	shalt  }
0x55: {  	_ =	shalt  }
0x56: {  	_ =	shalt  }
0x57: {  	_ =	shalt  }
0x58: {  	_ =	shalt  }
0x59: {  	_ =	shalt  }
0x5a: {  	_ =	shalt  }
0x5b: {  	_ =	shalt  }
0x5c: {  	_ =	shalt  }
0x5d: {  	_ =	shalt  }
0x5e: {  	_ =	shalt  }
0x5f: {  	_ =	shalt  }
0x60: {  	_ =	shalt  }
0x61: {  	_ =	shalt  }
0x62: {  	_ =	shalt  }
0x63: {  	_ =	shalt  }
0x64: {  	_ =	shalt  }
0x65: {  	_ =	shalt  }
0x66: {  	_ =	shalt  }
0x67: {  	_ =	shalt  }
0x68: {  	_ =	shalt  }
0x69: {  	_ =	shalt  }
0x6a: {  	_ =	shalt  }
0x6b: {  	_ =	shalt  }
0x6c: {  	_ =	shalt  }
0x6d: {  	_ =	shalt  }
0x6e: {  	_ =	shalt  }
0x6f: {  	_ =	shalt  }
0x70: {  	_ =	shalt  }
0x71: {  	_ =	shalt  }
0x72: {  	_ =	shalt  }
0x73: {  	_ =	shalt  }
0x74: {  	_ =	shalt  }
0x75: {  	_ =	shalt  }
0x76: {  	_ =	shalt  }
0x77: {  	_ =	shalt  }
0x78: {  	_ =	shalt  }
0x79: {  	_ =	shalt  }
0x7a: {  	_ =	shalt  }
0x7b: {  	_ =	shalt  }
0x7c: {  	_ =	shalt  }
0x7d: {  	_ =	shalt  }
0x7e: {  	_ =	shalt  }
0x7f: {  	_ =	shalt  }
0x80: {  	_ =	shalt  }
0x81: {  	_ =	shalt  }
0x82: {  	_ =	shalt  }
0x83: {  	_ =	shalt  }
0x84: {  	_ =	shalt  }
0x85: {  	_ =	shalt  }
0x86: {  	_ =	shalt  }
0x87: {  	_ =	shalt  }
.Lfunc_end0:
.L_simem_size_0:
called_computation.1_lowered:
.L_overlay_start_0:
0x88: {  	s2 =	sld [smem:$0x3FD9]  }
0x89: {  	s3 =	sld [smem:$0x3FFE];
	_ =	sdelay $0x1  }
0x8a: {  	s1 =	srdreg.scid  }
0x8b: {  	s0 =	sand.u32 $0x1, s1  }
0x8c: {  	s16 =	sshll.u32 s0, $0xA;
	s2 =	sadd.s32 s3, s2  }
0x8d: {  	s2 =	sadd.s32 s2, s16  }
0x8e: {  	[smem:$0x3FAC] =	sst s2  }
0x8f: {  	_ = 	snop  }
0x90: {  	(tm) =	ssettm $0x1  }
0x91: {  	s17 =	sld [smem:$0x3FFB];
	_ =	sdelay $0x3  }
0x92: {  	_ =	strace s17  }
0x93: {  	s2 =	sld [smem:$0x3FFC];
	_ =	sdelay $0x3  }
0x94: {  	_ =	strace s2  }
0x95: {  	s2 =	sld [smem:$0x3FFD];
	_ =	sdelay $0x3  }
0x96: {  	_ =	strace s2  }
0x97: {  	_ =	strace $0x8FFFFFFF  }
0x98: {  	s18 =	sld [smem:$0x3FDB];
	_ =	sdelay $0x1  }
0x99: {  	s19 =	simm.s32 $_scs_section_size  }
0x9a: {  	s4 =	simm.s32 $_size__tile_overlayer_lowered;
	s5 =	simm.s32 $_tile_overlayer_lowered  }
0x9b: {  	s22 =	simm.s32 $0x1BFF;
	s21 =	sshll.u32 s5, $0x1;
	s2 =	sadd.s32 s19, s18  }
0x9c: {  	s6 =	simm.s32 $0x0;
	s20 =	sshll.u32 s4, $0x1;
	s4 =	sadd.s32 s21, s2  }
0x9d: {  	[timem:s6], [sflag:s22] =	dma.local [hbm:s4], s20  }
0x9e: {  	_ =	swait.ge [sflag:s22], s20  }
0x9f: {  	s3 =	ssub.s32 $0x0, s20;
	[sflag:s22] =	ssyncset.done $0x0  }
0xa0: {  	[sflag:s22] =	ssyncadd.s32 s3;
	_ =	sdelay $0x1  }
0xa1: {  	s23 =	simm.s32 $0x1B8B  }
0xa2: {  	_ =	swait.ge [sflag:s23], $0x1  }
0xa3: {  	[sflag:s23] =	ssyncset.done $0x0  }
0xa4: {  	s25 =	simm.s32 $0x1B8E;
	s24 =	sld [smem:$0x3FFE];
	[sflag:s23] =	ssyncadd.s32 $0xFFFFFFFF  }
0xa5: {  	s26 =	simm.s32 $execute0_lowered;
	[smem:$0x3FD2] =	sst s25  }
0xa6: {  	s4 =	sshll.u32 s26, $0x1;
	_ =	strace $0x80000049;
	[dreg:$0x1] =	wrdreg $0xFFFFFFFF  }
0xa7: {  	s28 =	simm.s32 $_size_execute0_lowered;
	s2 =	sadd.s32 s2, s4;
	[dreg:$0x0] =	wrdreg $0x0  }
0xa8: {  	s4 =	sshll.u32 s28, $0x1;
	[dreg:$0x2] =	wrdreg s2  }
0xa9: {  	[dreg:$0x3] =	wrdreg s4  }
0xaa: {  	[dreg:$0x4] =	wrdreg $0xC0  }
0xab: {  	_ =	task [dreg:s6], $0x5FFFF  }
0xac: {  	[dreg:$0x1] =	wrdreg $0xFFFFFFFF  }
0xad: {  	[dreg:$0x0] =	wrdreg $0x60  }
0xae: {  	[dreg:$0x2] =	wrdreg s24  }
0xaf: {  	[dreg:$0x3] =	wrdreg $0x0  }
0xb0: {  	[dreg:$0x4] =	wrdreg $0x9  }
0xb1: {  	_ =	task.clear_ibuf [dreg:s6], $0x5FFFF;
	_ =	strace $0x90000049  }
0xb2: {  	s29 =	simm.s32 $0x9;
	_ =	strace $0x8000004B  }
0xb3: {  	_ =	swait.ge [sflag:s29], $0x1  }
0xb4: {  	[sflag:s29] =	ssyncadd.s32 $0xFFFFFFFF  }
0xb5: {  	_ =	strace $0x9000004B  }
0xb6: {  	_ =	sfence  }
0xb7: {  	s30 =	sld [smem:$0x0];
	_ =	sdelay $0x2  }
0xb8: {  	s31 =	sshll.u32 s1, $0xD;
	s1 =	sshrl.u32 s1, $0x2  }
0xb9: {  	s3 =	sand.u32 $0x4000, s31;
	s1 =	sadd.s32 s1, s30  }
0xba: {  	s0 =	sor.u32 s3, s0;
	s1 =	sshll.u32 s1, $0x11  }
0xbb: {  	s0 =	sor.u32 s1, s0  }
0xbc: {  	s0 =	sadd.s32 $0x8F2B, s0  }
0xbd: {  	[sflag:s0] =	ssyncadd.remote.s32 $0x1  }
0xbe: {  	_ =	sfence.sel $0xFFFF  }
0xbf: {  	[dreg:$0x0] =	wrdreg $0xFFFFFFFF;
	(pc) =	sbr.abs _section_cstart, $3  }
0xc0: {  	[dreg:$0x1] =	wrdreg $0xFFFFFFFF  }
0xc1: {  	_ =	task.clear_ibuf [dreg:s6], $0x2FFFF;
	_ =	strace $0x9FFFFFFF  }
0xc2: {  	(tm) =	ssettm $0x7FFFFFFF  }
0xc3: {  	_ =	shalt  }
tec
execute0_lowered:
.L_overlay_start_1:
0x0: {  	(tag) =	ssettag $0x1  }
0x1: {  	s0 =	rddreg [dreg:$0x0]  }
0x2: {  	s1 =	rddreg [dreg:$0x1];
	s2 =	simm.s32 $0x0  }
0x3: {  	s3 =	srdreg.scid;
	s14 =	stileid.u32;
	s16 =	simm.s32 $0x13880  }
0x4: {  	s17 =	simm.s32 $0x3;
	s18 =	simm.s32 $0x138D0;
	s19 =	simm.s32 $0x50  }
0x5: {  	s20 =	simm.s32 $0x13920;
	s21 =	simm.s32 $0x16120;
	s22 =	simm.s32 $0x16170  }
0x6: {  	s23 =	simm.s32 $0x161C0;
	s25 =	simm.s32 $0x2;
	s26 =	simm.s32 $0x0  }
0x7: {  	[smem:$0x7FF] =	sst s2;
	s4 =	sadd.s32 $0x7EC00, s0;
	s7 =	smul.u32 $0x4E000, s14  }
0x8: {  	s6 =	sadd.s32 $0x512A00, s0;
	s3 =	sand.u32 $0x1, s3;
	s9 =	smul.u32 $0x4E20, s14  }
0x9: {  	s11 =	sadd.s32 $0x51C800, s0;
	s5 =	sadd.s32 $0xCCE00, s0;
	s30 =	smul.u32 $0x270, s14  }
0xa: {  	s0 =	sadd.s32 $0xCF600, s0;
	s13 =	sadd.s32 $0x124800, s1;
	s12 =	smul.u32 $0x9C4, s14  }
0xb: {  	p0 =	seq.s32 s14, $0xF;
	_ =	strace $0x8000004A;
	s24 =	smul.u32 $0x2710, s3  }
0xc: {  	s8 =	ssub.s32 $0x2, s3;
	s3 =	smul.u32 $0x138800, s3;
	s13 =	sshrl.u32 @p0 s13, $0x3  }
0xd: {  	s10 =	sshrl.u32 s8, $0x1;
	s7 =	sshrl.u32 s7, $0x2;
	s9 =	sshrl.u32 s9, $0x3  }
0xe: {  	s10 =	ssub.s32 s8, s10;
	s15 =	sadd.s32 s7, s1;
	s31 =	sadd.s32 s6, s9  }
0xf: {  	s7 =	sadd.s32 s11, s9;
	s8 =	sadd.s32 s30, s24;
	s3 =	sshrl.u32 s3, $0x3  }
0x10: {  	s11 =	sadd.s32 s12, s11;
	s12 =	sadd.s32 s12, s6;
	v0 =	vmov s24;
	s24 =	simm.s32 $0x1  }
0x11: {  	[dreg:$0x3] =	wrdreg s31;
	s8 =	sshll.u32 s8, $0x4;
	s3 =	sadd.s32 s0, s3  }
0x12: {  	s10 =	smax.u32 s10, $0x1;
	s8 =	sadd.s32 s0, s8;
	s0 =	sshll.u32 @!p0 s14, $0x6  }
0x13: {  	s15 =	sshrl.u32 @!p0 s15, $0x3;
	s9 =	sadd.s32 $0x24900, s3;
	s14 =	sor.u32 @!p0 $0x1C03, s0  }
.LBB2_1:
0x14: {  	s0 =	simm.s32 @p0 $0x1FC3  }
0x15: {  	[spmem:s13], [sflag:s0] =	dma.local @p0 [hbm:s5], $0x2800  }
0x16: {  	s0 =	simm.s32 @p0 $0x3  }
0x17: {  	_ =	swait.ge @p0 [sflag:s0], $0x2800  }
0x18: {  	[sflag:s0] =	ssyncset.done @p0 $0x0  }
0x19: {  	[sflag:s0] =	ssyncadd.s32 @p0 $0xFFFFD800;
	s0 =	simm.s32 @!p0 $0x3  }
0x1a: {  	[spmem:s15], [sflag:s14] =	dma.local @!p0 [hbm:s5], $0x2700  }
0x1b: {  	_ =	swait.ge @!p0 [sflag:s0], $0x2700  }
0x1c: {  	[sflag:s0] =	ssyncset.done @!p0 $0x0  }
0x1d: {  	[sflag:s0] =	ssyncadd.s32 @!p0 $0xFFFFD900  }
0x1e: {  	[bflag:$0x0] =	sbarrier.arrive $0xFFFF  }
0x1f: {  	s3 =	rddreg [dreg:$0x3]  }
0x20: {  	[tilespmem:s16], [sflag:$0x3] =	stream.linear.gather [hbm4b:s3+s2], $0x50, $0x38;
	[tilespmem:$0x189C0] =	vst v63  }
0x21: {  	_ =	swait.ge [sflag:s17], $0x50  }
0x22: {  	[sflag:s17] =	ssyncset.done $0x0  }
0x23: {  	[sflag:s17] =	ssyncadd.s32 $0xFFFFFFB0  }
0x24: {  	[tilespmem:s18], [sflag:$0x3] =	stream.linear.gather [hbm4b:s7+s2], $0x50, $0x38;
	[tilespmem:$0x189C0] =	vst v63  }
0x25: {  	_ =	swait.ge [sflag:s17], $0x50  }
0x26: {  	[sflag:s17] =	ssyncset.done $0x0  }
0x27: {  	[sflag:s17] =	ssyncadd.s32 $0xFFFFFFB0  }
0x28: {  	v1 =	vld [tilespmem:$0x13880]  }
0x29: {  	v2 =	vld [tilespmem:$0x13890]  }
0x2a: {  	v3 =	vld [tilespmem:$0x138A0]  }
0x2b: {  	v4 =	vld [tilespmem:$0x138B0]  }
0x2c: {  	v5 =	vld [tilespmem:$0x138C0]  }
0x2d: {  	v1 =	vadd.s32 v0, v1  }
0x2e: {  	[tilespmem:$0x13880] =	vst v1;
	v1 =	vadd.s32 v0, v2  }
0x2f: {  	[tilespmem:$0x13890] =	vst v1;
	v1 =	vadd.s32 v0, v3  }
0x30: {  	[tilespmem:$0x138A0] =	vst v1;
	v1 =	vadd.s32 v0, v4  }
0x31: {  	[tilespmem:$0x138B0] =	vst v1;
	v1 =	vadd.s32 v0, v5  }
0x32: {  	s6 =	sadd.s32 $0x0, s12;
	[tilespmem:$0x138C0] =	vst v1  }
0x33: {  	[tilespmem:s20], [sflag:$0x1] =	stream.indirect.gather [hbm4b:s4+s19], $0x80, s16, s19, $0xb8;
	[tilespmem:$0x189C0] =	vst v63  }
0x34: {  	s0 =	sadd.s32 $0xA, s6  }
0x35: {  	[tilespmem:s21], [sflag:$0x3] =	stream.linear.gather [hbm4b:s0+s2], $0x50, $0x38;
	[tilespmem:$0x189C0] =	vst v63  }
0x36: {  	_ =	swait.ge [sflag:s17], $0x50  }
0x37: {  	s30 =	sadd.s32 $0x0, s11;
	[sflag:s17] =	ssyncset.done $0x0  }
0x38: {  	s0 =	sadd.s32 $0xA, s30;
	[sflag:s17] =	ssyncadd.s32 $0xFFFFFFB0  }
0x39: {  	[tilespmem:s22], [sflag:$0x3] =	stream.linear.gather [hbm4b:s0+s2], $0x50, $0x38;
	[tilespmem:$0x189C0] =	vst v63  }
0x3a: {  	_ =	swait.ge [sflag:s17], $0x50  }
0x3b: {  	[sflag:s17] =	ssyncset.done $0x0  }
0x3c: {  	[sflag:s17] =	ssyncadd.s32 $0xFFFFFFB0  }
0x3d: {  	v1 =	vld [tilespmem:$0x16150]  }
0x3e: {  	v2 =	vld [tilespmem:$0x16160]  }
0x3f: {  	v3 =	vld [tilespmem:$0x16130]  }
0x40: {  	v62 =	vld [tilespmem:$0x16140]  }
0x41: {  	v63 =	vld [tilespmem:$0x16120]  }
0x42: {  	v1 =	vadd.s32 v0, v1  }
0x43: {  	[tilespmem:$0x16150] =	vst v1;
	v1 =	vadd.s32 v0, v2  }
0x44: {  	v2 =	vadd.s32 v0, v3;
	[tilespmem:$0x16160] =	vst v1  }
0x45: {  	[tilespmem:$0x16130] =	vst v2;
	v1 =	vadd.s32 v0, v62  }
0x46: {  	v2 =	vadd.s32 v0, v63;
	[tilespmem:$0x16140] =	vst v1  }
0x47: {  	[tilespmem:$0x16120] =	vst v2  }
0x48: {  	[tilespmem:s23], [sflag:$0x2] =	stream.indirect.gather [hbm4b:s4+s19], $0x80, s21, s19, $0xb8;
	[tilespmem:$0x189C0] =	vst v63  }
0x49: {  	_ =	swait.ge [sflag:s24], $0x2800  }
0x4a: {  	[sflag:s24] =	ssyncset.done $0x0  }
0x4b: {  	p1 =	por $0x0, $0x0;
	[sflag:s24] =	ssyncadd.s32 $0xFFFFD800  }
0x4c: {  	[spmem:s1] =	stream.indirect.scatter.add.f32 [tilespmem:s20], [sflag:$0x3], $0x80, s18, s19, $0xb8;
	[tilespmem:$0x189C0] =	vst v63  }
0x4d: {  	s29 =	simm.s32 @!p1 $0x13880;
	_ =	swait.ge [sflag:s17], $0x2800  }
0x4e: {  	s6 =	simm.s32 @!p1 $0x0;
	s0 =	sadd.s32 @!p1 $0x0, s12;
	[sflag:s17] =	ssyncset.done $0x0  }
0x4f: {  	s3 =	simm.s32 @!p1 $0x3;
	s0 =	sadd.s32 @!p1 $0x14, s0;
	[sflag:s17] =	ssyncadd.s32 $0xFFFFD800  }
0x50: {  	[tilespmem:s29], [sflag:$0x3] =	stream.linear.gather @!p1 [hbm4b:s0+s6], $0x50, $0x38;
	[tilespmem:$0x189C0] =	vst v63  }
0x51: {  	s28 =	simm.s32 $0x14;
	s0 =	sadd.s32 @!p1 $0x0, s11;
	_ =	swait.ge @!p1 [sflag:s3], $0x50  }
0x52: {  	s31 =	simm.s32 @!p1 $0x138D0;
	s0 =	sadd.s32 @!p1 $0x14, s0;
	[sflag:s3] =	ssyncset.done @!p1 $0x0  }
.LBB2_2:
0x53: {  	[sflag:s3] =	ssyncadd.s32 @!p1 $0xFFFFFFB0;
	s30 =	smov.u32 s28;
	s28 =	sadd.s32 $0x14, s28  }
0x54: {  	[tilespmem:s31], [sflag:$0x3] =	stream.linear.gather @!p1 [hbm4b:s0+s6], $0x50, $0x38;
	[tilespmem:$0x189C0] =	vst v63  }
0x55: {  	p2 =	sne.s32 s28, $0x9C4;
	_ =	swait.ge @!p1 [sflag:s3], $0x50  }
0x56: {  	[sflag:s3] =	ssyncset.done @!p1 $0x0  }
0x57: {  	[sflag:s3] =	ssyncadd.s32 @!p1 $0xFFFFFFB0  }
0x58: {  	v1 =	vld @!p1 [tilespmem:$0x13890]  }
0x59: {  	v2 =	vld @!p1 [tilespmem:$0x13880]  }
0x5a: {  	v3 =	vld @!p1 [tilespmem:$0x138B0]  }
0x5b: {  	v4 =	vld @!p1 [tilespmem:$0x138C0]  }
0x5c: {  	v5 =	vld @!p1 [tilespmem:$0x138A0]  }
0x5d: {  	v1 =	vadd.s32 @!p1 v0, v1  }
0x5e: {  	v2 =	vadd.s32 @!p1 v0, v2;
	[tilespmem:$0x13890] =	vst @!p1 v1  }
0x5f: {  	[tilespmem:$0x13880] =	vst @!p1 v2;
	v1 =	vadd.s32 @!p1 v0, v3  }
0x60: {  	s0 =	simm.s32 @!p1 $0x50;
	s3 =	simm.s32 @!p1 $0x13920;
	[tilespmem:$0x138B0] =	vst @!p1 v1;
	v1 =	vadd.s32 @!p1 v0, v4  }
0x61: {  	v2 =	vadd.s32 @!p1 v0, v5;
	[tilespmem:$0x138C0] =	vst @!p1 v1  }
0x62: {  	[tilespmem:$0x138A0] =	vst @!p1 v2  }
0x63: {  	[tilespmem:s3], [sflag:$0x1] =	stream.indirect.gather @!p1 [hbm4b:s4+s0], $0x80, s29, s0, $0xb8;
	[tilespmem:$0x189C0] =	vst v63  }
0x64: {  	_ =	swait.ge [sflag:s25], $0x2800  }
0x65: {  	[sflag:s25] =	ssyncset.done $0x0  }
0x66: {  	[sflag:s25] =	ssyncadd.s32 $0xFFFFD800  }
0x67: {  	[spmem:s1] =	stream.indirect.scatter.add.f32 [tilespmem:s23], [sflag:$0x3], $0x80, s22, s19, $0xb8;
	[tilespmem:$0x189C0] =	vst v63  }
0x68: {  	_ =	swait.ge [sflag:s17], $0x2800  }
0x69: {  	s0 =	sadd.s32 s30, s12;
	[sflag:s17] =	ssyncset.done $0x0  }
0x6a: {  	s0 =	sadd.s32 $0xA, s0;
	[sflag:s17] =	ssyncadd.s32 $0xFFFFD800  }
0x6b: {  	[tilespmem:s21], [sflag:$0x3] =	stream.linear.gather [hbm4b:s0+s2], $0x50, $0x38;
	[tilespmem:$0x189C0] =	vst v63  }
0x6c: {  	_ =	swait.ge [sflag:s17], $0x50  }
0x6d: {  	s0 =	sadd.s32 s30, s11;
	[sflag:s17] =	ssyncset.done $0x0  }
0x6e: {  	s0 =	sadd.s32 $0xA, s0;
	[sflag:s17] =	ssyncadd.s32 $0xFFFFFFB0  }
0x6f: {  	[tilespmem:s22], [sflag:$0x3] =	stream.linear.gather [hbm4b:s0+s2], $0x50, $0x38;
	[tilespmem:$0x189C0] =	vst v63  }
0x70: {  	_ =	swait.ge [sflag:s17], $0x50  }
0x71: {  	[sflag:s17] =	ssyncset.done $0x0  }
0x72: {  	[sflag:s17] =	ssyncadd.s32 $0xFFFFFFB0  }
0x73: {  	v1 =	vld [tilespmem:$0x16150]  }
0x74: {  	p1 =	seq.s32 s30, $0x9B0;
	v2 =	vld [tilespmem:$0x16160]  }
0x75: {  	s3 =	sadd.s32 @!p1 s30, s11;
	s31 =	simm.s32 @!p1 $0x138D0;
	s0 =	sadd.s32 @!p1 s30, s12;
	v3 =	vld [tilespmem:$0x16130]  }
0x76: {  	s29 =	simm.s32 @!p1 $0x13880;
	s30 =	sadd.s32 @!p1 $0x14, s0;
	s0 =	sadd.s32 @!p1 $0x14, s3;
	v4 =	vld [tilespmem:$0x16140]  }
0x77: {  	v5 =	vld [tilespmem:$0x16120]  }
0x78: {  	v1 =	vadd.s32 v0, v1  }
0x79: {  	[tilespmem:$0x16150] =	vst v1;
	v1 =	vadd.s32 v0, v2  }
0x7a: {  	v2 =	vadd.s32 v0, v3;
	[tilespmem:$0x16160] =	vst v1  }
0x7b: {  	[tilespmem:$0x16130] =	vst v2;
	v1 =	vadd.s32 v0, v4  }
0x7c: {  	v2 =	vadd.s32 v0, v5;
	[tilespmem:$0x16140] =	vst v1  }
0x7d: {  	[tilespmem:$0x16120] =	vst v2  }
0x7e: {  	[tilespmem:s23], [sflag:$0x2] =	stream.indirect.gather [hbm4b:s4+s19], $0x80, s21, s19, $0xb8;
	[tilespmem:$0x189C0] =	vst v63  }
0x7f: {  	_ =	swait.ge [sflag:s24], $0x2800  }
0x80: {  	[sflag:s24] =	ssyncset.done $0x0  }
0x81: {  	[sflag:s24] =	ssyncadd.s32 $0xFFFFD800  }
0x82: {  	[spmem:s1] =	stream.indirect.scatter.add.f32 [tilespmem:s20], [sflag:$0x3], $0x80, s18, s19, $0xb8;
	[tilespmem:$0x189C0] =	vst v63  }
0x83: {  	_ =	swait.ge [sflag:s17], $0x2800  }
.Ltmp0:
0x84: {  	[sflag:s17] =	ssyncset.done $0x0;
	(pc) =	sbr.rel @p2 .LBB2_2-.Ltmp0, $4  }
0x85: {  	s6 =	simm.s32 @!p1 $0x0;
	s3 =	simm.s32 @!p1 $0x3;
	[sflag:s17] =	ssyncadd.s32 $0xFFFFD800  }
0x86: {  	[tilespmem:s29], [sflag:$0x3] =	stream.linear.gather @!p1 [hbm4b:s30+s6], $0x50, $0x38;
	[tilespmem:$0x189C0] =	vst v63  }
0x87: {  	_ =	swait.ge @!p1 [sflag:s3], $0x50  }
0x88: {  	[sflag:s3] =	ssyncset.done @!p1 $0x0  }
0x89: {  	[sflag:s3] =	ssyncadd.s32 @!p1 $0xFFFFFFB0  }
0x8a: {  	[tilespmem:s31], [sflag:$0x3] =	stream.linear.gather @!p1 [hbm4b:s0+s6], $0x50, $0x38;
	[tilespmem:$0x189C0] =	vst v63  }
0x8b: {  	_ =	swait.ge @!p1 [sflag:s3], $0x50  }
0x8c: {  	[sflag:s3] =	ssyncset.done @!p1 $0x0  }
0x8d: {  	[sflag:s3] =	ssyncadd.s32 @!p1 $0xFFFFFFB0  }
0x8e: {  	v1 =	vld @!p1 [tilespmem:$0x13890]  }
0x8f: {  	v2 =	vld @!p1 [tilespmem:$0x13880]  }
0x90: {  	v3 =	vld @!p1 [tilespmem:$0x138B0]  }
0x91: {  	v5 =	vld @!p1 [tilespmem:$0x138A0]  }
0x92: {  	v4 =	vld @!p1 [tilespmem:$0x138C0]  }
0x93: {  	v1 =	vadd.s32 @!p1 v0, v1  }
0x94: {  	v2 =	vadd.s32 @!p1 v0, v2;
	[tilespmem:$0x13890] =	vst @!p1 v1  }
0x95: {  	[tilespmem:$0x13880] =	vst @!p1 v2;
	v1 =	vadd.s32 @!p1 v0, v3  }
0x96: {  	v2 =	vadd.s32 @!p1 v0, v5;
	[tilespmem:$0x138B0] =	vst @!p1 v1  }
0x97: {  	v1 =	vadd.s32 @!p1 v0, v4;
	[tilespmem:$0x138A0] =	vst @!p1 v2  }
0x98: {  	s0 =	simm.s32 @!p1 $0x50;
	s3 =	simm.s32 @!p1 $0x13920;
	[tilespmem:$0x138C0] =	vst @!p1 v1  }
0x99: {  	[tilespmem:s3], [sflag:$0x1] =	stream.indirect.gather @!p1 [hbm4b:s4+s0], $0x80, s29, s0, $0xb8;
	[tilespmem:$0x189C0] =	vst v63  }
0x9a: {  	_ =	swait.ge [sflag:s25], $0x2800  }
0x9b: {  	[sflag:s25] =	ssyncset.done $0x0  }
0x9c: {  	[sflag:s25] =	ssyncadd.s32 $0xFFFFD800  }
0x9d: {  	[spmem:s1] =	stream.indirect.scatter.add.f32 [tilespmem:s23], [sflag:$0x3], $0x80, s22, s19, $0xb8;
	[tilespmem:$0x189C0] =	vst v63  }
0x9e: {  	_ =	swait.ge [sflag:s17], $0x2800  }
0x9f: {  	[sflag:s17] =	ssyncset.done $0x0  }
0xa0: {  	[sflag:s17] =	ssyncadd.s32 $0xFFFFD800  }
0xa1: {  	s0 =	simm.s32 @p0 $0x1FC3;
	[bflag:$0x0] =	sbarrier.arrive $0xFFFF  }
0xa2: {  	[hbm:s9], [sflag:s0] =	dma.local @p0 [spmem:s13], $0x2800  }
0xa3: {  	s0 =	simm.s32 @p0 $0x3  }
0xa4: {  	s26 =	sadd.s32 $0x1, s26;
	_ =	swait.ge @p0 [sflag:s0], $0x2800  }
0xa5: {  	p1 =	sne.s32 s26, s10;
	[sflag:s0] =	ssyncset.done @p0 $0x0  }
.Ltmp1:
0xa6: {  	[sflag:s0] =	ssyncadd.s32 @p0 $0xFFFFD800;
	s0 =	simm.s32 @!p0 $0x3;
	(pc) =	sbr.rel @p1 .LBB2_1-.Ltmp1, $4  }
0xa7: {  	[hbm:s8], [sflag:s14] =	dma.local @!p0 [spmem:s15], $0x2700  }
0xa8: {  	_ =	swait.ge @!p0 [sflag:s0], $0x2700  }
0xa9: {  	[sflag:s0] =	ssyncset.done @!p0 $0x0  }
0xaa: {  	[sflag:s0] =	ssyncadd.s32 @!p0 $0xFFFFD900  }
0xab: {  	_ =	sfence.sel $0x180000  }
0xac: {  	[bflag:$0x0] =	sbarrier.arrive $0xFFFF  }
0xad: {  	_ =	strace $0x9000004A  }
0xae: {  	s0 =	stileid.u32;
	[bflag:$0x2] =	sbarrier.arrive $0xFFFF  }
0xaf: {  	p0 =	sne.s32 s0, $0x0;
	s0 =	rddreg [dreg:$0x2]  }
0xb0: {  	s0 =	sadd.s32 @!p0 $0x100000, s0  }
0xb1: {  	[sflag:s0] =	ssyncadd.tile.s32 @!p0 $0x1;
	_ =	shalt  }
.Lfunc_end2:
_tile_overlayer_lowered:
.L_overlay_start_2:
0xb2: {  	(tag) =	ssettag $0x2  }
0xb3: {  	s0 =	rddreg [dreg:$0x0];
	s2 =	stileid.u32  }
0xb4: {  	s1 =	rddreg [dreg:$0x1];
	p0 =	sne.s32 s2, $0x0  }
0xb5: {  	s3 =	rddreg [dreg:$0x2];
	[bflag:$0x3] =	sbarrier.arrive $0xFFFF;
	s2 =	simm.s32 @!p0 $0x1C03  }
0xb6: {  	[timem:s3], [sflag:s2] =	dma.local @!p0 [hbm:s0], s1  }
0xb7: {  	s0 =	simm.s32 @!p0 $0x3  }
0xb8: {  	_ =	swait.ge @!p0 [sflag:s0], s1  }
0xb9: {  	s1 =	ssub.s32 @!p0 $0x0, s1;
	[sflag:s0] =	ssyncset.done @!p0 $0x0  }
0xba: {  	[sflag:s0] =	ssyncadd.s32 @!p0 s1  }
0xbb: {  	[bflag:$0x3] =	sbarrier.arrive $0xFFFF  }
0xbc: {  	_ =	shalt  }

// kernel: kernel.22.cloned.1.call-start
scs
__scs_entry_jumppad:
0x0: {  	(pc) =	sbr.rel $0x88, $3  }
0x1: {  	(tag) =	ssettag $0x0;
	lr =	simm.s32 $0x1  }
0x2: {  	[smem:$0x3F85] =	sst lr;
	_ =	strace $0xD0000000  }
0x3: {  	_ = 	snop  }
0x4: {  	_ = 	snop  }
0x5: {  	_ = 	snop  }
0x6: {  	_ = 	snop  }
0x7: {  	_ = 	snop  }
__scs_overlays_trampoline_lowered:
0x8: {  	[smem:$0x3F94] =	sst s0  }
0x9: {  	[smem:$0x3F95] =	sst s1  }
0xa: {  	[smem:$0x3F96] =	sst s2  }
0xb: {  	[smem:$0x3F97] =	sst s3  }
0xc: {  	[smem:$0x3F98] =	sst s4  }
0xd: {  	[smem:$0x3F99] =	sst s5  }
0xe: {  	[smem:$0x3F9A] =	sst s6  }
0xf: {  	[smem:$0x3F9B] =	sst s7  }
0x10: {  	[smem:$0x3F9C] =	sst s8  }
0x11: {  	[smem:$0x3F9D] =	sst s9;
	s0 =	simm.s32 @!p0 $0x0  }
0x12: {  	s1 =	sld [smem:$0x3F83];
	s0 =	simm.s32 @p0 $0x1  }
0x13: {  	[smem:$0x3F9E] =	sst s0;
	s0 =	simm.s32 @!p1 $0x0  }
0x14: {  	s2 =	sld [smem:$0x3F82];
	s0 =	simm.s32 @p1 $0x1  }
0x15: {  	[smem:$0x3F9F] =	sst s0;
	s0 =	simm.s32 @!p2 $0x0  }
0x16: {  	s3 =	sld [smem:$0x3FDB];
	s0 =	simm.s32 @p2 $0x1  }
0x17: {  	s4 =	simm.s32 $0x1BF5;
	[smem:$0x3FA1] =	sst s0  }
0x18: {  	s0 =	sld [smem:$0x3F84];
	_ =	swait.ge [sflag:s4], $0x0  }
0x19: {  	s7 =	sld [smem:$0x3F85]  }
0x1a: {  	s8 =	sadd.s32 $0xFFFFE003, lr  }
0x1b: {  	s9 =	sadd.s32 $0xFFFFFEF7, lr;
	s5 =	simm.s32 $0xFFFFFFFF;
	p2 =	slt.u32 s8, $0xFFFFF086  }
0x1c: {  	p1 =	slt.u32 s9, $0xF7A;
	s5 =	simm.s32 @!p2 $0x0  }
0x1d: {  	s5 =	simm.s32 @p1 $0x1;
	p0 =	seq.s32 s7, s2  }
0x1e: {  	s7 =	smul.u32 @!p0 $0xF7A, s2;
	p2 =	seq.s32 @!p0 s5, $0x0  }
0x1f: {  	s9 =	smul.u32 $0xF7A, s1;
	s8 =	simm.s32 @!p0 $0x1BF5;
	p2 =	por !p2, p0  }
0x20: {  	[sflag:s8] =	ssyncset.s32 @!p0 $0xFFFFF086;
	s6 =	sadd.s32 @!p0 s3, s7;
	s7 =	simm.s32 @!p0 $0x108  }
0x21: {  	s3 =	sadd.s32 s3, s9;
	s6 =	sadd.s32 @!p0 $0x88, s6;
	s7 =	simm.s32 @p2 $0x1082  }
0x22: {  	[simem:s7], [sflag:s8] =	dma.local @!p0 [hbm:s6], $0xF7A  }
0x23: {  	s9 =	sor.u32 $0xD0000000, s2;
	s6 =	simm.s32 $0x108;
	_ =	swait.ge @!p0 [sflag:s8], $0x0  }
0x24: {  	s3 =	sadd.s32 $0x88, s3;
	s6 =	simm.s32 @!p1 $0x1082;
	[sflag:s4] =	ssyncset.s32 $0xFFFFF086  }
0x25: {  	[simem:s6], [sflag:s4] =	dma.local [hbm:s3], $0xF7A  }
0x26: {  	[smem:$0x3F85] =	sst s1;
	(tag) =	ssettag s2;
	_ =	strace s9  }
0x27: {  	s1 =	sld [smem:$0x3F95]  }
0x28: {  	s2 =	sld [smem:$0x3F96]  }
0x29: {  	s4 =	sld [smem:$0x3F98]  }
0x2a: {  	p0 =	seq.s32 s5, $0x0;
	s5 =	sld [smem:$0x3F99]  }
0x2b: {  	s6 =	sld [smem:$0x3F9A]  }
0x2c: {  	s7 =	sld [smem:$0x3F9B]  }
0x2d: {  	s3 =	simm.s32 $0x108;
	s8 =	sld [smem:$0x3F9C]  }
0x2e: {  	s3 =	simm.s32 @!p0 $0x1082;
	s9 =	sld [smem:$0x3F9D]  }
0x2f: {  	lr =	sadd.s32 s0, s3;
	s0 =	sld [smem:$0x3F94]  }
0x30: {  	s3 =	sld [smem:$0x3F97]  }
0x31: {  	[smem:$0x3FA0] =	sst s10  }
0x32: {  	s10 =	sld [smem:$0x3F9E];
	_ =	sdelay $0x3  }
0x33: {  	p0 =	seq.s32 s10, $0x1;
	s10 =	sld [smem:$0x3FA0];
	_ =	sdelay $0x3  }
0x34: {  	[smem:$0x3FA0] =	sst s10  }
0x35: {  	s10 =	sld [smem:$0x3F9F];
	_ =	sdelay $0x3  }
0x36: {  	p1 =	seq.s32 s10, $0x1;
	s10 =	sld [smem:$0x3FA0];
	_ =	sdelay $0x3  }
0x37: {  	[smem:$0x3FA0] =	sst s10  }
0x38: {  	s10 =	sld [smem:$0x3FA1]  }
0x39: {  	_ = 	snop;
	(pc) =	sbr.ind lr, $3  }
0x3a: {  	_ = 	snop  }
0x3b: {  	_ = 	snop  }
0x3c: {  	p2 =	seq.s32 s10, $0x1;
	s10 =	sld [smem:$0x3FA0]  }
0x3d: {  	_ =	shalt  }
0x3e: {  	_ =	shalt  }
0x3f: {  	_ =	shalt  }
0x40: {  	_ =	shalt  }
0x41: {  	_ =	shalt  }
0x42: {  	_ =	shalt  }
0x43: {  	_ =	shalt  }
0x44: {  	_ =	shalt  }
0x45: {  	_ =	shalt  }
0x46: {  	_ =	shalt  }
0x47: {  	_ =	shalt  }
0x48: {  	_ =	shalt  }
0x49: {  	_ =	shalt  }
0x4a: {  	_ =	shalt  }
0x4b: {  	_ =	shalt  }
0x4c: {  	_ =	shalt  }
0x4d: {  	_ =	shalt  }
0x4e: {  	_ =	shalt  }
0x4f: {  	_ =	shalt  }
0x50: {  	_ =	shalt  }
0x51: {  	_ =	shalt  }
0x52: {  	_ =	shalt  }
0x53: {  	_ =	shalt  }
0x54: {  	_ =	shalt  }
0x55: {  	_ =	shalt  }
0x56: {  	_ =	shalt  }
0x57: {  	_ =	shalt  }
0x58: {  	_ =	shalt  }
0x59: {  	_ =	shalt  }
0x5a: {  	_ =	shalt  }
0x5b: {  	_ =	shalt  }
0x5c: {  	_ =	shalt  }
0x5d: {  	_ =	shalt  }
0x5e: {  	_ =	shalt  }
0x5f: {  	_ =	shalt  }
0x60: {  	_ =	shalt  }
0x61: {  	_ =	shalt  }
0x62: {  	_ =	shalt  }
0x63: {  	_ =	shalt  }
0x64: {  	_ =	shalt  }
0x65: {  	_ =	shalt  }
0x66: {  	_ =	shalt  }
0x67: {  	_ =	shalt  }
0x68: {  	_ =	shalt  }
0x69: {  	_ =	shalt  }
0x6a: {  	_ =	shalt  }
0x6b: {  	_ =	shalt  }
0x6c: {  	_ =	shalt  }
0x6d: {  	_ =	shalt  }
0x6e: {  	_ =	shalt  }
0x6f: {  	_ =	shalt  }
0x70: {  	_ =	shalt  }
0x71: {  	_ =	shalt  }
0x72: {  	_ =	shalt  }
0x73: {  	_ =	shalt  }
0x74: {  	_ =	shalt  }
0x75: {  	_ =	shalt  }
0x76: {  	_ =	shalt  }
0x77: {  	_ =	shalt  }
0x78: {  	_ =	shalt  }
0x79: {  	_ =	shalt  }
0x7a: {  	_ =	shalt  }
0x7b: {  	_ =	shalt  }
0x7c: {  	_ =	shalt  }
0x7d: {  	_ =	shalt  }
0x7e: {  	_ =	shalt  }
0x7f: {  	_ =	shalt  }
0x80: {  	_ =	shalt  }
0x81: {  	_ =	shalt  }
0x82: {  	_ =	shalt  }
0x83: {  	_ =	shalt  }
0x84: {  	_ =	shalt  }
0x85: {  	_ =	shalt  }
0x86: {  	_ =	shalt  }
0x87: {  	_ =	shalt  }
.Lfunc_end0:
.L_simem_size_0:
called_computation.2_lowered:
.L_overlay_start_0:
0x88: {  	s2 =	sld [smem:$0x3FD9]  }
0x89: {  	s3 =	sld [smem:$0x3FFE];
	_ =	sdelay $0x1  }
0x8a: {  	s1 =	srdreg.scid  }
0x8b: {  	s0 =	sand.u32 $0x1, s1  }
0x8c: {  	s16 =	sshll.u32 s0, $0xA;
	s2 =	sadd.s32 s3, s2  }
0x8d: {  	s2 =	sadd.s32 s2, s16  }
0x8e: {  	[smem:$0x3FAC] =	sst s2  }
0x8f: {  	_ = 	snop  }
0x90: {  	(tm) =	ssettm $0x1  }
0x91: {  	s17 =	sld [smem:$0x3FFB];
	_ =	sdelay $0x3  }
0x92: {  	_ =	strace s17  }
0x93: {  	s2 =	sld [smem:$0x3FFC];
	_ =	sdelay $0x3  }
0x94: {  	_ =	strace s2  }
0x95: {  	s2 =	sld [smem:$0x3FFD];
	_ =	sdelay $0x3  }
0x96: {  	_ =	strace s2  }
0x97: {  	_ =	strace $0x8FFFFFFF  }
0x98: {  	s18 =	sld [smem:$0x3FDB];
	_ =	sdelay $0x1  }
0x99: {  	s19 =	simm.s32 $_scs_section_size  }
0x9a: {  	s4 =	simm.s32 $_size__tile_overlayer_lowered;
	s5 =	simm.s32 $_tile_overlayer_lowered  }
0x9b: {  	s22 =	simm.s32 $0x1BFF;
	s21 =	sshll.u32 s5, $0x1;
	s2 =	sadd.s32 s19, s18  }
0x9c: {  	s6 =	simm.s32 $0x0;
	s20 =	sshll.u32 s4, $0x1;
	s4 =	sadd.s32 s21, s2  }
0x9d: {  	[timem:s6], [sflag:s22] =	dma.local [hbm:s4], s20  }
0x9e: {  	_ =	swait.ge [sflag:s22], s20  }
0x9f: {  	s3 =	ssub.s32 $0x0, s20;
	[sflag:s22] =	ssyncset.done $0x0  }
0xa0: {  	[sflag:s22] =	ssyncadd.s32 s3;
	_ =	sdelay $0x1  }
0xa1: {  	s23 =	simm.s32 $0x1B8B  }
0xa2: {  	_ =	swait.ge [sflag:s23], $0x1  }
0xa3: {  	[sflag:s23] =	ssyncset.done $0x0  }
0xa4: {  	s25 =	simm.s32 $0x1B8E;
	s24 =	sld [smem:$0x3FFE];
	[sflag:s23] =	ssyncadd.s32 $0xFFFFFFFF  }
0xa5: {  	s26 =	simm.s32 $execute0_lowered;
	[smem:$0x3FD2] =	sst s25  }
0xa6: {  	s4 =	sshll.u32 s26, $0x1;
	_ =	strace $0x8000004C;
	[dreg:$0x1] =	wrdreg $0xFFFFFFFF  }
0xa7: {  	s28 =	simm.s32 $_size_execute0_lowered;
	s2 =	sadd.s32 s2, s4;
	[dreg:$0x0] =	wrdreg $0x0  }
0xa8: {  	s4 =	sshll.u32 s28, $0x1;
	[dreg:$0x2] =	wrdreg s2  }
0xa9: {  	[dreg:$0x3] =	wrdreg s4  }
0xaa: {  	[dreg:$0x4] =	wrdreg $0xC0  }
0xab: {  	_ =	task [dreg:s6], $0x5FFFF  }
0xac: {  	[dreg:$0x1] =	wrdreg $0xFFFFFFFF  }
0xad: {  	[dreg:$0x0] =	wrdreg $0x60  }
0xae: {  	[dreg:$0x2] =	wrdreg s24  }
0xaf: {  	[dreg:$0x3] =	wrdreg $0x0  }
0xb0: {  	[dreg:$0x4] =	wrdreg $0x9  }
0xb1: {  	_ =	task.clear_ibuf [dreg:s6], $0x5FFFF;
	_ =	strace $0x9000004C  }
0xb2: {  	s29 =	simm.s32 $0x9;
	_ =	strace $0x8000004E  }
0xb3: {  	_ =	swait.ge [sflag:s29], $0x1  }
0xb4: {  	[sflag:s29] =	ssyncadd.s32 $0xFFFFFFFF  }
0xb5: {  	_ =	strace $0x9000004E  }
0xb6: {  	_ =	sfence  }
0xb7: {  	s30 =	sld [smem:$0x0];
	_ =	sdelay $0x2  }
0xb8: {  	s31 =	sshll.u32 s1, $0xD;
	s1 =	sshrl.u32 s1, $0x2  }
0xb9: {  	s3 =	sand.u32 $0x4000, s31;
	s1 =	sadd.s32 s1, s30  }
0xba: {  	s0 =	sor.u32 s3, s0;
	s1 =	sshll.u32 s1, $0x11  }
0xbb: {  	s0 =	sor.u32 s1, s0  }
0xbc: {  	s0 =	sadd.s32 $0x8F2B, s0  }
0xbd: {  	[sflag:s0] =	ssyncadd.remote.s32 $0x1  }
0xbe: {  	_ =	sfence.sel $0xFFFF  }
0xbf: {  	[dreg:$0x0] =	wrdreg $0xFFFFFFFF;
	(pc) =	sbr.abs _section_cstart, $3  }
0xc0: {  	[dreg:$0x1] =	wrdreg $0xFFFFFFFF  }
0xc1: {  	_ =	task.clear_ibuf [dreg:s6], $0x2FFFF;
	_ =	strace $0x9FFFFFFF  }
0xc2: {  	(tm) =	ssettm $0x7FFFFFFF  }
0xc3: {  	_ =	shalt  }
tec
execute0_lowered:
.L_overlay_start_1:
0x0: {  	(tag) =	ssettag $0x1  }
0x1: {  	s0 =	rddreg [dreg:$0x0]  }
0x2: {  	s1 =	rddreg [dreg:$0x1];
	s2 =	simm.s32 $0x0  }
0x3: {  	s3 =	srdreg.scid;
	s14 =	stileid.u32;
	s16 =	simm.s32 $0x13880  }
0x4: {  	s17 =	simm.s32 $0x3;
	s18 =	simm.s32 $0x138D0;
	s19 =	simm.s32 $0x50  }
0x5: {  	s20 =	simm.s32 $0x13920;
	s21 =	simm.s32 $0x16120;
	s22 =	simm.s32 $0x16170  }
0x6: {  	s23 =	simm.s32 $0x161C0;
	s25 =	simm.s32 $0x2;
	s26 =	simm.s32 $0x0  }
0x7: {  	[smem:$0x7FF] =	sst s2;
	s4 =	sadd.s32 $0x7EC00, s0;
	s7 =	smul.u32 $0x4E000, s14  }
0x8: {  	s6 =	sadd.s32 $0x512A00, s0;
	s3 =	sand.u32 $0x1, s3;
	s9 =	smul.u32 $0x4E20, s14  }
0x9: {  	s11 =	sadd.s32 $0x51C800, s0;
	s5 =	sadd.s32 $0xCCE00, s0;
	s30 =	smul.u32 $0x270, s14  }
0xa: {  	s0 =	sadd.s32 $0xCF600, s0;
	s13 =	sadd.s32 $0x124800, s1;
	s12 =	smul.u32 $0x9C4, s14  }
0xb: {  	p0 =	seq.s32 s14, $0xF;
	_ =	strace $0x8000004D;
	s24 =	smul.u32 $0x2710, s3  }
0xc: {  	s8 =	ssub.s32 $0x2, s3;
	s3 =	smul.u32 $0x138800, s3;
	s13 =	sshrl.u32 @p0 s13, $0x3  }
0xd: {  	s10 =	sshrl.u32 s8, $0x1;
	s7 =	sshrl.u32 s7, $0x2;
	s9 =	sshrl.u32 s9, $0x3  }
0xe: {  	s10 =	ssub.s32 s8, s10;
	s15 =	sadd.s32 s7, s1;
	s31 =	sadd.s32 s6, s9  }
0xf: {  	s7 =	sadd.s32 s11, s9;
	s8 =	sadd.s32 s30, s24;
	s3 =	sshrl.u32 s3, $0x3  }
0x10: {  	s11 =	sadd.s32 s12, s11;
	s12 =	sadd.s32 s12, s6;
	v0 =	vmov s24;
	s24 =	simm.s32 $0x1  }
0x11: {  	[dreg:$0x3] =	wrdreg s31;
	s8 =	sshll.u32 s8, $0x4;
	s3 =	sadd.s32 s0, s3  }
0x12: {  	s10 =	smax.u32 s10, $0x1;
	s8 =	sadd.s32 s0, s8;
	s0 =	sshll.u32 @!p0 s14, $0x6  }
0x13: {  	s15 =	sshrl.u32 @!p0 s15, $0x3;
	s9 =	sadd.s32 $0x24900, s3;
	s14 =	sor.u32 @!p0 $0x1C03, s0  }
.LBB2_1:
0x14: {  	s0 =	simm.s32 @p0 $0x1FC3  }
0x15: {  	[spmem:s13], [sflag:s0] =	dma.local @p0 [hbm:s5], $0x2800  }
0x16: {  	s0 =	simm.s32 @p0 $0x3  }
0x17: {  	_ =	swait.ge @p0 [sflag:s0], $0x2800  }
0x18: {  	[sflag:s0] =	ssyncset.done @p0 $0x0  }
0x19: {  	[sflag:s0] =	ssyncadd.s32 @p0 $0xFFFFD800;
	s0 =	simm.s32 @!p0 $0x3  }
0x1a: {  	[spmem:s15], [sflag:s14] =	dma.local @!p0 [hbm:s5], $0x2700  }
0x1b: {  	_ =	swait.ge @!p0 [sflag:s0], $0x2700  }
0x1c: {  	[sflag:s0] =	ssyncset.done @!p0 $0x0  }
0x1d: {  	[sflag:s0] =	ssyncadd.s32 @!p0 $0xFFFFD900  }
0x1e: {  	[bflag:$0x0] =	sbarrier.arrive $0xFFFF  }
0x1f: {  	s3 =	rddreg [dreg:$0x3]  }
0x20: {  	[tilespmem:s16], [sflag:$0x3] =	stream.linear.gather [hbm4b:s3+s2], $0x50, $0x38;
	[tilespmem:$0x189C0] =	vst v63  }
0x21: {  	_ =	swait.ge [sflag:s17], $0x50  }
0x22: {  	[sflag:s17] =	ssyncset.done $0x0  }
0x23: {  	[sflag:s17] =	ssyncadd.s32 $0xFFFFFFB0  }
0x24: {  	[tilespmem:s18], [sflag:$0x3] =	stream.linear.gather [hbm4b:s7+s2], $0x50, $0x38;
	[tilespmem:$0x189C0] =	vst v63  }
0x25: {  	_ =	swait.ge [sflag:s17], $0x50  }
0x26: {  	[sflag:s17] =	ssyncset.done $0x0  }
0x27: {  	[sflag:s17] =	ssyncadd.s32 $0xFFFFFFB0  }
0x28: {  	v1 =	vld [tilespmem:$0x13880]  }
0x29: {  	v2 =	vld [tilespmem:$0x13890]  }
0x2a: {  	v3 =	vld [tilespmem:$0x138A0]  }
0x2b: {  	v4 =	vld [tilespmem:$0x138B0]  }
0x2c: {  	v5 =	vld [tilespmem:$0x138C0]  }
0x2d: {  	v1 =	vadd.s32 v0, v1  }
0x2e: {  	[tilespmem:$0x13880] =	vst v1;
	v1 =	vadd.s32 v0, v2  }
0x2f: {  	[tilespmem:$0x13890] =	vst v1;
	v1 =	vadd.s32 v0, v3  }
0x30: {  	[tilespmem:$0x138A0] =	vst v1;
	v1 =	vadd.s32 v0, v4  }
0x31: {  	[tilespmem:$0x138B0] =	vst v1;
	v1 =	vadd.s32 v0, v5  }
0x32: {  	s6 =	sadd.s32 $0x0, s12;
	[tilespmem:$0x138C0] =	vst v1  }
0x33: {  	[tilespmem:s20], [sflag:$0x1] =	stream.indirect.gather [hbm4b:s4+s19], $0x80, s16, s19, $0xb8;
	[tilespmem:$0x189C0] =	vst v63  }
0x34: {  	s0 =	sadd.s32 $0xA, s6  }
0x35: {  	[tilespmem:s21], [sflag:$0x3] =	stream.linear.gather [hbm4b:s0+s2], $0x50, $0x38;
	[tilespmem:$0x189C0] =	vst v63  }
0x36: {  	_ =	swait.ge [sflag:s17], $0x50  }
0x37: {  	s30 =	sadd.s32 $0x0, s11;
	[sflag:s17] =	ssyncset.done $0x0  }
0x38: {  	s0 =	sadd.s32 $0xA, s30;
	[sflag:s17] =	ssyncadd.s32 $0xFFFFFFB0  }
0x39: {  	[tilespmem:s22], [sflag:$0x3] =	stream.linear.gather [hbm4b:s0+s2], $0x50, $0x38;
	[tilespmem:$0x189C0] =	vst v63  }
0x3a: {  	_ =	swait.ge [sflag:s17], $0x50  }
0x3b: {  	[sflag:s17] =	ssyncset.done $0x0  }
0x3c: {  	[sflag:s17] =	ssyncadd.s32 $0xFFFFFFB0  }
0x3d: {  	v1 =	vld [tilespmem:$0x16150]  }
0x3e: {  	v2 =	vld [tilespmem:$0x16160]  }
0x3f: {  	v3 =	vld [tilespmem:$0x16130]  }
0x40: {  	v62 =	vld [tilespmem:$0x16140]  }
0x41: {  	v63 =	vld [tilespmem:$0x16120]  }
0x42: {  	v1 =	vadd.s32 v0, v1  }
0x43: {  	[tilespmem:$0x16150] =	vst v1;
	v1 =	vadd.s32 v0, v2  }
0x44: {  	v2 =	vadd.s32 v0, v3;
	[tilespmem:$0x16160] =	vst v1  }
0x45: {  	[tilespmem:$0x16130] =	vst v2;
	v1 =	vadd.s32 v0, v62  }
0x46: {  	v2 =	vadd.s32 v0, v63;
	[tilespmem:$0x16140] =	vst v1  }
0x47: {  	[tilespmem:$0x16120] =	vst v2  }
0x48: {  	[tilespmem:s23], [sflag:$0x2] =	stream.indirect.gather [hbm4b:s4+s19], $0x80, s21, s19, $0xb8;
	[tilespmem:$0x189C0] =	vst v63  }
0x49: {  	_ =	swait.ge [sflag:s24], $0x2800  }
0x4a: {  	[sflag:s24] =	ssyncset.done $0x0  }
0x4b: {  	p1 =	por $0x0, $0x0;
	[sflag:s24] =	ssyncadd.s32 $0xFFFFD800  }
0x4c: {  	[spmem:s1] =	stream.indirect.scatter.add.f32 [tilespmem:s20], [sflag:$0x3], $0x80, s18, s19, $0xb8;
	[tilespmem:$0x189C0] =	vst v63  }
0x4d: {  	s29 =	simm.s32 @!p1 $0x13880;
	_ =	swait.ge [sflag:s17], $0x2800  }
0x4e: {  	s6 =	simm.s32 @!p1 $0x0;
	s0 =	sadd.s32 @!p1 $0x0, s12;
	[sflag:s17] =	ssyncset.done $0x0  }
0x4f: {  	s3 =	simm.s32 @!p1 $0x3;
	s0 =	sadd.s32 @!p1 $0x14, s0;
	[sflag:s17] =	ssyncadd.s32 $0xFFFFD800  }
0x50: {  	[tilespmem:s29], [sflag:$0x3] =	stream.linear.gather @!p1 [hbm4b:s0+s6], $0x50, $0x38;
	[tilespmem:$0x189C0] =	vst v63  }
0x51: {  	s28 =	simm.s32 $0x14;
	s0 =	sadd.s32 @!p1 $0x0, s11;
	_ =	swait.ge @!p1 [sflag:s3], $0x50  }
0x52: {  	s31 =	simm.s32 @!p1 $0x138D0;
	s0 =	sadd.s32 @!p1 $0x14, s0;
	[sflag:s3] =	ssyncset.done @!p1 $0x0  }
.LBB2_2:
0x53: {  	[sflag:s3] =	ssyncadd.s32 @!p1 $0xFFFFFFB0;
	s30 =	smov.u32 s28;
	s28 =	sadd.s32 $0x14, s28  }
0x54: {  	[tilespmem:s31], [sflag:$0x3] =	stream.linear.gather @!p1 [hbm4b:s0+s6], $0x50, $0x38;
	[tilespmem:$0x189C0] =	vst v63  }
0x55: {  	p2 =	sne.s32 s28, $0x9C4;
	_ =	swait.ge @!p1 [sflag:s3], $0x50  }
0x56: {  	[sflag:s3] =	ssyncset.done @!p1 $0x0  }
0x57: {  	[sflag:s3] =	ssyncadd.s32 @!p1 $0xFFFFFFB0  }
0x58: {  	v1 =	vld @!p1 [tilespmem:$0x13890]  }
0x59: {  	v2 =	vld @!p1 [tilespmem:$0x13880]  }
0x5a: {  	v3 =	vld @!p1 [tilespmem:$0x138B0]  }
0x5b: {  	v4 =	vld @!p1 [tilespmem:$0x138C0]  }
0x5c: {  	v5 =	vld @!p1 [tilespmem:$0x138A0]  }
0x5d: {  	v1 =	vadd.s32 @!p1 v0, v1  }
0x5e: {  	v2 =	vadd.s32 @!p1 v0, v2;
	[tilespmem:$0x13890] =	vst @!p1 v1  }
0x5f: {  	[tilespmem:$0x13880] =	vst @!p1 v2;
	v1 =	vadd.s32 @!p1 v0, v3  }
0x60: {  	s0 =	simm.s32 @!p1 $0x50;
	s3 =	simm.s32 @!p1 $0x13920;
	[tilespmem:$0x138B0] =	vst @!p1 v1;
	v1 =	vadd.s32 @!p1 v0, v4  }
0x61: {  	v2 =	vadd.s32 @!p1 v0, v5;
	[tilespmem:$0x138C0] =	vst @!p1 v1  }
0x62: {  	[tilespmem:$0x138A0] =	vst @!p1 v2  }
0x63: {  	[tilespmem:s3], [sflag:$0x1] =	stream.indirect.gather @!p1 [hbm4b:s4+s0], $0x80, s29, s0, $0xb8;
	[tilespmem:$0x189C0] =	vst v63  }
0x64: {  	_ =	swait.ge [sflag:s25], $0x2800  }
0x65: {  	[sflag:s25] =	ssyncset.done $0x0  }
0x66: {  	[sflag:s25] =	ssyncadd.s32 $0xFFFFD800  }
0x67: {  	[spmem:s1] =	stream.indirect.scatter.add.f32 [tilespmem:s23], [sflag:$0x3], $0x80, s22, s19, $0xb8;
	[tilespmem:$0x189C0] =	vst v63  }
0x68: {  	_ =	swait.ge [sflag:s17], $0x2800  }
0x69: {  	s0 =	sadd.s32 s30, s12;
	[sflag:s17] =	ssyncset.done $0x0  }
0x6a: {  	s0 =	sadd.s32 $0xA, s0;
	[sflag:s17] =	ssyncadd.s32 $0xFFFFD800  }
0x6b: {  	[tilespmem:s21], [sflag:$0x3] =	stream.linear.gather [hbm4b:s0+s2], $0x50, $0x38;
	[tilespmem:$0x189C0] =	vst v63  }
0x6c: {  	_ =	swait.ge [sflag:s17], $0x50  }
0x6d: {  	s0 =	sadd.s32 s30, s11;
	[sflag:s17] =	ssyncset.done $0x0  }
0x6e: {  	s0 =	sadd.s32 $0xA, s0;
	[sflag:s17] =	ssyncadd.s32 $0xFFFFFFB0  }
0x6f: {  	[tilespmem:s22], [sflag:$0x3] =	stream.linear.gather [hbm4b:s0+s2], $0x50, $0x38;
	[tilespmem:$0x189C0] =	vst v63  }
0x70: {  	_ =	swait.ge [sflag:s17], $0x50  }
0x71: {  	[sflag:s17] =	ssyncset.done $0x0  }
0x72: {  	[sflag:s17] =	ssyncadd.s32 $0xFFFFFFB0  }
0x73: {  	v1 =	vld [tilespmem:$0x16150]  }
0x74: {  	p1 =	seq.s32 s30, $0x9B0;
	v2 =	vld [tilespmem:$0x16160]  }
0x75: {  	s3 =	sadd.s32 @!p1 s30, s11;
	s31 =	simm.s32 @!p1 $0x138D0;
	s0 =	sadd.s32 @!p1 s30, s12;
	v3 =	vld [tilespmem:$0x16130]  }
0x76: {  	s29 =	simm.s32 @!p1 $0x13880;
	s30 =	sadd.s32 @!p1 $0x14, s0;
	s0 =	sadd.s32 @!p1 $0x14, s3;
	v4 =	vld [tilespmem:$0x16140]  }
0x77: {  	v5 =	vld [tilespmem:$0x16120]  }
0x78: {  	v1 =	vadd.s32 v0, v1  }
0x79: {  	[tilespmem:$0x16150] =	vst v1;
	v1 =	vadd.s32 v0, v2  }
0x7a: {  	v2 =	vadd.s32 v0, v3;
	[tilespmem:$0x16160] =	vst v1  }
0x7b: {  	[tilespmem:$0x16130] =	vst v2;
	v1 =	vadd.s32 v0, v4  }
0x7c: {  	v2 =	vadd.s32 v0, v5;
	[tilespmem:$0x16140] =	vst v1  }
0x7d: {  	[tilespmem:$0x16120] =	vst v2  }
0x7e: {  	[tilespmem:s23], [sflag:$0x2] =	stream.indirect.gather [hbm4b:s4+s19], $0x80, s21, s19, $0xb8;
	[tilespmem:$0x189C0] =	vst v63  }
0x7f: {  	_ =	swait.ge [sflag:s24], $0x2800  }
0x80: {  	[sflag:s24] =	ssyncset.done $0x0  }
0x81: {  	[sflag:s24] =	ssyncadd.s32 $0xFFFFD800  }
0x82: {  	[spmem:s1] =	stream.indirect.scatter.add.f32 [tilespmem:s20], [sflag:$0x3], $0x80, s18, s19, $0xb8;
	[tilespmem:$0x189C0] =	vst v63  }
0x83: {  	_ =	swait.ge [sflag:s17], $0x2800  }
.Ltmp0:
0x84: {  	[sflag:s17] =	ssyncset.done $0x0;
	(pc) =	sbr.rel @p2 .LBB2_2-.Ltmp0, $4  }
0x85: {  	s6 =	simm.s32 @!p1 $0x0;
	s3 =	simm.s32 @!p1 $0x3;
	[sflag:s17] =	ssyncadd.s32 $0xFFFFD800  }
0x86: {  	[tilespmem:s29], [sflag:$0x3] =	stream.linear.gather @!p1 [hbm4b:s30+s6], $0x50, $0x38;
	[tilespmem:$0x189C0] =	vst v63  }
0x87: {  	_ =	swait.ge @!p1 [sflag:s3], $0x50  }
0x88: {  	[sflag:s3] =	ssyncset.done @!p1 $0x0  }
0x89: {  	[sflag:s3] =	ssyncadd.s32 @!p1 $0xFFFFFFB0  }
0x8a: {  	[tilespmem:s31], [sflag:$0x3] =	stream.linear.gather @!p1 [hbm4b:s0+s6], $0x50, $0x38;
	[tilespmem:$0x189C0] =	vst v63  }
0x8b: {  	_ =	swait.ge @!p1 [sflag:s3], $0x50  }
0x8c: {  	[sflag:s3] =	ssyncset.done @!p1 $0x0  }
0x8d: {  	[sflag:s3] =	ssyncadd.s32 @!p1 $0xFFFFFFB0  }
0x8e: {  	v1 =	vld @!p1 [tilespmem:$0x13890]  }
0x8f: {  	v2 =	vld @!p1 [tilespmem:$0x13880]  }
0x90: {  	v3 =	vld @!p1 [tilespmem:$0x138B0]  }
0x91: {  	v5 =	vld @!p1 [tilespmem:$0x138A0]  }
0x92: {  	v4 =	vld @!p1 [tilespmem:$0x138C0]  }
0x93: {  	v1 =	vadd.s32 @!p1 v0, v1  }
0x94: {  	v2 =	vadd.s32 @!p1 v0, v2;
	[tilespmem:$0x13890] =	vst @!p1 v1  }
0x95: {  	[tilespmem:$0x13880] =	vst @!p1 v2;
	v1 =	vadd.s32 @!p1 v0, v3  }
0x96: {  	v2 =	vadd.s32 @!p1 v0, v5;
	[tilespmem:$0x138B0] =	vst @!p1 v1  }
0x97: {  	v1 =	vadd.s32 @!p1 v0, v4;
	[tilespmem:$0x138A0] =	vst @!p1 v2  }
0x98: {  	s0 =	simm.s32 @!p1 $0x50;
	s3 =	simm.s32 @!p1 $0x13920;
	[tilespmem:$0x138C0] =	vst @!p1 v1  }
0x99: {  	[tilespmem:s3], [sflag:$0x1] =	stream.indirect.gather @!p1 [hbm4b:s4+s0], $0x80, s29, s0, $0xb8;
	[tilespmem:$0x189C0] =	vst v63  }
0x9a: {  	_ =	swait.ge [sflag:s25], $0x2800  }
0x9b: {  	[sflag:s25] =	ssyncset.done $0x0  }
0x9c: {  	[sflag:s25] =	ssyncadd.s32 $0xFFFFD800  }
0x9d: {  	[spmem:s1] =	stream.indirect.scatter.add.f32 [tilespmem:s23], [sflag:$0x3], $0x80, s22, s19, $0xb8;
	[tilespmem:$0x189C0] =	vst v63  }
0x9e: {  	_ =	swait.ge [sflag:s17], $0x2800  }
0x9f: {  	[sflag:s17] =	ssyncset.done $0x0  }
0xa0: {  	[sflag:s17] =	ssyncadd.s32 $0xFFFFD800  }
0xa1: {  	s0 =	simm.s32 @p0 $0x1FC3;
	[bflag:$0x0] =	sbarrier.arrive $0xFFFF  }
0xa2: {  	[hbm:s9], [sflag:s0] =	dma.local @p0 [spmem:s13], $0x2800  }
0xa3: {  	s0 =	simm.s32 @p0 $0x3  }
0xa4: {  	s26 =	sadd.s32 $0x1, s26;
	_ =	swait.ge @p0 [sflag:s0], $0x2800  }
0xa5: {  	p1 =	sne.s32 s26, s10;
	[sflag:s0] =	ssyncset.done @p0 $0x0  }
.Ltmp1:
0xa6: {  	[sflag:s0] =	ssyncadd.s32 @p0 $0xFFFFD800;
	s0 =	simm.s32 @!p0 $0x3;
	(pc) =	sbr.rel @p1 .LBB2_1-.Ltmp1, $4  }
0xa7: {  	[hbm:s8], [sflag:s14] =	dma.local @!p0 [spmem:s15], $0x2700  }
0xa8: {  	_ =	swait.ge @!p0 [sflag:s0], $0x2700  }
0xa9: {  	[sflag:s0] =	ssyncset.done @!p0 $0x0  }
0xaa: {  	[sflag:s0] =	ssyncadd.s32 @!p0 $0xFFFFD900  }
0xab: {  	_ =	sfence.sel $0x180000  }
0xac: {  	[bflag:$0x0] =	sbarrier.arrive $0xFFFF  }
0xad: {  	_ =	strace $0x9000004D  }
0xae: {  	s0 =	stileid.u32;
	[bflag:$0x2] =	sbarrier.arrive $0xFFFF  }
0xaf: {  	p0 =	sne.s32 s0, $0x0;
	s0 =	rddreg [dreg:$0x2]  }
0xb0: {  	s0 =	sadd.s32 @!p0 $0x100000, s0  }
0xb1: {  	[sflag:s0] =	ssyncadd.tile.s32 @!p0 $0x1;
	_ =	shalt  }
.Lfunc_end2:
_tile_overlayer_lowered:
.L_overlay_start_2:
0xb2: {  	(tag) =	ssettag $0x2  }
0xb3: {  	s0 =	rddreg [dreg:$0x0];
	s2 =	stileid.u32  }
0xb4: {  	s1 =	rddreg [dreg:$0x1];
	p0 =	sne.s32 s2, $0x0  }
0xb5: {  	s3 =	rddreg [dreg:$0x2];
	[bflag:$0x3] =	sbarrier.arrive $0xFFFF;
	s2 =	simm.s32 @!p0 $0x1C03  }
0xb6: {  	[timem:s3], [sflag:s2] =	dma.local @!p0 [hbm:s0], s1  }
0xb7: {  	s0 =	simm.s32 @!p0 $0x3  }
0xb8: {  	_ =	swait.ge @!p0 [sflag:s0], s1  }
0xb9: {  	s1 =	ssub.s32 @!p0 $0x0, s1;
	[sflag:s0] =	ssyncset.done @!p0 $0x0  }
0xba: {  	[sflag:s0] =	ssyncadd.s32 @!p0 s1  }
0xbb: {  	[bflag:$0x3] =	sbarrier.arrive $0xFFFF  }
0xbc: {  	_ =	shalt  }

// kernel: kernel.25.cloned.1.call-start
scs
__scs_entry_jumppad:
0x0: {  	(pc) =	sbr.rel $0x88, $3  }
0x1: {  	(tag) =	ssettag $0x0;
	lr =	simm.s32 $0x1  }
0x2: {  	[smem:$0x3F85] =	sst lr;
	_ =	strace $0xD0000000  }
0x3: {  	_ = 	snop  }
0x4: {  	_ = 	snop  }
0x5: {  	_ = 	snop  }
0x6: {  	_ = 	snop  }
0x7: {  	_ = 	snop  }
__scs_overlays_trampoline_lowered:
0x8: {  	[smem:$0x3F94] =	sst s0  }
0x9: {  	[smem:$0x3F95] =	sst s1  }
0xa: {  	[smem:$0x3F96] =	sst s2  }
0xb: {  	[smem:$0x3F97] =	sst s3  }
0xc: {  	[smem:$0x3F98] =	sst s4  }
0xd: {  	[smem:$0x3F99] =	sst s5  }
0xe: {  	[smem:$0x3F9A] =	sst s6  }
0xf: {  	[smem:$0x3F9B] =	sst s7  }
0x10: {  	[smem:$0x3F9C] =	sst s8  }
0x11: {  	[smem:$0x3F9D] =	sst s9;
	s0 =	simm.s32 @!p0 $0x0  }
0x12: {  	s1 =	sld [smem:$0x3F83];
	s0 =	simm.s32 @p0 $0x1  }
0x13: {  	[smem:$0x3F9E] =	sst s0;
	s0 =	simm.s32 @!p1 $0x0  }
0x14: {  	s2 =	sld [smem:$0x3F82];
	s0 =	simm.s32 @p1 $0x1  }
0x15: {  	[smem:$0x3F9F] =	sst s0;
	s0 =	simm.s32 @!p2 $0x0  }
0x16: {  	s3 =	sld [smem:$0x3FDB];
	s0 =	simm.s32 @p2 $0x1  }
0x17: {  	s4 =	simm.s32 $0x1BF5;
	[smem:$0x3FA1] =	sst s0  }
0x18: {  	s0 =	sld [smem:$0x3F84];
	_ =	swait.ge [sflag:s4], $0x0  }
0x19: {  	s7 =	sld [smem:$0x3F85]  }
0x1a: {  	s8 =	sadd.s32 $0xFFFFE003, lr  }
0x1b: {  	s9 =	sadd.s32 $0xFFFFFEF7, lr;
	s5 =	simm.s32 $0xFFFFFFFF;
	p2 =	slt.u32 s8, $0xFFFFF086  }
0x1c: {  	p1 =	slt.u32 s9, $0xF7A;
	s5 =	simm.s32 @!p2 $0x0  }
0x1d: {  	s5 =	simm.s32 @p1 $0x1;
	p0 =	seq.s32 s7, s2  }
0x1e: {  	s7 =	smul.u32 @!p0 $0xF7A, s2;
	p2 =	seq.s32 @!p0 s5, $0x0  }
0x1f: {  	s9 =	smul.u32 $0xF7A, s1;
	s8 =	simm.s32 @!p0 $0x1BF5;
	p2 =	por !p2, p0  }
0x20: {  	[sflag:s8] =	ssyncset.s32 @!p0 $0xFFFFF086;
	s6 =	sadd.s32 @!p0 s3, s7;
	s7 =	simm.s32 @!p0 $0x108  }
0x21: {  	s3 =	sadd.s32 s3, s9;
	s6 =	sadd.s32 @!p0 $0x88, s6;
	s7 =	simm.s32 @p2 $0x1082  }
0x22: {  	[simem:s7], [sflag:s8] =	dma.local @!p0 [hbm:s6], $0xF7A  }
0x23: {  	s9 =	sor.u32 $0xD0000000, s2;
	s6 =	simm.s32 $0x108;
	_ =	swait.ge @!p0 [sflag:s8], $0x0  }
0x24: {  	s3 =	sadd.s32 $0x88, s3;
	s6 =	simm.s32 @!p1 $0x1082;
	[sflag:s4] =	ssyncset.s32 $0xFFFFF086  }
0x25: {  	[simem:s6], [sflag:s4] =	dma.local [hbm:s3], $0xF7A  }
0x26: {  	[smem:$0x3F85] =	sst s1;
	(tag) =	ssettag s2;
	_ =	strace s9  }
0x27: {  	s1 =	sld [smem:$0x3F95]  }
0x28: {  	s2 =	sld [smem:$0x3F96]  }
0x29: {  	s4 =	sld [smem:$0x3F98]  }
0x2a: {  	p0 =	seq.s32 s5, $0x0;
	s5 =	sld [smem:$0x3F99]  }
0x2b: {  	s6 =	sld [smem:$0x3F9A]  }
0x2c: {  	s7 =	sld [smem:$0x3F9B]  }
0x2d: {  	s3 =	simm.s32 $0x108;
	s8 =	sld [smem:$0x3F9C]  }
0x2e: {  	s3 =	simm.s32 @!p0 $0x1082;
	s9 =	sld [smem:$0x3F9D]  }
0x2f: {  	lr =	sadd.s32 s0, s3;
	s0 =	sld [smem:$0x3F94]  }
0x30: {  	s3 =	sld [smem:$0x3F97]  }
0x31: {  	[smem:$0x3FA0] =	sst s10  }
0x32: {  	s10 =	sld [smem:$0x3F9E];
	_ =	sdelay $0x3  }
0x33: {  	p0 =	seq.s32 s10, $0x1;
	s10 =	sld [smem:$0x3FA0];
	_ =	sdelay $0x3  }
0x34: {  	[smem:$0x3FA0] =	sst s10  }
0x35: {  	s10 =	sld [smem:$0x3F9F];
	_ =	sdelay $0x3  }
0x36: {  	p1 =	seq.s32 s10, $0x1;
	s10 =	sld [smem:$0x3FA0];
	_ =	sdelay $0x3  }
0x37: {  	[smem:$0x3FA0] =	sst s10  }
0x38: {  	s10 =	sld [smem:$0x3FA1]  }
0x39: {  	_ = 	snop;
	(pc) =	sbr.ind lr, $3  }
0x3a: {  	_ = 	snop  }
0x3b: {  	_ = 	snop  }
0x3c: {  	p2 =	seq.s32 s10, $0x1;
	s10 =	sld [smem:$0x3FA0]  }
0x3d: {  	_ =	shalt  }
0x3e: {  	_ =	shalt  }
0x3f: {  	_ =	shalt  }
0x40: {  	_ =	shalt  }
0x41: {  	_ =	shalt  }
0x42: {  	_ =	shalt  }
0x43: {  	_ =	shalt  }
0x44: {  	_ =	shalt  }
0x45: {  	_ =	shalt  }
0x46: {  	_ =	shalt  }
0x47: {  	_ =	shalt  }
0x48: {  	_ =	shalt  }
0x49: {  	_ =	shalt  }
0x4a: {  	_ =	shalt  }
0x4b: {  	_ =	shalt  }
0x4c: {  	_ =	shalt  }
0x4d: {  	_ =	shalt  }
0x4e: {  	_ =	shalt  }
0x4f: {  	_ =	shalt  }
0x50: {  	_ =	shalt  }
0x51: {  	_ =	shalt  }
0x52: {  	_ =	shalt  }
0x53: {  	_ =	shalt  }
0x54: {  	_ =	shalt  }
0x55: {  	_ =	shalt  }
0x56: {  	_ =	shalt  }
0x57: {  	_ =	shalt  }
0x58: {  	_ =	shalt  }
0x59: {  	_ =	shalt  }
0x5a: {  	_ =	shalt  }
0x5b: {  	_ =	shalt  }
0x5c: {  	_ =	shalt  }
0x5d: {  	_ =	shalt  }
0x5e: {  	_ =	shalt  }
0x5f: {  	_ =	shalt  }
0x60: {  	_ =	shalt  }
0x61: {  	_ =	shalt  }
0x62: {  	_ =	shalt  }
0x63: {  	_ =	shalt  }
0x64: {  	_ =	shalt  }
0x65: {  	_ =	shalt  }
0x66: {  	_ =	shalt  }
0x67: {  	_ =	shalt  }
0x68: {  	_ =	shalt  }
0x69: {  	_ =	shalt  }
0x6a: {  	_ =	shalt  }
0x6b: {  	_ =	shalt  }
0x6c: {  	_ =	shalt  }
0x6d: {  	_ =	shalt  }
0x6e: {  	_ =	shalt  }
0x6f: {  	_ =	shalt  }
0x70: {  	_ =	shalt  }
0x71: {  	_ =	shalt  }
0x72: {  	_ =	shalt  }
0x73: {  	_ =	shalt  }
0x74: {  	_ =	shalt  }
0x75: {  	_ =	shalt  }
0x76: {  	_ =	shalt  }
0x77: {  	_ =	shalt  }
0x78: {  	_ =	shalt  }
0x79: {  	_ =	shalt  }
0x7a: {  	_ =	shalt  }
0x7b: {  	_ =	shalt  }
0x7c: {  	_ =	shalt  }
0x7d: {  	_ =	shalt  }
0x7e: {  	_ =	shalt  }
0x7f: {  	_ =	shalt  }
0x80: {  	_ =	shalt  }
0x81: {  	_ =	shalt  }
0x82: {  	_ =	shalt  }
0x83: {  	_ =	shalt  }
0x84: {  	_ =	shalt  }
0x85: {  	_ =	shalt  }
0x86: {  	_ =	shalt  }
0x87: {  	_ =	shalt  }
.Lfunc_end0:
.L_simem_size_0:
called_computation.3_lowered:
.L_overlay_start_0:
0x88: {  	s2 =	sld [smem:$0x3FD9]  }
0x89: {  	s3 =	sld [smem:$0x3FFE];
	_ =	sdelay $0x1  }
0x8a: {  	s1 =	srdreg.scid  }
0x8b: {  	s0 =	sand.u32 $0x1, s1  }
0x8c: {  	s16 =	sshll.u32 s0, $0xA;
	s2 =	sadd.s32 s3, s2  }
0x8d: {  	s2 =	sadd.s32 s2, s16  }
0x8e: {  	[smem:$0x3FAC] =	sst s2  }
0x8f: {  	_ = 	snop  }
0x90: {  	(tm) =	ssettm $0x1  }
0x91: {  	s17 =	sld [smem:$0x3FFB];
	_ =	sdelay $0x3  }
0x92: {  	_ =	strace s17  }
0x93: {  	s2 =	sld [smem:$0x3FFC];
	_ =	sdelay $0x3  }
0x94: {  	_ =	strace s2  }
0x95: {  	s2 =	sld [smem:$0x3FFD];
	_ =	sdelay $0x3  }
0x96: {  	_ =	strace s2  }
0x97: {  	_ =	strace $0x8FFFFFFF  }
0x98: {  	s18 =	sld [smem:$0x3FDB];
	_ =	sdelay $0x1  }
0x99: {  	s19 =	simm.s32 $_scs_section_size  }
0x9a: {  	s4 =	simm.s32 $_size__tile_overlayer_lowered;
	s5 =	simm.s32 $_tile_overlayer_lowered  }
0x9b: {  	s22 =	simm.s32 $0x1BFF;
	s21 =	sshll.u32 s5, $0x1;
	s2 =	sadd.s32 s19, s18  }
0x9c: {  	s6 =	simm.s32 $0x0;
	s20 =	sshll.u32 s4, $0x1;
	s4 =	sadd.s32 s21, s2  }
0x9d: {  	[timem:s6], [sflag:s22] =	dma.local [hbm:s4], s20  }
0x9e: {  	_ =	swait.ge [sflag:s22], s20  }
0x9f: {  	s3 =	ssub.s32 $0x0, s20;
	[sflag:s22] =	ssyncset.done $0x0  }
0xa0: {  	[sflag:s22] =	ssyncadd.s32 s3;
	_ =	sdelay $0x1  }
0xa1: {  	s23 =	simm.s32 $0x1B8B  }
0xa2: {  	_ =	swait.ge [sflag:s23], $0x1  }
0xa3: {  	[sflag:s23] =	ssyncset.done $0x0  }
0xa4: {  	s25 =	simm.s32 $0x1B8E;
	s24 =	sld [smem:$0x3FFE];
	[sflag:s23] =	ssyncadd.s32 $0xFFFFFFFF  }
0xa5: {  	s26 =	simm.s32 $execute0_lowered;
	[smem:$0x3FD2] =	sst s25  }
0xa6: {  	s4 =	sshll.u32 s26, $0x1;
	_ =	strace $0x8000004F;
	[dreg:$0x1] =	wrdreg $0xFFFFFFFF  }
0xa7: {  	s28 =	simm.s32 $_size_execute0_lowered;
	s2 =	sadd.s32 s2, s4;
	[dreg:$0x0] =	wrdreg $0x0  }
0xa8: {  	s4 =	sshll.u32 s28, $0x1;
	[dreg:$0x2] =	wrdreg s2  }
0xa9: {  	[dreg:$0x3] =	wrdreg s4  }
0xaa: {  	[dreg:$0x4] =	wrdreg $0xC0  }
0xab: {  	_ =	task [dreg:s6], $0x5FFFF  }
0xac: {  	[dreg:$0x1] =	wrdreg $0xFFFFFFFF  }
0xad: {  	[dreg:$0x0] =	wrdreg $0x60  }
0xae: {  	[dreg:$0x2] =	wrdreg s24  }
0xaf: {  	[dreg:$0x3] =	wrdreg $0x0  }
0xb0: {  	[dreg:$0x4] =	wrdreg $0x9  }
0xb1: {  	_ =	task.clear_ibuf [dreg:s6], $0x5FFFF;
	_ =	strace $0x9000004F  }
0xb2: {  	s29 =	simm.s32 $0x9;
	_ =	strace $0x80000051  }
0xb3: {  	_ =	swait.ge [sflag:s29], $0x1  }
0xb4: {  	[sflag:s29] =	ssyncadd.s32 $0xFFFFFFFF  }
0xb5: {  	_ =	strace $0x90000051  }
0xb6: {  	_ =	sfence  }
0xb7: {  	s30 =	sld [smem:$0x0];
	_ =	sdelay $0x2  }
0xb8: {  	s31 =	sshll.u32 s1, $0xD;
	s1 =	sshrl.u32 s1, $0x2  }
0xb9: {  	s3 =	sand.u32 $0x4000, s31;
	s1 =	sadd.s32 s1, s30  }
0xba: {  	s0 =	sor.u32 s3, s0;
	s1 =	sshll.u32 s1, $0x11  }
0xbb: {  	s0 =	sor.u32 s1, s0  }
0xbc: {  	s0 =	sadd.s32 $0x8F2B, s0  }
0xbd: {  	[sflag:s0] =	ssyncadd.remote.s32 $0x1  }
0xbe: {  	_ =	sfence.sel $0xFFFF  }
0xbf: {  	[dreg:$0x0] =	wrdreg $0xFFFFFFFF;
	(pc) =	sbr.abs _section_cstart, $3  }
0xc0: {  	[dreg:$0x1] =	wrdreg $0xFFFFFFFF  }
0xc1: {  	_ =	task.clear_ibuf [dreg:s6], $0x2FFFF;
	_ =	strace $0x9FFFFFFF  }
0xc2: {  	(tm) =	ssettm $0x7FFFFFFF  }
0xc3: {  	_ =	shalt  }
tec
execute0_lowered:
.L_overlay_start_1:
0x0: {  	(tag) =	ssettag $0x1  }
0x1: {  	s0 =	rddreg [dreg:$0x0]  }
0x2: {  	s1 =	rddreg [dreg:$0x1];
	s2 =	simm.s32 $0x0  }
0x3: {  	s3 =	srdreg.scid;
	s14 =	stileid.u32;
	s16 =	simm.s32 $0x13880  }
0x4: {  	s17 =	simm.s32 $0x3;
	s18 =	simm.s32 $0x138D0;
	s19 =	simm.s32 $0x50  }
0x5: {  	s20 =	simm.s32 $0x13920;
	s21 =	simm.s32 $0x16120;
	s22 =	simm.s32 $0x16170  }
0x6: {  	s23 =	simm.s32 $0x161C0;
	s25 =	simm.s32 $0x2;
	s26 =	simm.s32 $0x0  }
0x7: {  	[smem:$0x7FF] =	sst s2;
	s4 =	sadd.s32 $0x7EC00, s0;
	s7 =	smul.u32 $0x4E000, s14  }
0x8: {  	s6 =	sadd.s32 $0x512A00, s0;
	s3 =	sand.u32 $0x1, s3;
	s9 =	smul.u32 $0x4E20, s14  }
0x9: {  	s11 =	sadd.s32 $0x51C800, s0;
	s5 =	sadd.s32 $0xCCE00, s0;
	s30 =	smul.u32 $0x270, s14  }
0xa: {  	s0 =	sadd.s32 $0xCF600, s0;
	s13 =	sadd.s32 $0x124800, s1;
	s12 =	smul.u32 $0x9C4, s14  }
0xb: {  	p0 =	seq.s32 s14, $0xF;
	_ =	strace $0x80000050;
	s24 =	smul.u32 $0x2710, s3  }
0xc: {  	s8 =	ssub.s32 $0x2, s3;
	s3 =	smul.u32 $0x138800, s3;
	s13 =	sshrl.u32 @p0 s13, $0x3  }
0xd: {  	s10 =	sshrl.u32 s8, $0x1;
	s7 =	sshrl.u32 s7, $0x2;
	s9 =	sshrl.u32 s9, $0x3  }
0xe: {  	s10 =	ssub.s32 s8, s10;
	s15 =	sadd.s32 s7, s1;
	s31 =	sadd.s32 s6, s9  }
0xf: {  	s7 =	sadd.s32 s11, s9;
	s8 =	sadd.s32 s30, s24;
	s3 =	sshrl.u32 s3, $0x3  }
0x10: {  	s11 =	sadd.s32 s12, s11;
	s12 =	sadd.s32 s12, s6;
	v0 =	vmov s24;
	s24 =	simm.s32 $0x1  }
0x11: {  	[dreg:$0x3] =	wrdreg s31;
	s8 =	sshll.u32 s8, $0x4;
	s3 =	sadd.s32 s0, s3  }
0x12: {  	s10 =	smax.u32 s10, $0x1;
	s8 =	sadd.s32 s0, s8;
	s0 =	sshll.u32 @!p0 s14, $0x6  }
0x13: {  	s15 =	sshrl.u32 @!p0 s15, $0x3;
	s9 =	sadd.s32 $0x24900, s3;
	s14 =	sor.u32 @!p0 $0x1C03, s0  }
.LBB2_1:
0x14: {  	s0 =	simm.s32 @p0 $0x1FC3  }
0x15: {  	[spmem:s13], [sflag:s0] =	dma.local @p0 [hbm:s5], $0x2800  }
0x16: {  	s0 =	simm.s32 @p0 $0x3  }
0x17: {  	_ =	swait.ge @p0 [sflag:s0], $0x2800  }
0x18: {  	[sflag:s0] =	ssyncset.done @p0 $0x0  }
0x19: {  	[sflag:s0] =	ssyncadd.s32 @p0 $0xFFFFD800;
	s0 =	simm.s32 @!p0 $0x3  }
0x1a: {  	[spmem:s15], [sflag:s14] =	dma.local @!p0 [hbm:s5], $0x2700  }
0x1b: {  	_ =	swait.ge @!p0 [sflag:s0], $0x2700  }
0x1c: {  	[sflag:s0] =	ssyncset.done @!p0 $0x0  }
0x1d: {  	[sflag:s0] =	ssyncadd.s32 @!p0 $0xFFFFD900  }
0x1e: {  	[bflag:$0x0] =	sbarrier.arrive $0xFFFF  }
0x1f: {  	s3 =	rddreg [dreg:$0x3]  }
0x20: {  	[tilespmem:s16], [sflag:$0x3] =	stream.linear.gather [hbm4b:s3+s2], $0x50, $0x38;
	[tilespmem:$0x189C0] =	vst v63  }
0x21: {  	_ =	swait.ge [sflag:s17], $0x50  }
0x22: {  	[sflag:s17] =	ssyncset.done $0x0  }
0x23: {  	[sflag:s17] =	ssyncadd.s32 $0xFFFFFFB0  }
0x24: {  	[tilespmem:s18], [sflag:$0x3] =	stream.linear.gather [hbm4b:s7+s2], $0x50, $0x38;
	[tilespmem:$0x189C0] =	vst v63  }
0x25: {  	_ =	swait.ge [sflag:s17], $0x50  }
0x26: {  	[sflag:s17] =	ssyncset.done $0x0  }
0x27: {  	[sflag:s17] =	ssyncadd.s32 $0xFFFFFFB0  }
0x28: {  	v1 =	vld [tilespmem:$0x13880]  }
0x29: {  	v2 =	vld [tilespmem:$0x13890]  }
0x2a: {  	v3 =	vld [tilespmem:$0x138A0]  }
0x2b: {  	v4 =	vld [tilespmem:$0x138B0]  }
0x2c: {  	v5 =	vld [tilespmem:$0x138C0]  }
0x2d: {  	v1 =	vadd.s32 v0, v1  }
0x2e: {  	[tilespmem:$0x13880] =	vst v1;
	v1 =	vadd.s32 v0, v2  }
0x2f: {  	[tilespmem:$0x13890] =	vst v1;
	v1 =	vadd.s32 v0, v3  }
0x30: {  	[tilespmem:$0x138A0] =	vst v1;
	v1 =	vadd.s32 v0, v4  }
0x31: {  	[tilespmem:$0x138B0] =	vst v1;
	v1 =	vadd.s32 v0, v5  }
0x32: {  	s6 =	sadd.s32 $0x0, s12;
	[tilespmem:$0x138C0] =	vst v1  }
0x33: {  	[tilespmem:s20], [sflag:$0x1] =	stream.indirect.gather [hbm4b:s4+s19], $0x80, s16, s19, $0xb8;
	[tilespmem:$0x189C0] =	vst v63  }
0x34: {  	s0 =	sadd.s32 $0xA, s6  }
0x35: {  	[tilespmem:s21], [sflag:$0x3] =	stream.linear.gather [hbm4b:s0+s2], $0x50, $0x38;
	[tilespmem:$0x189C0] =	vst v63  }
0x36: {  	_ =	swait.ge [sflag:s17], $0x50  }
0x37: {  	s30 =	sadd.s32 $0x0, s11;
	[sflag:s17] =	ssyncset.done $0x0  }
0x38: {  	s0 =	sadd.s32 $0xA, s30;
	[sflag:s17] =	ssyncadd.s32 $0xFFFFFFB0  }
0x39: {  	[tilespmem:s22], [sflag:$0x3] =	stream.linear.gather [hbm4b:s0+s2], $0x50, $0x38;
	[tilespmem:$0x189C0] =	vst v63  }
0x3a: {  	_ =	swait.ge [sflag:s17], $0x50  }
0x3b: {  	[sflag:s17] =	ssyncset.done $0x0  }
0x3c: {  	[sflag:s17] =	ssyncadd.s32 $0xFFFFFFB0  }
0x3d: {  	v1 =	vld [tilespmem:$0x16150]  }
0x3e: {  	v2 =	vld [tilespmem:$0x16160]  }
0x3f: {  	v3 =	vld [tilespmem:$0x16130]  }
0x40: {  	v62 =	vld [tilespmem:$0x16140]  }
0x41: {  	v63 =	vld [tilespmem:$0x16120]  }
0x42: {  	v1 =	vadd.s32 v0, v1  }
0x43: {  	[tilespmem:$0x16150] =	vst v1;
	v1 =	vadd.s32 v0, v2  }
0x44: {  	v2 =	vadd.s32 v0, v3;
	[tilespmem:$0x16160] =	vst v1  }
0x45: {  	[tilespmem:$0x16130] =	vst v2;
	v1 =	vadd.s32 v0, v62  }
0x46: {  	v2 =	vadd.s32 v0, v63;
	[tilespmem:$0x16140] =	vst v1  }
0x47: {  	[tilespmem:$0x16120] =	vst v2  }
0x48: {  	[tilespmem:s23], [sflag:$0x2] =	stream.indirect.gather [hbm4b:s4+s19], $0x80, s21, s19, $0xb8;
	[tilespmem:$0x189C0] =	vst v63  }
0x49: {  	_ =	swait.ge [sflag:s24], $0x2800  }
0x4a: {  	[sflag:s24] =	ssyncset.done $0x0  }
0x4b: {  	p1 =	por $0x0, $0x0;
	[sflag:s24] =	ssyncadd.s32 $0xFFFFD800  }
0x4c: {  	[spmem:s1] =	stream.indirect.scatter.add.f32 [tilespmem:s20], [sflag:$0x3], $0x80, s18, s19, $0xb8;
	[tilespmem:$0x189C0] =	vst v63  }
0x4d: {  	s29 =	simm.s32 @!p1 $0x13880;
	_ =	swait.ge [sflag:s17], $0x2800  }
0x4e: {  	s6 =	simm.s32 @!p1 $0x0;
	s0 =	sadd.s32 @!p1 $0x0, s12;
	[sflag:s17] =	ssyncset.done $0x0  }
0x4f: {  	s3 =	simm.s32 @!p1 $0x3;
	s0 =	sadd.s32 @!p1 $0x14, s0;
	[sflag:s17] =	ssyncadd.s32 $0xFFFFD800  }
0x50: {  	[tilespmem:s29], [sflag:$0x3] =	stream.linear.gather @!p1 [hbm4b:s0+s6], $0x50, $0x38;
	[tilespmem:$0x189C0] =	vst v63  }
0x51: {  	s28 =	simm.s32 $0x14;
	s0 =	sadd.s32 @!p1 $0x0, s11;
	_ =	swait.ge @!p1 [sflag:s3], $0x50  }
0x52: {  	s31 =	simm.s32 @!p1 $0x138D0;
	s0 =	sadd.s32 @!p1 $0x14, s0;
	[sflag:s3] =	ssyncset.done @!p1 $0x0  }
.LBB2_2:
0x53: {  	[sflag:s3] =	ssyncadd.s32 @!p1 $0xFFFFFFB0;
	s30 =	smov.u32 s28;
	s28 =	sadd.s32 $0x14, s28  }
0x54: {  	[tilespmem:s31], [sflag:$0x3] =	stream.linear.gather @!p1 [hbm4b:s0+s6], $0x50, $0x38;
	[tilespmem:$0x189C0] =	vst v63  }
0x55: {  	p2 =	sne.s32 s28, $0x9C4;
	_ =	swait.ge @!p1 [sflag:s3], $0x50  }
0x56: {  	[sflag:s3] =	ssyncset.done @!p1 $0x0  }
0x57: {  	[sflag:s3] =	ssyncadd.s32 @!p1 $0xFFFFFFB0  }
0x58: {  	v1 =	vld @!p1 [tilespmem:$0x13890]  }
0x59: {  	v2 =	vld @!p1 [tilespmem:$0x13880]  }
0x5a: {  	v3 =	vld @!p1 [tilespmem:$0x138B0]  }
0x5b: {  	v4 =	vld @!p1 [tilespmem:$0x138C0]  }
0x5c: {  	v5 =	vld @!p1 [tilespmem:$0x138A0]  }
0x5d: {  	v1 =	vadd.s32 @!p1 v0, v1  }
0x5e: {  	v2 =	vadd.s32 @!p1 v0, v2;
	[tilespmem:$0x13890] =	vst @!p1 v1  }
0x5f: {  	[tilespmem:$0x13880] =	vst @!p1 v2;
	v1 =	vadd.s32 @!p1 v0, v3  }
0x60: {  	s0 =	simm.s32 @!p1 $0x50;
	s3 =	simm.s32 @!p1 $0x13920;
	[tilespmem:$0x138B0] =	vst @!p1 v1;
	v1 =	vadd.s32 @!p1 v0, v4  }
0x61: {  	v2 =	vadd.s32 @!p1 v0, v5;
	[tilespmem:$0x138C0] =	vst @!p1 v1  }
0x62: {  	[tilespmem:$0x138A0] =	vst @!p1 v2  }
0x63: {  	[tilespmem:s3], [sflag:$0x1] =	stream.indirect.gather @!p1 [hbm4b:s4+s0], $0x80, s29, s0, $0xb8;
	[tilespmem:$0x189C0] =	vst v63  }
0x64: {  	_ =	swait.ge [sflag:s25], $0x2800  }
0x65: {  	[sflag:s25] =	ssyncset.done $0x0  }
0x66: {  	[sflag:s25] =	ssyncadd.s32 $0xFFFFD800  }
0x67: {  	[spmem:s1] =	stream.indirect.scatter.add.f32 [tilespmem:s23], [sflag:$0x3], $0x80, s22, s19, $0xb8;
	[tilespmem:$0x189C0] =	vst v63  }
0x68: {  	_ =	swait.ge [sflag:s17], $0x2800  }
0x69: {  	s0 =	sadd.s32 s30, s12;
	[sflag:s17] =	ssyncset.done $0x0  }
0x6a: {  	s0 =	sadd.s32 $0xA, s0;
	[sflag:s17] =	ssyncadd.s32 $0xFFFFD800  }
0x6b: {  	[tilespmem:s21], [sflag:$0x3] =	stream.linear.gather [hbm4b:s0+s2], $0x50, $0x38;
	[tilespmem:$0x189C0] =	vst v63  }
0x6c: {  	_ =	swait.ge [sflag:s17], $0x50  }
0x6d: {  	s0 =	sadd.s32 s30, s11;
	[sflag:s17] =	ssyncset.done $0x0  }
0x6e: {  	s0 =	sadd.s32 $0xA, s0;
	[sflag:s17] =	ssyncadd.s32 $0xFFFFFFB0  }
0x6f: {  	[tilespmem:s22], [sflag:$0x3] =	stream.linear.gather [hbm4b:s0+s2], $0x50, $0x38;
	[tilespmem:$0x189C0] =	vst v63  }
0x70: {  	_ =	swait.ge [sflag:s17], $0x50  }
0x71: {  	[sflag:s17] =	ssyncset.done $0x0  }
0x72: {  	[sflag:s17] =	ssyncadd.s32 $0xFFFFFFB0  }
0x73: {  	v1 =	vld [tilespmem:$0x16150]  }
0x74: {  	p1 =	seq.s32 s30, $0x9B0;
	v2 =	vld [tilespmem:$0x16160]  }
0x75: {  	s3 =	sadd.s32 @!p1 s30, s11;
	s31 =	simm.s32 @!p1 $0x138D0;
	s0 =	sadd.s32 @!p1 s30, s12;
	v3 =	vld [tilespmem:$0x16130]  }
0x76: {  	s29 =	simm.s32 @!p1 $0x13880;
	s30 =	sadd.s32 @!p1 $0x14, s0;
	s0 =	sadd.s32 @!p1 $0x14, s3;
	v4 =	vld [tilespmem:$0x16140]  }
0x77: {  	v5 =	vld [tilespmem:$0x16120]  }
0x78: {  	v1 =	vadd.s32 v0, v1  }
0x79: {  	[tilespmem:$0x16150] =	vst v1;
	v1 =	vadd.s32 v0, v2  }
0x7a: {  	v2 =	vadd.s32 v0, v3;
	[tilespmem:$0x16160] =	vst v1  }
0x7b: {  	[tilespmem:$0x16130] =	vst v2;
	v1 =	vadd.s32 v0, v4  }
0x7c: {  	v2 =	vadd.s32 v0, v5;
	[tilespmem:$0x16140] =	vst v1  }
0x7d: {  	[tilespmem:$0x16120] =	vst v2  }
0x7e: {  	[tilespmem:s23], [sflag:$0x2] =	stream.indirect.gather [hbm4b:s4+s19], $0x80, s21, s19, $0xb8;
	[tilespmem:$0x189C0] =	vst v63  }
0x7f: {  	_ =	swait.ge [sflag:s24], $0x2800  }
0x80: {  	[sflag:s24] =	ssyncset.done $0x0  }
0x81: {  	[sflag:s24] =	ssyncadd.s32 $0xFFFFD800  }
0x82: {  	[spmem:s1] =	stream.indirect.scatter.add.f32 [tilespmem:s20], [sflag:$0x3], $0x80, s18, s19, $0xb8;
	[tilespmem:$0x189C0] =	vst v63  }
0x83: {  	_ =	swait.ge [sflag:s17], $0x2800  }
.Ltmp0:
0x84: {  	[sflag:s17] =	ssyncset.done $0x0;
	(pc) =	sbr.rel @p2 .LBB2_2-.Ltmp0, $4  }
0x85: {  	s6 =	simm.s32 @!p1 $0x0;
	s3 =	simm.s32 @!p1 $0x3;
	[sflag:s17] =	ssyncadd.s32 $0xFFFFD800  }
0x86: {  	[tilespmem:s29], [sflag:$0x3] =	stream.linear.gather @!p1 [hbm4b:s30+s6], $0x50, $0x38;
	[tilespmem:$0x189C0] =	vst v63  }
0x87: {  	_ =	swait.ge @!p1 [sflag:s3], $0x50  }
0x88: {  	[sflag:s3] =	ssyncset.done @!p1 $0x0  }
0x89: {  	[sflag:s3] =	ssyncadd.s32 @!p1 $0xFFFFFFB0  }
0x8a: {  	[tilespmem:s31], [sflag:$0x3] =	stream.linear.gather @!p1 [hbm4b:s0+s6], $0x50, $0x38;
	[tilespmem:$0x189C0] =	vst v63  }
0x8b: {  	_ =	swait.ge @!p1 [sflag:s3], $0x50  }
0x8c: {  	[sflag:s3] =	ssyncset.done @!p1 $0x0  }
0x8d: {  	[sflag:s3] =	ssyncadd.s32 @!p1 $0xFFFFFFB0  }
0x8e: {  	v1 =	vld @!p1 [tilespmem:$0x13890]  }
0x8f: {  	v2 =	vld @!p1 [tilespmem:$0x13880]  }
0x90: {  	v3 =	vld @!p1 [tilespmem:$0x138B0]  }
0x91: {  	v5 =	vld @!p1 [tilespmem:$0x138A0]  }
0x92: {  	v4 =	vld @!p1 [tilespmem:$0x138C0]  }
0x93: {  	v1 =	vadd.s32 @!p1 v0, v1  }
0x94: {  	v2 =	vadd.s32 @!p1 v0, v2;
	[tilespmem:$0x13890] =	vst @!p1 v1  }
0x95: {  	[tilespmem:$0x13880] =	vst @!p1 v2;
	v1 =	vadd.s32 @!p1 v0, v3  }
0x96: {  	v2 =	vadd.s32 @!p1 v0, v5;
	[tilespmem:$0x138B0] =	vst @!p1 v1  }
0x97: {  	v1 =	vadd.s32 @!p1 v0, v4;
	[tilespmem:$0x138A0] =	vst @!p1 v2  }
0x98: {  	s0 =	simm.s32 @!p1 $0x50;
	s3 =	simm.s32 @!p1 $0x13920;
	[tilespmem:$0x138C0] =	vst @!p1 v1  }
0x99: {  	[tilespmem:s3], [sflag:$0x1] =	stream.indirect.gather @!p1 [hbm4b:s4+s0], $0x80, s29, s0, $0xb8;
	[tilespmem:$0x189C0] =	vst v63  }
0x9a: {  	_ =	swait.ge [sflag:s25], $0x2800  }
0x9b: {  	[sflag:s25] =	ssyncset.done $0x0  }
0x9c: {  	[sflag:s25] =	ssyncadd.s32 $0xFFFFD800  }
0x9d: {  	[spmem:s1] =	stream.indirect.scatter.add.f32 [tilespmem:s23], [sflag:$0x3], $0x80, s22, s19, $0xb8;
	[tilespmem:$0x189C0] =	vst v63  }
0x9e: {  	_ =	swait.ge [sflag:s17], $0x2800  }
0x9f: {  	[sflag:s17] =	ssyncset.done $0x0  }
0xa0: {  	[sflag:s17] =	ssyncadd.s32 $0xFFFFD800  }
0xa1: {  	s0 =	simm.s32 @p0 $0x1FC3;
	[bflag:$0x0] =	sbarrier.arrive $0xFFFF  }
0xa2: {  	[hbm:s9], [sflag:s0] =	dma.local @p0 [spmem:s13], $0x2800  }
0xa3: {  	s0 =	simm.s32 @p0 $0x3  }
0xa4: {  	s26 =	sadd.s32 $0x1, s26;
	_ =	swait.ge @p0 [sflag:s0], $0x2800  }
0xa5: {  	p1 =	sne.s32 s26, s10;
	[sflag:s0] =	ssyncset.done @p0 $0x0  }
.Ltmp1:
0xa6: {  	[sflag:s0] =	ssyncadd.s32 @p0 $0xFFFFD800;
	s0 =	simm.s32 @!p0 $0x3;
	(pc) =	sbr.rel @p1 .LBB2_1-.Ltmp1, $4  }
0xa7: {  	[hbm:s8], [sflag:s14] =	dma.local @!p0 [spmem:s15], $0x2700  }
0xa8: {  	_ =	swait.ge @!p0 [sflag:s0], $0x2700  }
0xa9: {  	[sflag:s0] =	ssyncset.done @!p0 $0x0  }
0xaa: {  	[sflag:s0] =	ssyncadd.s32 @!p0 $0xFFFFD900  }
0xab: {  	_ =	sfence.sel $0x180000  }
0xac: {  	[bflag:$0x0] =	sbarrier.arrive $0xFFFF  }
0xad: {  	_ =	strace $0x90000050  }
0xae: {  	s0 =	stileid.u32;
	[bflag:$0x2] =	sbarrier.arrive $0xFFFF  }
0xaf: {  	p0 =	sne.s32 s0, $0x0;
	s0 =	rddreg [dreg:$0x2]  }
0xb0: {  	s0 =	sadd.s32 @!p0 $0x100000, s0  }
0xb1: {  	[sflag:s0] =	ssyncadd.tile.s32 @!p0 $0x1;
	_ =	shalt  }
.Lfunc_end2:
_tile_overlayer_lowered:
.L_overlay_start_2:
0xb2: {  	(tag) =	ssettag $0x2  }
0xb3: {  	s0 =	rddreg [dreg:$0x0];
	s2 =	stileid.u32  }
0xb4: {  	s1 =	rddreg [dreg:$0x1];
	p0 =	sne.s32 s2, $0x0  }
0xb5: {  	s3 =	rddreg [dreg:$0x2];
	[bflag:$0x3] =	sbarrier.arrive $0xFFFF;
	s2 =	simm.s32 @!p0 $0x1C03  }
0xb6: {  	[timem:s3], [sflag:s2] =	dma.local @!p0 [hbm:s0], s1  }
0xb7: {  	s0 =	simm.s32 @!p0 $0x3  }
0xb8: {  	_ =	swait.ge @!p0 [sflag:s0], s1  }
0xb9: {  	s1 =	ssub.s32 @!p0 $0x0, s1;
	[sflag:s0] =	ssyncset.done @!p0 $0x0  }
0xba: {  	[sflag:s0] =	ssyncadd.s32 @!p0 s1  }
0xbb: {  	[bflag:$0x3] =	sbarrier.arrive $0xFFFF  }
0xbc: {  	_ =	shalt  }

</sc_bundles>
